<compile_context>
chip_gen: v7x
topology: tpu7x:2x2x1
jax: 0.10.2.dev20260603
libtpu: 0.0.44.dev20260713+nightly
codegen_flags: <defaults>
</compile_context>

<pallas_src>
import functools

import jax
import jax.numpy as jnp
from jax import lax
from jax.experimental import pallas as pl
from jax.experimental.pallas import tpu as pltpu
from jax.experimental.pallas import tpu_sc as plsc



def _enc_tables_body(x_ref, h_ref, wex_ref, weh_ref, be_ref, ws_ref, wd_ref,
                     z_ref, a_ref, b_ref):
    z = x_ref[...] @ wex_ref[...] + h_ref[...] @ weh_ref[...] + be_ref[...]
    z = jnp.maximum(z, 0.0)
    z_ref[...] = z
    a_ref[...] = z @ ws_ref[...]
    b_ref[...] = z @ wd_ref[...]


def _edge_proj_body(ea_ref, we_ref, bm_ref, c_ref):
    c_ref[...] = ea_ref[...] @ we_ref[...] + bm_ref[...]


def _decode_body(z_ref, p0_ref, p1_ref, wuz_ref, wua_ref, bu_ref,
                 wdz_ref, wdh_ref, bd_ref, wt_ref, bt_ref,
                 y_ref, tau_ref, hn_ref):
    z = z_ref[...]
    agg = p0_ref[0] + p1_ref[0]
    hn = jnp.maximum(z @ wuz_ref[...] + agg @ wua_ref[...] + bu_ref[...], 0.0)
    hn_ref[...] = hn
    y_ref[...] = z @ wdz_ref[...] + hn @ wdh_ref[...] + bd_ref[...]
    t = hn @ wt_ref[...] + bt_ref[...]
    tau_ref[...] = 1.0 / (1.0 + jnp.exp(-t))



def _make_sc_edge(n_nodes, n_edges, dh):
    NC, NS = 2, 16
    NW = NC * NS
    epw = n_edges // NW
    K = 40
    CPB = 50
    EPB = K * CPB
    nblk = epw // EPB
    rpt = -(-n_nodes // (32 * NS)) * 32
    n_pad = rpt * NS
    nz = rpt // K

    mesh = plsc.VectorSubcoreMesh(core_axis_name="c", subcore_axis_name="s",
                                  num_cores=NC, num_subcores=NS)

    @functools.partial(
        pl.kernel,
        out_type=jax.ShapeDtypeStruct((NC, n_pad, dh), jnp.float32),
        mesh=mesh,
        scratch_types=[
            pltpu.VMEM((EPB,), jnp.int32),
            pltpu.VMEM((EPB,), jnp.int32),
            [pltpu.VMEM((K,), jnp.int32) for _ in range(2)],
            [pltpu.VMEM((K, dh), jnp.float32) for _ in range(2)],
            [pltpu.VMEM((K, dh), jnp.float32) for _ in range(2)],
            [pltpu.VMEM((K, dh), jnp.float32) for _ in range(2)],
            [pltpu.VMEM((K, dh), jnp.float32) for _ in range(2)],
            pltpu.VMEM_SHARED((n_pad, dh), jnp.float32),
            [pltpu.SemaphoreType.DMA for _ in range(8)],
        ],
    )
    def sc_edge(a_hbm, b_hbm, c_hbm, src_hbm, dst_hbm, out_hbm,
                sidx, didx, dc, ar, br, cr, mr, agg_sh, sems):
        c = lax.axis_index("c")
        s = lax.axis_index("s")
        wid = s * NC + c
        sem_a = sems[0:2]
        sem_b = sems[2:4]
        sem_c = sems[4:6]
        sem_s = sems[6:8]

        def zrow(i, carry):
            for j in range(dh // 16):
                ar[0][i, pl.ds(j * 16, 16)] = jnp.zeros((16,), jnp.float32)
            return carry
        lax.fori_loop(0, K, zrow, 0)
        zcps = [pltpu.make_async_copy(
            ar[0], agg_sh.at[pl.ds(s * rpt + t * K, K)], sems[6])
            for t in range(nz)]
        for cp in zcps:
            cp.start()
        for cp in zcps:
            cp.wait()
        plsc.subcore_barrier()

        def gather_cps(cc, p, base_e):
            isl = sidx.at[pl.ds(cc * K, K)]
            dsl = didx.at[pl.ds(cc * K, K)]
            return (
                pltpu.make_async_copy(a_hbm.at[isl], ar[p], sem_a[p]),
                pltpu.make_async_copy(b_hbm.at[dsl], br[p], sem_b[p]),
                pltpu.make_async_copy(
                    c_hbm.at[pl.ds(base_e + cc * K, K)], cr[p], sem_c[p]),
            )

        def g_issue(cc, p, base_e):
            for cp in gather_cps(cc, p, base_e):
                cp.start()

        def g_wait(cc, p, base_e):
            for cp in gather_cps(cc, p, base_e):
                cp.wait()

        def prep_didx(cc, p):
            off = cc * K
            dc[p][pl.ds(0, 16)] = didx[pl.ds(off, 16)]
            dc[p][pl.ds(16, 16)] = didx[pl.ds(off + 16, 16)]
            dc[p][pl.ds(24, 16)] = didx[pl.ds(off + 24, 16)]

        def compute(p):
            @plsc.parallel_loop(0, K, unroll=4)
            def _(e):
                for j in range(dh // 16):
                    sl = pl.ds(j * 16, 16)
                    v = ar[p][e, sl] + br[p][e, sl] + cr[p][e, sl]
                    mr[p][e, sl] = jnp.maximum(v, 0.0)

        def s_issue(p):
            pltpu.async_copy(mr[p], agg_sh.at[dc[p]], sem_s[p], add=True)

        def s_wait(p):
            pltpu.make_async_copy(mr[p], agg_sh.at[dc[p]], sem_s[p]).wait()

        def block(blk, carry):
            base_e = wid * epw + blk * EPB
            pltpu.sync_copy(src_hbm.at[pl.ds(base_e, EPB)], sidx)
            pltpu.sync_copy(dst_hbm.at[pl.ds(base_e, EPB)], didx)
            g_issue(0, 0, base_e)
            g_issue(1, 1, base_e)
            g_wait(0, 0, base_e)
            prep_didx(0, 0)
            compute(0)
            g_issue(2, 0, base_e)
            s_issue(0)
            g_wait(1, 1, base_e)
            prep_didx(1, 1)
            compute(1)
            g_issue(3, 1, base_e)
            s_issue(1)

            def pair(j, pcarry):
                c0 = 2 * j
                g_wait(c0, 0, base_e)
                s_wait(0)
                prep_didx(c0, 0)
                compute(0)
                g_issue(c0 + 2, 0, base_e)
                s_issue(0)
                g_wait(c0 + 1, 1, base_e)
                s_wait(1)
                prep_didx(c0 + 1, 1)
                compute(1)
                g_issue(c0 + 3, 1, base_e)
                s_issue(1)
                return pcarry
            lax.fori_loop(1, CPB // 2 - 1, pair, 0)

            c0 = CPB - 2
            g_wait(c0, 0, base_e)
            s_wait(0)
            prep_didx(c0, 0)
            compute(0)
            s_issue(0)
            g_wait(c0 + 1, 1, base_e)
            s_wait(1)
            prep_didx(c0 + 1, 1)
            compute(1)
            s_issue(1)
            s_wait(0)
            s_wait(1)
            return carry

        lax.fori_loop(0, nblk, block, 0)
        plsc.subcore_barrier()

        rcps = [pltpu.make_async_copy(
            agg_sh.at[pl.ds(s * rpt + t * K, K)],
            out_hbm.at[c, pl.ds(s * rpt + t * K, K)], sems[6])
            for t in range(nz)]
        for cp in rcps:
            cp.start()
        for cp in rcps:
            cp.wait()

    return sc_edge



@jax.jit
def kernel(x, h, edge_attr, W_enc, b_enc, W_msg, b_msg, W_upd, b_upd,
           W_dec, b_dec, W_term, b_term, edge_index):
    n, d_in = x.shape
    dh = h.shape[1]
    e, de = edge_attr.shape
    d_out = W_dec.shape[1]

    src = edge_index[0]
    dst = edge_index[1]
    wex = W_enc[:d_in]
    weh = W_enc[d_in:]
    ws = W_msg[:dh]
    wd = W_msg[dh:2 * dh]
    we = W_msg[2 * dh:]
    wuz = W_upd[:dh]
    wua = W_upd[dh:]
    wdz = W_dec[:dh]
    wdh = W_dec[dh:]

    bn = 2000
    gn = n // bn
    be = 16000
    ge = e // be

    full = lambda shp: pl.BlockSpec(shp, lambda i: (0,) * len(shp))
    rows = lambda w: pl.BlockSpec((bn, w), lambda i: (i, 0))

    z, a_tab, b_tab = pl.pallas_call(
        _enc_tables_body,
        grid=(gn,),
        in_specs=[
            rows(d_in), rows(dh),
            full((d_in, dh)), full((dh, dh)), full((1, dh)),
            full((dh, dh)), full((dh, dh)),
        ],
        out_specs=[rows(dh), rows(dh), rows(dh)],
        out_shape=[
            jax.ShapeDtypeStruct((n, dh), jnp.float32),
            jax.ShapeDtypeStruct((n, dh), jnp.float32),
            jax.ShapeDtypeStruct((n, dh), jnp.float32),
        ],
    )(x, h, wex, weh, b_enc.reshape(1, dh), ws, wd)

    c_tab = pl.pallas_call(
        _edge_proj_body,
        grid=(ge,),
        in_specs=[
            pl.BlockSpec((be, de), lambda i: (i, 0)),
            full((de, dh)), full((1, dh)),
        ],
        out_specs=pl.BlockSpec((be, dh), lambda i: (i, 0)),
        out_shape=jax.ShapeDtypeStruct((e, dh), jnp.float32),
    )(edge_attr, we, b_msg.reshape(1, dh))

    sc_edge = _make_sc_edge(n, e, dh)
    parts = sc_edge(a_tab, b_tab, c_tab, src, dst)

    y, tau, h_new = pl.pallas_call(
        _decode_body,
        grid=(gn,),
        in_specs=[
            rows(dh),
            pl.BlockSpec((1, bn, dh), lambda i: (0, i, 0)),
            pl.BlockSpec((1, bn, dh), lambda i: (1, i, 0)),
            full((dh, dh)), full((dh, dh)), full((1, dh)),
            full((dh, d_out)), full((dh, d_out)), full((1, d_out)),
            full((dh, 1)), full((1, 1)),
        ],
        out_specs=[rows(d_out), pl.BlockSpec((bn, 1), lambda i: (i, 0)),
                   rows(dh)],
        out_shape=[
            jax.ShapeDtypeStruct((n, d_out), jnp.float32),
            jax.ShapeDtypeStruct((n, 1), jnp.float32),
            jax.ShapeDtypeStruct((n, dh), jnp.float32),
        ],
    )(z, parts, parts, wuz, wua, b_upd.reshape(1, dh),
      wdz, wdh, b_dec.reshape(1, d_out), W_term, b_term.reshape(1, 1))

    return (y, tau, h_new)

# --- scband reference (transcript-rebuilt; emitter-appended) ---
"""Pipeline reference for scband-neural-executor-24197845745893 (READ-ONLY COPY).

The authoritative reference and input builder live on the scoring server;
editing this copy changes nothing except your own understanding.
"""

import jax, jax.numpy as jnp
import numpy as np

N = 10000
E = 320000
D_IN = 128
D_H = 128
D_E = 16
D_OUT = 128


def setup_inputs(seed: int = 0) -> dict:
    key = jax.random.key(seed)
    ks = jax.random.split(key, 12)
    sc = lambda k, shp: (jax.random.normal(k, shp, dtype=jnp.float32) * 0.05)
    x = jax.random.normal(ks[0], (N, D_IN), dtype=jnp.float32)
    h = jnp.zeros((N, D_H), dtype=jnp.float32)
    edge_index = jax.random.randint(ks[1], (2, E), 0, N, dtype=jnp.int32)
    edge_attr = jax.random.normal(ks[2], (E, D_E), dtype=jnp.float32)
    W_enc = sc(ks[3], (D_IN + D_H, D_H)); b_enc = jnp.zeros((D_H,), dtype=jnp.float32)
    W_msg = sc(ks[4], (2 * D_H + D_E, D_H)); b_msg = jnp.zeros((D_H,), dtype=jnp.float32)
    W_upd = sc(ks[5], (2 * D_H, D_H)); b_upd = jnp.zeros((D_H,), dtype=jnp.float32)
    W_dec = sc(ks[6], (2 * D_H, D_OUT)); b_dec = jnp.zeros((D_OUT,), dtype=jnp.float32)
    W_term = sc(ks[7], (D_H, 1)); b_term = jnp.zeros((1,), dtype=jnp.float32)
    return {"x": x, "h": h, "edge_attr": edge_attr,
            "W_enc": W_enc, "b_enc": b_enc, "W_msg": W_msg, "b_msg": b_msg,
            "W_upd": W_upd, "b_upd": b_upd, "W_dec": W_dec, "b_dec": b_dec,
            "W_term": W_term, "b_term": b_term, "edge_index": edge_index}


def reference(x, h, edge_attr, W_enc, b_enc, W_msg, b_msg, W_upd, b_upd, W_dec, b_dec, W_term, b_term, edge_index):
    # Encoder: z = Encoder(cat(node_feat, hidden))
    z = jax.nn.relu(jnp.concatenate([x, h], axis=1) @ W_enc + b_enc)
    # Processor: MPNN message passing with edge features (gather + scatter-add)
    src = edge_index[0]
    dst = edge_index[1]
    msg_in = jnp.concatenate([jnp.take(z, src, axis=0), jnp.take(z, dst, axis=0), edge_attr], axis=1)
    m = jax.nn.relu(msg_in @ W_msg + b_msg)
    agg = jax.ops.segment_sum(m, dst, num_segments=x.shape[0])
    h_new = jax.nn.relu(jnp.concatenate([z, agg], axis=1) @ W_upd + b_upd)
    # Decoder: y = Decoder(cat(z, h))
    y = jnp.concatenate([z, h_new], axis=1) @ W_dec + b_dec
    # Termination network: tau = sigma(Terminator(h))
    tau = jax.nn.sigmoid(h_new @ W_term + b_term)
    # n = 1 algorithm, pred is None -> out = [(y, tau, h)]
    return (y, tau, h_new)

if __name__ == "__main__":
    import jax
    _d = setup_inputs()
    print(jax.jit(kernel)(*tuple(_d.values())))

</pallas_src>

<mosaic_0001>
#map = affine_map<(d0, d1) -> (0, 0)>
#map1 = affine_map<(d0, d1) -> (0)>
#map2 = affine_map<(d0, d1) -> (0, 0, 0)>
module attributes {stable_mosaic.version = 14 : i64} {
  func.func @sc_edge(%arg0: i32, %arg1: i32, %arg2: memref<10000x128xf32, #tpu.memory_space<hbm>>, %arg3: memref<10000x128xf32, #tpu.memory_space<hbm>>, %arg4: memref<320000x128xf32, #tpu.memory_space<hbm>>, %arg5: memref<320000xi32, #tpu.memory_space<hbm>>, %arg6: memref<320000xi32, #tpu.memory_space<hbm>>, %arg7: memref<2x10240x128xf32, #tpu.memory_space<hbm>>, %arg8: memref<2000xi32, #tpu.memory_space<vmem>>, %arg9: memref<2000xi32, #tpu.memory_space<vmem>>, %arg10: memref<40xi32, #tpu.memory_space<vmem>>, %arg11: memref<40xi32, #tpu.memory_space<vmem>>, %arg12: memref<40x128xf32, #tpu.memory_space<vmem>>, %arg13: memref<40x128xf32, #tpu.memory_space<vmem>>, %arg14: memref<40x128xf32, #tpu.memory_space<vmem>>, %arg15: memref<40x128xf32, #tpu.memory_space<vmem>>, %arg16: memref<40x128xf32, #tpu.memory_space<vmem>>, %arg17: memref<40x128xf32, #tpu.memory_space<vmem>>, %arg18: memref<40x128xf32, #tpu.memory_space<vmem>>, %arg19: memref<40x128xf32, #tpu.memory_space<vmem>>, %arg20: memref<10240x128xf32, #tpu.memory_space<vmem_shared>>, %arg21: memref<!tpu.dma_semaphore, #tpu.memory_space<semaphore_mem>>, %arg22: memref<!tpu.dma_semaphore, #tpu.memory_space<semaphore_mem>>, %arg23: memref<!tpu.dma_semaphore, #tpu.memory_space<semaphore_mem>>, %arg24: memref<!tpu.dma_semaphore, #tpu.memory_space<semaphore_mem>>, %arg25: memref<!tpu.dma_semaphore, #tpu.memory_space<semaphore_mem>>, %arg26: memref<!tpu.dma_semaphore, #tpu.memory_space<semaphore_mem>>, %arg27: memref<!tpu.dma_semaphore, #tpu.memory_space<semaphore_mem>>, %arg28: memref<!tpu.dma_semaphore, #tpu.memory_space<semaphore_mem>>) attributes {dimension_semantics = [#tpu.dimension_semantics<core_parallel>, #tpu.dimension_semantics<subcore_parallel>], iteration_bounds = array<i64: 2, 16>, scalar_prefetch = 0 : i64, scratch_operands = 21 : i64, tpu.core_type = #tpu.core_type<sc_vector_subcore>, window_params = [{transform_indices = #map}, {transform_indices = #map}, {transform_indices = #map}, {transform_indices = #map1}, {transform_indices = #map1}, {transform_indices = #map2}]} {
    %mul3A = arith.constant 2 : i32
    %mul3A_0 = arith.muli %arg1, %mul3A : i32
    %add3A = arith.addi %mul3A_0, %arg0 : i32
    %scan3A = arith.constant 0 : i32
    %scan3A_1 = arith.constant 0 : i32
    %scan3A_2 = arith.constant 40 : i32
    %scan3A_3 = arith.addi %scan3A_1, %scan3A_2 : i32
    %scan3A_4 = arith.constant 1 : i32
    scf.for %scan3A_491 = %scan3A_1 to %scan3A_3 step %scan3A_4  : i32 {
      %broadcast_in_dim3A = arith.constant 0.000000e+00 : f32
      %broadcast_in_dim3A_492 = vector.broadcast %broadcast_in_dim3A : f32 to vector<16xf32>
      %swap3A = arith.index_cast %scan3A_491 : i32 to index
      %swap3A_493 = arith.constant 0 : index
      %swap3A_494 = tpu.vector_load %arg12[%swap3A, %swap3A_493] {strides = array<i32>} : memref<40x128xf32, #tpu.memory_space<vmem>>, vector<1x16xf32>,
      %swap3A_495 = vector.shape_cast %swap3A_494 : vector<1x16xf32> to vector<16xf32>
      %swap3A_496 = vector.shape_cast %broadcast_in_dim3A_492 : vector<16xf32> to vector<1x16xf32>
      tpu.vector_store %arg12[%swap3A, %swap3A_493], %swap3A_496 {strides = array<i32>} : memref<40x128xf32, #tpu.memory_space<vmem>>, vector<1x16xf32>,
      %broadcast_in_dim3A_497 = arith.constant 0.000000e+00 : f32
      %broadcast_in_dim3A_498 = vector.broadcast %broadcast_in_dim3A_497 : f32 to vector<16xf32>
      %swap3A_499 = arith.index_cast %scan3A_491 : i32 to index
      %swap3A_500 = arith.constant 16 : index
      %swap3A_501 = tpu.vector_load %arg12[%swap3A_499, %swap3A_500] {strides = array<i32>} : memref<40x128xf32, #tpu.memory_space<vmem>>, vector<1x16xf32>,
      %swap3A_502 = vector.shape_cast %swap3A_501 : vector<1x16xf32> to vector<16xf32>
      %swap3A_503 = vector.shape_cast %broadcast_in_dim3A_498 : vector<16xf32> to vector<1x16xf32>
      tpu.vector_store %arg12[%swap3A_499, %swap3A_500], %swap3A_503 {strides = array<i32>} : memref<40x128xf32, #tpu.memory_space<vmem>>, vector<1x16xf32>,
      %broadcast_in_dim3A_504 = arith.constant 0.000000e+00 : f32
      %broadcast_in_dim3A_505 = vector.broadcast %broadcast_in_dim3A_504 : f32 to vector<16xf32>
      %swap3A_506 = arith.index_cast %scan3A_491 : i32 to index
      %swap3A_507 = arith.constant 32 : index
      %swap3A_508 = tpu.vector_load %arg12[%swap3A_506, %swap3A_507] {strides = array<i32>} : memref<40x128xf32, #tpu.memory_space<vmem>>, vector<1x16xf32>,
      %swap3A_509 = vector.shape_cast %swap3A_508 : vector<1x16xf32> to vector<16xf32>
      %swap3A_510 = vector.shape_cast %broadcast_in_dim3A_505 : vector<16xf32> to vector<1x16xf32>
      tpu.vector_store %arg12[%swap3A_506, %swap3A_507], %swap3A_510 {strides = array<i32>} : memref<40x128xf32, #tpu.memory_space<vmem>>, vector<1x16xf32>,
      %broadcast_in_dim3A_511 = arith.constant 0.000000e+00 : f32
      %broadcast_in_dim3A_512 = vector.broadcast %broadcast_in_dim3A_511 : f32 to vector<16xf32>
      %swap3A_513 = arith.index_cast %scan3A_491 : i32 to index
      %swap3A_514 = arith.constant 48 : index
      %swap3A_515 = tpu.vector_load %arg12[%swap3A_513, %swap3A_514] {strides = array<i32>} : memref<40x128xf32, #tpu.memory_space<vmem>>, vector<1x16xf32>,
      %swap3A_516 = vector.shape_cast %swap3A_515 : vector<1x16xf32> to vector<16xf32>
      %swap3A_517 = vector.shape_cast %broadcast_in_dim3A_512 : vector<16xf32> to vector<1x16xf32>
      tpu.vector_store %arg12[%swap3A_513, %swap3A_514], %swap3A_517 {strides = array<i32>} : memref<40x128xf32, #tpu.memory_space<vmem>>, vector<1x16xf32>,
      %broadcast_in_dim3A_518 = arith.constant 0.000000e+00 : f32
      %broadcast_in_dim3A_519 = vector.broadcast %broadcast_in_dim3A_518 : f32 to vector<16xf32>
      %swap3A_520 = arith.index_cast %scan3A_491 : i32 to index
      %swap3A_521 = arith.constant 64 : index
      %swap3A_522 = tpu.vector_load %arg12[%swap3A_520, %swap3A_521] {strides = array<i32>} : memref<40x128xf32, #tpu.memory_space<vmem>>, vector<1x16xf32>,
      %swap3A_523 = vector.shape_cast %swap3A_522 : vector<1x16xf32> to vector<16xf32>
      %swap3A_524 = vector.shape_cast %broadcast_in_dim3A_519 : vector<16xf32> to vector<1x16xf32>
      tpu.vector_store %arg12[%swap3A_520, %swap3A_521], %swap3A_524 {strides = array<i32>} : memref<40x128xf32, #tpu.memory_space<vmem>>, vector<1x16xf32>,
      %broadcast_in_dim3A_525 = arith.constant 0.000000e+00 : f32
      %broadcast_in_dim3A_526 = vector.broadcast %broadcast_in_dim3A_525 : f32 to vector<16xf32>
      %swap3A_527 = arith.index_cast %scan3A_491 : i32 to index
      %swap3A_528 = arith.constant 80 : index
      %swap3A_529 = tpu.vector_load %arg12[%swap3A_527, %swap3A_528] {strides = array<i32>} : memref<40x128xf32, #tpu.memory_space<vmem>>, vector<1x16xf32>,
      %swap3A_530 = vector.shape_cast %swap3A_529 : vector<1x16xf32> to vector<16xf32>
      %swap3A_531 = vector.shape_cast %broadcast_in_dim3A_526 : vector<16xf32> to vector<1x16xf32>
      tpu.vector_store %arg12[%swap3A_527, %swap3A_528], %swap3A_531 {strides = array<i32>} : memref<40x128xf32, #tpu.memory_space<vmem>>, vector<1x16xf32>,
      %broadcast_in_dim3A_532 = arith.constant 0.000000e+00 : f32
      %broadcast_in_dim3A_533 = vector.broadcast %broadcast_in_dim3A_532 : f32 to vector<16xf32>
      %swap3A_534 = arith.index_cast %scan3A_491 : i32 to index
      %swap3A_535 = arith.constant 96 : index
      %swap3A_536 = tpu.vector_load %arg12[%swap3A_534, %swap3A_535] {strides = array<i32>} : memref<40x128xf32, #tpu.memory_space<vmem>>, vector<1x16xf32>,
      %swap3A_537 = vector.shape_cast %swap3A_536 : vector<1x16xf32> to vector<16xf32>
      %swap3A_538 = vector.shape_cast %broadcast_in_dim3A_533 : vector<16xf32> to vector<1x16xf32>
      tpu.vector_store %arg12[%swap3A_534, %swap3A_535], %swap3A_538 {strides = array<i32>} : memref<40x128xf32, #tpu.memory_space<vmem>>, vector<1x16xf32>,
      %broadcast_in_dim3A_539 = arith.constant 0.000000e+00 : f32
      %broadcast_in_dim3A_540 = vector.broadcast %broadcast_in_dim3A_539 : f32 to vector<16xf32>
      %swap3A_541 = arith.index_cast %scan3A_491 : i32 to index
      %swap3A_542 = arith.constant 112 : index
      %swap3A_543 = tpu.vector_load %arg12[%swap3A_541, %swap3A_542] {strides = array<i32>} : memref<40x128xf32, #tpu.memory_space<vmem>>, vector<1x16xf32>,
      %swap3A_544 = vector.shape_cast %swap3A_543 : vector<1x16xf32> to vector<16xf32>
      %swap3A_545 = vector.shape_cast %broadcast_in_dim3A_540 : vector<16xf32> to vector<1x16xf32>
      tpu.vector_store %arg12[%swap3A_541, %swap3A_542], %swap3A_545 {strides = array<i32>} : memref<40x128xf32, #tpu.memory_space<vmem>>, vector<1x16xf32>,
    }
    %scan3A_5 = arith.constant 40 : i32
    %mul3A_6 = arith.constant 640 : i32
    %mul3A_7 = arith.muli %arg1, %mul3A_6 : i32
    %add3A_8 = arith.constant 0 : i32
    %add3A_9 = arith.addi %mul3A_7, %add3A_8 : i32
    %mul3A_10 = arith.constant 640 : i32
    %mul3A_11 = arith.muli %arg1, %mul3A_10 : i32
    %add3A_12 = arith.constant 40 : i32
    %add3A_13 = arith.addi %mul3A_11, %add3A_12 : i32
    %mul3A_14 = arith.constant 640 : i32
    %mul3A_15 = arith.muli %arg1, %mul3A_14 : i32
    %add3A_16 = arith.constant 80 : i32
    %add3A_17 = arith.addi %mul3A_15, %add3A_16 : i32
    %mul3A_18 = arith.constant 640 : i32
    %mul3A_19 = arith.muli %arg1, %mul3A_18 : i32
    %add3A_20 = arith.constant 120 : i32
    %add3A_21 = arith.addi %mul3A_19, %add3A_20 : i32
    %mul3A_22 = arith.constant 640 : i32
    %mul3A_23 = arith.muli %arg1, %mul3A_22 : i32
    %add3A_24 = arith.constant 160 : i32
    %add3A_25 = arith.addi %mul3A_23, %add3A_24 : i32
    %mul3A_26 = arith.constant 640 : i32
    %mul3A_27 = arith.muli %arg1, %mul3A_26 : i32
    %add3A_28 = arith.constant 200 : i32
    %add3A_29 = arith.addi %mul3A_27, %add3A_28 : i32
    %mul3A_30 = arith.constant 640 : i32
    %mul3A_31 = arith.muli %arg1, %mul3A_30 : i32
    %add3A_32 = arith.constant 240 : i32
    %add3A_33 = arith.addi %mul3A_31, %add3A_32 : i32
    %mul3A_34 = arith.constant 640 : i32
    %mul3A_35 = arith.muli %arg1, %mul3A_34 : i32
    %add3A_36 = arith.constant 280 : i32
    %add3A_37 = arith.addi %mul3A_35, %add3A_36 : i32
    %mul3A_38 = arith.constant 640 : i32
    %mul3A_39 = arith.muli %arg1, %mul3A_38 : i32
    %add3A_40 = arith.constant 320 : i32
    %add3A_41 = arith.addi %mul3A_39, %add3A_40 : i32
    %mul3A_42 = arith.constant 640 : i32
    %mul3A_43 = arith.muli %arg1, %mul3A_42 : i32
    %add3A_44 = arith.constant 360 : i32
    %add3A_45 = arith.addi %mul3A_43, %add3A_44 : i32
    %mul3A_46 = arith.constant 640 : i32
    %mul3A_47 = arith.muli %arg1, %mul3A_46 : i32
    %add3A_48 = arith.constant 400 : i32
    %add3A_49 = arith.addi %mul3A_47, %add3A_48 : i32
    %mul3A_50 = arith.constant 640 : i32
    %mul3A_51 = arith.muli %arg1, %mul3A_50 : i32
    %add3A_52 = arith.constant 440 : i32
    %add3A_53 = arith.addi %mul3A_51, %add3A_52 : i32
    %mul3A_54 = arith.constant 640 : i32
    %mul3A_55 = arith.muli %arg1, %mul3A_54 : i32
    %add3A_56 = arith.constant 480 : i32
    %add3A_57 = arith.addi %mul3A_55, %add3A_56 : i32
    %mul3A_58 = arith.constant 640 : i32
    %mul3A_59 = arith.muli %arg1, %mul3A_58 : i32
    %add3A_60 = arith.constant 520 : i32
    %add3A_61 = arith.addi %mul3A_59, %add3A_60 : i32
    %mul3A_62 = arith.constant 640 : i32
    %mul3A_63 = arith.muli %arg1, %mul3A_62 : i32
    %add3A_64 = arith.constant 560 : i32
    %add3A_65 = arith.addi %mul3A_63, %add3A_64 : i32
    %mul3A_66 = arith.constant 640 : i32
    %mul3A_67 = arith.muli %arg1, %mul3A_66 : i32
    %add3A_68 = arith.constant 600 : i32
    %add3A_69 = arith.addi %mul3A_67, %add3A_68 : i32
    %dma_start3A = arith.constant 0 : i32
    %dma_start3A_70 = tpu.memref_slice %arg20[%add3A_9, %dma_start3A] : memref<10240x128xf32, #tpu.memory_space<vmem_shared>> -> memref<40x128xf32, #tpu.memory_space<vmem_shared>>
    %dma_start3A_71 = arith.constant 0 : i32
    %dma_start3A_72 = tpu.memref_slice %arg20[%add3A_9, %dma_start3A_71] : memref<10240x128xf32, #tpu.memory_space<vmem_shared>> -> memref<40x128xf32, #tpu.memory_space<vmem_shared>>
    tpu.enqueue_dma source(%arg12 : memref<40x128xf32, #tpu.memory_space<vmem>>) target(%dma_start3A_72 : memref<40x128xf32, #tpu.memory_space<vmem_shared>>) target_semaphore(%arg27 : memref<!tpu.dma_semaphore, #tpu.memory_space<semaphore_mem>>)
    %dma_start3A_73 = arith.constant 0 : i32
    %dma_start3A_74 = tpu.memref_slice %arg20[%add3A_13, %dma_start3A_73] : memref<10240x128xf32, #tpu.memory_space<vmem_shared>> -> memref<40x128xf32, #tpu.memory_space<vmem_shared>>
    %dma_start3A_75 = arith.constant 0 : i32
    %dma_start3A_76 = tpu.memref_slice %arg20[%add3A_13, %dma_start3A_75] : memref<10240x128xf32, #tpu.memory_space<vmem_shared>> -> memref<40x128xf32, #tpu.memory_space<vmem_shared>>
    tpu.enqueue_dma source(%arg12 : memref<40x128xf32, #tpu.memory_space<vmem>>) target(%dma_start3A_76 : memref<40x128xf32, #tpu.memory_space<vmem_shared>>) target_semaphore(%arg27 : memref<!tpu.dma_semaphore, #tpu.memory_space<semaphore_mem>>)
    %dma_start3A_77 = arith.constant 0 : i32
    %dma_start3A_78 = tpu.memref_slice %arg20[%add3A_17, %dma_start3A_77] : memref<10240x128xf32, #tpu.memory_space<vmem_shared>> -> memref<40x128xf32, #tpu.memory_space<vmem_shared>>
    %dma_start3A_79 = arith.constant 0 : i32
    %dma_start3A_80 = tpu.memref_slice %arg20[%add3A_17, %dma_start3A_79] : memref<10240x128xf32, #tpu.memory_space<vmem_shared>> -> memref<40x128xf32, #tpu.memory_space<vmem_shared>>
    tpu.enqueue_dma source(%arg12 : memref<40x128xf32, #tpu.memory_space<vmem>>) target(%dma_start3A_80 : memref<40x128xf32, #tpu.memory_space<vmem_shared>>) target_semaphore(%arg27 : memref<!tpu.dma_semaphore, #tpu.memory_space<semaphore_mem>>)
    %dma_start3A_81 = arith.constant 0 : i32
    %dma_start3A_82 = tpu.memref_slice %arg20[%add3A_21, %dma_start3A_81] : memref<10240x128xf32, #tpu.memory_space<vmem_shared>> -> memref<40x128xf32, #tpu.memory_space<vmem_shared>>
    %dma_start3A_83 = arith.constant 0 : i32
    %dma_start3A_84 = tpu.memref_slice %arg20[%add3A_21, %dma_start3A_83] : memref<10240x128xf32, #tpu.memory_space<vmem_shared>> -> memref<40x128xf32, #tpu.memory_space<vmem_shared>>
    tpu.enqueue_dma source(%arg12 : memref<40x128xf32, #tpu.memory_space<vmem>>) target(%dma_start3A_84 : memref<40x128xf32, #tpu.memory_space<vmem_shared>>) target_semaphore(%arg27 : memref<!tpu.dma_semaphore, #tpu.memory_space<semaphore_mem>>)
    %dma_start3A_85 = arith.constant 0 : i32
    %dma_start3A_86 = tpu.memref_slice %arg20[%add3A_25, %dma_start3A_85] : memref<10240x128xf32, #tpu.memory_space<vmem_shared>> -> memref<40x128xf32, #tpu.memory_space<vmem_shared>>
    %dma_start3A_87 = arith.constant 0 : i32
    %dma_start3A_88 = tpu.memref_slice %arg20[%add3A_25, %dma_start3A_87] : memref<10240x128xf32, #tpu.memory_space<vmem_shared>> -> memref<40x128xf32, #tpu.memory_space<vmem_shared>>
    tpu.enqueue_dma source(%arg12 : memref<40x128xf32, #tpu.memory_space<vmem>>) target(%dma_start3A_88 : memref<40x128xf32, #tpu.memory_space<vmem_shared>>) target_semaphore(%arg27 : memref<!tpu.dma_semaphore, #tpu.memory_space<semaphore_mem>>)
    %dma_start3A_89 = arith.constant 0 : i32
    %dma_start3A_90 = tpu.memref_slice %arg20[%add3A_29, %dma_start3A_89] : memref<10240x128xf32, #tpu.memory_space<vmem_shared>> -> memref<40x128xf32, #tpu.memory_space<vmem_shared>>
    %dma_start3A_91 = arith.constant 0 : i32
    %dma_start3A_92 = tpu.memref_slice %arg20[%add3A_29, %dma_start3A_91] : memref<10240x128xf32, #tpu.memory_space<vmem_shared>> -> memref<40x128xf32, #tpu.memory_space<vmem_shared>>
    tpu.enqueue_dma source(%arg12 : memref<40x128xf32, #tpu.memory_space<vmem>>) target(%dma_start3A_92 : memref<40x128xf32, #tpu.memory_space<vmem_shared>>) target_semaphore(%arg27 : memref<!tpu.dma_semaphore, #tpu.memory_space<semaphore_mem>>)
    %dma_start3A_93 = arith.constant 0 : i32
    %dma_start3A_94 = tpu.memref_slice %arg20[%add3A_33, %dma_start3A_93] : memref<10240x128xf32, #tpu.memory_space<vmem_shared>> -> memref<40x128xf32, #tpu.memory_space<vmem_shared>>
    %dma_start3A_95 = arith.constant 0 : i32
    %dma_start3A_96 = tpu.memref_slice %arg20[%add3A_33, %dma_start3A_95] : memref<10240x128xf32, #tpu.memory_space<vmem_shared>> -> memref<40x128xf32, #tpu.memory_space<vmem_shared>>
    tpu.enqueue_dma source(%arg12 : memref<40x128xf32, #tpu.memory_space<vmem>>) target(%dma_start3A_96 : memref<40x128xf32, #tpu.memory_space<vmem_shared>>) target_semaphore(%arg27 : memref<!tpu.dma_semaphore, #tpu.memory_space<semaphore_mem>>)
    %dma_start3A_97 = arith.constant 0 : i32
    %dma_start3A_98 = tpu.memref_slice %arg20[%add3A_37, %dma_start3A_97] : memref<10240x128xf32, #tpu.memory_space<vmem_shared>> -> memref<40x128xf32, #tpu.memory_space<vmem_shared>>
    %dma_start3A_99 = arith.constant 0 : i32
    %dma_start3A_100 = tpu.memref_slice %arg20[%add3A_37, %dma_start3A_99] : memref<10240x128xf32, #tpu.memory_space<vmem_shared>> -> memref<40x128xf32, #tpu.memory_space<vmem_shared>>
    tpu.enqueue_dma source(%arg12 : memref<40x128xf32, #tpu.memory_space<vmem>>) target(%dma_start3A_100 : memref<40x128xf32, #tpu.memory_space<vmem_shared>>) target_semaphore(%arg27 : memref<!tpu.dma_semaphore, #tpu.memory_space<semaphore_mem>>)
    %dma_start3A_101 = arith.constant 0 : i32
    %dma_start3A_102 = tpu.memref_slice %arg20[%add3A_41, %dma_start3A_101] : memref<10240x128xf32, #tpu.memory_space<vmem_shared>> -> memref<40x128xf32, #tpu.memory_space<vmem_shared>>
    %dma_start3A_103 = arith.constant 0 : i32
    %dma_start3A_104 = tpu.memref_slice %arg20[%add3A_41, %dma_start3A_103] : memref<10240x128xf32, #tpu.memory_space<vmem_shared>> -> memref<40x128xf32, #tpu.memory_space<vmem_shared>>
    tpu.enqueue_dma source(%arg12 : memref<40x128xf32, #tpu.memory_space<vmem>>) target(%dma_start3A_104 : memref<40x128xf32, #tpu.memory_space<vmem_shared>>) target_semaphore(%arg27 : memref<!tpu.dma_semaphore, #tpu.memory_space<semaphore_mem>>)
    %dma_start3A_105 = arith.constant 0 : i32
    %dma_start3A_106 = tpu.memref_slice %arg20[%add3A_45, %dma_start3A_105] : memref<10240x128xf32, #tpu.memory_space<vmem_shared>> -> memref<40x128xf32, #tpu.memory_space<vmem_shared>>
    %dma_start3A_107 = arith.constant 0 : i32
    %dma_start3A_108 = tpu.memref_slice %arg20[%add3A_45, %dma_start3A_107] : memref<10240x128xf32, #tpu.memory_space<vmem_shared>> -> memref<40x128xf32, #tpu.memory_space<vmem_shared>>
    tpu.enqueue_dma source(%arg12 : memref<40x128xf32, #tpu.memory_space<vmem>>) target(%dma_start3A_108 : memref<40x128xf32, #tpu.memory_space<vmem_shared>>) target_semaphore(%arg27 : memref<!tpu.dma_semaphore, #tpu.memory_space<semaphore_mem>>)
    %dma_start3A_109 = arith.constant 0 : i32
    %dma_start3A_110 = tpu.memref_slice %arg20[%add3A_49, %dma_start3A_109] : memref<10240x128xf32, #tpu.memory_space<vmem_shared>> -> memref<40x128xf32, #tpu.memory_space<vmem_shared>>
    %dma_start3A_111 = arith.constant 0 : i32
    %dma_start3A_112 = tpu.memref_slice %arg20[%add3A_49, %dma_start3A_111] : memref<10240x128xf32, #tpu.memory_space<vmem_shared>> -> memref<40x128xf32, #tpu.memory_space<vmem_shared>>
    tpu.enqueue_dma source(%arg12 : memref<40x128xf32, #tpu.memory_space<vmem>>) target(%dma_start3A_112 : memref<40x128xf32, #tpu.memory_space<vmem_shared>>) target_semaphore(%arg27 : memref<!tpu.dma_semaphore, #tpu.memory_space<semaphore_mem>>)
    %dma_start3A_113 = arith.constant 0 : i32
    %dma_start3A_114 = tpu.memref_slice %arg20[%add3A_53, %dma_start3A_113] : memref<10240x128xf32, #tpu.memory_space<vmem_shared>> -> memref<40x128xf32, #tpu.memory_space<vmem_shared>>
    %dma_start3A_115 = arith.constant 0 : i32
    %dma_start3A_116 = tpu.memref_slice %arg20[%add3A_53, %dma_start3A_115] : memref<10240x128xf32, #tpu.memory_space<vmem_shared>> -> memref<40x128xf32, #tpu.memory_space<vmem_shared>>
    tpu.enqueue_dma source(%arg12 : memref<40x128xf32, #tpu.memory_space<vmem>>) target(%dma_start3A_116 : memref<40x128xf32, #tpu.memory_space<vmem_shared>>) target_semaphore(%arg27 : memref<!tpu.dma_semaphore, #tpu.memory_space<semaphore_mem>>)
    %dma_start3A_117 = arith.constant 0 : i32
    %dma_start3A_118 = tpu.memref_slice %arg20[%add3A_57, %dma_start3A_117] : memref<10240x128xf32, #tpu.memory_space<vmem_shared>> -> memref<40x128xf32, #tpu.memory_space<vmem_shared>>
    %dma_start3A_119 = arith.constant 0 : i32
    %dma_start3A_120 = tpu.memref_slice %arg20[%add3A_57, %dma_start3A_119] : memref<10240x128xf32, #tpu.memory_space<vmem_shared>> -> memref<40x128xf32, #tpu.memory_space<vmem_shared>>
    tpu.enqueue_dma source(%arg12 : memref<40x128xf32, #tpu.memory_space<vmem>>) target(%dma_start3A_120 : memref<40x128xf32, #tpu.memory_space<vmem_shared>>) target_semaphore(%arg27 : memref<!tpu.dma_semaphore, #tpu.memory_space<semaphore_mem>>)
    %dma_start3A_121 = arith.constant 0 : i32
    %dma_start3A_122 = tpu.memref_slice %arg20[%add3A_61, %dma_start3A_121] : memref<10240x128xf32, #tpu.memory_space<vmem_shared>> -> memref<40x128xf32, #tpu.memory_space<vmem_shared>>
    %dma_start3A_123 = arith.constant 0 : i32
    %dma_start3A_124 = tpu.memref_slice %arg20[%add3A_61, %dma_start3A_123] : memref<10240x128xf32, #tpu.memory_space<vmem_shared>> -> memref<40x128xf32, #tpu.memory_space<vmem_shared>>
    tpu.enqueue_dma source(%arg12 : memref<40x128xf32, #tpu.memory_space<vmem>>) target(%dma_start3A_124 : memref<40x128xf32, #tpu.memory_space<vmem_shared>>) target_semaphore(%arg27 : memref<!tpu.dma_semaphore, #tpu.memory_space<semaphore_mem>>)
    %dma_start3A_125 = arith.constant 0 : i32
    %dma_start3A_126 = tpu.memref_slice %arg20[%add3A_65, %dma_start3A_125] : memref<10240x128xf32, #tpu.memory_space<vmem_shared>> -> memref<40x128xf32, #tpu.memory_space<vmem_shared>>
    %dma_start3A_127 = arith.constant 0 : i32
    %dma_start3A_128 = tpu.memref_slice %arg20[%add3A_65, %dma_start3A_127] : memref<10240x128xf32, #tpu.memory_space<vmem_shared>> -> memref<40x128xf32, #tpu.memory_space<vmem_shared>>
    tpu.enqueue_dma source(%arg12 : memref<40x128xf32, #tpu.memory_space<vmem>>) target(%dma_start3A_128 : memref<40x128xf32, #tpu.memory_space<vmem_shared>>) target_semaphore(%arg27 : memref<!tpu.dma_semaphore, #tpu.memory_space<semaphore_mem>>)
    %dma_start3A_129 = arith.constant 0 : i32
    %dma_start3A_130 = tpu.memref_slice %arg20[%add3A_69, %dma_start3A_129] : memref<10240x128xf32, #tpu.memory_space<vmem_shared>> -> memref<40x128xf32, #tpu.memory_space<vmem_shared>>
    %dma_start3A_131 = arith.constant 0 : i32
    %dma_start3A_132 = tpu.memref_slice %arg20[%add3A_69, %dma_start3A_131] : memref<10240x128xf32, #tpu.memory_space<vmem_shared>> -> memref<40x128xf32, #tpu.memory_space<vmem_shared>>
    tpu.enqueue_dma source(%arg12 : memref<40x128xf32, #tpu.memory_space<vmem>>) target(%dma_start3A_132 : memref<40x128xf32, #tpu.memory_space<vmem_shared>>) target_semaphore(%arg27 : memref<!tpu.dma_semaphore, #tpu.memory_space<semaphore_mem>>)
    %dma_wait3A = arith.constant 0 : i32
    %dma_wait3A_133 = tpu.memref_slice %arg20[%add3A_9, %dma_wait3A] : memref<10240x128xf32, #tpu.memory_space<vmem_shared>> -> memref<40x128xf32, #tpu.memory_space<vmem_shared>>
    %dma_wait3A_134 = arith.constant 0 : i32
    %dma_wait3A_135 = tpu.memref_slice %arg20[%add3A_9, %dma_wait3A_134] : memref<10240x128xf32, #tpu.memory_space<vmem_shared>> -> memref<40x128xf32, #tpu.memory_space<vmem_shared>>
    tpu.wait_dma2 semaphore(%arg27 : memref<!tpu.dma_semaphore, #tpu.memory_space<semaphore_mem>>) src(%arg12 : memref<40x128xf32, #tpu.memory_space<vmem>>) dst(%dma_wait3A_135 : memref<40x128xf32, #tpu.memory_space<vmem_shared>>)
    %dma_wait3A_136 = arith.constant 0 : i32
    %dma_wait3A_137 = tpu.memref_slice %arg20[%add3A_13, %dma_wait3A_136] : memref<10240x128xf32, #tpu.memory_space<vmem_shared>> -> memref<40x128xf32, #tpu.memory_space<vmem_shared>>
    %dma_wait3A_138 = arith.constant 0 : i32
    %dma_wait3A_139 = tpu.memref_slice %arg20[%add3A_13, %dma_wait3A_138] : memref<10240x128xf32, #tpu.memory_space<vmem_shared>> -> memref<40x128xf32, #tpu.memory_space<vmem_shared>>
    tpu.wait_dma2 semaphore(%arg27 : memref<!tpu.dma_semaphore, #tpu.memory_space<semaphore_mem>>) src(%arg12 : memref<40x128xf32, #tpu.memory_space<vmem>>) dst(%dma_wait3A_139 : memref<40x128xf32, #tpu.memory_space<vmem_shared>>)
    %dma_wait3A_140 = arith.constant 0 : i32
    %dma_wait3A_141 = tpu.memref_slice %arg20[%add3A_17, %dma_wait3A_140] : memref<10240x128xf32, #tpu.memory_space<vmem_shared>> -> memref<40x128xf32, #tpu.memory_space<vmem_shared>>
    %dma_wait3A_142 = arith.constant 0 : i32
    %dma_wait3A_143 = tpu.memref_slice %arg20[%add3A_17, %dma_wait3A_142] : memref<10240x128xf32, #tpu.memory_space<vmem_shared>> -> memref<40x128xf32, #tpu.memory_space<vmem_shared>>
    tpu.wait_dma2 semaphore(%arg27 : memref<!tpu.dma_semaphore, #tpu.memory_space<semaphore_mem>>) src(%arg12 : memref<40x128xf32, #tpu.memory_space<vmem>>) dst(%dma_wait3A_143 : memref<40x128xf32, #tpu.memory_space<vmem_shared>>)
    %dma_wait3A_144 = arith.constant 0 : i32
    %dma_wait3A_145 = tpu.memref_slice %arg20[%add3A_21, %dma_wait3A_144] : memref<10240x128xf32, #tpu.memory_space<vmem_shared>> -> memref<40x128xf32, #tpu.memory_space<vmem_shared>>
    %dma_wait3A_146 = arith.constant 0 : i32
    %dma_wait3A_147 = tpu.memref_slice %arg20[%add3A_21, %dma_wait3A_146] : memref<10240x128xf32, #tpu.memory_space<vmem_shared>> -> memref<40x128xf32, #tpu.memory_space<vmem_shared>>
    tpu.wait_dma2 semaphore(%arg27 : memref<!tpu.dma_semaphore, #tpu.memory_space<semaphore_mem>>) src(%arg12 : memref<40x128xf32, #tpu.memory_space<vmem>>) dst(%dma_wait3A_147 : memref<40x128xf32, #tpu.memory_space<vmem_shared>>)
    %dma_wait3A_148 = arith.constant 0 : i32
    %dma_wait3A_149 = tpu.memref_slice %arg20[%add3A_25, %dma_wait3A_148] : memref<10240x128xf32, #tpu.memory_space<vmem_shared>> -> memref<40x128xf32, #tpu.memory_space<vmem_shared>>
    %dma_wait3A_150 = arith.constant 0 : i32
    %dma_wait3A_151 = tpu.memref_slice %arg20[%add3A_25, %dma_wait3A_150] : memref<10240x128xf32, #tpu.memory_space<vmem_shared>> -> memref<40x128xf32, #tpu.memory_space<vmem_shared>>
    tpu.wait_dma2 semaphore(%arg27 : memref<!tpu.dma_semaphore, #tpu.memory_space<semaphore_mem>>) src(%arg12 : memref<40x128xf32, #tpu.memory_space<vmem>>) dst(%dma_wait3A_151 : memref<40x128xf32, #tpu.memory_space<vmem_shared>>)
    %dma_wait3A_152 = arith.constant 0 : i32
    %dma_wait3A_153 = tpu.memref_slice %arg20[%add3A_29, %dma_wait3A_152] : memref<10240x128xf32, #tpu.memory_space<vmem_shared>> -> memref<40x128xf32, #tpu.memory_space<vmem_shared>>
    %dma_wait3A_154 = arith.constant 0 : i32
    %dma_wait3A_155 = tpu.memref_slice %arg20[%add3A_29, %dma_wait3A_154] : memref<10240x128xf32, #tpu.memory_space<vmem_shared>> -> memref<40x128xf32, #tpu.memory_space<vmem_shared>>
    tpu.wait_dma2 semaphore(%arg27 : memref<!tpu.dma_semaphore, #tpu.memory_space<semaphore_mem>>) src(%arg12 : memref<40x128xf32, #tpu.memory_space<vmem>>) dst(%dma_wait3A_155 : memref<40x128xf32, #tpu.memory_space<vmem_shared>>)
    %dma_wait3A_156 = arith.constant 0 : i32
    %dma_wait3A_157 = tpu.memref_slice %arg20[%add3A_33, %dma_wait3A_156] : memref<10240x128xf32, #tpu.memory_space<vmem_shared>> -> memref<40x128xf32, #tpu.memory_space<vmem_shared>>
    %dma_wait3A_158 = arith.constant 0 : i32
    %dma_wait3A_159 = tpu.memref_slice %arg20[%add3A_33, %dma_wait3A_158] : memref<10240x128xf32, #tpu.memory_space<vmem_shared>> -> memref<40x128xf32, #tpu.memory_space<vmem_shared>>
    tpu.wait_dma2 semaphore(%arg27 : memref<!tpu.dma_semaphore, #tpu.memory_space<semaphore_mem>>) src(%arg12 : memref<40x128xf32, #tpu.memory_space<vmem>>) dst(%dma_wait3A_159 : memref<40x128xf32, #tpu.memory_space<vmem_shared>>)
    %dma_wait3A_160 = arith.constant 0 : i32
    %dma_wait3A_161 = tpu.memref_slice %arg20[%add3A_37, %dma_wait3A_160] : memref<10240x128xf32, #tpu.memory_space<vmem_shared>> -> memref<40x128xf32, #tpu.memory_space<vmem_shared>>
    %dma_wait3A_162 = arith.constant 0 : i32
    %dma_wait3A_163 = tpu.memref_slice %arg20[%add3A_37, %dma_wait3A_162] : memref<10240x128xf32, #tpu.memory_space<vmem_shared>> -> memref<40x128xf32, #tpu.memory_space<vmem_shared>>
    tpu.wait_dma2 semaphore(%arg27 : memref<!tpu.dma_semaphore, #tpu.memory_space<semaphore_mem>>) src(%arg12 : memref<40x128xf32, #tpu.memory_space<vmem>>) dst(%dma_wait3A_163 : memref<40x128xf32, #tpu.memory_space<vmem_shared>>)
    %dma_wait3A_164 = arith.constant 0 : i32
    %dma_wait3A_165 = tpu.memref_slice %arg20[%add3A_41, %dma_wait3A_164] : memref<10240x128xf32, #tpu.memory_space<vmem_shared>> -> memref<40x128xf32, #tpu.memory_space<vmem_shared>>
    %dma_wait3A_166 = arith.constant 0 : i32
    %dma_wait3A_167 = tpu.memref_slice %arg20[%add3A_41, %dma_wait3A_166] : memref<10240x128xf32, #tpu.memory_space<vmem_shared>> -> memref<40x128xf32, #tpu.memory_space<vmem_shared>>
    tpu.wait_dma2 semaphore(%arg27 : memref<!tpu.dma_semaphore, #tpu.memory_space<semaphore_mem>>) src(%arg12 : memref<40x128xf32, #tpu.memory_space<vmem>>) dst(%dma_wait3A_167 : memref<40x128xf32, #tpu.memory_space<vmem_shared>>)
    %dma_wait3A_168 = arith.constant 0 : i32
    %dma_wait3A_169 = tpu.memref_slice %arg20[%add3A_45, %dma_wait3A_168] : memref<10240x128xf32, #tpu.memory_space<vmem_shared>> -> memref<40x128xf32, #tpu.memory_space<vmem_shared>>
    %dma_wait3A_170 = arith.constant 0 : i32
    %dma_wait3A_171 = tpu.memref_slice %arg20[%add3A_45, %dma_wait3A_170] : memref<10240x128xf32, #tpu.memory_space<vmem_shared>> -> memref<40x128xf32, #tpu.memory_space<vmem_shared>>
    tpu.wait_dma2 semaphore(%arg27 : memref<!tpu.dma_semaphore, #tpu.memory_space<semaphore_mem>>) src(%arg12 : memref<40x128xf32, #tpu.memory_space<vmem>>) dst(%dma_wait3A_171 : memref<40x128xf32, #tpu.memory_space<vmem_shared>>)
    %dma_wait3A_172 = arith.constant 0 : i32
    %dma_wait3A_173 = tpu.memref_slice %arg20[%add3A_49, %dma_wait3A_172] : memref<10240x128xf32, #tpu.memory_space<vmem_shared>> -> memref<40x128xf32, #tpu.memory_space<vmem_shared>>
    %dma_wait3A_174 = arith.constant 0 : i32
    %dma_wait3A_175 = tpu.memref_slice %arg20[%add3A_49, %dma_wait3A_174] : memref<10240x128xf32, #tpu.memory_space<vmem_shared>> -> memref<40x128xf32, #tpu.memory_space<vmem_shared>>
    tpu.wait_dma2 semaphore(%arg27 : memref<!tpu.dma_semaphore, #tpu.memory_space<semaphore_mem>>) src(%arg12 : memref<40x128xf32, #tpu.memory_space<vmem>>) dst(%dma_wait3A_175 : memref<40x128xf32, #tpu.memory_space<vmem_shared>>)
    %dma_wait3A_176 = arith.constant 0 : i32
    %dma_wait3A_177 = tpu.memref_slice %arg20[%add3A_53, %dma_wait3A_176] : memref<10240x128xf32, #tpu.memory_space<vmem_shared>> -> memref<40x128xf32, #tpu.memory_space<vmem_shared>>
    %dma_wait3A_178 = arith.constant 0 : i32
    %dma_wait3A_179 = tpu.memref_slice %arg20[%add3A_53, %dma_wait3A_178] : memref<10240x128xf32, #tpu.memory_space<vmem_shared>> -> memref<40x128xf32, #tpu.memory_space<vmem_shared>>
    tpu.wait_dma2 semaphore(%arg27 : memref<!tpu.dma_semaphore, #tpu.memory_space<semaphore_mem>>) src(%arg12 : memref<40x128xf32, #tpu.memory_space<vmem>>) dst(%dma_wait3A_179 : memref<40x128xf32, #tpu.memory_space<vmem_shared>>)
    %dma_wait3A_180 = arith.constant 0 : i32
    %dma_wait3A_181 = tpu.memref_slice %arg20[%add3A_57, %dma_wait3A_180] : memref<10240x128xf32, #tpu.memory_space<vmem_shared>> -> memref<40x128xf32, #tpu.memory_space<vmem_shared>>
    %dma_wait3A_182 = arith.constant 0 : i32
    %dma_wait3A_183 = tpu.memref_slice %arg20[%add3A_57, %dma_wait3A_182] : memref<10240x128xf32, #tpu.memory_space<vmem_shared>> -> memref<40x128xf32, #tpu.memory_space<vmem_shared>>
    tpu.wait_dma2 semaphore(%arg27 : memref<!tpu.dma_semaphore, #tpu.memory_space<semaphore_mem>>) src(%arg12 : memref<40x128xf32, #tpu.memory_space<vmem>>) dst(%dma_wait3A_183 : memref<40x128xf32, #tpu.memory_space<vmem_shared>>)
    %dma_wait3A_184 = arith.constant 0 : i32
    %dma_wait3A_185 = tpu.memref_slice %arg20[%add3A_61, %dma_wait3A_184] : memref<10240x128xf32, #tpu.memory_space<vmem_shared>> -> memref<40x128xf32, #tpu.memory_space<vmem_shared>>
    %dma_wait3A_186 = arith.constant 0 : i32
    %dma_wait3A_187 = tpu.memref_slice %arg20[%add3A_61, %dma_wait3A_186] : memref<10240x128xf32, #tpu.memory_space<vmem_shared>> -> memref<40x128xf32, #tpu.memory_space<vmem_shared>>
    tpu.wait_dma2 semaphore(%arg27 : memref<!tpu.dma_semaphore, #tpu.memory_space<semaphore_mem>>) src(%arg12 : memref<40x128xf32, #tpu.memory_space<vmem>>) dst(%dma_wait3A_187 : memref<40x128xf32, #tpu.memory_space<vmem_shared>>)
    %dma_wait3A_188 = arith.constant 0 : i32
    %dma_wait3A_189 = tpu.memref_slice %arg20[%add3A_65, %dma_wait3A_188] : memref<10240x128xf32, #tpu.memory_space<vmem_shared>> -> memref<40x128xf32, #tpu.memory_space<vmem_shared>>
    %dma_wait3A_190 = arith.constant 0 : i32
    %dma_wait3A_191 = tpu.memref_slice %arg20[%add3A_65, %dma_wait3A_190] : memref<10240x128xf32, #tpu.memory_space<vmem_shared>> -> memref<40x128xf32, #tpu.memory_space<vmem_shared>>
    tpu.wait_dma2 semaphore(%arg27 : memref<!tpu.dma_semaphore, #tpu.memory_space<semaphore_mem>>) src(%arg12 : memref<40x128xf32, #tpu.memory_space<vmem>>) dst(%dma_wait3A_191 : memref<40x128xf32, #tpu.memory_space<vmem_shared>>)
    %dma_wait3A_192 = arith.constant 0 : i32
    %dma_wait3A_193 = tpu.memref_slice %arg20[%add3A_69, %dma_wait3A_192] : memref<10240x128xf32, #tpu.memory_space<vmem_shared>> -> memref<40x128xf32, #tpu.memory_space<vmem_shared>>
    %dma_wait3A_194 = arith.constant 0 : i32
    %dma_wait3A_195 = tpu.memref_slice %arg20[%add3A_69, %dma_wait3A_194] : memref<10240x128xf32, #tpu.memory_space<vmem_shared>> -> memref<40x128xf32, #tpu.memory_space<vmem_shared>>
    tpu.wait_dma2 semaphore(%arg27 : memref<!tpu.dma_semaphore, #tpu.memory_space<semaphore_mem>>) src(%arg12 : memref<40x128xf32, #tpu.memory_space<vmem>>) dst(%dma_wait3A_195 : memref<40x128xf32, #tpu.memory_space<vmem_shared>>)
    %barrier3A = arith.constant 0 : index
    tpu.barrier barrier_id(%barrier3A)
    %scan3A_196 = arith.constant 0 : i32
    %scan3A_197 = arith.constant 0 : i32
    %scan3A_198 = arith.constant 5 : i32
    %scan3A_199 = arith.addi %scan3A_197, %scan3A_198 : i32
    %scan3A_200 = arith.constant 1 : i32
    scf.for %scan3A_491 = %scan3A_197 to %scan3A_199 step %scan3A_200  : i32 {
      %mul3A_492 = arith.constant 10000 : i32
      %mul3A_493 = arith.muli %add3A, %mul3A_492 : i32
      %mul3A_494 = arith.constant 2000 : i32
      %mul3A_495 = arith.muli %scan3A_491, %mul3A_494 : i32
      %add3A_496 = arith.addi %mul3A_493, %mul3A_495 : i32
      "tpu.region"() ({
        %run_scoped3A = tpu.sem_alloc : memref<!tpu.dma_semaphore, #tpu.memory_space<semaphore_mem>>
        %dma_start3A_748 = tpu.memref_slice %arg5[%add3A_496] : memref<320000xi32, #tpu.memory_space<hbm>> -> memref<2000xi32, #tpu.memory_space<hbm>>
        %dma_start3A_749 = tpu.memref_slice %arg5[%add3A_496] : memref<320000xi32, #tpu.memory_space<hbm>> -> memref<2000xi32, #tpu.memory_space<hbm>>
        tpu.enqueue_dma source(%dma_start3A_749 : memref<2000xi32, #tpu.memory_space<hbm>>) target(%arg8 : memref<2000xi32, #tpu.memory_space<vmem>>) target_semaphore(%run_scoped3A : memref<!tpu.dma_semaphore, #tpu.memory_space<semaphore_mem>>)
        %dma_wait3A_750 = tpu.memref_slice %arg5[%add3A_496] : memref<320000xi32, #tpu.memory_space<hbm>> -> memref<2000xi32, #tpu.memory_space<hbm>>
        %dma_wait3A_751 = tpu.memref_slice %arg5[%add3A_496] : memref<320000xi32, #tpu.memory_space<hbm>> -> memref<2000xi32, #tpu.memory_space<hbm>>
        tpu.wait_dma2 semaphore(%run_scoped3A : memref<!tpu.dma_semaphore, #tpu.memory_space<semaphore_mem>>) src(%dma_wait3A_751 : memref<2000xi32, #tpu.memory_space<hbm>>) dst(%arg8 : memref<2000xi32, #tpu.memory_space<vmem>>)
        tpu.yield
      }) : () -> ()
      "tpu.region"() ({
        %run_scoped3A = tpu.sem_alloc : memref<!tpu.dma_semaphore, #tpu.memory_space<semaphore_mem>>
        %dma_start3A_748 = tpu.memref_slice %arg6[%add3A_496] : memref<320000xi32, #tpu.memory_space<hbm>> -> memref<2000xi32, #tpu.memory_space<hbm>>
        %dma_start3A_749 = tpu.memref_slice %arg6[%add3A_496] : memref<320000xi32, #tpu.memory_space<hbm>> -> memref<2000xi32, #tpu.memory_space<hbm>>
        tpu.enqueue_dma source(%dma_start3A_749 : memref<2000xi32, #tpu.memory_space<hbm>>) target(%arg9 : memref<2000xi32, #tpu.memory_space<vmem>>) target_semaphore(%run_scoped3A : memref<!tpu.dma_semaphore, #tpu.memory_space<semaphore_mem>>)
        %dma_wait3A_750 = tpu.memref_slice %arg6[%add3A_496] : memref<320000xi32, #tpu.memory_space<hbm>> -> memref<2000xi32, #tpu.memory_space<hbm>>
        %dma_wait3A_751 = tpu.memref_slice %arg6[%add3A_496] : memref<320000xi32, #tpu.memory_space<hbm>> -> memref<2000xi32, #tpu.memory_space<hbm>>
        tpu.wait_dma2 semaphore(%run_scoped3A : memref<!tpu.dma_semaphore, #tpu.memory_space<semaphore_mem>>) src(%dma_wait3A_751 : memref<2000xi32, #tpu.memory_space<hbm>>) dst(%arg9 : memref<2000xi32, #tpu.memory_space<vmem>>)
        tpu.yield
      }) : () -> ()
      %add3A_497 = arith.constant 0 : i32
      %add3A_498 = arith.addi %add3A_496, %add3A_497 : i32
      %dma_start3A_499 = arith.constant 0 : i32
      %dma_start3A_500 = tpu.memref_slice %arg8[%dma_start3A_499] : memref<2000xi32, #tpu.memory_space<vmem>> -> memref<40xi32, #tpu.memory_space<vmem>>
      %dma_start3A_501 = arith.constant 0 : i32
      %dma_start3A_502 = arith.constant 0 : i32
      %dma_start3A_503 = tpu.memref_slice %arg2[%dma_start3A_501, %dma_start3A_502] : memref<10000x128xf32, #tpu.memory_space<hbm>> -> memref<10000x128xf32, #tpu.memory_space<hbm>>
      tpu.enqueue_indirect_dma source(%dma_start3A_503 : memref<10000x128xf32, #tpu.memory_space<hbm>>) target(%arg12 : memref<40x128xf32, #tpu.memory_space<vmem>>) offsets(%dma_start3A_500 : memref<40xi32, #tpu.memory_space<vmem>>) semaphore(%arg21 : memref<!tpu.dma_semaphore, #tpu.memory_space<semaphore_mem>>)
      %dma_start3A_504 = arith.constant 0 : i32
      %dma_start3A_505 = tpu.memref_slice %arg9[%dma_start3A_504] : memref<2000xi32, #tpu.memory_space<vmem>> -> memref<40xi32, #tpu.memory_space<vmem>>
      %dma_start3A_506 = arith.constant 0 : i32
      %dma_start3A_507 = arith.constant 0 : i32
      %dma_start3A_508 = tpu.memref_slice %arg3[%dma_start3A_506, %dma_start3A_507] : memref<10000x128xf32, #tpu.memory_space<hbm>> -> memref<10000x128xf32, #tpu.memory_space<hbm>>
      tpu.enqueue_indirect_dma source(%dma_start3A_508 : memref<10000x128xf32, #tpu.memory_space<hbm>>) target(%arg14 : memref<40x128xf32, #tpu.memory_space<vmem>>) offsets(%dma_start3A_505 : memref<40xi32, #tpu.memory_space<vmem>>) semaphore(%arg23 : memref<!tpu.dma_semaphore, #tpu.memory_space<semaphore_mem>>)
      %dma_start3A_509 = arith.constant 0 : i32
      %dma_start3A_510 = tpu.memref_slice %arg4[%add3A_498, %dma_start3A_509] : memref<320000x128xf32, #tpu.memory_space<hbm>> -> memref<40x128xf32, #tpu.memory_space<hbm>>
      %dma_start3A_511 = arith.constant 0 : i32
      %dma_start3A_512 = tpu.memref_slice %arg4[%add3A_498, %dma_start3A_511] : memref<320000x128xf32, #tpu.memory_space<hbm>> -> memref<40x128xf32, #tpu.memory_space<hbm>>
      tpu.enqueue_dma source(%dma_start3A_512 : memref<40x128xf32, #tpu.memory_space<hbm>>) target(%arg16 : memref<40x128xf32, #tpu.memory_space<vmem>>) target_semaphore(%arg25 : memref<!tpu.dma_semaphore, #tpu.memory_space<semaphore_mem>>)
      %add3A_513 = arith.constant 40 : i32
      %add3A_514 = arith.addi %add3A_496, %add3A_513 : i32
      %dma_start3A_515 = arith.constant 40 : i32
      %dma_start3A_516 = tpu.memref_slice %arg8[%dma_start3A_515] : memref<2000xi32, #tpu.memory_space<vmem>> -> memref<40xi32, #tpu.memory_space<vmem>>
      %dma_start3A_517 = arith.constant 0 : i32
      %dma_start3A_518 = arith.constant 0 : i32
      %dma_start3A_519 = tpu.memref_slice %arg2[%dma_start3A_517, %dma_start3A_518] : memref<10000x128xf32, #tpu.memory_space<hbm>> -> memref<10000x128xf32, #tpu.memory_space<hbm>>
      tpu.enqueue_indirect_dma source(%dma_start3A_519 : memref<10000x128xf32, #tpu.memory_space<hbm>>) target(%arg13 : memref<40x128xf32, #tpu.memory_space<vmem>>) offsets(%dma_start3A_516 : memref<40xi32, #tpu.memory_space<vmem>>) semaphore(%arg22 : memref<!tpu.dma_semaphore, #tpu.memory_space<semaphore_mem>>)
      %dma_start3A_520 = arith.constant 40 : i32
      %dma_start3A_521 = tpu.memref_slice %arg9[%dma_start3A_520] : memref<2000xi32, #tpu.memory_space<vmem>> -> memref<40xi32, #tpu.memory_space<vmem>>
      %dma_start3A_522 = arith.constant 0 : i32
      %dma_start3A_523 = arith.constant 0 : i32
      %dma_start3A_524 = tpu.memref_slice %arg3[%dma_start3A_522, %dma_start3A_523] : memref<10000x128xf32, #tpu.memory_space<hbm>> -> memref<10000x128xf32, #tpu.memory_space<hbm>>
      tpu.enqueue_indirect_dma source(%dma_start3A_524 : memref<10000x128xf32, #tpu.memory_space<hbm>>) target(%arg15 : memref<40x128xf32, #tpu.memory_space<vmem>>) offsets(%dma_start3A_521 : memref<40xi32, #tpu.memory_space<vmem>>) semaphore(%arg24 : memref<!tpu.dma_semaphore, #tpu.memory_space<semaphore_mem>>)
      %dma_start3A_525 = arith.constant 0 : i32
      %dma_start3A_526 = tpu.memref_slice %arg4[%add3A_514, %dma_start3A_525] : memref<320000x128xf32, #tpu.memory_space<hbm>> -> memref<40x128xf32, #tpu.memory_space<hbm>>
      %dma_start3A_527 = arith.constant 0 : i32
      %dma_start3A_528 = tpu.memref_slice %arg4[%add3A_514, %dma_start3A_527] : memref<320000x128xf32, #tpu.memory_space<hbm>> -> memref<40x128xf32, #tpu.memory_space<hbm>>
      tpu.enqueue_dma source(%dma_start3A_528 : memref<40x128xf32, #tpu.memory_space<hbm>>) target(%arg17 : memref<40x128xf32, #tpu.memory_space<vmem>>) target_semaphore(%arg26 : memref<!tpu.dma_semaphore, #tpu.memory_space<semaphore_mem>>)
      %add3A_529 = arith.constant 0 : i32
      %add3A_530 = arith.addi %add3A_496, %add3A_529 : i32
      %dma_wait3A_531 = arith.constant 0 : i32
      %dma_wait3A_532 = tpu.memref_slice %arg8[%dma_wait3A_531] : memref<2000xi32, #tpu.memory_space<vmem>> -> memref<40xi32, #tpu.memory_space<vmem>>
      %dma_wait3A_533 = arith.constant 0 : i32
      %dma_wait3A_534 = arith.constant 0 : i32
      %dma_wait3A_535 = tpu.memref_slice %arg2[%dma_wait3A_533, %dma_wait3A_534] : memref<10000x128xf32, #tpu.memory_space<hbm>> -> memref<10000x128xf32, #tpu.memory_space<hbm>>
      tpu.wait_indirect_dma semaphore(%arg21 : memref<!tpu.dma_semaphore, #tpu.memory_space<semaphore_mem>>) src(%dma_wait3A_535 : memref<10000x128xf32, #tpu.memory_space<hbm>>) dst(%arg12 : memref<40x128xf32, #tpu.memory_space<vmem>>)
      %dma_wait3A_536 = arith.constant 0 : i32
      %dma_wait3A_537 = tpu.memref_slice %arg9[%dma_wait3A_536] : memref<2000xi32, #tpu.memory_space<vmem>> -> memref<40xi32, #tpu.memory_space<vmem>>
      %dma_wait3A_538 = arith.constant 0 : i32
      %dma_wait3A_539 = arith.constant 0 : i32
      %dma_wait3A_540 = tpu.memref_slice %arg3[%dma_wait3A_538, %dma_wait3A_539] : memref<10000x128xf32, #tpu.memory_space<hbm>> -> memref<10000x128xf32, #tpu.memory_space<hbm>>
      tpu.wait_indirect_dma semaphore(%arg23 : memref<!tpu.dma_semaphore, #tpu.memory_space<semaphore_mem>>) src(%dma_wait3A_540 : memref<10000x128xf32, #tpu.memory_space<hbm>>) dst(%arg14 : memref<40x128xf32, #tpu.memory_space<vmem>>)
      %dma_wait3A_541 = arith.constant 0 : i32
      %dma_wait3A_542 = tpu.memref_slice %arg4[%add3A_530, %dma_wait3A_541] : memref<320000x128xf32, #tpu.memory_space<hbm>> -> memref<40x128xf32, #tpu.memory_space<hbm>>
      %dma_wait3A_543 = arith.constant 0 : i32
      %dma_wait3A_544 = tpu.memref_slice %arg4[%add3A_530, %dma_wait3A_543] : memref<320000x128xf32, #tpu.memory_space<hbm>> -> memref<40x128xf32, #tpu.memory_space<hbm>>
      tpu.wait_dma2 semaphore(%arg25 : memref<!tpu.dma_semaphore, #tpu.memory_space<semaphore_mem>>) src(%dma_wait3A_544 : memref<40x128xf32, #tpu.memory_space<hbm>>) dst(%arg16 : memref<40x128xf32, #tpu.memory_space<vmem>>)
      %get3A = arith.constant 0 : index
      %get3A_545 = tpu.vector_load %arg9[%get3A] {strides = array<i32>} : memref<2000xi32, #tpu.memory_space<vmem>>, vector<16xi32>,
      %get3A_546 = vector.shape_cast %get3A_545 : vector<16xi32> to vector<16xi32>
      %swap3A = arith.constant 0 : index
      %swap3A_547 = tpu.vector_load %arg10[%swap3A] {strides = array<i32>} : memref<40xi32, #tpu.memory_space<vmem>>, vector<16xi32>,
      %swap3A_548 = vector.shape_cast %swap3A_547 : vector<16xi32> to vector<16xi32>
      %swap3A_549 = vector.shape_cast %get3A_546 : vector<16xi32> to vector<16xi32>
      tpu.vector_store %arg10[%swap3A], %swap3A_549 {strides = array<i32>} : memref<40xi32, #tpu.memory_space<vmem>>, vector<16xi32>,
      %get3A_550 = arith.constant 16 : index
      %get3A_551 = tpu.vector_load %arg9[%get3A_550] {strides = array<i32>} : memref<2000xi32, #tpu.memory_space<vmem>>, vector<16xi32>,
      %get3A_552 = vector.shape_cast %get3A_551 : vector<16xi32> to vector<16xi32>
      %swap3A_553 = arith.constant 16 : index
      %swap3A_554 = tpu.vector_load %arg10[%swap3A_553] {strides = array<i32>} : memref<40xi32, #tpu.memory_space<vmem>>, vector<16xi32>,
      %swap3A_555 = vector.shape_cast %swap3A_554 : vector<16xi32> to vector<16xi32>
      %swap3A_556 = vector.shape_cast %get3A_552 : vector<16xi32> to vector<16xi32>
      tpu.vector_store %arg10[%swap3A_553], %swap3A_556 {strides = array<i32>} : memref<40xi32, #tpu.memory_space<vmem>>, vector<16xi32>,
      %get3A_557 = arith.constant 24 : index
      %get3A_558 = tpu.vector_load %arg9[%get3A_557] {strides = array<i32>} : memref<2000xi32, #tpu.memory_space<vmem>>, vector<16xi32>,
      %get3A_559 = vector.shape_cast %get3A_558 : vector<16xi32> to vector<16xi32>
      %swap3A_560 = arith.constant 24 : index
      %swap3A_561 = tpu.vector_load %arg10[%swap3A_560] {strides = array<i32>} : memref<40xi32, #tpu.memory_space<vmem>>, vector<16xi32>,
      %swap3A_562 = vector.shape_cast %swap3A_561 : vector<16xi32> to vector<16xi32>
      %swap3A_563 = vector.shape_cast %get3A_559 : vector<16xi32> to vector<16xi32>
      tpu.vector_store %arg10[%swap3A_560], %swap3A_563 {strides = array<i32>} : memref<40xi32, #tpu.memory_space<vmem>>, vector<16xi32>,
      %parallel_loop3A = arith.constant 0 : i32
      %parallel_loop3A_564 = arith.constant 40 : i32
      %parallel_loop3A_565 = arith.constant 1 : i32
      scf.for %parallel_loop3A_748 = %parallel_loop3A to %parallel_loop3A_564 step %parallel_loop3A_565  : i32 {
        %parallel_loop3A_749 = arith.index_cast %parallel_loop3A_748 : i32 to index
        %parallel_loop3A_750 = arith.constant 0 : index
        %parallel_loop3A_751 = tpu.vector_load %arg12[%parallel_loop3A_749, %parallel_loop3A_750] {strides = array<i32>} : memref<40x128xf32, #tpu.memory_space<vmem>>, vector<1x16xf32>,
        %parallel_loop3A_752 = vector.shape_cast %parallel_loop3A_751 : vector<1x16xf32> to vector<16xf32>
        %parallel_loop3A_753 = arith.index_cast %parallel_loop3A_748 : i32 to index
        %parallel_loop3A_754 = arith.constant 0 : index
        %parallel_loop3A_755 = tpu.vector_load %arg14[%parallel_loop3A_753, %parallel_loop3A_754] {strides = array<i32>} : memref<40x128xf32, #tpu.memory_space<vmem>>, vector<1x16xf32>,
        %parallel_loop3A_756 = vector.shape_cast %parallel_loop3A_755 : vector<1x16xf32> to vector<16xf32>
        %parallel_loop3A_757 = arith.addf %parallel_loop3A_752, %parallel_loop3A_756 : vector<16xf32>
        %parallel_loop3A_758 = arith.index_cast %parallel_loop3A_748 : i32 to index
        %parallel_loop3A_759 = arith.constant 0 : index
        %parallel_loop3A_760 = tpu.vector_load %arg16[%parallel_loop3A_758, %parallel_loop3A_759] {strides = array<i32>} : memref<40x128xf32, #tpu.memory_space<vmem>>, vector<1x16xf32>,
        %parallel_loop3A_761 = vector.shape_cast %parallel_loop3A_760 : vector<1x16xf32> to vector<16xf32>
        %parallel_loop3A_762 = arith.addf %parallel_loop3A_757, %parallel_loop3A_761 : vector<16xf32>
        %parallel_loop3A_763 = arith.constant 0.000000e+00 : f32
        %parallel_loop3A_764 = vector.broadcast %parallel_loop3A_763 : f32 to vector<16xf32>
        %parallel_loop3A_765 = arith.maximumf %parallel_loop3A_762, %parallel_loop3A_764 : vector<16xf32>
        %parallel_loop3A_766 = arith.index_cast %parallel_loop3A_748 : i32 to index
        %parallel_loop3A_767 = arith.constant 0 : index
        %parallel_loop3A_768 = tpu.vector_load %arg18[%parallel_loop3A_766, %parallel_loop3A_767] {strides = array<i32>} : memref<40x128xf32, #tpu.memory_space<vmem>>, vector<1x16xf32>,
        %parallel_loop3A_769 = vector.shape_cast %parallel_loop3A_768 : vector<1x16xf32> to vector<16xf32>
        %parallel_loop3A_770 = vector.shape_cast %parallel_loop3A_765 : vector<16xf32> to vector<1x16xf32>
        tpu.vector_store %arg18[%parallel_loop3A_766, %parallel_loop3A_767], %parallel_loop3A_770 {strides = array<i32>} : memref<40x128xf32, #tpu.memory_space<vmem>>, vector<1x16xf32>,
        %parallel_loop3A_771 = arith.index_cast %parallel_loop3A_748 : i32 to index
        %parallel_loop3A_772 = arith.constant 16 : index
        %parallel_loop3A_773 = tpu.vector_load %arg12[%parallel_loop3A_771, %parallel_loop3A_772] {strides = array<i32>} : memref<40x128xf32, #tpu.memory_space<vmem>>, vector<1x16xf32>,
        %parallel_loop3A_774 = vector.shape_cast %parallel_loop3A_773 : vector<1x16xf32> to vector<16xf32>
        %parallel_loop3A_775 = arith.index_cast %parallel_loop3A_748 : i32 to index
        %parallel_loop3A_776 = arith.constant 16 : index
        %parallel_loop3A_777 = tpu.vector_load %arg14[%parallel_loop3A_775, %parallel_loop3A_776] {strides = array<i32>} : memref<40x128xf32, #tpu.memory_space<vmem>>, vector<1x16xf32>,
        %parallel_loop3A_778 = vector.shape_cast %parallel_loop3A_777 : vector<1x16xf32> to vector<16xf32>
        %parallel_loop3A_779 = arith.addf %parallel_loop3A_774, %parallel_loop3A_778 : vector<16xf32>
        %parallel_loop3A_780 = arith.index_cast %parallel_loop3A_748 : i32 to index
        %parallel_loop3A_781 = arith.constant 16 : index
        %parallel_loop3A_782 = tpu.vector_load %arg16[%parallel_loop3A_780, %parallel_loop3A_781] {strides = array<i32>} : memref<40x128xf32, #tpu.memory_space<vmem>>, vector<1x16xf32>,
        %parallel_loop3A_783 = vector.shape_cast %parallel_loop3A_782 : vector<1x16xf32> to vector<16xf32>
        %parallel_loop3A_784 = arith.addf %parallel_loop3A_779, %parallel_loop3A_783 : vector<16xf32>
        %parallel_loop3A_785 = arith.constant 0.000000e+00 : f32
        %parallel_loop3A_786 = vector.broadcast %parallel_loop3A_785 : f32 to vector<16xf32>
        %parallel_loop3A_787 = arith.maximumf %parallel_loop3A_784, %parallel_loop3A_786 : vector<16xf32>
        %parallel_loop3A_788 = arith.index_cast %parallel_loop3A_748 : i32 to index
        %parallel_loop3A_789 = arith.constant 16 : index
        %parallel_loop3A_790 = tpu.vector_load %arg18[%parallel_loop3A_788, %parallel_loop3A_789] {strides = array<i32>} : memref<40x128xf32, #tpu.memory_space<vmem>>, vector<1x16xf32>,
        %parallel_loop3A_791 = vector.shape_cast %parallel_loop3A_790 : vector<1x16xf32> to vector<16xf32>
        %parallel_loop3A_792 = vector.shape_cast %parallel_loop3A_787 : vector<16xf32> to vector<1x16xf32>
        tpu.vector_store %arg18[%parallel_loop3A_788, %parallel_loop3A_789], %parallel_loop3A_792 {strides = array<i32>} : memref<40x128xf32, #tpu.memory_space<vmem>>, vector<1x16xf32>,
        %parallel_loop3A_793 = arith.index_cast %parallel_loop3A_748 : i32 to index
        %parallel_loop3A_794 = arith.constant 32 : index
        %parallel_loop3A_795 = tpu.vector_load %arg12[%parallel_loop3A_793, %parallel_loop3A_794] {strides = array<i32>} : memref<40x128xf32, #tpu.memory_space<vmem>>, vector<1x16xf32>,
        %parallel_loop3A_796 = vector.shape_cast %parallel_loop3A_795 : vector<1x16xf32> to vector<16xf32>
        %parallel_loop3A_797 = arith.index_cast %parallel_loop3A_748 : i32 to index
        %parallel_loop3A_798 = arith.constant 32 : index
        %parallel_loop3A_799 = tpu.vector_load %arg14[%parallel_loop3A_797, %parallel_loop3A_798] {strides = array<i32>} : memref<40x128xf32, #tpu.memory_space<vmem>>, vector<1x16xf32>,
        %parallel_loop3A_800 = vector.shape_cast %parallel_loop3A_799 : vector<1x16xf32> to vector<16xf32>
        %parallel_loop3A_801 = arith.addf %parallel_loop3A_796, %parallel_loop3A_800 : vector<16xf32>
        %parallel_loop3A_802 = arith.index_cast %parallel_loop3A_748 : i32 to index
        %parallel_loop3A_803 = arith.constant 32 : index
        %parallel_loop3A_804 = tpu.vector_load %arg16[%parallel_loop3A_802, %parallel_loop3A_803] {strides = array<i32>} : memref<40x128xf32, #tpu.memory_space<vmem>>, vector<1x16xf32>,
        %parallel_loop3A_805 = vector.shape_cast %parallel_loop3A_804 : vector<1x16xf32> to vector<16xf32>
        %parallel_loop3A_806 = arith.addf %parallel_loop3A_801, %parallel_loop3A_805 : vector<16xf32>
        %parallel_loop3A_807 = arith.constant 0.000000e+00 : f32
        %parallel_loop3A_808 = vector.broadcast %parallel_loop3A_807 : f32 to vector<16xf32>
        %parallel_loop3A_809 = arith.maximumf %parallel_loop3A_806, %parallel_loop3A_808 : vector<16xf32>
        %parallel_loop3A_810 = arith.index_cast %parallel_loop3A_748 : i32 to index
        %parallel_loop3A_811 = arith.constant 32 : index
        %parallel_loop3A_812 = tpu.vector_load %arg18[%parallel_loop3A_810, %parallel_loop3A_811] {strides = array<i32>} : memref<40x128xf32, #tpu.memory_space<vmem>>, vector<1x16xf32>,
        %parallel_loop3A_813 = vector.shape_cast %parallel_loop3A_812 : vector<1x16xf32> to vector<16xf32>
        %parallel_loop3A_814 = vector.shape_cast %parallel_loop3A_809 : vector<16xf32> to vector<1x16xf32>
        tpu.vector_store %arg18[%parallel_loop3A_810, %parallel_loop3A_811], %parallel_loop3A_814 {strides = array<i32>} : memref<40x128xf32, #tpu.memory_space<vmem>>, vector<1x16xf32>,
        %parallel_loop3A_815 = arith.index_cast %parallel_loop3A_748 : i32 to index
        %parallel_loop3A_816 = arith.constant 48 : index
        %parallel_loop3A_817 = tpu.vector_load %arg12[%parallel_loop3A_815, %parallel_loop3A_816] {strides = array<i32>} : memref<40x128xf32, #tpu.memory_space<vmem>>, vector<1x16xf32>,
        %parallel_loop3A_818 = vector.shape_cast %parallel_loop3A_817 : vector<1x16xf32> to vector<16xf32>
        %parallel_loop3A_819 = arith.index_cast %parallel_loop3A_748 : i32 to index
        %parallel_loop3A_820 = arith.constant 48 : index
        %parallel_loop3A_821 = tpu.vector_load %arg14[%parallel_loop3A_819, %parallel_loop3A_820] {strides = array<i32>} : memref<40x128xf32, #tpu.memory_space<vmem>>, vector<1x16xf32>,
        %parallel_loop3A_822 = vector.shape_cast %parallel_loop3A_821 : vector<1x16xf32> to vector<16xf32>
        %parallel_loop3A_823 = arith.addf %parallel_loop3A_818, %parallel_loop3A_822 : vector<16xf32>
        %parallel_loop3A_824 = arith.index_cast %parallel_loop3A_748 : i32 to index
        %parallel_loop3A_825 = arith.constant 48 : index
        %parallel_loop3A_826 = tpu.vector_load %arg16[%parallel_loop3A_824, %parallel_loop3A_825] {strides = array<i32>} : memref<40x128xf32, #tpu.memory_space<vmem>>, vector<1x16xf32>,
        %parallel_loop3A_827 = vector.shape_cast %parallel_loop3A_826 : vector<1x16xf32> to vector<16xf32>
        %parallel_loop3A_828 = arith.addf %parallel_loop3A_823, %parallel_loop3A_827 : vector<16xf32>
        %parallel_loop3A_829 = arith.constant 0.000000e+00 : f32
        %parallel_loop3A_830 = vector.broadcast %parallel_loop3A_829 : f32 to vector<16xf32>
        %parallel_loop3A_831 = arith.maximumf %parallel_loop3A_828, %parallel_loop3A_830 : vector<16xf32>
        %parallel_loop3A_832 = arith.index_cast %parallel_loop3A_748 : i32 to index
        %parallel_loop3A_833 = arith.constant 48 : index
        %parallel_loop3A_834 = tpu.vector_load %arg18[%parallel_loop3A_832, %parallel_loop3A_833] {strides = array<i32>} : memref<40x128xf32, #tpu.memory_space<vmem>>, vector<1x16xf32>,
        %parallel_loop3A_835 = vector.shape_cast %parallel_loop3A_834 : vector<1x16xf32> to vector<16xf32>
        %parallel_loop3A_836 = vector.shape_cast %parallel_loop3A_831 : vector<16xf32> to vector<1x16xf32>
        tpu.vector_store %arg18[%parallel_loop3A_832, %parallel_loop3A_833], %parallel_loop3A_836 {strides = array<i32>} : memref<40x128xf32, #tpu.memory_space<vmem>>, vector<1x16xf32>,
        %parallel_loop3A_837 = arith.index_cast %parallel_loop3A_748 : i32 to index
        %parallel_loop3A_838 = arith.constant 64 : index
        %parallel_loop3A_839 = tpu.vector_load %arg12[%parallel_loop3A_837, %parallel_loop3A_838] {strides = array<i32>} : memref<40x128xf32, #tpu.memory_space<vmem>>, vector<1x16xf32>,
        %parallel_loop3A_840 = vector.shape_cast %parallel_loop3A_839 : vector<1x16xf32> to vector<16xf32>
        %parallel_loop3A_841 = arith.index_cast %parallel_loop3A_748 : i32 to index
        %parallel_loop3A_842 = arith.constant 64 : index
        %parallel_loop3A_843 = tpu.vector_load %arg14[%parallel_loop3A_841, %parallel_loop3A_842] {strides = array<i32>} : memref<40x128xf32, #tpu.memory_space<vmem>>, vector<1x16xf32>,
        %parallel_loop3A_844 = vector.shape_cast %parallel_loop3A_843 : vector<1x16xf32> to vector<16xf32>
        %parallel_loop3A_845 = arith.addf %parallel_loop3A_840, %parallel_loop3A_844 : vector<16xf32>
        %parallel_loop3A_846 = arith.index_cast %parallel_loop3A_748 : i32 to index
        %parallel_loop3A_847 = arith.constant 64 : index
        %parallel_loop3A_848 = tpu.vector_load %arg16[%parallel_loop3A_846, %parallel_loop3A_847] {strides = array<i32>} : memref<40x128xf32, #tpu.memory_space<vmem>>, vector<1x16xf32>,
        %parallel_loop3A_849 = vector.shape_cast %parallel_loop3A_848 : vector<1x16xf32> to vector<16xf32>
        %parallel_loop3A_850 = arith.addf %parallel_loop3A_845, %parallel_loop3A_849 : vector<16xf32>
        %parallel_loop3A_851 = arith.constant 0.000000e+00 : f32
        %parallel_loop3A_852 = vector.broadcast %parallel_loop3A_851 : f32 to vector<16xf32>
        %parallel_loop3A_853 = arith.maximumf %parallel_loop3A_850, %parallel_loop3A_852 : vector<16xf32>
        %parallel_loop3A_854 = arith.index_cast %parallel_loop3A_748 : i32 to index
        %parallel_loop3A_855 = arith.constant 64 : index
        %parallel_loop3A_856 = tpu.vector_load %arg18[%parallel_loop3A_854, %parallel_loop3A_855] {strides = array<i32>} : memref<40x128xf32, #tpu.memory_space<vmem>>, vector<1x16xf32>,
        %parallel_loop3A_857 = vector.shape_cast %parallel_loop3A_856 : vector<1x16xf32> to vector<16xf32>
        %parallel_loop3A_858 = vector.shape_cast %parallel_loop3A_853 : vector<16xf32> to vector<1x16xf32>
        tpu.vector_store %arg18[%parallel_loop3A_854, %parallel_loop3A_855], %parallel_loop3A_858 {strides = array<i32>} : memref<40x128xf32, #tpu.memory_space<vmem>>, vector<1x16xf32>,
        %parallel_loop3A_859 = arith.index_cast %parallel_loop3A_748 : i32 to index
        %parallel_loop3A_860 = arith.constant 80 : index
        %parallel_loop3A_861 = tpu.vector_load %arg12[%parallel_loop3A_859, %parallel_loop3A_860] {strides = array<i32>} : memref<40x128xf32, #tpu.memory_space<vmem>>, vector<1x16xf32>,
        %parallel_loop3A_862 = vector.shape_cast %parallel_loop3A_861 : vector<1x16xf32> to vector<16xf32>
        %parallel_loop3A_863 = arith.index_cast %parallel_loop3A_748 : i32 to index
        %parallel_loop3A_864 = arith.constant 80 : index
        %parallel_loop3A_865 = tpu.vector_load %arg14[%parallel_loop3A_863, %parallel_loop3A_864] {strides = array<i32>} : memref<40x128xf32, #tpu.memory_space<vmem>>, vector<1x16xf32>,
        %parallel_loop3A_866 = vector.shape_cast %parallel_loop3A_865 : vector<1x16xf32> to vector<16xf32>
        %parallel_loop3A_867 = arith.addf %parallel_loop3A_862, %parallel_loop3A_866 : vector<16xf32>
        %parallel_loop3A_868 = arith.index_cast %parallel_loop3A_748 : i32 to index
        %parallel_loop3A_869 = arith.constant 80 : index
        %parallel_loop3A_870 = tpu.vector_load %arg16[%parallel_loop3A_868, %parallel_loop3A_869] {strides = array<i32>} : memref<40x128xf32, #tpu.memory_space<vmem>>, vector<1x16xf32>,
        %parallel_loop3A_871 = vector.shape_cast %parallel_loop3A_870 : vector<1x16xf32> to vector<16xf32>
        %parallel_loop3A_872 = arith.addf %parallel_loop3A_867, %parallel_loop3A_871 : vector<16xf32>
        %parallel_loop3A_873 = arith.constant 0.000000e+00 : f32
        %parallel_loop3A_874 = vector.broadcast %parallel_loop3A_873 : f32 to vector<16xf32>
        %parallel_loop3A_875 = arith.maximumf %parallel_loop3A_872, %parallel_loop3A_874 : vector<16xf32>
        %parallel_loop3A_876 = arith.index_cast %parallel_loop3A_748 : i32 to index
        %parallel_loop3A_877 = arith.constant 80 : index
        %parallel_loop3A_878 = tpu.vector_load %arg18[%parallel_loop3A_876, %parallel_loop3A_877] {strides = array<i32>} : memref<40x128xf32, #tpu.memory_space<vmem>>, vector<1x16xf32>,
        %parallel_loop3A_879 = vector.shape_cast %parallel_loop3A_878 : vector<1x16xf32> to vector<16xf32>
        %parallel_loop3A_880 = vector.shape_cast %parallel_loop3A_875 : vector<16xf32> to vector<1x16xf32>
        tpu.vector_store %arg18[%parallel_loop3A_876, %parallel_loop3A_877], %parallel_loop3A_880 {strides = array<i32>} : memref<40x128xf32, #tpu.memory_space<vmem>>, vector<1x16xf32>,
        %parallel_loop3A_881 = arith.index_cast %parallel_loop3A_748 : i32 to index
        %parallel_loop3A_882 = arith.constant 96 : index
        %parallel_loop3A_883 = tpu.vector_load %arg12[%parallel_loop3A_881, %parallel_loop3A_882] {strides = array<i32>} : memref<40x128xf32, #tpu.memory_space<vmem>>, vector<1x16xf32>,
        %parallel_loop3A_884 = vector.shape_cast %parallel_loop3A_883 : vector<1x16xf32> to vector<16xf32>
        %parallel_loop3A_885 = arith.index_cast %parallel_loop3A_748 : i32 to index
        %parallel_loop3A_886 = arith.constant 96 : index
        %parallel_loop3A_887 = tpu.vector_load %arg14[%parallel_loop3A_885, %parallel_loop3A_886] {strides = array<i32>} : memref<40x128xf32, #tpu.memory_space<vmem>>, vector<1x16xf32>,
        %parallel_loop3A_888 = vector.shape_cast %parallel_loop3A_887 : vector<1x16xf32> to vector<16xf32>
        %parallel_loop3A_889 = arith.addf %parallel_loop3A_884, %parallel_loop3A_888 : vector<16xf32>
        %parallel_loop3A_890 = arith.index_cast %parallel_loop3A_748 : i32 to index
        %parallel_loop3A_891 = arith.constant 96 : index
        %parallel_loop3A_892 = tpu.vector_load %arg16[%parallel_loop3A_890, %parallel_loop3A_891] {strides = array<i32>} : memref<40x128xf32, #tpu.memory_space<vmem>>, vector<1x16xf32>,
        %parallel_loop3A_893 = vector.shape_cast %parallel_loop3A_892 : vector<1x16xf32> to vector<16xf32>
        %parallel_loop3A_894 = arith.addf %parallel_loop3A_889, %parallel_loop3A_893 : vector<16xf32>
        %parallel_loop3A_895 = arith.constant 0.000000e+00 : f32
        %parallel_loop3A_896 = vector.broadcast %parallel_loop3A_895 : f32 to vector<16xf32>
        %parallel_loop3A_897 = arith.maximumf %parallel_loop3A_894, %parallel_loop3A_896 : vector<16xf32>
        %parallel_loop3A_898 = arith.index_cast %parallel_loop3A_748 : i32 to index
        %parallel_loop3A_899 = arith.constant 96 : index
        %parallel_loop3A_900 = tpu.vector_load %arg18[%parallel_loop3A_898, %parallel_loop3A_899] {strides = array<i32>} : memref<40x128xf32, #tpu.memory_space<vmem>>, vector<1x16xf32>,
        %parallel_loop3A_901 = vector.shape_cast %parallel_loop3A_900 : vector<1x16xf32> to vector<16xf32>
        %parallel_loop3A_902 = vector.shape_cast %parallel_loop3A_897 : vector<16xf32> to vector<1x16xf32>
        tpu.vector_store %arg18[%parallel_loop3A_898, %parallel_loop3A_899], %parallel_loop3A_902 {strides = array<i32>} : memref<40x128xf32, #tpu.memory_space<vmem>>, vector<1x16xf32>,
        %parallel_loop3A_903 = arith.index_cast %parallel_loop3A_748 : i32 to index
        %parallel_loop3A_904 = arith.constant 112 : index
        %parallel_loop3A_905 = tpu.vector_load %arg12[%parallel_loop3A_903, %parallel_loop3A_904] {strides = array<i32>} : memref<40x128xf32, #tpu.memory_space<vmem>>, vector<1x16xf32>,
        %parallel_loop3A_906 = vector.shape_cast %parallel_loop3A_905 : vector<1x16xf32> to vector<16xf32>
        %parallel_loop3A_907 = arith.index_cast %parallel_loop3A_748 : i32 to index
        %parallel_loop3A_908 = arith.constant 112 : index
        %parallel_loop3A_909 = tpu.vector_load %arg14[%parallel_loop3A_907, %parallel_loop3A_908] {strides = array<i32>} : memref<40x128xf32, #tpu.memory_space<vmem>>, vector<1x16xf32>,
        %parallel_loop3A_910 = vector.shape_cast %parallel_loop3A_909 : vector<1x16xf32> to vector<16xf32>
        %parallel_loop3A_911 = arith.addf %parallel_loop3A_906, %parallel_loop3A_910 : vector<16xf32>
        %parallel_loop3A_912 = arith.index_cast %parallel_loop3A_748 : i32 to index
        %parallel_loop3A_913 = arith.constant 112 : index
        %parallel_loop3A_914 = tpu.vector_load %arg16[%parallel_loop3A_912, %parallel_loop3A_913] {strides = array<i32>} : memref<40x128xf32, #tpu.memory_space<vmem>>, vector<1x16xf32>,
        %parallel_loop3A_915 = vector.shape_cast %parallel_loop3A_914 : vector<1x16xf32> to vector<16xf32>
        %parallel_loop3A_916 = arith.addf %parallel_loop3A_911, %parallel_loop3A_915 : vector<16xf32>
        %parallel_loop3A_917 = arith.constant 0.000000e+00 : f32
        %parallel_loop3A_918 = vector.broadcast %parallel_loop3A_917 : f32 to vector<16xf32>
        %parallel_loop3A_919 = arith.maximumf %parallel_loop3A_916, %parallel_loop3A_918 : vector<16xf32>
        %parallel_loop3A_920 = arith.index_cast %parallel_loop3A_748 : i32 to index
        %parallel_loop3A_921 = arith.constant 112 : index
        %parallel_loop3A_922 = tpu.vector_load %arg18[%parallel_loop3A_920, %parallel_loop3A_921] {strides = array<i32>} : memref<40x128xf32, #tpu.memory_space<vmem>>, vector<1x16xf32>,
        %parallel_loop3A_923 = vector.shape_cast %parallel_loop3A_922 : vector<1x16xf32> to vector<16xf32>
        %parallel_loop3A_924 = vector.shape_cast %parallel_loop3A_919 : vector<16xf32> to vector<1x16xf32>
        tpu.vector_store %arg18[%parallel_loop3A_920, %parallel_loop3A_921], %parallel_loop3A_924 {strides = array<i32>} : memref<40x128xf32, #tpu.memory_space<vmem>>, vector<1x16xf32>,
      } {sc.loop_unroll_factor = 4 : i64, sc.parallel_access}
      %add3A_566 = arith.constant 80 : i32
      %add3A_567 = arith.addi %add3A_496, %add3A_566 : i32
      %dma_start3A_568 = arith.constant 80 : i32
      %dma_start3A_569 = tpu.memref_slice %arg8[%dma_start3A_568] : memref<2000xi32, #tpu.memory_space<vmem>> -> memref<40xi32, #tpu.memory_space<vmem>>
      %dma_start3A_570 = arith.constant 0 : i32
      %dma_start3A_571 = arith.constant 0 : i32
      %dma_start3A_572 = tpu.memref_slice %arg2[%dma_start3A_570, %dma_start3A_571] : memref<10000x128xf32, #tpu.memory_space<hbm>> -> memref<10000x128xf32, #tpu.memory_space<hbm>>
      tpu.enqueue_indirect_dma source(%dma_start3A_572 : memref<10000x128xf32, #tpu.memory_space<hbm>>) target(%arg12 : memref<40x128xf32, #tpu.memory_space<vmem>>) offsets(%dma_start3A_569 : memref<40xi32, #tpu.memory_space<vmem>>) semaphore(%arg21 : memref<!tpu.dma_semaphore, #tpu.memory_space<semaphore_mem>>)
      %dma_start3A_573 = arith.constant 80 : i32
      %dma_start3A_574 = tpu.memref_slice %arg9[%dma_start3A_573] : memref<2000xi32, #tpu.memory_space<vmem>> -> memref<40xi32, #tpu.memory_space<vmem>>
      %dma_start3A_575 = arith.constant 0 : i32
      %dma_start3A_576 = arith.constant 0 : i32
      %dma_start3A_577 = tpu.memref_slice %arg3[%dma_start3A_575, %dma_start3A_576] : memref<10000x128xf32, #tpu.memory_space<hbm>> -> memref<10000x128xf32, #tpu.memory_space<hbm>>
      tpu.enqueue_indirect_dma source(%dma_start3A_577 : memref<10000x128xf32, #tpu.memory_space<hbm>>) target(%arg14 : memref<40x128xf32, #tpu.memory_space<vmem>>) offsets(%dma_start3A_574 : memref<40xi32, #tpu.memory_space<vmem>>) semaphore(%arg23 : memref<!tpu.dma_semaphore, #tpu.memory_space<semaphore_mem>>)
      %dma_start3A_578 = arith.constant 0 : i32
      %dma_start3A_579 = tpu.memref_slice %arg4[%add3A_567, %dma_start3A_578] : memref<320000x128xf32, #tpu.memory_space<hbm>> -> memref<40x128xf32, #tpu.memory_space<hbm>>
      %dma_start3A_580 = arith.constant 0 : i32
      %dma_start3A_581 = tpu.memref_slice %arg4[%add3A_567, %dma_start3A_580] : memref<320000x128xf32, #tpu.memory_space<hbm>> -> memref<40x128xf32, #tpu.memory_space<hbm>>
      tpu.enqueue_dma source(%dma_start3A_581 : memref<40x128xf32, #tpu.memory_space<hbm>>) target(%arg16 : memref<40x128xf32, #tpu.memory_space<vmem>>) target_semaphore(%arg25 : memref<!tpu.dma_semaphore, #tpu.memory_space<semaphore_mem>>)
      %dma_start3A_582 = arith.constant 0 : i32
      %dma_start3A_583 = arith.constant 0 : i32
      %dma_start3A_584 = tpu.memref_slice %arg20[%dma_start3A_582, %dma_start3A_583] : memref<10240x128xf32, #tpu.memory_space<vmem_shared>> -> memref<10240x128xf32, #tpu.memory_space<vmem_shared>>
      tpu.enqueue_indirect_dma source(%arg18 : memref<40x128xf32, #tpu.memory_space<vmem>>) target(%dma_start3A_584 : memref<10240x128xf32, #tpu.memory_space<vmem_shared>>) offsets(%arg10 : memref<40xi32, #tpu.memory_space<vmem>>) semaphore(%arg27 : memref<!tpu.dma_semaphore, #tpu.memory_space<semaphore_mem>>) {add = true}
      %add3A_585 = arith.constant 40 : i32
      %add3A_586 = arith.addi %add3A_496, %add3A_585 : i32
      %dma_wait3A_587 = arith.constant 40 : i32
      %dma_wait3A_588 = tpu.memref_slice %arg8[%dma_wait3A_587] : memref<2000xi32, #tpu.memory_space<vmem>> -> memref<40xi32, #tpu.memory_space<vmem>>
      %dma_wait3A_589 = arith.constant 0 : i32
      %dma_wait3A_590 = arith.constant 0 : i32
      %dma_wait3A_591 = tpu.memref_slice %arg2[%dma_wait3A_589, %dma_wait3A_590] : memref<10000x128xf32, #tpu.memory_space<hbm>> -> memref<10000x128xf32, #tpu.memory_space<hbm>>
      tpu.wait_indirect_dma semaphore(%arg22 : memref<!tpu.dma_semaphore, #tpu.memory_space<semaphore_mem>>) src(%dma_wait3A_591 : memref<10000x128xf32, #tpu.memory_space<hbm>>) dst(%arg13 : memref<40x128xf32, #tpu.memory_space<vmem>>)
      %dma_wait3A_592 = arith.constant 40 : i32
      %dma_wait3A_593 = tpu.memref_slice %arg9[%dma_wait3A_592] : memref<2000xi32, #tpu.memory_space<vmem>> -> memref<40xi32, #tpu.memory_space<vmem>>
      %dma_wait3A_594 = arith.constant 0 : i32
      %dma_wait3A_595 = arith.constant 0 : i32
      %dma_wait3A_596 = tpu.memref_slice %arg3[%dma_wait3A_594, %dma_wait3A_595] : memref<10000x128xf32, #tpu.memory_space<hbm>> -> memref<10000x128xf32, #tpu.memory_space<hbm>>
      tpu.wait_indirect_dma semaphore(%arg24 : memref<!tpu.dma_semaphore, #tpu.memory_space<semaphore_mem>>) src(%dma_wait3A_596 : memref<10000x128xf32, #tpu.memory_space<hbm>>) dst(%arg15 : memref<40x128xf32, #tpu.memory_space<vmem>>)
      %dma_wait3A_597 = arith.constant 0 : i32
      %dma_wait3A_598 = tpu.memref_slice %arg4[%add3A_586, %dma_wait3A_597] : memref<320000x128xf32, #tpu.memory_space<hbm>> -> memref<40x128xf32, #tpu.memory_space<hbm>>
      %dma_wait3A_599 = arith.constant 0 : i32
      %dma_wait3A_600 = tpu.memref_slice %arg4[%add3A_586, %dma_wait3A_599] : memref<320000x128xf32, #tpu.memory_space<hbm>> -> memref<40x128xf32, #tpu.memory_space<hbm>>
      tpu.wait_dma2 semaphore(%arg26 : memref<!tpu.dma_semaphore, #tpu.memory_space<semaphore_mem>>) src(%dma_wait3A_600 : memref<40x128xf32, #tpu.memory_space<hbm>>) dst(%arg17 : memref<40x128xf32, #tpu.memory_space<vmem>>)
      %get3A_601 = arith.constant 40 : index
      %get3A_602 = tpu.vector_load %arg9[%get3A_601] {strides = array<i32>} : memref<2000xi32, #tpu.memory_space<vmem>>, vector<16xi32>,
      %get3A_603 = vector.shape_cast %get3A_602 : vector<16xi32> to vector<16xi32>
      %swap3A_604 = arith.constant 0 : index
      %swap3A_605 = tpu.vector_load %arg11[%swap3A_604] {strides = array<i32>} : memref<40xi32, #tpu.memory_space<vmem>>, vector<16xi32>,
      %swap3A_606 = vector.shape_cast %swap3A_605 : vector<16xi32> to vector<16xi32>
      %swap3A_607 = vector.shape_cast %get3A_603 : vector<16xi32> to vector<16xi32>
      tpu.vector_store %arg11[%swap3A_604], %swap3A_607 {strides = array<i32>} : memref<40xi32, #tpu.memory_space<vmem>>, vector<16xi32>,
      %get3A_608 = arith.constant 56 : index
      %get3A_609 = tpu.vector_load %arg9[%get3A_608] {strides = array<i32>} : memref<2000xi32, #tpu.memory_space<vmem>>, vector<16xi32>,
      %get3A_610 = vector.shape_cast %get3A_609 : vector<16xi32> to vector<16xi32>
      %swap3A_611 = arith.constant 16 : index
      %swap3A_612 = tpu.vector_load %arg11[%swap3A_611] {strides = array<i32>} : memref<40xi32, #tpu.memory_space<vmem>>, vector<16xi32>,
      %swap3A_613 = vector.shape_cast %swap3A_612 : vector<16xi32> to vector<16xi32>
      %swap3A_614 = vector.shape_cast %get3A_610 : vector<16xi32> to vector<16xi32>
      tpu.vector_store %arg11[%swap3A_611], %swap3A_614 {strides = array<i32>} : memref<40xi32, #tpu.memory_space<vmem>>, vector<16xi32>,
      %get3A_615 = arith.constant 64 : index
      %get3A_616 = tpu.vector_load %arg9[%get3A_615] {strides = array<i32>} : memref<2000xi32, #tpu.memory_space<vmem>>, vector<16xi32>,
      %get3A_617 = vector.shape_cast %get3A_616 : vector<16xi32> to vector<16xi32>
      %swap3A_618 = arith.constant 24 : index
      %swap3A_619 = tpu.vector_load %arg11[%swap3A_618] {strides = array<i32>} : memref<40xi32, #tpu.memory_space<vmem>>, vector<16xi32>,
      %swap3A_620 = vector.shape_cast %swap3A_619 : vector<16xi32> to vector<16xi32>
      %swap3A_621 = vector.shape_cast %get3A_617 : vector<16xi32> to vector<16xi32>
      tpu.vector_store %arg11[%swap3A_618], %swap3A_621 {strides = array<i32>} : memref<40xi32, #tpu.memory_space<vmem>>, vector<16xi32>,
      %parallel_loop3A_622 = arith.constant 0 : i32
      %parallel_loop3A_623 = arith.constant 40 : i32
      %parallel_loop3A_624 = arith.constant 1 : i32
      scf.for %parallel_loop3A_748 = %parallel_loop3A_622 to %parallel_loop3A_623 step %parallel_loop3A_624  : i32 {
        %parallel_loop3A_749 = arith.index_cast %parallel_loop3A_748 : i32 to index
        %parallel_loop3A_750 = arith.constant 0 : index
        %parallel_loop3A_751 = tpu.vector_load %arg13[%parallel_loop3A_749, %parallel_loop3A_750] {strides = array<i32>} : memref<40x128xf32, #tpu.memory_space<vmem>>, vector<1x16xf32>,
        %parallel_loop3A_752 = vector.shape_cast %parallel_loop3A_751 : vector<1x16xf32> to vector<16xf32>
        %parallel_loop3A_753 = arith.index_cast %parallel_loop3A_748 : i32 to index
        %parallel_loop3A_754 = arith.constant 0 : index
        %parallel_loop3A_755 = tpu.vector_load %arg15[%parallel_loop3A_753, %parallel_loop3A_754] {strides = array<i32>} : memref<40x128xf32, #tpu.memory_space<vmem>>, vector<1x16xf32>,
        %parallel_loop3A_756 = vector.shape_cast %parallel_loop3A_755 : vector<1x16xf32> to vector<16xf32>
        %parallel_loop3A_757 = arith.addf %parallel_loop3A_752, %parallel_loop3A_756 : vector<16xf32>
        %parallel_loop3A_758 = arith.index_cast %parallel_loop3A_748 : i32 to index
        %parallel_loop3A_759 = arith.constant 0 : index
        %parallel_loop3A_760 = tpu.vector_load %arg17[%parallel_loop3A_758, %parallel_loop3A_759] {strides = array<i32>} : memref<40x128xf32, #tpu.memory_space<vmem>>, vector<1x16xf32>,
        %parallel_loop3A_761 = vector.shape_cast %parallel_loop3A_760 : vector<1x16xf32> to vector<16xf32>
        %parallel_loop3A_762 = arith.addf %parallel_loop3A_757, %parallel_loop3A_761 : vector<16xf32>
        %parallel_loop3A_763 = arith.constant 0.000000e+00 : f32
        %parallel_loop3A_764 = vector.broadcast %parallel_loop3A_763 : f32 to vector<16xf32>
        %parallel_loop3A_765 = arith.maximumf %parallel_loop3A_762, %parallel_loop3A_764 : vector<16xf32>
        %parallel_loop3A_766 = arith.index_cast %parallel_loop3A_748 : i32 to index
        %parallel_loop3A_767 = arith.constant 0 : index
        %parallel_loop3A_768 = tpu.vector_load %arg19[%parallel_loop3A_766, %parallel_loop3A_767] {strides = array<i32>} : memref<40x128xf32, #tpu.memory_space<vmem>>, vector<1x16xf32>,
        %parallel_loop3A_769 = vector.shape_cast %parallel_loop3A_768 : vector<1x16xf32> to vector<16xf32>
        %parallel_loop3A_770 = vector.shape_cast %parallel_loop3A_765 : vector<16xf32> to vector<1x16xf32>
        tpu.vector_store %arg19[%parallel_loop3A_766, %parallel_loop3A_767], %parallel_loop3A_770 {strides = array<i32>} : memref<40x128xf32, #tpu.memory_space<vmem>>, vector<1x16xf32>,
        %parallel_loop3A_771 = arith.index_cast %parallel_loop3A_748 : i32 to index
        %parallel_loop3A_772 = arith.constant 16 : index
        %parallel_loop3A_773 = tpu.vector_load %arg13[%parallel_loop3A_771, %parallel_loop3A_772] {strides = array<i32>} : memref<40x128xf32, #tpu.memory_space<vmem>>, vector<1x16xf32>,
        %parallel_loop3A_774 = vector.shape_cast %parallel_loop3A_773 : vector<1x16xf32> to vector<16xf32>
        %parallel_loop3A_775 = arith.index_cast %parallel_loop3A_748 : i32 to index
        %parallel_loop3A_776 = arith.constant 16 : index
        %parallel_loop3A_777 = tpu.vector_load %arg15[%parallel_loop3A_775, %parallel_loop3A_776] {strides = array<i32>} : memref<40x128xf32, #tpu.memory_space<vmem>>, vector<1x16xf32>,
        %parallel_loop3A_778 = vector.shape_cast %parallel_loop3A_777 : vector<1x16xf32> to vector<16xf32>
        %parallel_loop3A_779 = arith.addf %parallel_loop3A_774, %parallel_loop3A_778 : vector<16xf32>
        %parallel_loop3A_780 = arith.index_cast %parallel_loop3A_748 : i32 to index
        %parallel_loop3A_781 = arith.constant 16 : index
        %parallel_loop3A_782 = tpu.vector_load %arg17[%parallel_loop3A_780, %parallel_loop3A_781] {strides = array<i32>} : memref<40x128xf32, #tpu.memory_space<vmem>>, vector<1x16xf32>,
        %parallel_loop3A_783 = vector.shape_cast %parallel_loop3A_782 : vector<1x16xf32> to vector<16xf32>
        %parallel_loop3A_784 = arith.addf %parallel_loop3A_779, %parallel_loop3A_783 : vector<16xf32>
        %parallel_loop3A_785 = arith.constant 0.000000e+00 : f32
        %parallel_loop3A_786 = vector.broadcast %parallel_loop3A_785 : f32 to vector<16xf32>
        %parallel_loop3A_787 = arith.maximumf %parallel_loop3A_784, %parallel_loop3A_786 : vector<16xf32>
        %parallel_loop3A_788 = arith.index_cast %parallel_loop3A_748 : i32 to index
        %parallel_loop3A_789 = arith.constant 16 : index
        %parallel_loop3A_790 = tpu.vector_load %arg19[%parallel_loop3A_788, %parallel_loop3A_789] {strides = array<i32>} : memref<40x128xf32, #tpu.memory_space<vmem>>, vector<1x16xf32>,
        %parallel_loop3A_791 = vector.shape_cast %parallel_loop3A_790 : vector<1x16xf32> to vector<16xf32>
        %parallel_loop3A_792 = vector.shape_cast %parallel_loop3A_787 : vector<16xf32> to vector<1x16xf32>
        tpu.vector_store %arg19[%parallel_loop3A_788, %parallel_loop3A_789], %parallel_loop3A_792 {strides = array<i32>} : memref<40x128xf32, #tpu.memory_space<vmem>>, vector<1x16xf32>,
        %parallel_loop3A_793 = arith.index_cast %parallel_loop3A_748 : i32 to index
        %parallel_loop3A_794 = arith.constant 32 : index
        %parallel_loop3A_795 = tpu.vector_load %arg13[%parallel_loop3A_793, %parallel_loop3A_794] {strides = array<i32>} : memref<40x128xf32, #tpu.memory_space<vmem>>, vector<1x16xf32>,
        %parallel_loop3A_796 = vector.shape_cast %parallel_loop3A_795 : vector<1x16xf32> to vector<16xf32>
        %parallel_loop3A_797 = arith.index_cast %parallel_loop3A_748 : i32 to index
        %parallel_loop3A_798 = arith.constant 32 : index
        %parallel_loop3A_799 = tpu.vector_load %arg15[%parallel_loop3A_797, %parallel_loop3A_798] {strides = array<i32>} : memref<40x128xf32, #tpu.memory_space<vmem>>, vector<1x16xf32>,
        %parallel_loop3A_800 = vector.shape_cast %parallel_loop3A_799 : vector<1x16xf32> to vector<16xf32>
        %parallel_loop3A_801 = arith.addf %parallel_loop3A_796, %parallel_loop3A_800 : vector<16xf32>
        %parallel_loop3A_802 = arith.index_cast %parallel_loop3A_748 : i32 to index
        %parallel_loop3A_803 = arith.constant 32 : index
        %parallel_loop3A_804 = tpu.vector_load %arg17[%parallel_loop3A_802, %parallel_loop3A_803] {strides = array<i32>} : memref<40x128xf32, #tpu.memory_space<vmem>>, vector<1x16xf32>,
        %parallel_loop3A_805 = vector.shape_cast %parallel_loop3A_804 : vector<1x16xf32> to vector<16xf32>
        %parallel_loop3A_806 = arith.addf %parallel_loop3A_801, %parallel_loop3A_805 : vector<16xf32>
        %parallel_loop3A_807 = arith.constant 0.000000e+00 : f32
        %parallel_loop3A_808 = vector.broadcast %parallel_loop3A_807 : f32 to vector<16xf32>
        %parallel_loop3A_809 = arith.maximumf %parallel_loop3A_806, %parallel_loop3A_808 : vector<16xf32>
        %parallel_loop3A_810 = arith.index_cast %parallel_loop3A_748 : i32 to index
        %parallel_loop3A_811 = arith.constant 32 : index
        %parallel_loop3A_812 = tpu.vector_load %arg19[%parallel_loop3A_810, %parallel_loop3A_811] {strides = array<i32>} : memref<40x128xf32, #tpu.memory_space<vmem>>, vector<1x16xf32>,
        %parallel_loop3A_813 = vector.shape_cast %parallel_loop3A_812 : vector<1x16xf32> to vector<16xf32>
        %parallel_loop3A_814 = vector.shape_cast %parallel_loop3A_809 : vector<16xf32> to vector<1x16xf32>
        tpu.vector_store %arg19[%parallel_loop3A_810, %parallel_loop3A_811], %parallel_loop3A_814 {strides = array<i32>} : memref<40x128xf32, #tpu.memory_space<vmem>>, vector<1x16xf32>,
        %parallel_loop3A_815 = arith.index_cast %parallel_loop3A_748 : i32 to index
        %parallel_loop3A_816 = arith.constant 48 : index
        %parallel_loop3A_817 = tpu.vector_load %arg13[%parallel_loop3A_815, %parallel_loop3A_816] {strides = array<i32>} : memref<40x128xf32, #tpu.memory_space<vmem>>, vector<1x16xf32>,
        %parallel_loop3A_818 = vector.shape_cast %parallel_loop3A_817 : vector<1x16xf32> to vector<16xf32>
        %parallel_loop3A_819 = arith.index_cast %parallel_loop3A_748 : i32 to index
        %parallel_loop3A_820 = arith.constant 48 : index
        %parallel_loop3A_821 = tpu.vector_load %arg15[%parallel_loop3A_819, %parallel_loop3A_820] {strides = array<i32>} : memref<40x128xf32, #tpu.memory_space<vmem>>, vector<1x16xf32>,
        %parallel_loop3A_822 = vector.shape_cast %parallel_loop3A_821 : vector<1x16xf32> to vector<16xf32>
        %parallel_loop3A_823 = arith.addf %parallel_loop3A_818, %parallel_loop3A_822 : vector<16xf32>
        %parallel_loop3A_824 = arith.index_cast %parallel_loop3A_748 : i32 to index
        %parallel_loop3A_825 = arith.constant 48 : index
        %parallel_loop3A_826 = tpu.vector_load %arg17[%parallel_loop3A_824, %parallel_loop3A_825] {strides = array<i32>} : memref<40x128xf32, #tpu.memory_space<vmem>>, vector<1x16xf32>,
        %parallel_loop3A_827 = vector.shape_cast %parallel_loop3A_826 : vector<1x16xf32> to vector<16xf32>
        %parallel_loop3A_828 = arith.addf %parallel_loop3A_823, %parallel_loop3A_827 : vector<16xf32>
        %parallel_loop3A_829 = arith.constant 0.000000e+00 : f32
        %parallel_loop3A_830 = vector.broadcast %parallel_loop3A_829 : f32 to vector<16xf32>
        %parallel_loop3A_831 = arith.maximumf %parallel_loop3A_828, %parallel_loop3A_830 : vector<16xf32>
        %parallel_loop3A_832 = arith.index_cast %parallel_loop3A_748 : i32 to index
        %parallel_loop3A_833 = arith.constant 48 : index
        %parallel_loop3A_834 = tpu.vector_load %arg19[%parallel_loop3A_832, %parallel_loop3A_833] {strides = array<i32>} : memref<40x128xf32, #tpu.memory_space<vmem>>, vector<1x16xf32>,
        %parallel_loop3A_835 = vector.shape_cast %parallel_loop3A_834 : vector<1x16xf32> to vector<16xf32>
        %parallel_loop3A_836 = vector.shape_cast %parallel_loop3A_831 : vector<16xf32> to vector<1x16xf32>
        tpu.vector_store %arg19[%parallel_loop3A_832, %parallel_loop3A_833], %parallel_loop3A_836 {strides = array<i32>} : memref<40x128xf32, #tpu.memory_space<vmem>>, vector<1x16xf32>,
        %parallel_loop3A_837 = arith.index_cast %parallel_loop3A_748 : i32 to index
        %parallel_loop3A_838 = arith.constant 64 : index
        %parallel_loop3A_839 = tpu.vector_load %arg13[%parallel_loop3A_837, %parallel_loop3A_838] {strides = array<i32>} : memref<40x128xf32, #tpu.memory_space<vmem>>, vector<1x16xf32>,
        %parallel_loop3A_840 = vector.shape_cast %parallel_loop3A_839 : vector<1x16xf32> to vector<16xf32>
        %parallel_loop3A_841 = arith.index_cast %parallel_loop3A_748 : i32 to index
        %parallel_loop3A_842 = arith.constant 64 : index
        %parallel_loop3A_843 = tpu.vector_load %arg15[%parallel_loop3A_841, %parallel_loop3A_842] {strides = array<i32>} : memref<40x128xf32, #tpu.memory_space<vmem>>, vector<1x16xf32>,
        %parallel_loop3A_844 = vector.shape_cast %parallel_loop3A_843 : vector<1x16xf32> to vector<16xf32>
        %parallel_loop3A_845 = arith.addf %parallel_loop3A_840, %parallel_loop3A_844 : vector<16xf32>
        %parallel_loop3A_846 = arith.index_cast %parallel_loop3A_748 : i32 to index
        %parallel_loop3A_847 = arith.constant 64 : index
        %parallel_loop3A_848 = tpu.vector_load %arg17[%parallel_loop3A_846, %parallel_loop3A_847] {strides = array<i32>} : memref<40x128xf32, #tpu.memory_space<vmem>>, vector<1x16xf32>,
        %parallel_loop3A_849 = vector.shape_cast %parallel_loop3A_848 : vector<1x16xf32> to vector<16xf32>
        %parallel_loop3A_850 = arith.addf %parallel_loop3A_845, %parallel_loop3A_849 : vector<16xf32>
        %parallel_loop3A_851 = arith.constant 0.000000e+00 : f32
        %parallel_loop3A_852 = vector.broadcast %parallel_loop3A_851 : f32 to vector<16xf32>
        %parallel_loop3A_853 = arith.maximumf %parallel_loop3A_850, %parallel_loop3A_852 : vector<16xf32>
        %parallel_loop3A_854 = arith.index_cast %parallel_loop3A_748 : i32 to index
        %parallel_loop3A_855 = arith.constant 64 : index
        %parallel_loop3A_856 = tpu.vector_load %arg19[%parallel_loop3A_854, %parallel_loop3A_855] {strides = array<i32>} : memref<40x128xf32, #tpu.memory_space<vmem>>, vector<1x16xf32>,
        %parallel_loop3A_857 = vector.shape_cast %parallel_loop3A_856 : vector<1x16xf32> to vector<16xf32>
        %parallel_loop3A_858 = vector.shape_cast %parallel_loop3A_853 : vector<16xf32> to vector<1x16xf32>
        tpu.vector_store %arg19[%parallel_loop3A_854, %parallel_loop3A_855], %parallel_loop3A_858 {strides = array<i32>} : memref<40x128xf32, #tpu.memory_space<vmem>>, vector<1x16xf32>,
        %parallel_loop3A_859 = arith.index_cast %parallel_loop3A_748 : i32 to index
        %parallel_loop3A_860 = arith.constant 80 : index
        %parallel_loop3A_861 = tpu.vector_load %arg13[%parallel_loop3A_859, %parallel_loop3A_860] {strides = array<i32>} : memref<40x128xf32, #tpu.memory_space<vmem>>, vector<1x16xf32>,
        %parallel_loop3A_862 = vector.shape_cast %parallel_loop3A_861 : vector<1x16xf32> to vector<16xf32>
        %parallel_loop3A_863 = arith.index_cast %parallel_loop3A_748 : i32 to index
        %parallel_loop3A_864 = arith.constant 80 : index
        %parallel_loop3A_865 = tpu.vector_load %arg15[%parallel_loop3A_863, %parallel_loop3A_864] {strides = array<i32>} : memref<40x128xf32, #tpu.memory_space<vmem>>, vector<1x16xf32>,
        %parallel_loop3A_866 = vector.shape_cast %parallel_loop3A_865 : vector<1x16xf32> to vector<16xf32>
        %parallel_loop3A_867 = arith.addf %parallel_loop3A_862, %parallel_loop3A_866 : vector<16xf32>
        %parallel_loop3A_868 = arith.index_cast %parallel_loop3A_748 : i32 to index
        %parallel_loop3A_869 = arith.constant 80 : index
        %parallel_loop3A_870 = tpu.vector_load %arg17[%parallel_loop3A_868, %parallel_loop3A_869] {strides = array<i32>} : memref<40x128xf32, #tpu.memory_space<vmem>>, vector<1x16xf32>,
        %parallel_loop3A_871 = vector.shape_cast %parallel_loop3A_870 : vector<1x16xf32> to vector<16xf32>
        %parallel_loop3A_872 = arith.addf %parallel_loop3A_867, %parallel_loop3A_871 : vector<16xf32>
        %parallel_loop3A_873 = arith.constant 0.000000e+00 : f32
        %parallel_loop3A_874 = vector.broadcast %parallel_loop3A_873 : f32 to vector<16xf32>
        %parallel_loop3A_875 = arith.maximumf %parallel_loop3A_872, %parallel_loop3A_874 : vector<16xf32>
        %parallel_loop3A_876 = arith.index_cast %parallel_loop3A_748 : i32 to index
        %parallel_loop3A_877 = arith.constant 80 : index
        %parallel_loop3A_878 = tpu.vector_load %arg19[%parallel_loop3A_876, %parallel_loop3A_877] {strides = array<i32>} : memref<40x128xf32, #tpu.memory_space<vmem>>, vector<1x16xf32>,
        %parallel_loop3A_879 = vector.shape_cast %parallel_loop3A_878 : vector<1x16xf32> to vector<16xf32>
        %parallel_loop3A_880 = vector.shape_cast %parallel_loop3A_875 : vector<16xf32> to vector<1x16xf32>
        tpu.vector_store %arg19[%parallel_loop3A_876, %parallel_loop3A_877], %parallel_loop3A_880 {strides = array<i32>} : memref<40x128xf32, #tpu.memory_space<vmem>>, vector<1x16xf32>,
        %parallel_loop3A_881 = arith.index_cast %parallel_loop3A_748 : i32 to index
        %parallel_loop3A_882 = arith.constant 96 : index
        %parallel_loop3A_883 = tpu.vector_load %arg13[%parallel_loop3A_881, %parallel_loop3A_882] {strides = array<i32>} : memref<40x128xf32, #tpu.memory_space<vmem>>, vector<1x16xf32>,
        %parallel_loop3A_884 = vector.shape_cast %parallel_loop3A_883 : vector<1x16xf32> to vector<16xf32>
        %parallel_loop3A_885 = arith.index_cast %parallel_loop3A_748 : i32 to index
        %parallel_loop3A_886 = arith.constant 96 : index
        %parallel_loop3A_887 = tpu.vector_load %arg15[%parallel_loop3A_885, %parallel_loop3A_886] {strides = array<i32>} : memref<40x128xf32, #tpu.memory_space<vmem>>, vector<1x16xf32>,
        %parallel_loop3A_888 = vector.shape_cast %parallel_loop3A_887 : vector<1x16xf32> to vector<16xf32>
        %parallel_loop3A_889 = arith.addf %parallel_loop3A_884, %parallel_loop3A_888 : vector<16xf32>
        %parallel_loop3A_890 = arith.index_cast %parallel_loop3A_748 : i32 to index
        %parallel_loop3A_891 = arith.constant 96 : index
        %parallel_loop3A_892 = tpu.vector_load %arg17[%parallel_loop3A_890, %parallel_loop3A_891] {strides = array<i32>} : memref<40x128xf32, #tpu.memory_space<vmem>>, vector<1x16xf32>,
        %parallel_loop3A_893 = vector.shape_cast %parallel_loop3A_892 : vector<1x16xf32> to vector<16xf32>
        %parallel_loop3A_894 = arith.addf %parallel_loop3A_889, %parallel_loop3A_893 : vector<16xf32>
        %parallel_loop3A_895 = arith.constant 0.000000e+00 : f32
        %parallel_loop3A_896 = vector.broadcast %parallel_loop3A_895 : f32 to vector<16xf32>
        %parallel_loop3A_897 = arith.maximumf %parallel_loop3A_894, %parallel_loop3A_896 : vector<16xf32>
        %parallel_loop3A_898 = arith.index_cast %parallel_loop3A_748 : i32 to index
        %parallel_loop3A_899 = arith.constant 96 : index
        %parallel_loop3A_900 = tpu.vector_load %arg19[%parallel_loop3A_898, %parallel_loop3A_899] {strides = array<i32>} : memref<40x128xf32, #tpu.memory_space<vmem>>, vector<1x16xf32>,
        %parallel_loop3A_901 = vector.shape_cast %parallel_loop3A_900 : vector<1x16xf32> to vector<16xf32>
        %parallel_loop3A_902 = vector.shape_cast %parallel_loop3A_897 : vector<16xf32> to vector<1x16xf32>
        tpu.vector_store %arg19[%parallel_loop3A_898, %parallel_loop3A_899], %parallel_loop3A_902 {strides = array<i32>} : memref<40x128xf32, #tpu.memory_space<vmem>>, vector<1x16xf32>,
        %parallel_loop3A_903 = arith.index_cast %parallel_loop3A_748 : i32 to index
        %parallel_loop3A_904 = arith.constant 112 : index
        %parallel_loop3A_905 = tpu.vector_load %arg13[%parallel_loop3A_903, %parallel_loop3A_904] {strides = array<i32>} : memref<40x128xf32, #tpu.memory_space<vmem>>, vector<1x16xf32>,
        %parallel_loop3A_906 = vector.shape_cast %parallel_loop3A_905 : vector<1x16xf32> to vector<16xf32>
        %parallel_loop3A_907 = arith.index_cast %parallel_loop3A_748 : i32 to index
        %parallel_loop3A_908 = arith.constant 112 : index
        %parallel_loop3A_909 = tpu.vector_load %arg15[%parallel_loop3A_907, %parallel_loop3A_908] {strides = array<i32>} : memref<40x128xf32, #tpu.memory_space<vmem>>, vector<1x16xf32>,
        %parallel_loop3A_910 = vector.shape_cast %parallel_loop3A_909 : vector<1x16xf32> to vector<16xf32>
        %parallel_loop3A_911 = arith.addf %parallel_loop3A_906, %parallel_loop3A_910 : vector<16xf32>
        %parallel_loop3A_912 = arith.index_cast %parallel_loop3A_748 : i32 to index
        %parallel_loop3A_913 = arith.constant 112 : index
        %parallel_loop3A_914 = tpu.vector_load %arg17[%parallel_loop3A_912, %parallel_loop3A_913] {strides = array<i32>} : memref<40x128xf32, #tpu.memory_space<vmem>>, vector<1x16xf32>,
        %parallel_loop3A_915 = vector.shape_cast %parallel_loop3A_914 : vector<1x16xf32> to vector<16xf32>
        %parallel_loop3A_916 = arith.addf %parallel_loop3A_911, %parallel_loop3A_915 : vector<16xf32>
        %parallel_loop3A_917 = arith.constant 0.000000e+00 : f32
        %parallel_loop3A_918 = vector.broadcast %parallel_loop3A_917 : f32 to vector<16xf32>
        %parallel_loop3A_919 = arith.maximumf %parallel_loop3A_916, %parallel_loop3A_918 : vector<16xf32>
        %parallel_loop3A_920 = arith.index_cast %parallel_loop3A_748 : i32 to index
        %parallel_loop3A_921 = arith.constant 112 : index
        %parallel_loop3A_922 = tpu.vector_load %arg19[%parallel_loop3A_920, %parallel_loop3A_921] {strides = array<i32>} : memref<40x128xf32, #tpu.memory_space<vmem>>, vector<1x16xf32>,
        %parallel_loop3A_923 = vector.shape_cast %parallel_loop3A_922 : vector<1x16xf32> to vector<16xf32>
        %parallel_loop3A_924 = vector.shape_cast %parallel_loop3A_919 : vector<16xf32> to vector<1x16xf32>
        tpu.vector_store %arg19[%parallel_loop3A_920, %parallel_loop3A_921], %parallel_loop3A_924 {strides = array<i32>} : memref<40x128xf32, #tpu.memory_space<vmem>>, vector<1x16xf32>,
      } {sc.loop_unroll_factor = 4 : i64, sc.parallel_access}
      %add3A_625 = arith.constant 120 : i32
      %add3A_626 = arith.addi %add3A_496, %add3A_625 : i32
      %dma_start3A_627 = arith.constant 120 : i32
      %dma_start3A_628 = tpu.memref_slice %arg8[%dma_start3A_627] : memref<2000xi32, #tpu.memory_space<vmem>> -> memref<40xi32, #tpu.memory_space<vmem>>
      %dma_start3A_629 = arith.constant 0 : i32
      %dma_start3A_630 = arith.constant 0 : i32
      %dma_start3A_631 = tpu.memref_slice %arg2[%dma_start3A_629, %dma_start3A_630] : memref<10000x128xf32, #tpu.memory_space<hbm>> -> memref<10000x128xf32, #tpu.memory_space<hbm>>
      tpu.enqueue_indirect_dma source(%dma_start3A_631 : memref<10000x128xf32, #tpu.memory_space<hbm>>) target(%arg13 : memref<40x128xf32, #tpu.memory_space<vmem>>) offsets(%dma_start3A_628 : memref<40xi32, #tpu.memory_space<vmem>>) semaphore(%arg22 : memref<!tpu.dma_semaphore, #tpu.memory_space<semaphore_mem>>)
      %dma_start3A_632 = arith.constant 120 : i32
      %dma_start3A_633 = tpu.memref_slice %arg9[%dma_start3A_632] : memref<2000xi32, #tpu.memory_space<vmem>> -> memref<40xi32, #tpu.memory_space<vmem>>
      %dma_start3A_634 = arith.constant 0 : i32
      %dma_start3A_635 = arith.constant 0 : i32
      %dma_start3A_636 = tpu.memref_slice %arg3[%dma_start3A_634, %dma_start3A_635] : memref<10000x128xf32, #tpu.memory_space<hbm>> -> memref<10000x128xf32, #tpu.memory_space<hbm>>
      tpu.enqueue_indirect_dma source(%dma_start3A_636 : memref<10000x128xf32, #tpu.memory_space<hbm>>) target(%arg15 : memref<40x128xf32, #tpu.memory_space<vmem>>) offsets(%dma_start3A_633 : memref<40xi32, #tpu.memory_space<vmem>>) semaphore(%arg24 : memref<!tpu.dma_semaphore, #tpu.memory_space<semaphore_mem>>)
      %dma_start3A_637 = arith.constant 0 : i32
      %dma_start3A_638 = tpu.memref_slice %arg4[%add3A_626, %dma_start3A_637] : memref<320000x128xf32, #tpu.memory_space<hbm>> -> memref<40x128xf32, #tpu.memory_space<hbm>>
      %dma_start3A_639 = arith.constant 0 : i32
      %dma_start3A_640 = tpu.memref_slice %arg4[%add3A_626, %dma_start3A_639] : memref<320000x128xf32, #tpu.memory_space<hbm>> -> memref<40x128xf32, #tpu.memory_space<hbm>>
      tpu.enqueue_dma source(%dma_start3A_640 : memref<40x128xf32, #tpu.memory_space<hbm>>) target(%arg17 : memref<40x128xf32, #tpu.memory_space<vmem>>) target_semaphore(%arg26 : memref<!tpu.dma_semaphore, #tpu.memory_space<semaphore_mem>>)
      %dma_start3A_641 = arith.constant 0 : i32
      %dma_start3A_642 = arith.constant 0 : i32
      %dma_start3A_643 = tpu.memref_slice %arg20[%dma_start3A_641, %dma_start3A_642] : memref<10240x128xf32, #tpu.memory_space<vmem_shared>> -> memref<10240x128xf32, #tpu.memory_space<vmem_shared>>
      tpu.enqueue_indirect_dma source(%arg19 : memref<40x128xf32, #tpu.memory_space<vmem>>) target(%dma_start3A_643 : memref<10240x128xf32, #tpu.memory_space<vmem_shared>>) offsets(%arg11 : memref<40xi32, #tpu.memory_space<vmem>>) semaphore(%arg28 : memref<!tpu.dma_semaphore, #tpu.memory_space<semaphore_mem>>) {add = true}
      %scan3A_644 = arith.constant 0 : i32
      %scan3A_645 = arith.constant 1 : i32
      %scan3A_646 = arith.constant 23 : i32
      %scan3A_647 = arith.addi %scan3A_645, %scan3A_646 : i32
      %scan3A_648 = arith.constant 1 : i32
      scf.for %scan3A_748 = %scan3A_645 to %scan3A_647 step %scan3A_648  : i32 {
        %mul3A_749 = arith.constant 2 : i32
        %mul3A_750 = arith.muli %mul3A_749, %scan3A_748 : i32
        %mul3A_751 = arith.constant 40 : i32
        %mul3A_752 = arith.muli %mul3A_750, %mul3A_751 : i32
        %mul3A_753 = arith.constant 40 : i32
        %mul3A_754 = arith.muli %mul3A_750, %mul3A_753 : i32
        %mul3A_755 = arith.constant 40 : i32
        %mul3A_756 = arith.muli %mul3A_750, %mul3A_755 : i32
        %add3A_757 = arith.addi %add3A_496, %mul3A_756 : i32
        %dma_wait3A_758 = tpu.memref_slice %arg8[%mul3A_752] : memref<2000xi32, #tpu.memory_space<vmem>> -> memref<40xi32, #tpu.memory_space<vmem>>
        %dma_wait3A_759 = arith.constant 0 : i32
        %dma_wait3A_760 = arith.constant 0 : i32
        %dma_wait3A_761 = tpu.memref_slice %arg2[%dma_wait3A_759, %dma_wait3A_760] : memref<10000x128xf32, #tpu.memory_space<hbm>> -> memref<10000x128xf32, #tpu.memory_space<hbm>>
        tpu.wait_indirect_dma semaphore(%arg21 : memref<!tpu.dma_semaphore, #tpu.memory_space<semaphore_mem>>) src(%dma_wait3A_761 : memref<10000x128xf32, #tpu.memory_space<hbm>>) dst(%arg12 : memref<40x128xf32, #tpu.memory_space<vmem>>)
        %dma_wait3A_762 = tpu.memref_slice %arg9[%mul3A_754] : memref<2000xi32, #tpu.memory_space<vmem>> -> memref<40xi32, #tpu.memory_space<vmem>>
        %dma_wait3A_763 = arith.constant 0 : i32
        %dma_wait3A_764 = arith.constant 0 : i32
        %dma_wait3A_765 = tpu.memref_slice %arg3[%dma_wait3A_763, %dma_wait3A_764] : memref<10000x128xf32, #tpu.memory_space<hbm>> -> memref<10000x128xf32, #tpu.memory_space<hbm>>
        tpu.wait_indirect_dma semaphore(%arg23 : memref<!tpu.dma_semaphore, #tpu.memory_space<semaphore_mem>>) src(%dma_wait3A_765 : memref<10000x128xf32, #tpu.memory_space<hbm>>) dst(%arg14 : memref<40x128xf32, #tpu.memory_space<vmem>>)
        %dma_wait3A_766 = arith.constant 0 : i32
        %dma_wait3A_767 = tpu.memref_slice %arg4[%add3A_757, %dma_wait3A_766] : memref<320000x128xf32, #tpu.memory_space<hbm>> -> memref<40x128xf32, #tpu.memory_space<hbm>>
        %dma_wait3A_768 = arith.constant 0 : i32
        %dma_wait3A_769 = tpu.memref_slice %arg4[%add3A_757, %dma_wait3A_768] : memref<320000x128xf32, #tpu.memory_space<hbm>> -> memref<40x128xf32, #tpu.memory_space<hbm>>
        tpu.wait_dma2 semaphore(%arg25 : memref<!tpu.dma_semaphore, #tpu.memory_space<semaphore_mem>>) src(%dma_wait3A_769 : memref<40x128xf32, #tpu.memory_space<hbm>>) dst(%arg16 : memref<40x128xf32, #tpu.memory_space<vmem>>)
        %dma_wait3A_770 = arith.constant 0 : i32
        %dma_wait3A_771 = arith.constant 0 : i32
        %dma_wait3A_772 = tpu.memref_slice %arg20[%dma_wait3A_770, %dma_wait3A_771] : memref<10240x128xf32, #tpu.memory_space<vmem_shared>> -> memref<10240x128xf32, #tpu.memory_space<vmem_shared>>
        tpu.wait_indirect_dma semaphore(%arg27 : memref<!tpu.dma_semaphore, #tpu.memory_space<semaphore_mem>>) src(%arg18 : memref<40x128xf32, #tpu.memory_space<vmem>>) dst(%dma_wait3A_772 : memref<10240x128xf32, #tpu.memory_space<vmem_shared>>)
        %mul3A_773 = arith.constant 40 : i32
        %mul3A_774 = arith.muli %mul3A_750, %mul3A_773 : i32
        %get3A_775 = arith.index_cast %mul3A_774 : i32 to index
        %get3A_776 = tpu.vector_load %arg9[%get3A_775] {strides = array<i32>} : memref<2000xi32, #tpu.memory_space<vmem>>, vector<16xi32>,
        %get3A_777 = vector.shape_cast %get3A_776 : vector<16xi32> to vector<16xi32>
        %swap3A_778 = arith.constant 0 : index
        %swap3A_779 = tpu.vector_load %arg10[%swap3A_778] {strides = array<i32>} : memref<40xi32, #tpu.memory_space<vmem>>, vector<16xi32>,
        %swap3A_780 = vector.shape_cast %swap3A_779 : vector<16xi32> to vector<16xi32>
        %swap3A_781 = vector.shape_cast %get3A_777 : vector<16xi32> to vector<16xi32>
        tpu.vector_store %arg10[%swap3A_778], %swap3A_781 {strides = array<i32>} : memref<40xi32, #tpu.memory_space<vmem>>, vector<16xi32>,
        %add3A_782 = arith.constant 16 : i32
        %add3A_783 = arith.addi %mul3A_774, %add3A_782 : i32
        %get3A_784 = arith.index_cast %add3A_783 : i32 to index
        %get3A_785 = tpu.vector_load %arg9[%get3A_784] {strides = array<i32>} : memref<2000xi32, #tpu.memory_space<vmem>>, vector<16xi32>,
        %get3A_786 = vector.shape_cast %get3A_785 : vector<16xi32> to vector<16xi32>
        %swap3A_787 = arith.constant 16 : index
        %swap3A_788 = tpu.vector_load %arg10[%swap3A_787] {strides = array<i32>} : memref<40xi32, #tpu.memory_space<vmem>>, vector<16xi32>,
        %swap3A_789 = vector.shape_cast %swap3A_788 : vector<16xi32> to vector<16xi32>
        %swap3A_790 = vector.shape_cast %get3A_786 : vector<16xi32> to vector<16xi32>
        tpu.vector_store %arg10[%swap3A_787], %swap3A_790 {strides = array<i32>} : memref<40xi32, #tpu.memory_space<vmem>>, vector<16xi32>,
        %add3A_791 = arith.constant 24 : i32
        %add3A_792 = arith.addi %mul3A_774, %add3A_791 : i32
        %get3A_793 = arith.index_cast %add3A_792 : i32 to index
        %get3A_794 = tpu.vector_load %arg9[%get3A_793] {strides = array<i32>} : memref<2000xi32, #tpu.memory_space<vmem>>, vector<16xi32>,
        %get3A_795 = vector.shape_cast %get3A_794 : vector<16xi32> to vector<16xi32>
        %swap3A_796 = arith.constant 24 : index
        %swap3A_797 = tpu.vector_load %arg10[%swap3A_796] {strides = array<i32>} : memref<40xi32, #tpu.memory_space<vmem>>, vector<16xi32>,
        %swap3A_798 = vector.shape_cast %swap3A_797 : vector<16xi32> to vector<16xi32>
        %swap3A_799 = vector.shape_cast %get3A_795 : vector<16xi32> to vector<16xi32>
        tpu.vector_store %arg10[%swap3A_796], %swap3A_799 {strides = array<i32>} : memref<40xi32, #tpu.memory_space<vmem>>, vector<16xi32>,
        %parallel_loop3A_800 = arith.constant 0 : i32
        %parallel_loop3A_801 = arith.constant 40 : i32
        %parallel_loop3A_802 = arith.constant 1 : i32
        scf.for %parallel_loop3A_907 = %parallel_loop3A_800 to %parallel_loop3A_801 step %parallel_loop3A_802  : i32 {
          %parallel_loop3A_908 = arith.index_cast %parallel_loop3A_907 : i32 to index
          %parallel_loop3A_909 = arith.constant 0 : index
          %parallel_loop3A_910 = tpu.vector_load %arg12[%parallel_loop3A_908, %parallel_loop3A_909] {strides = array<i32>} : memref<40x128xf32, #tpu.memory_space<vmem>>, vector<1x16xf32>,
          %parallel_loop3A_911 = vector.shape_cast %parallel_loop3A_910 : vector<1x16xf32> to vector<16xf32>
          %parallel_loop3A_912 = arith.index_cast %parallel_loop3A_907 : i32 to index
          %parallel_loop3A_913 = arith.constant 0 : index
          %parallel_loop3A_914 = tpu.vector_load %arg14[%parallel_loop3A_912, %parallel_loop3A_913] {strides = array<i32>} : memref<40x128xf32, #tpu.memory_space<vmem>>, vector<1x16xf32>,
          %parallel_loop3A_915 = vector.shape_cast %parallel_loop3A_914 : vector<1x16xf32> to vector<16xf32>
          %parallel_loop3A_916 = arith.addf %parallel_loop3A_911, %parallel_loop3A_915 : vector<16xf32>
          %parallel_loop3A_917 = arith.index_cast %parallel_loop3A_907 : i32 to index
          %parallel_loop3A_918 = arith.constant 0 : index
          %parallel_loop3A_919 = tpu.vector_load %arg16[%parallel_loop3A_917, %parallel_loop3A_918] {strides = array<i32>} : memref<40x128xf32, #tpu.memory_space<vmem>>, vector<1x16xf32>,
          %parallel_loop3A_920 = vector.shape_cast %parallel_loop3A_919 : vector<1x16xf32> to vector<16xf32>
          %parallel_loop3A_921 = arith.addf %parallel_loop3A_916, %parallel_loop3A_920 : vector<16xf32>
          %parallel_loop3A_922 = arith.constant 0.000000e+00 : f32
          %parallel_loop3A_923 = vector.broadcast %parallel_loop3A_922 : f32 to vector<16xf32>
          %parallel_loop3A_924 = arith.maximumf %parallel_loop3A_921, %parallel_loop3A_923 : vector<16xf32>
          %parallel_loop3A_925 = arith.index_cast %parallel_loop3A_907 : i32 to index
          %parallel_loop3A_926 = arith.constant 0 : index
          %parallel_loop3A_927 = tpu.vector_load %arg18[%parallel_loop3A_925, %parallel_loop3A_926] {strides = array<i32>} : memref<40x128xf32, #tpu.memory_space<vmem>>, vector<1x16xf32>,
          %parallel_loop3A_928 = vector.shape_cast %parallel_loop3A_927 : vector<1x16xf32> to vector<16xf32>
          %parallel_loop3A_929 = vector.shape_cast %parallel_loop3A_924 : vector<16xf32> to vector<1x16xf32>
          tpu.vector_store %arg18[%parallel_loop3A_925, %parallel_loop3A_926], %parallel_loop3A_929 {strides = array<i32>} : memref<40x128xf32, #tpu.memory_space<vmem>>, vector<1x16xf32>,
          %parallel_loop3A_930 = arith.index_cast %parallel_loop3A_907 : i32 to index
          %parallel_loop3A_931 = arith.constant 16 : index
          %parallel_loop3A_932 = tpu.vector_load %arg12[%parallel_loop3A_930, %parallel_loop3A_931] {strides = array<i32>} : memref<40x128xf32, #tpu.memory_space<vmem>>, vector<1x16xf32>,
          %parallel_loop3A_933 = vector.shape_cast %parallel_loop3A_932 : vector<1x16xf32> to vector<16xf32>
          %parallel_loop3A_934 = arith.index_cast %parallel_loop3A_907 : i32 to index
          %parallel_loop3A_935 = arith.constant 16 : index
          %parallel_loop3A_936 = tpu.vector_load %arg14[%parallel_loop3A_934, %parallel_loop3A_935] {strides = array<i32>} : memref<40x128xf32, #tpu.memory_space<vmem>>, vector<1x16xf32>,
          %parallel_loop3A_937 = vector.shape_cast %parallel_loop3A_936 : vector<1x16xf32> to vector<16xf32>
          %parallel_loop3A_938 = arith.addf %parallel_loop3A_933, %parallel_loop3A_937 : vector<16xf32>
          %parallel_loop3A_939 = arith.index_cast %parallel_loop3A_907 : i32 to index
          %parallel_loop3A_940 = arith.constant 16 : index
          %parallel_loop3A_941 = tpu.vector_load %arg16[%parallel_loop3A_939, %parallel_loop3A_940] {strides = array<i32>} : memref<40x128xf32, #tpu.memory_space<vmem>>, vector<1x16xf32>,
          %parallel_loop3A_942 = vector.shape_cast %parallel_loop3A_941 : vector<1x16xf32> to vector<16xf32>
          %parallel_loop3A_943 = arith.addf %parallel_loop3A_938, %parallel_loop3A_942 : vector<16xf32>
          %parallel_loop3A_944 = arith.constant 0.000000e+00 : f32
          %parallel_loop3A_945 = vector.broadcast %parallel_loop3A_944 : f32 to vector<16xf32>
          %parallel_loop3A_946 = arith.maximumf %parallel_loop3A_943, %parallel_loop3A_945 : vector<16xf32>
          %parallel_loop3A_947 = arith.index_cast %parallel_loop3A_907 : i32 to index
          %parallel_loop3A_948 = arith.constant 16 : index
          %parallel_loop3A_949 = tpu.vector_load %arg18[%parallel_loop3A_947, %parallel_loop3A_948] {strides = array<i32>} : memref<40x128xf32, #tpu.memory_space<vmem>>, vector<1x16xf32>,
          %parallel_loop3A_950 = vector.shape_cast %parallel_loop3A_949 : vector<1x16xf32> to vector<16xf32>
          %parallel_loop3A_951 = vector.shape_cast %parallel_loop3A_946 : vector<16xf32> to vector<1x16xf32>
          tpu.vector_store %arg18[%parallel_loop3A_947, %parallel_loop3A_948], %parallel_loop3A_951 {strides = array<i32>} : memref<40x128xf32, #tpu.memory_space<vmem>>, vector<1x16xf32>,
          %parallel_loop3A_952 = arith.index_cast %parallel_loop3A_907 : i32 to index
          %parallel_loop3A_953 = arith.constant 32 : index
          %parallel_loop3A_954 = tpu.vector_load %arg12[%parallel_loop3A_952, %parallel_loop3A_953] {strides = array<i32>} : memref<40x128xf32, #tpu.memory_space<vmem>>, vector<1x16xf32>,
          %parallel_loop3A_955 = vector.shape_cast %parallel_loop3A_954 : vector<1x16xf32> to vector<16xf32>
          %parallel_loop3A_956 = arith.index_cast %parallel_loop3A_907 : i32 to index
          %parallel_loop3A_957 = arith.constant 32 : index
          %parallel_loop3A_958 = tpu.vector_load %arg14[%parallel_loop3A_956, %parallel_loop3A_957] {strides = array<i32>} : memref<40x128xf32, #tpu.memory_space<vmem>>, vector<1x16xf32>,
          %parallel_loop3A_959 = vector.shape_cast %parallel_loop3A_958 : vector<1x16xf32> to vector<16xf32>
          %parallel_loop3A_960 = arith.addf %parallel_loop3A_955, %parallel_loop3A_959 : vector<16xf32>
          %parallel_loop3A_961 = arith.index_cast %parallel_loop3A_907 : i32 to index
          %parallel_loop3A_962 = arith.constant 32 : index
          %parallel_loop3A_963 = tpu.vector_load %arg16[%parallel_loop3A_961, %parallel_loop3A_962] {strides = array<i32>} : memref<40x128xf32, #tpu.memory_space<vmem>>, vector<1x16xf32>,
          %parallel_loop3A_964 = vector.shape_cast %parallel_loop3A_963 : vector<1x16xf32> to vector<16xf32>
          %parallel_loop3A_965 = arith.addf %parallel_loop3A_960, %parallel_loop3A_964 : vector<16xf32>
          %parallel_loop3A_966 = arith.constant 0.000000e+00 : f32
          %parallel_loop3A_967 = vector.broadcast %parallel_loop3A_966 : f32 to vector<16xf32>
          %parallel_loop3A_968 = arith.maximumf %parallel_loop3A_965, %parallel_loop3A_967 : vector<16xf32>
          %parallel_loop3A_969 = arith.index_cast %parallel_loop3A_907 : i32 to index
          %parallel_loop3A_970 = arith.constant 32 : index
          %parallel_loop3A_971 = tpu.vector_load %arg18[%parallel_loop3A_969, %parallel_loop3A_970] {strides = array<i32>} : memref<40x128xf32, #tpu.memory_space<vmem>>, vector<1x16xf32>,
          %parallel_loop3A_972 = vector.shape_cast %parallel_loop3A_971 : vector<1x16xf32> to vector<16xf32>
          %parallel_loop3A_973 = vector.shape_cast %parallel_loop3A_968 : vector<16xf32> to vector<1x16xf32>
          tpu.vector_store %arg18[%parallel_loop3A_969, %parallel_loop3A_970], %parallel_loop3A_973 {strides = array<i32>} : memref<40x128xf32, #tpu.memory_space<vmem>>, vector<1x16xf32>,
          %parallel_loop3A_974 = arith.index_cast %parallel_loop3A_907 : i32 to index
          %parallel_loop3A_975 = arith.constant 48 : index
          %parallel_loop3A_976 = tpu.vector_load %arg12[%parallel_loop3A_974, %parallel_loop3A_975] {strides = array<i32>} : memref<40x128xf32, #tpu.memory_space<vmem>>, vector<1x16xf32>,
          %parallel_loop3A_977 = vector.shape_cast %parallel_loop3A_976 : vector<1x16xf32> to vector<16xf32>
          %parallel_loop3A_978 = arith.index_cast %parallel_loop3A_907 : i32 to index
          %parallel_loop3A_979 = arith.constant 48 : index
          %parallel_loop3A_980 = tpu.vector_load %arg14[%parallel_loop3A_978, %parallel_loop3A_979] {strides = array<i32>} : memref<40x128xf32, #tpu.memory_space<vmem>>, vector<1x16xf32>,
          %parallel_loop3A_981 = vector.shape_cast %parallel_loop3A_980 : vector<1x16xf32> to vector<16xf32>
          %parallel_loop3A_982 = arith.addf %parallel_loop3A_977, %parallel_loop3A_981 : vector<16xf32>
          %parallel_loop3A_983 = arith.index_cast %parallel_loop3A_907 : i32 to index
          %parallel_loop3A_984 = arith.constant 48 : index
          %parallel_loop3A_985 = tpu.vector_load %arg16[%parallel_loop3A_983, %parallel_loop3A_984] {strides = array<i32>} : memref<40x128xf32, #tpu.memory_space<vmem>>, vector<1x16xf32>,
          %parallel_loop3A_986 = vector.shape_cast %parallel_loop3A_985 : vector<1x16xf32> to vector<16xf32>
          %parallel_loop3A_987 = arith.addf %parallel_loop3A_982, %parallel_loop3A_986 : vector<16xf32>
          %parallel_loop3A_988 = arith.constant 0.000000e+00 : f32
          %parallel_loop3A_989 = vector.broadcast %parallel_loop3A_988 : f32 to vector<16xf32>
          %parallel_loop3A_990 = arith.maximumf %parallel_loop3A_987, %parallel_loop3A_989 : vector<16xf32>
          %parallel_loop3A_991 = arith.index_cast %parallel_loop3A_907 : i32 to index
          %parallel_loop3A_992 = arith.constant 48 : index
          %parallel_loop3A_993 = tpu.vector_load %arg18[%parallel_loop3A_991, %parallel_loop3A_992] {strides = array<i32>} : memref<40x128xf32, #tpu.memory_space<vmem>>, vector<1x16xf32>,
          %parallel_loop3A_994 = vector.shape_cast %parallel_loop3A_993 : vector<1x16xf32> to vector<16xf32>
          %parallel_loop3A_995 = vector.shape_cast %parallel_loop3A_990 : vector<16xf32> to vector<1x16xf32>
          tpu.vector_store %arg18[%parallel_loop3A_991, %parallel_loop3A_992], %parallel_loop3A_995 {strides = array<i32>} : memref<40x128xf32, #tpu.memory_space<vmem>>, vector<1x16xf32>,
          %parallel_loop3A_996 = arith.index_cast %parallel_loop3A_907 : i32 to index
          %parallel_loop3A_997 = arith.constant 64 : index
          %parallel_loop3A_998 = tpu.vector_load %arg12[%parallel_loop3A_996, %parallel_loop3A_997] {strides = array<i32>} : memref<40x128xf32, #tpu.memory_space<vmem>>, vector<1x16xf32>,
          %parallel_loop3A_999 = vector.shape_cast %parallel_loop3A_998 : vector<1x16xf32> to vector<16xf32>
          %parallel_loop3A_1000 = arith.index_cast %parallel_loop3A_907 : i32 to index
          %parallel_loop3A_1001 = arith.constant 64 : index
          %parallel_loop3A_1002 = tpu.vector_load %arg14[%parallel_loop3A_1000, %parallel_loop3A_1001] {strides = array<i32>} : memref<40x128xf32, #tpu.memory_space<vmem>>, vector<1x16xf32>,
          %parallel_loop3A_1003 = vector.shape_cast %parallel_loop3A_1002 : vector<1x16xf32> to vector<16xf32>
          %parallel_loop3A_1004 = arith.addf %parallel_loop3A_999, %parallel_loop3A_1003 : vector<16xf32>
          %parallel_loop3A_1005 = arith.index_cast %parallel_loop3A_907 : i32 to index
          %parallel_loop3A_1006 = arith.constant 64 : index
          %parallel_loop3A_1007 = tpu.vector_load %arg16[%parallel_loop3A_1005, %parallel_loop3A_1006] {strides = array<i32>} : memref<40x128xf32, #tpu.memory_space<vmem>>, vector<1x16xf32>,
          %parallel_loop3A_1008 = vector.shape_cast %parallel_loop3A_1007 : vector<1x16xf32> to vector<16xf32>
          %parallel_loop3A_1009 = arith.addf %parallel_loop3A_1004, %parallel_loop3A_1008 : vector<16xf32>
          %parallel_loop3A_1010 = arith.constant 0.000000e+00 : f32
          %parallel_loop3A_1011 = vector.broadcast %parallel_loop3A_1010 : f32 to vector<16xf32>
          %parallel_loop3A_1012 = arith.maximumf %parallel_loop3A_1009, %parallel_loop3A_1011 : vector<16xf32>
          %parallel_loop3A_1013 = arith.index_cast %parallel_loop3A_907 : i32 to index
          %parallel_loop3A_1014 = arith.constant 64 : index
          %parallel_loop3A_1015 = tpu.vector_load %arg18[%parallel_loop3A_1013, %parallel_loop3A_1014] {strides = array<i32>} : memref<40x128xf32, #tpu.memory_space<vmem>>, vector<1x16xf32>,
          %parallel_loop3A_1016 = vector.shape_cast %parallel_loop3A_1015 : vector<1x16xf32> to vector<16xf32>
          %parallel_loop3A_1017 = vector.shape_cast %parallel_loop3A_1012 : vector<16xf32> to vector<1x16xf32>
          tpu.vector_store %arg18[%parallel_loop3A_1013, %parallel_loop3A_1014], %parallel_loop3A_1017 {strides = array<i32>} : memref<40x128xf32, #tpu.memory_space<vmem>>, vector<1x16xf32>,
          %parallel_loop3A_1018 = arith.index_cast %parallel_loop3A_907 : i32 to index
          %parallel_loop3A_1019 = arith.constant 80 : index
          %parallel_loop3A_1020 = tpu.vector_load %arg12[%parallel_loop3A_1018, %parallel_loop3A_1019] {strides = array<i32>} : memref<40x128xf32, #tpu.memory_space<vmem>>, vector<1x16xf32>,
          %parallel_loop3A_1021 = vector.shape_cast %parallel_loop3A_1020 : vector<1x16xf32> to vector<16xf32>
          %parallel_loop3A_1022 = arith.index_cast %parallel_loop3A_907 : i32 to index
          %parallel_loop3A_1023 = arith.constant 80 : index
          %parallel_loop3A_1024 = tpu.vector_load %arg14[%parallel_loop3A_1022, %parallel_loop3A_1023] {strides = array<i32>} : memref<40x128xf32, #tpu.memory_space<vmem>>, vector<1x16xf32>,
          %parallel_loop3A_1025 = vector.shape_cast %parallel_loop3A_1024 : vector<1x16xf32> to vector<16xf32>
          %parallel_loop3A_1026 = arith.addf %parallel_loop3A_1021, %parallel_loop3A_1025 : vector<16xf32>
          %parallel_loop3A_1027 = arith.index_cast %parallel_loop3A_907 : i32 to index
          %parallel_loop3A_1028 = arith.constant 80 : index
          %parallel_loop3A_1029 = tpu.vector_load %arg16[%parallel_loop3A_1027, %parallel_loop3A_1028] {strides = array<i32>} : memref<40x128xf32, #tpu.memory_space<vmem>>, vector<1x16xf32>,
          %parallel_loop3A_1030 = vector.shape_cast %parallel_loop3A_1029 : vector<1x16xf32> to vector<16xf32>
          %parallel_loop3A_1031 = arith.addf %parallel_loop3A_1026, %parallel_loop3A_1030 : vector<16xf32>
          %parallel_loop3A_1032 = arith.constant 0.000000e+00 : f32
          %parallel_loop3A_1033 = vector.broadcast %parallel_loop3A_1032 : f32 to vector<16xf32>
          %parallel_loop3A_1034 = arith.maximumf %parallel_loop3A_1031, %parallel_loop3A_1033 : vector<16xf32>
          %parallel_loop3A_1035 = arith.index_cast %parallel_loop3A_907 : i32 to index
          %parallel_loop3A_1036 = arith.constant 80 : index
          %parallel_loop3A_1037 = tpu.vector_load %arg18[%parallel_loop3A_1035, %parallel_loop3A_1036] {strides = array<i32>} : memref<40x128xf32, #tpu.memory_space<vmem>>, vector<1x16xf32>,
          %parallel_loop3A_1038 = vector.shape_cast %parallel_loop3A_1037 : vector<1x16xf32> to vector<16xf32>
          %parallel_loop3A_1039 = vector.shape_cast %parallel_loop3A_1034 : vector<16xf32> to vector<1x16xf32>
          tpu.vector_store %arg18[%parallel_loop3A_1035, %parallel_loop3A_1036], %parallel_loop3A_1039 {strides = array<i32>} : memref<40x128xf32, #tpu.memory_space<vmem>>, vector<1x16xf32>,
          %parallel_loop3A_1040 = arith.index_cast %parallel_loop3A_907 : i32 to index
          %parallel_loop3A_1041 = arith.constant 96 : index
          %parallel_loop3A_1042 = tpu.vector_load %arg12[%parallel_loop3A_1040, %parallel_loop3A_1041] {strides = array<i32>} : memref<40x128xf32, #tpu.memory_space<vmem>>, vector<1x16xf32>,
          %parallel_loop3A_1043 = vector.shape_cast %parallel_loop3A_1042 : vector<1x16xf32> to vector<16xf32>
          %parallel_loop3A_1044 = arith.index_cast %parallel_loop3A_907 : i32 to index
          %parallel_loop3A_1045 = arith.constant 96 : index
          %parallel_loop3A_1046 = tpu.vector_load %arg14[%parallel_loop3A_1044, %parallel_loop3A_1045] {strides = array<i32>} : memref<40x128xf32, #tpu.memory_space<vmem>>, vector<1x16xf32>,
          %parallel_loop3A_1047 = vector.shape_cast %parallel_loop3A_1046 : vector<1x16xf32> to vector<16xf32>
          %parallel_loop3A_1048 = arith.addf %parallel_loop3A_1043, %parallel_loop3A_1047 : vector<16xf32>
          %parallel_loop3A_1049 = arith.index_cast %parallel_loop3A_907 : i32 to index
          %parallel_loop3A_1050 = arith.constant 96 : index
          %parallel_loop3A_1051 = tpu.vector_load %arg16[%parallel_loop3A_1049, %parallel_loop3A_1050] {strides = array<i32>} : memref<40x128xf32, #tpu.memory_space<vmem>>, vector<1x16xf32>,
          %parallel_loop3A_1052 = vector.shape_cast %parallel_loop3A_1051 : vector<1x16xf32> to vector<16xf32>
          %parallel_loop3A_1053 = arith.addf %parallel_loop3A_1048, %parallel_loop3A_1052 : vector<16xf32>
          %parallel_loop3A_1054 = arith.constant 0.000000e+00 : f32
          %parallel_loop3A_1055 = vector.broadcast %parallel_loop3A_1054 : f32 to vector<16xf32>
          %parallel_loop3A_1056 = arith.maximumf %parallel_loop3A_1053, %parallel_loop3A_1055 : vector<16xf32>
          %parallel_loop3A_1057 = arith.index_cast %parallel_loop3A_907 : i32 to index
          %parallel_loop3A_1058 = arith.constant 96 : index
          %parallel_loop3A_1059 = tpu.vector_load %arg18[%parallel_loop3A_1057, %parallel_loop3A_1058] {strides = array<i32>} : memref<40x128xf32, #tpu.memory_space<vmem>>, vector<1x16xf32>,
          %parallel_loop3A_1060 = vector.shape_cast %parallel_loop3A_1059 : vector<1x16xf32> to vector<16xf32>
          %parallel_loop3A_1061 = vector.shape_cast %parallel_loop3A_1056 : vector<16xf32> to vector<1x16xf32>
          tpu.vector_store %arg18[%parallel_loop3A_1057, %parallel_loop3A_1058], %parallel_loop3A_1061 {strides = array<i32>} : memref<40x128xf32, #tpu.memory_space<vmem>>, vector<1x16xf32>,
          %parallel_loop3A_1062 = arith.index_cast %parallel_loop3A_907 : i32 to index
          %parallel_loop3A_1063 = arith.constant 112 : index
          %parallel_loop3A_1064 = tpu.vector_load %arg12[%parallel_loop3A_1062, %parallel_loop3A_1063] {strides = array<i32>} : memref<40x128xf32, #tpu.memory_space<vmem>>, vector<1x16xf32>,
          %parallel_loop3A_1065 = vector.shape_cast %parallel_loop3A_1064 : vector<1x16xf32> to vector<16xf32>
          %parallel_loop3A_1066 = arith.index_cast %parallel_loop3A_907 : i32 to index
          %parallel_loop3A_1067 = arith.constant 112 : index
          %parallel_loop3A_1068 = tpu.vector_load %arg14[%parallel_loop3A_1066, %parallel_loop3A_1067] {strides = array<i32>} : memref<40x128xf32, #tpu.memory_space<vmem>>, vector<1x16xf32>,
          %parallel_loop3A_1069 = vector.shape_cast %parallel_loop3A_1068 : vector<1x16xf32> to vector<16xf32>
          %parallel_loop3A_1070 = arith.addf %parallel_loop3A_1065, %parallel_loop3A_1069 : vector<16xf32>
          %parallel_loop3A_1071 = arith.index_cast %parallel_loop3A_907 : i32 to index
          %parallel_loop3A_1072 = arith.constant 112 : index
          %parallel_loop3A_1073 = tpu.vector_load %arg16[%parallel_loop3A_1071, %parallel_loop3A_1072] {strides = array<i32>} : memref<40x128xf32, #tpu.memory_space<vmem>>, vector<1x16xf32>,
          %parallel_loop3A_1074 = vector.shape_cast %parallel_loop3A_1073 : vector<1x16xf32> to vector<16xf32>
          %parallel_loop3A_1075 = arith.addf %parallel_loop3A_1070, %parallel_loop3A_1074 : vector<16xf32>
          %parallel_loop3A_1076 = arith.constant 0.000000e+00 : f32
          %parallel_loop3A_1077 = vector.broadcast %parallel_loop3A_1076 : f32 to vector<16xf32>
          %parallel_loop3A_1078 = arith.maximumf %parallel_loop3A_1075, %parallel_loop3A_1077 : vector<16xf32>
          %parallel_loop3A_1079 = arith.index_cast %parallel_loop3A_907 : i32 to index
          %parallel_loop3A_1080 = arith.constant 112 : index
          %parallel_loop3A_1081 = tpu.vector_load %arg18[%parallel_loop3A_1079, %parallel_loop3A_1080] {strides = array<i32>} : memref<40x128xf32, #tpu.memory_space<vmem>>, vector<1x16xf32>,
          %parallel_loop3A_1082 = vector.shape_cast %parallel_loop3A_1081 : vector<1x16xf32> to vector<16xf32>
          %parallel_loop3A_1083 = vector.shape_cast %parallel_loop3A_1078 : vector<16xf32> to vector<1x16xf32>
          tpu.vector_store %arg18[%parallel_loop3A_1079, %parallel_loop3A_1080], %parallel_loop3A_1083 {strides = array<i32>} : memref<40x128xf32, #tpu.memory_space<vmem>>, vector<1x16xf32>,
        } {sc.loop_unroll_factor = 4 : i64, sc.parallel_access}
        %add3A_803 = arith.constant 2 : i32
        %add3A_804 = arith.addi %mul3A_750, %add3A_803 : i32
        %mul3A_805 = arith.constant 40 : i32
        %mul3A_806 = arith.muli %add3A_804, %mul3A_805 : i32
        %mul3A_807 = arith.constant 40 : i32
        %mul3A_808 = arith.muli %add3A_804, %mul3A_807 : i32
        %mul3A_809 = arith.constant 40 : i32
        %mul3A_810 = arith.muli %add3A_804, %mul3A_809 : i32
        %add3A_811 = arith.addi %add3A_496, %mul3A_810 : i32
        %dma_start3A_812 = tpu.memref_slice %arg8[%mul3A_806] : memref<2000xi32, #tpu.memory_space<vmem>> -> memref<40xi32, #tpu.memory_space<vmem>>
        %dma_start3A_813 = arith.constant 0 : i32
        %dma_start3A_814 = arith.constant 0 : i32
        %dma_start3A_815 = tpu.memref_slice %arg2[%dma_start3A_813, %dma_start3A_814] : memref<10000x128xf32, #tpu.memory_space<hbm>> -> memref<10000x128xf32, #tpu.memory_space<hbm>>
        tpu.enqueue_indirect_dma source(%dma_start3A_815 : memref<10000x128xf32, #tpu.memory_space<hbm>>) target(%arg12 : memref<40x128xf32, #tpu.memory_space<vmem>>) offsets(%dma_start3A_812 : memref<40xi32, #tpu.memory_space<vmem>>) semaphore(%arg21 : memref<!tpu.dma_semaphore, #tpu.memory_space<semaphore_mem>>)
        %dma_start3A_816 = tpu.memref_slice %arg9[%mul3A_808] : memref<2000xi32, #tpu.memory_space<vmem>> -> memref<40xi32, #tpu.memory_space<vmem>>
        %dma_start3A_817 = arith.constant 0 : i32
        %dma_start3A_818 = arith.constant 0 : i32
        %dma_start3A_819 = tpu.memref_slice %arg3[%dma_start3A_817, %dma_start3A_818] : memref<10000x128xf32, #tpu.memory_space<hbm>> -> memref<10000x128xf32, #tpu.memory_space<hbm>>
        tpu.enqueue_indirect_dma source(%dma_start3A_819 : memref<10000x128xf32, #tpu.memory_space<hbm>>) target(%arg14 : memref<40x128xf32, #tpu.memory_space<vmem>>) offsets(%dma_start3A_816 : memref<40xi32, #tpu.memory_space<vmem>>) semaphore(%arg23 : memref<!tpu.dma_semaphore, #tpu.memory_space<semaphore_mem>>)
        %dma_start3A_820 = arith.constant 0 : i32
        %dma_start3A_821 = tpu.memref_slice %arg4[%add3A_811, %dma_start3A_820] : memref<320000x128xf32, #tpu.memory_space<hbm>> -> memref<40x128xf32, #tpu.memory_space<hbm>>
        %dma_start3A_822 = arith.constant 0 : i32
        %dma_start3A_823 = tpu.memref_slice %arg4[%add3A_811, %dma_start3A_822] : memref<320000x128xf32, #tpu.memory_space<hbm>> -> memref<40x128xf32, #tpu.memory_space<hbm>>
        tpu.enqueue_dma source(%dma_start3A_823 : memref<40x128xf32, #tpu.memory_space<hbm>>) target(%arg16 : memref<40x128xf32, #tpu.memory_space<vmem>>) target_semaphore(%arg25 : memref<!tpu.dma_semaphore, #tpu.memory_space<semaphore_mem>>)
        %dma_start3A_824 = arith.constant 0 : i32
        %dma_start3A_825 = arith.constant 0 : i32
        %dma_start3A_826 = tpu.memref_slice %arg20[%dma_start3A_824, %dma_start3A_825] : memref<10240x128xf32, #tpu.memory_space<vmem_shared>> -> memref<10240x128xf32, #tpu.memory_space<vmem_shared>>
        tpu.enqueue_indirect_dma source(%arg18 : memref<40x128xf32, #tpu.memory_space<vmem>>) target(%dma_start3A_826 : memref<10240x128xf32, #tpu.memory_space<vmem_shared>>) offsets(%arg10 : memref<40xi32, #tpu.memory_space<vmem>>) semaphore(%arg27 : memref<!tpu.dma_semaphore, #tpu.memory_space<semaphore_mem>>) {add = true}
        %add3A_827 = arith.constant 1 : i32
        %add3A_828 = arith.addi %mul3A_750, %add3A_827 : i32
        %mul3A_829 = arith.constant 40 : i32
        %mul3A_830 = arith.muli %add3A_828, %mul3A_829 : i32
        %mul3A_831 = arith.constant 40 : i32
        %mul3A_832 = arith.muli %add3A_828, %mul3A_831 : i32
        %mul3A_833 = arith.constant 40 : i32
        %mul3A_834 = arith.muli %add3A_828, %mul3A_833 : i32
        %add3A_835 = arith.addi %add3A_496, %mul3A_834 : i32
        %dma_wait3A_836 = tpu.memref_slice %arg8[%mul3A_830] : memref<2000xi32, #tpu.memory_space<vmem>> -> memref<40xi32, #tpu.memory_space<vmem>>
        %dma_wait3A_837 = arith.constant 0 : i32
        %dma_wait3A_838 = arith.constant 0 : i32
        %dma_wait3A_839 = tpu.memref_slice %arg2[%dma_wait3A_837, %dma_wait3A_838] : memref<10000x128xf32, #tpu.memory_space<hbm>> -> memref<10000x128xf32, #tpu.memory_space<hbm>>
        tpu.wait_indirect_dma semaphore(%arg22 : memref<!tpu.dma_semaphore, #tpu.memory_space<semaphore_mem>>) src(%dma_wait3A_839 : memref<10000x128xf32, #tpu.memory_space<hbm>>) dst(%arg13 : memref<40x128xf32, #tpu.memory_space<vmem>>)
        %dma_wait3A_840 = tpu.memref_slice %arg9[%mul3A_832] : memref<2000xi32, #tpu.memory_space<vmem>> -> memref<40xi32, #tpu.memory_space<vmem>>
        %dma_wait3A_841 = arith.constant 0 : i32
        %dma_wait3A_842 = arith.constant 0 : i32
        %dma_wait3A_843 = tpu.memref_slice %arg3[%dma_wait3A_841, %dma_wait3A_842] : memref<10000x128xf32, #tpu.memory_space<hbm>> -> memref<10000x128xf32, #tpu.memory_space<hbm>>
        tpu.wait_indirect_dma semaphore(%arg24 : memref<!tpu.dma_semaphore, #tpu.memory_space<semaphore_mem>>) src(%dma_wait3A_843 : memref<10000x128xf32, #tpu.memory_space<hbm>>) dst(%arg15 : memref<40x128xf32, #tpu.memory_space<vmem>>)
        %dma_wait3A_844 = arith.constant 0 : i32
        %dma_wait3A_845 = tpu.memref_slice %arg4[%add3A_835, %dma_wait3A_844] : memref<320000x128xf32, #tpu.memory_space<hbm>> -> memref<40x128xf32, #tpu.memory_space<hbm>>
        %dma_wait3A_846 = arith.constant 0 : i32
        %dma_wait3A_847 = tpu.memref_slice %arg4[%add3A_835, %dma_wait3A_846] : memref<320000x128xf32, #tpu.memory_space<hbm>> -> memref<40x128xf32, #tpu.memory_space<hbm>>
        tpu.wait_dma2 semaphore(%arg26 : memref<!tpu.dma_semaphore, #tpu.memory_space<semaphore_mem>>) src(%dma_wait3A_847 : memref<40x128xf32, #tpu.memory_space<hbm>>) dst(%arg17 : memref<40x128xf32, #tpu.memory_space<vmem>>)
        %dma_wait3A_848 = arith.constant 0 : i32
        %dma_wait3A_849 = arith.constant 0 : i32
        %dma_wait3A_850 = tpu.memref_slice %arg20[%dma_wait3A_848, %dma_wait3A_849] : memref<10240x128xf32, #tpu.memory_space<vmem_shared>> -> memref<10240x128xf32, #tpu.memory_space<vmem_shared>>
        tpu.wait_indirect_dma semaphore(%arg28 : memref<!tpu.dma_semaphore, #tpu.memory_space<semaphore_mem>>) src(%arg19 : memref<40x128xf32, #tpu.memory_space<vmem>>) dst(%dma_wait3A_850 : memref<10240x128xf32, #tpu.memory_space<vmem_shared>>)
        %add3A_851 = arith.constant 1 : i32
        %add3A_852 = arith.addi %mul3A_750, %add3A_851 : i32
        %mul3A_853 = arith.constant 40 : i32
        %mul3A_854 = arith.muli %add3A_852, %mul3A_853 : i32
        %get3A_855 = arith.index_cast %mul3A_854 : i32 to index
        %get3A_856 = tpu.vector_load %arg9[%get3A_855] {strides = array<i32>} : memref<2000xi32, #tpu.memory_space<vmem>>, vector<16xi32>,
        %get3A_857 = vector.shape_cast %get3A_856 : vector<16xi32> to vector<16xi32>
        %swap3A_858 = arith.constant 0 : index
        %swap3A_859 = tpu.vector_load %arg11[%swap3A_858] {strides = array<i32>} : memref<40xi32, #tpu.memory_space<vmem>>, vector<16xi32>,
        %swap3A_860 = vector.shape_cast %swap3A_859 : vector<16xi32> to vector<16xi32>
        %swap3A_861 = vector.shape_cast %get3A_857 : vector<16xi32> to vector<16xi32>
        tpu.vector_store %arg11[%swap3A_858], %swap3A_861 {strides = array<i32>} : memref<40xi32, #tpu.memory_space<vmem>>, vector<16xi32>,
        %add3A_862 = arith.constant 16 : i32
        %add3A_863 = arith.addi %mul3A_854, %add3A_862 : i32
        %get3A_864 = arith.index_cast %add3A_863 : i32 to index
        %get3A_865 = tpu.vector_load %arg9[%get3A_864] {strides = array<i32>} : memref<2000xi32, #tpu.memory_space<vmem>>, vector<16xi32>,
        %get3A_866 = vector.shape_cast %get3A_865 : vector<16xi32> to vector<16xi32>
        %swap3A_867 = arith.constant 16 : index
        %swap3A_868 = tpu.vector_load %arg11[%swap3A_867] {strides = array<i32>} : memref<40xi32, #tpu.memory_space<vmem>>, vector<16xi32>,
        %swap3A_869 = vector.shape_cast %swap3A_868 : vector<16xi32> to vector<16xi32>
        %swap3A_870 = vector.shape_cast %get3A_866 : vector<16xi32> to vector<16xi32>
        tpu.vector_store %arg11[%swap3A_867], %swap3A_870 {strides = array<i32>} : memref<40xi32, #tpu.memory_space<vmem>>, vector<16xi32>,
        %add3A_871 = arith.constant 24 : i32
        %add3A_872 = arith.addi %mul3A_854, %add3A_871 : i32
        %get3A_873 = arith.index_cast %add3A_872 : i32 to index
        %get3A_874 = tpu.vector_load %arg9[%get3A_873] {strides = array<i32>} : memref<2000xi32, #tpu.memory_space<vmem>>, vector<16xi32>,
        %get3A_875 = vector.shape_cast %get3A_874 : vector<16xi32> to vector<16xi32>
        %swap3A_876 = arith.constant 24 : index
        %swap3A_877 = tpu.vector_load %arg11[%swap3A_876] {strides = array<i32>} : memref<40xi32, #tpu.memory_space<vmem>>, vector<16xi32>,
        %swap3A_878 = vector.shape_cast %swap3A_877 : vector<16xi32> to vector<16xi32>
        %swap3A_879 = vector.shape_cast %get3A_875 : vector<16xi32> to vector<16xi32>
        tpu.vector_store %arg11[%swap3A_876], %swap3A_879 {strides = array<i32>} : memref<40xi32, #tpu.memory_space<vmem>>, vector<16xi32>,
        %parallel_loop3A_880 = arith.constant 0 : i32
        %parallel_loop3A_881 = arith.constant 40 : i32
        %parallel_loop3A_882 = arith.constant 1 : i32
        scf.for %parallel_loop3A_907 = %parallel_loop3A_880 to %parallel_loop3A_881 step %parallel_loop3A_882  : i32 {
          %parallel_loop3A_908 = arith.index_cast %parallel_loop3A_907 : i32 to index
          %parallel_loop3A_909 = arith.constant 0 : index
          %parallel_loop3A_910 = tpu.vector_load %arg13[%parallel_loop3A_908, %parallel_loop3A_909] {strides = array<i32>} : memref<40x128xf32, #tpu.memory_space<vmem>>, vector<1x16xf32>,
          %parallel_loop3A_911 = vector.shape_cast %parallel_loop3A_910 : vector<1x16xf32> to vector<16xf32>
          %parallel_loop3A_912 = arith.index_cast %parallel_loop3A_907 : i32 to index
          %parallel_loop3A_913 = arith.constant 0 : index
          %parallel_loop3A_914 = tpu.vector_load %arg15[%parallel_loop3A_912, %parallel_loop3A_913] {strides = array<i32>} : memref<40x128xf32, #tpu.memory_space<vmem>>, vector<1x16xf32>,
          %parallel_loop3A_915 = vector.shape_cast %parallel_loop3A_914 : vector<1x16xf32> to vector<16xf32>
          %parallel_loop3A_916 = arith.addf %parallel_loop3A_911, %parallel_loop3A_915 : vector<16xf32>
          %parallel_loop3A_917 = arith.index_cast %parallel_loop3A_907 : i32 to index
          %parallel_loop3A_918 = arith.constant 0 : index
          %parallel_loop3A_919 = tpu.vector_load %arg17[%parallel_loop3A_917, %parallel_loop3A_918] {strides = array<i32>} : memref<40x128xf32, #tpu.memory_space<vmem>>, vector<1x16xf32>,
          %parallel_loop3A_920 = vector.shape_cast %parallel_loop3A_919 : vector<1x16xf32> to vector<16xf32>
          %parallel_loop3A_921 = arith.addf %parallel_loop3A_916, %parallel_loop3A_920 : vector<16xf32>
          %parallel_loop3A_922 = arith.constant 0.000000e+00 : f32
          %parallel_loop3A_923 = vector.broadcast %parallel_loop3A_922 : f32 to vector<16xf32>
          %parallel_loop3A_924 = arith.maximumf %parallel_loop3A_921, %parallel_loop3A_923 : vector<16xf32>
          %parallel_loop3A_925 = arith.index_cast %parallel_loop3A_907 : i32 to index
          %parallel_loop3A_926 = arith.constant 0 : index
          %parallel_loop3A_927 = tpu.vector_load %arg19[%parallel_loop3A_925, %parallel_loop3A_926] {strides = array<i32>} : memref<40x128xf32, #tpu.memory_space<vmem>>, vector<1x16xf32>,
          %parallel_loop3A_928 = vector.shape_cast %parallel_loop3A_927 : vector<1x16xf32> to vector<16xf32>
          %parallel_loop3A_929 = vector.shape_cast %parallel_loop3A_924 : vector<16xf32> to vector<1x16xf32>
          tpu.vector_store %arg19[%parallel_loop3A_925, %parallel_loop3A_926], %parallel_loop3A_929 {strides = array<i32>} : memref<40x128xf32, #tpu.memory_space<vmem>>, vector<1x16xf32>,
          %parallel_loop3A_930 = arith.index_cast %parallel_loop3A_907 : i32 to index
          %parallel_loop3A_931 = arith.constant 16 : index
          %parallel_loop3A_932 = tpu.vector_load %arg13[%parallel_loop3A_930, %parallel_loop3A_931] {strides = array<i32>} : memref<40x128xf32, #tpu.memory_space<vmem>>, vector<1x16xf32>,
          %parallel_loop3A_933 = vector.shape_cast %parallel_loop3A_932 : vector<1x16xf32> to vector<16xf32>
          %parallel_loop3A_934 = arith.index_cast %parallel_loop3A_907 : i32 to index
          %parallel_loop3A_935 = arith.constant 16 : index
          %parallel_loop3A_936 = tpu.vector_load %arg15[%parallel_loop3A_934, %parallel_loop3A_935] {strides = array<i32>} : memref<40x128xf32, #tpu.memory_space<vmem>>, vector<1x16xf32>,
          %parallel_loop3A_937 = vector.shape_cast %parallel_loop3A_936 : vector<1x16xf32> to vector<16xf32>
          %parallel_loop3A_938 = arith.addf %parallel_loop3A_933, %parallel_loop3A_937 : vector<16xf32>
          %parallel_loop3A_939 = arith.index_cast %parallel_loop3A_907 : i32 to index
          %parallel_loop3A_940 = arith.constant 16 : index
          %parallel_loop3A_941 = tpu.vector_load %arg17[%parallel_loop3A_939, %parallel_loop3A_940] {strides = array<i32>} : memref<40x128xf32, #tpu.memory_space<vmem>>, vector<1x16xf32>,
          %parallel_loop3A_942 = vector.shape_cast %parallel_loop3A_941 : vector<1x16xf32> to vector<16xf32>
          %parallel_loop3A_943 = arith.addf %parallel_loop3A_938, %parallel_loop3A_942 : vector<16xf32>
          %parallel_loop3A_944 = arith.constant 0.000000e+00 : f32
          %parallel_loop3A_945 = vector.broadcast %parallel_loop3A_944 : f32 to vector<16xf32>
          %parallel_loop3A_946 = arith.maximumf %parallel_loop3A_943, %parallel_loop3A_945 : vector<16xf32>
          %parallel_loop3A_947 = arith.index_cast %parallel_loop3A_907 : i32 to index
          %parallel_loop3A_948 = arith.constant 16 : index
          %parallel_loop3A_949 = tpu.vector_load %arg19[%parallel_loop3A_947, %parallel_loop3A_948] {strides = array<i32>} : memref<40x128xf32, #tpu.memory_space<vmem>>, vector<1x16xf32>,
          %parallel_loop3A_950 = vector.shape_cast %parallel_loop3A_949 : vector<1x16xf32> to vector<16xf32>
          %parallel_loop3A_951 = vector.shape_cast %parallel_loop3A_946 : vector<16xf32> to vector<1x16xf32>
          tpu.vector_store %arg19[%parallel_loop3A_947, %parallel_loop3A_948], %parallel_loop3A_951 {strides = array<i32>} : memref<40x128xf32, #tpu.memory_space<vmem>>, vector<1x16xf32>,
          %parallel_loop3A_952 = arith.index_cast %parallel_loop3A_907 : i32 to index
          %parallel_loop3A_953 = arith.constant 32 : index
          %parallel_loop3A_954 = tpu.vector_load %arg13[%parallel_loop3A_952, %parallel_loop3A_953] {strides = array<i32>} : memref<40x128xf32, #tpu.memory_space<vmem>>, vector<1x16xf32>,
          %parallel_loop3A_955 = vector.shape_cast %parallel_loop3A_954 : vector<1x16xf32> to vector<16xf32>
          %parallel_loop3A_956 = arith.index_cast %parallel_loop3A_907 : i32 to index
          %parallel_loop3A_957 = arith.constant 32 : index
          %parallel_loop3A_958 = tpu.vector_load %arg15[%parallel_loop3A_956, %parallel_loop3A_957] {strides = array<i32>} : memref<40x128xf32, #tpu.memory_space<vmem>>, vector<1x16xf32>,
          %parallel_loop3A_959 = vector.shape_cast %parallel_loop3A_958 : vector<1x16xf32> to vector<16xf32>
          %parallel_loop3A_960 = arith.addf %parallel_loop3A_955, %parallel_loop3A_959 : vector<16xf32>
          %parallel_loop3A_961 = arith.index_cast %parallel_loop3A_907 : i32 to index
          %parallel_loop3A_962 = arith.constant 32 : index
          %parallel_loop3A_963 = tpu.vector_load %arg17[%parallel_loop3A_961, %parallel_loop3A_962] {strides = array<i32>} : memref<40x128xf32, #tpu.memory_space<vmem>>, vector<1x16xf32>,
          %parallel_loop3A_964 = vector.shape_cast %parallel_loop3A_963 : vector<1x16xf32> to vector<16xf32>
          %parallel_loop3A_965 = arith.addf %parallel_loop3A_960, %parallel_loop3A_964 : vector<16xf32>
          %parallel_loop3A_966 = arith.constant 0.000000e+00 : f32
          %parallel_loop3A_967 = vector.broadcast %parallel_loop3A_966 : f32 to vector<16xf32>
          %parallel_loop3A_968 = arith.maximumf %parallel_loop3A_965, %parallel_loop3A_967 : vector<16xf32>
          %parallel_loop3A_969 = arith.index_cast %parallel_loop3A_907 : i32 to index
          %parallel_loop3A_970 = arith.constant 32 : index
          %parallel_loop3A_971 = tpu.vector_load %arg19[%parallel_loop3A_969, %parallel_loop3A_970] {strides = array<i32>} : memref<40x128xf32, #tpu.memory_space<vmem>>, vector<1x16xf32>,
          %parallel_loop3A_972 = vector.shape_cast %parallel_loop3A_971 : vector<1x16xf32> to vector<16xf32>
          %parallel_loop3A_973 = vector.shape_cast %parallel_loop3A_968 : vector<16xf32> to vector<1x16xf32>
          tpu.vector_store %arg19[%parallel_loop3A_969, %parallel_loop3A_970], %parallel_loop3A_973 {strides = array<i32>} : memref<40x128xf32, #tpu.memory_space<vmem>>, vector<1x16xf32>,
          %parallel_loop3A_974 = arith.index_cast %parallel_loop3A_907 : i32 to index
          %parallel_loop3A_975 = arith.constant 48 : index
          %parallel_loop3A_976 = tpu.vector_load %arg13[%parallel_loop3A_974, %parallel_loop3A_975] {strides = array<i32>} : memref<40x128xf32, #tpu.memory_space<vmem>>, vector<1x16xf32>,
          %parallel_loop3A_977 = vector.shape_cast %parallel_loop3A_976 : vector<1x16xf32> to vector<16xf32>
          %parallel_loop3A_978 = arith.index_cast %parallel_loop3A_907 : i32 to index
          %parallel_loop3A_979 = arith.constant 48 : index
          %parallel_loop3A_980 = tpu.vector_load %arg15[%parallel_loop3A_978, %parallel_loop3A_979] {strides = array<i32>} : memref<40x128xf32, #tpu.memory_space<vmem>>, vector<1x16xf32>,
          %parallel_loop3A_981 = vector.shape_cast %parallel_loop3A_980 : vector<1x16xf32> to vector<16xf32>
          %parallel_loop3A_982 = arith.addf %parallel_loop3A_977, %parallel_loop3A_981 : vector<16xf32>
          %parallel_loop3A_983 = arith.index_cast %parallel_loop3A_907 : i32 to index
          %parallel_loop3A_984 = arith.constant 48 : index
          %parallel_loop3A_985 = tpu.vector_load %arg17[%parallel_loop3A_983, %parallel_loop3A_984] {strides = array<i32>} : memref<40x128xf32, #tpu.memory_space<vmem>>, vector<1x16xf32>,
          %parallel_loop3A_986 = vector.shape_cast %parallel_loop3A_985 : vector<1x16xf32> to vector<16xf32>
          %parallel_loop3A_987 = arith.addf %parallel_loop3A_982, %parallel_loop3A_986 : vector<16xf32>
          %parallel_loop3A_988 = arith.constant 0.000000e+00 : f32
          %parallel_loop3A_989 = vector.broadcast %parallel_loop3A_988 : f32 to vector<16xf32>
          %parallel_loop3A_990 = arith.maximumf %parallel_loop3A_987, %parallel_loop3A_989 : vector<16xf32>
          %parallel_loop3A_991 = arith.index_cast %parallel_loop3A_907 : i32 to index
          %parallel_loop3A_992 = arith.constant 48 : index
          %parallel_loop3A_993 = tpu.vector_load %arg19[%parallel_loop3A_991, %parallel_loop3A_992] {strides = array<i32>} : memref<40x128xf32, #tpu.memory_space<vmem>>, vector<1x16xf32>,
          %parallel_loop3A_994 = vector.shape_cast %parallel_loop3A_993 : vector<1x16xf32> to vector<16xf32>
          %parallel_loop3A_995 = vector.shape_cast %parallel_loop3A_990 : vector<16xf32> to vector<1x16xf32>
          tpu.vector_store %arg19[%parallel_loop3A_991, %parallel_loop3A_992], %parallel_loop3A_995 {strides = array<i32>} : memref<40x128xf32, #tpu.memory_space<vmem>>, vector<1x16xf32>,
          %parallel_loop3A_996 = arith.index_cast %parallel_loop3A_907 : i32 to index
          %parallel_loop3A_997 = arith.constant 64 : index
          %parallel_loop3A_998 = tpu.vector_load %arg13[%parallel_loop3A_996, %parallel_loop3A_997] {strides = array<i32>} : memref<40x128xf32, #tpu.memory_space<vmem>>, vector<1x16xf32>,
          %parallel_loop3A_999 = vector.shape_cast %parallel_loop3A_998 : vector<1x16xf32> to vector<16xf32>
          %parallel_loop3A_1000 = arith.index_cast %parallel_loop3A_907 : i32 to index
          %parallel_loop3A_1001 = arith.constant 64 : index
          %parallel_loop3A_1002 = tpu.vector_load %arg15[%parallel_loop3A_1000, %parallel_loop3A_1001] {strides = array<i32>} : memref<40x128xf32, #tpu.memory_space<vmem>>, vector<1x16xf32>,
          %parallel_loop3A_1003 = vector.shape_cast %parallel_loop3A_1002 : vector<1x16xf32> to vector<16xf32>
          %parallel_loop3A_1004 = arith.addf %parallel_loop3A_999, %parallel_loop3A_1003 : vector<16xf32>
          %parallel_loop3A_1005 = arith.index_cast %parallel_loop3A_907 : i32 to index
          %parallel_loop3A_1006 = arith.constant 64 : index
          %parallel_loop3A_1007 = tpu.vector_load %arg17[%parallel_loop3A_1005, %parallel_loop3A_1006] {strides = array<i32>} : memref<40x128xf32, #tpu.memory_space<vmem>>, vector<1x16xf32>,
          %parallel_loop3A_1008 = vector.shape_cast %parallel_loop3A_1007 : vector<1x16xf32> to vector<16xf32>
          %parallel_loop3A_1009 = arith.addf %parallel_loop3A_1004, %parallel_loop3A_1008 : vector<16xf32>
          %parallel_loop3A_1010 = arith.constant 0.000000e+00 : f32
          %parallel_loop3A_1011 = vector.broadcast %parallel_loop3A_1010 : f32 to vector<16xf32>
          %parallel_loop3A_1012 = arith.maximumf %parallel_loop3A_1009, %parallel_loop3A_1011 : vector<16xf32>
          %parallel_loop3A_1013 = arith.index_cast %parallel_loop3A_907 : i32 to index
          %parallel_loop3A_1014 = arith.constant 64 : index
          %parallel_loop3A_1015 = tpu.vector_load %arg19[%parallel_loop3A_1013, %parallel_loop3A_1014] {strides = array<i32>} : memref<40x128xf32, #tpu.memory_space<vmem>>, vector<1x16xf32>,
          %parallel_loop3A_1016 = vector.shape_cast %parallel_loop3A_1015 : vector<1x16xf32> to vector<16xf32>
          %parallel_loop3A_1017 = vector.shape_cast %parallel_loop3A_1012 : vector<16xf32> to vector<1x16xf32>
          tpu.vector_store %arg19[%parallel_loop3A_1013, %parallel_loop3A_1014], %parallel_loop3A_1017 {strides = array<i32>} : memref<40x128xf32, #tpu.memory_space<vmem>>, vector<1x16xf32>,
          %parallel_loop3A_1018 = arith.index_cast %parallel_loop3A_907 : i32 to index
          %parallel_loop3A_1019 = arith.constant 80 : index
          %parallel_loop3A_1020 = tpu.vector_load %arg13[%parallel_loop3A_1018, %parallel_loop3A_1019] {strides = array<i32>} : memref<40x128xf32, #tpu.memory_space<vmem>>, vector<1x16xf32>,
          %parallel_loop3A_1021 = vector.shape_cast %parallel_loop3A_1020 : vector<1x16xf32> to vector<16xf32>
          %parallel_loop3A_1022 = arith.index_cast %parallel_loop3A_907 : i32 to index
          %parallel_loop3A_1023 = arith.constant 80 : index
          %parallel_loop3A_1024 = tpu.vector_load %arg15[%parallel_loop3A_1022, %parallel_loop3A_1023] {strides = array<i32>} : memref<40x128xf32, #tpu.memory_space<vmem>>, vector<1x16xf32>,
          %parallel_loop3A_1025 = vector.shape_cast %parallel_loop3A_1024 : vector<1x16xf32> to vector<16xf32>
          %parallel_loop3A_1026 = arith.addf %parallel_loop3A_1021, %parallel_loop3A_1025 : vector<16xf32>
          %parallel_loop3A_1027 = arith.index_cast %parallel_loop3A_907 : i32 to index
          %parallel_loop3A_1028 = arith.constant 80 : index
          %parallel_loop3A_1029 = tpu.vector_load %arg17[%parallel_loop3A_1027, %parallel_loop3A_1028] {strides = array<i32>} : memref<40x128xf32, #tpu.memory_space<vmem>>, vector<1x16xf32>,
          %parallel_loop3A_1030 = vector.shape_cast %parallel_loop3A_1029 : vector<1x16xf32> to vector<16xf32>
          %parallel_loop3A_1031 = arith.addf %parallel_loop3A_1026, %parallel_loop3A_1030 : vector<16xf32>
          %parallel_loop3A_1032 = arith.constant 0.000000e+00 : f32
          %parallel_loop3A_1033 = vector.broadcast %parallel_loop3A_1032 : f32 to vector<16xf32>
          %parallel_loop3A_1034 = arith.maximumf %parallel_loop3A_1031, %parallel_loop3A_1033 : vector<16xf32>
          %parallel_loop3A_1035 = arith.index_cast %parallel_loop3A_907 : i32 to index
          %parallel_loop3A_1036 = arith.constant 80 : index
          %parallel_loop3A_1037 = tpu.vector_load %arg19[%parallel_loop3A_1035, %parallel_loop3A_1036] {strides = array<i32>} : memref<40x128xf32, #tpu.memory_space<vmem>>, vector<1x16xf32>,
          %parallel_loop3A_1038 = vector.shape_cast %parallel_loop3A_1037 : vector<1x16xf32> to vector<16xf32>
          %parallel_loop3A_1039 = vector.shape_cast %parallel_loop3A_1034 : vector<16xf32> to vector<1x16xf32>
          tpu.vector_store %arg19[%parallel_loop3A_1035, %parallel_loop3A_1036], %parallel_loop3A_1039 {strides = array<i32>} : memref<40x128xf32, #tpu.memory_space<vmem>>, vector<1x16xf32>,
          %parallel_loop3A_1040 = arith.index_cast %parallel_loop3A_907 : i32 to index
          %parallel_loop3A_1041 = arith.constant 96 : index
          %parallel_loop3A_1042 = tpu.vector_load %arg13[%parallel_loop3A_1040, %parallel_loop3A_1041] {strides = array<i32>} : memref<40x128xf32, #tpu.memory_space<vmem>>, vector<1x16xf32>,
          %parallel_loop3A_1043 = vector.shape_cast %parallel_loop3A_1042 : vector<1x16xf32> to vector<16xf32>
          %parallel_loop3A_1044 = arith.index_cast %parallel_loop3A_907 : i32 to index
          %parallel_loop3A_1045 = arith.constant 96 : index
          %parallel_loop3A_1046 = tpu.vector_load %arg15[%parallel_loop3A_1044, %parallel_loop3A_1045] {strides = array<i32>} : memref<40x128xf32, #tpu.memory_space<vmem>>, vector<1x16xf32>,
          %parallel_loop3A_1047 = vector.shape_cast %parallel_loop3A_1046 : vector<1x16xf32> to vector<16xf32>
          %parallel_loop3A_1048 = arith.addf %parallel_loop3A_1043, %parallel_loop3A_1047 : vector<16xf32>
          %parallel_loop3A_1049 = arith.index_cast %parallel_loop3A_907 : i32 to index
          %parallel_loop3A_1050 = arith.constant 96 : index
          %parallel_loop3A_1051 = tpu.vector_load %arg17[%parallel_loop3A_1049, %parallel_loop3A_1050] {strides = array<i32>} : memref<40x128xf32, #tpu.memory_space<vmem>>, vector<1x16xf32>,
          %parallel_loop3A_1052 = vector.shape_cast %parallel_loop3A_1051 : vector<1x16xf32> to vector<16xf32>
          %parallel_loop3A_1053 = arith.addf %parallel_loop3A_1048, %parallel_loop3A_1052 : vector<16xf32>
          %parallel_loop3A_1054 = arith.constant 0.000000e+00 : f32
          %parallel_loop3A_1055 = vector.broadcast %parallel_loop3A_1054 : f32 to vector<16xf32>
          %parallel_loop3A_1056 = arith.maximumf %parallel_loop3A_1053, %parallel_loop3A_1055 : vector<16xf32>
          %parallel_loop3A_1057 = arith.index_cast %parallel_loop3A_907 : i32 to index
          %parallel_loop3A_1058 = arith.constant 96 : index
          %parallel_loop3A_1059 = tpu.vector_load %arg19[%parallel_loop3A_1057, %parallel_loop3A_1058] {strides = array<i32>} : memref<40x128xf32, #tpu.memory_space<vmem>>, vector<1x16xf32>,
          %parallel_loop3A_1060 = vector.shape_cast %parallel_loop3A_1059 : vector<1x16xf32> to vector<16xf32>
          %parallel_loop3A_1061 = vector.shape_cast %parallel_loop3A_1056 : vector<16xf32> to vector<1x16xf32>
          tpu.vector_store %arg19[%parallel_loop3A_1057, %parallel_loop3A_1058], %parallel_loop3A_1061 {strides = array<i32>} : memref<40x128xf32, #tpu.memory_space<vmem>>, vector<1x16xf32>,
          %parallel_loop3A_1062 = arith.index_cast %parallel_loop3A_907 : i32 to index
          %parallel_loop3A_1063 = arith.constant 112 : index
          %parallel_loop3A_1064 = tpu.vector_load %arg13[%parallel_loop3A_1062, %parallel_loop3A_1063] {strides = array<i32>} : memref<40x128xf32, #tpu.memory_space<vmem>>, vector<1x16xf32>,
          %parallel_loop3A_1065 = vector.shape_cast %parallel_loop3A_1064 : vector<1x16xf32> to vector<16xf32>
          %parallel_loop3A_1066 = arith.index_cast %parallel_loop3A_907 : i32 to index
          %parallel_loop3A_1067 = arith.constant 112 : index
          %parallel_loop3A_1068 = tpu.vector_load %arg15[%parallel_loop3A_1066, %parallel_loop3A_1067] {strides = array<i32>} : memref<40x128xf32, #tpu.memory_space<vmem>>, vector<1x16xf32>,
          %parallel_loop3A_1069 = vector.shape_cast %parallel_loop3A_1068 : vector<1x16xf32> to vector<16xf32>
          %parallel_loop3A_1070 = arith.addf %parallel_loop3A_1065, %parallel_loop3A_1069 : vector<16xf32>
          %parallel_loop3A_1071 = arith.index_cast %parallel_loop3A_907 : i32 to index
          %parallel_loop3A_1072 = arith.constant 112 : index
          %parallel_loop3A_1073 = tpu.vector_load %arg17[%parallel_loop3A_1071, %parallel_loop3A_1072] {strides = array<i32>} : memref<40x128xf32, #tpu.memory_space<vmem>>, vector<1x16xf32>,
          %parallel_loop3A_1074 = vector.shape_cast %parallel_loop3A_1073 : vector<1x16xf32> to vector<16xf32>
          %parallel_loop3A_1075 = arith.addf %parallel_loop3A_1070, %parallel_loop3A_1074 : vector<16xf32>
          %parallel_loop3A_1076 = arith.constant 0.000000e+00 : f32
          %parallel_loop3A_1077 = vector.broadcast %parallel_loop3A_1076 : f32 to vector<16xf32>
          %parallel_loop3A_1078 = arith.maximumf %parallel_loop3A_1075, %parallel_loop3A_1077 : vector<16xf32>
          %parallel_loop3A_1079 = arith.index_cast %parallel_loop3A_907 : i32 to index
          %parallel_loop3A_1080 = arith.constant 112 : index
          %parallel_loop3A_1081 = tpu.vector_load %arg19[%parallel_loop3A_1079, %parallel_loop3A_1080] {strides = array<i32>} : memref<40x128xf32, #tpu.memory_space<vmem>>, vector<1x16xf32>,
          %parallel_loop3A_1082 = vector.shape_cast %parallel_loop3A_1081 : vector<1x16xf32> to vector<16xf32>
          %parallel_loop3A_1083 = vector.shape_cast %parallel_loop3A_1078 : vector<16xf32> to vector<1x16xf32>
          tpu.vector_store %arg19[%parallel_loop3A_1079, %parallel_loop3A_1080], %parallel_loop3A_1083 {strides = array<i32>} : memref<40x128xf32, #tpu.memory_space<vmem>>, vector<1x16xf32>,
        } {sc.loop_unroll_factor = 4 : i64, sc.parallel_access}
        %add3A_883 = arith.constant 3 : i32
        %add3A_884 = arith.addi %mul3A_750, %add3A_883 : i32
        %mul3A_885 = arith.constant 40 : i32
        %mul3A_886 = arith.muli %add3A_884, %mul3A_885 : i32
        %mul3A_887 = arith.constant 40 : i32
        %mul3A_888 = arith.muli %add3A_884, %mul3A_887 : i32
        %mul3A_889 = arith.constant 40 : i32
        %mul3A_890 = arith.muli %add3A_884, %mul3A_889 : i32
        %add3A_891 = arith.addi %add3A_496, %mul3A_890 : i32
        %dma_start3A_892 = tpu.memref_slice %arg8[%mul3A_886] : memref<2000xi32, #tpu.memory_space<vmem>> -> memref<40xi32, #tpu.memory_space<vmem>>
        %dma_start3A_893 = arith.constant 0 : i32
        %dma_start3A_894 = arith.constant 0 : i32
        %dma_start3A_895 = tpu.memref_slice %arg2[%dma_start3A_893, %dma_start3A_894] : memref<10000x128xf32, #tpu.memory_space<hbm>> -> memref<10000x128xf32, #tpu.memory_space<hbm>>
        tpu.enqueue_indirect_dma source(%dma_start3A_895 : memref<10000x128xf32, #tpu.memory_space<hbm>>) target(%arg13 : memref<40x128xf32, #tpu.memory_space<vmem>>) offsets(%dma_start3A_892 : memref<40xi32, #tpu.memory_space<vmem>>) semaphore(%arg22 : memref<!tpu.dma_semaphore, #tpu.memory_space<semaphore_mem>>)
        %dma_start3A_896 = tpu.memref_slice %arg9[%mul3A_888] : memref<2000xi32, #tpu.memory_space<vmem>> -> memref<40xi32, #tpu.memory_space<vmem>>
        %dma_start3A_897 = arith.constant 0 : i32
        %dma_start3A_898 = arith.constant 0 : i32
        %dma_start3A_899 = tpu.memref_slice %arg3[%dma_start3A_897, %dma_start3A_898] : memref<10000x128xf32, #tpu.memory_space<hbm>> -> memref<10000x128xf32, #tpu.memory_space<hbm>>
        tpu.enqueue_indirect_dma source(%dma_start3A_899 : memref<10000x128xf32, #tpu.memory_space<hbm>>) target(%arg15 : memref<40x128xf32, #tpu.memory_space<vmem>>) offsets(%dma_start3A_896 : memref<40xi32, #tpu.memory_space<vmem>>) semaphore(%arg24 : memref<!tpu.dma_semaphore, #tpu.memory_space<semaphore_mem>>)
        %dma_start3A_900 = arith.constant 0 : i32
        %dma_start3A_901 = tpu.memref_slice %arg4[%add3A_891, %dma_start3A_900] : memref<320000x128xf32, #tpu.memory_space<hbm>> -> memref<40x128xf32, #tpu.memory_space<hbm>>
        %dma_start3A_902 = arith.constant 0 : i32
        %dma_start3A_903 = tpu.memref_slice %arg4[%add3A_891, %dma_start3A_902] : memref<320000x128xf32, #tpu.memory_space<hbm>> -> memref<40x128xf32, #tpu.memory_space<hbm>>
        tpu.enqueue_dma source(%dma_start3A_903 : memref<40x128xf32, #tpu.memory_space<hbm>>) target(%arg17 : memref<40x128xf32, #tpu.memory_space<vmem>>) target_semaphore(%arg26 : memref<!tpu.dma_semaphore, #tpu.memory_space<semaphore_mem>>)
        %dma_start3A_904 = arith.constant 0 : i32
        %dma_start3A_905 = arith.constant 0 : i32
        %dma_start3A_906 = tpu.memref_slice %arg20[%dma_start3A_904, %dma_start3A_905] : memref<10240x128xf32, #tpu.memory_space<vmem_shared>> -> memref<10240x128xf32, #tpu.memory_space<vmem_shared>>
        tpu.enqueue_indirect_dma source(%arg19 : memref<40x128xf32, #tpu.memory_space<vmem>>) target(%dma_start3A_906 : memref<10240x128xf32, #tpu.memory_space<vmem_shared>>) offsets(%arg11 : memref<40xi32, #tpu.memory_space<vmem>>) semaphore(%arg28 : memref<!tpu.dma_semaphore, #tpu.memory_space<semaphore_mem>>) {add = true}
      }
      %scan3A_649 = arith.constant 23 : i32
      %add3A_650 = arith.constant 1920 : i32
      %add3A_651 = arith.addi %add3A_496, %add3A_650 : i32
      %dma_wait3A_652 = arith.constant 1920 : i32
      %dma_wait3A_653 = tpu.memref_slice %arg8[%dma_wait3A_652] : memref<2000xi32, #tpu.memory_space<vmem>> -> memref<40xi32, #tpu.memory_space<vmem>>
      %dma_wait3A_654 = arith.constant 0 : i32
      %dma_wait3A_655 = arith.constant 0 : i32
      %dma_wait3A_656 = tpu.memref_slice %arg2[%dma_wait3A_654, %dma_wait3A_655] : memref<10000x128xf32, #tpu.memory_space<hbm>> -> memref<10000x128xf32, #tpu.memory_space<hbm>>
      tpu.wait_indirect_dma semaphore(%arg21 : memref<!tpu.dma_semaphore, #tpu.memory_space<semaphore_mem>>) src(%dma_wait3A_656 : memref<10000x128xf32, #tpu.memory_space<hbm>>) dst(%arg12 : memref<40x128xf32, #tpu.memory_space<vmem>>)
      %dma_wait3A_657 = arith.constant 1920 : i32
      %dma_wait3A_658 = tpu.memref_slice %arg9[%dma_wait3A_657] : memref<2000xi32, #tpu.memory_space<vmem>> -> memref<40xi32, #tpu.memory_space<vmem>>
      %dma_wait3A_659 = arith.constant 0 : i32
      %dma_wait3A_660 = arith.constant 0 : i32
      %dma_wait3A_661 = tpu.memref_slice %arg3[%dma_wait3A_659, %dma_wait3A_660] : memref<10000x128xf32, #tpu.memory_space<hbm>> -> memref<10000x128xf32, #tpu.memory_space<hbm>>
      tpu.wait_indirect_dma semaphore(%arg23 : memref<!tpu.dma_semaphore, #tpu.memory_space<semaphore_mem>>) src(%dma_wait3A_661 : memref<10000x128xf32, #tpu.memory_space<hbm>>) dst(%arg14 : memref<40x128xf32, #tpu.memory_space<vmem>>)
      %dma_wait3A_662 = arith.constant 0 : i32
      %dma_wait3A_663 = tpu.memref_slice %arg4[%add3A_651, %dma_wait3A_662] : memref<320000x128xf32, #tpu.memory_space<hbm>> -> memref<40x128xf32, #tpu.memory_space<hbm>>
      %dma_wait3A_664 = arith.constant 0 : i32
      %dma_wait3A_665 = tpu.memref_slice %arg4[%add3A_651, %dma_wait3A_664] : memref<320000x128xf32, #tpu.memory_space<hbm>> -> memref<40x128xf32, #tpu.memory_space<hbm>>
      tpu.wait_dma2 semaphore(%arg25 : memref<!tpu.dma_semaphore, #tpu.memory_space<semaphore_mem>>) src(%dma_wait3A_665 : memref<40x128xf32, #tpu.memory_space<hbm>>) dst(%arg16 : memref<40x128xf32, #tpu.memory_space<vmem>>)
      %dma_wait3A_666 = arith.constant 0 : i32
      %dma_wait3A_667 = arith.constant 0 : i32
      %dma_wait3A_668 = tpu.memref_slice %arg20[%dma_wait3A_666, %dma_wait3A_667] : memref<10240x128xf32, #tpu.memory_space<vmem_shared>> -> memref<10240x128xf32, #tpu.memory_space<vmem_shared>>
      tpu.wait_indirect_dma semaphore(%arg27 : memref<!tpu.dma_semaphore, #tpu.memory_space<semaphore_mem>>) src(%arg18 : memref<40x128xf32, #tpu.memory_space<vmem>>) dst(%dma_wait3A_668 : memref<10240x128xf32, #tpu.memory_space<vmem_shared>>)
      %get3A_669 = arith.constant 1920 : index
      %get3A_670 = tpu.vector_load %arg9[%get3A_669] {strides = array<i32>} : memref<2000xi32, #tpu.memory_space<vmem>>, vector<16xi32>,
      %get3A_671 = vector.shape_cast %get3A_670 : vector<16xi32> to vector<16xi32>
      %swap3A_672 = arith.constant 0 : index
      %swap3A_673 = tpu.vector_load %arg10[%swap3A_672] {strides = array<i32>} : memref<40xi32, #tpu.memory_space<vmem>>, vector<16xi32>,
      %swap3A_674 = vector.shape_cast %swap3A_673 : vector<16xi32> to vector<16xi32>
      %swap3A_675 = vector.shape_cast %get3A_671 : vector<16xi32> to vector<16xi32>
      tpu.vector_store %arg10[%swap3A_672], %swap3A_675 {strides = array<i32>} : memref<40xi32, #tpu.memory_space<vmem>>, vector<16xi32>,
      %get3A_676 = arith.constant 1936 : index
      %get3A_677 = tpu.vector_load %arg9[%get3A_676] {strides = array<i32>} : memref<2000xi32, #tpu.memory_space<vmem>>, vector<16xi32>,
      %get3A_678 = vector.shape_cast %get3A_677 : vector<16xi32> to vector<16xi32>
      %swap3A_679 = arith.constant 16 : index
      %swap3A_680 = tpu.vector_load %arg10[%swap3A_679] {strides = array<i32>} : memref<40xi32, #tpu.memory_space<vmem>>, vector<16xi32>,
      %swap3A_681 = vector.shape_cast %swap3A_680 : vector<16xi32> to vector<16xi32>
      %swap3A_682 = vector.shape_cast %get3A_678 : vector<16xi32> to vector<16xi32>
      tpu.vector_store %arg10[%swap3A_679], %swap3A_682 {strides = array<i32>} : memref<40xi32, #tpu.memory_space<vmem>>, vector<16xi32>,
      %get3A_683 = arith.constant 1944 : index
      %get3A_684 = tpu.vector_load %arg9[%get3A_683] {strides = array<i32>} : memref<2000xi32, #tpu.memory_space<vmem>>, vector<16xi32>,
      %get3A_685 = vector.shape_cast %get3A_684 : vector<16xi32> to vector<16xi32>
      %swap3A_686 = arith.constant 24 : index
      %swap3A_687 = tpu.vector_load %arg10[%swap3A_686] {strides = array<i32>} : memref<40xi32, #tpu.memory_space<vmem>>, vector<16xi32>,
      %swap3A_688 = vector.shape_cast %swap3A_687 : vector<16xi32> to vector<16xi32>
      %swap3A_689 = vector.shape_cast %get3A_685 : vector<16xi32> to vector<16xi32>
      tpu.vector_store %arg10[%swap3A_686], %swap3A_689 {strides = array<i32>} : memref<40xi32, #tpu.memory_space<vmem>>, vector<16xi32>,
      %parallel_loop3A_690 = arith.constant 0 : i32
      %parallel_loop3A_691 = arith.constant 40 : i32
      %parallel_loop3A_692 = arith.constant 1 : i32
      scf.for %parallel_loop3A_748 = %parallel_loop3A_690 to %parallel_loop3A_691 step %parallel_loop3A_692  : i32 {
        %parallel_loop3A_749 = arith.index_cast %parallel_loop3A_748 : i32 to index
        %parallel_loop3A_750 = arith.constant 0 : index
        %parallel_loop3A_751 = tpu.vector_load %arg12[%parallel_loop3A_749, %parallel_loop3A_750] {strides = array<i32>} : memref<40x128xf32, #tpu.memory_space<vmem>>, vector<1x16xf32>,
        %parallel_loop3A_752 = vector.shape_cast %parallel_loop3A_751 : vector<1x16xf32> to vector<16xf32>
        %parallel_loop3A_753 = arith.index_cast %parallel_loop3A_748 : i32 to index
        %parallel_loop3A_754 = arith.constant 0 : index
        %parallel_loop3A_755 = tpu.vector_load %arg14[%parallel_loop3A_753, %parallel_loop3A_754] {strides = array<i32>} : memref<40x128xf32, #tpu.memory_space<vmem>>, vector<1x16xf32>,
        %parallel_loop3A_756 = vector.shape_cast %parallel_loop3A_755 : vector<1x16xf32> to vector<16xf32>
        %parallel_loop3A_757 = arith.addf %parallel_loop3A_752, %parallel_loop3A_756 : vector<16xf32>
        %parallel_loop3A_758 = arith.index_cast %parallel_loop3A_748 : i32 to index
        %parallel_loop3A_759 = arith.constant 0 : index
        %parallel_loop3A_760 = tpu.vector_load %arg16[%parallel_loop3A_758, %parallel_loop3A_759] {strides = array<i32>} : memref<40x128xf32, #tpu.memory_space<vmem>>, vector<1x16xf32>,
        %parallel_loop3A_761 = vector.shape_cast %parallel_loop3A_760 : vector<1x16xf32> to vector<16xf32>
        %parallel_loop3A_762 = arith.addf %parallel_loop3A_757, %parallel_loop3A_761 : vector<16xf32>
        %parallel_loop3A_763 = arith.constant 0.000000e+00 : f32
        %parallel_loop3A_764 = vector.broadcast %parallel_loop3A_763 : f32 to vector<16xf32>
        %parallel_loop3A_765 = arith.maximumf %parallel_loop3A_762, %parallel_loop3A_764 : vector<16xf32>
        %parallel_loop3A_766 = arith.index_cast %parallel_loop3A_748 : i32 to index
        %parallel_loop3A_767 = arith.constant 0 : index
        %parallel_loop3A_768 = tpu.vector_load %arg18[%parallel_loop3A_766, %parallel_loop3A_767] {strides = array<i32>} : memref<40x128xf32, #tpu.memory_space<vmem>>, vector<1x16xf32>,
        %parallel_loop3A_769 = vector.shape_cast %parallel_loop3A_768 : vector<1x16xf32> to vector<16xf32>
        %parallel_loop3A_770 = vector.shape_cast %parallel_loop3A_765 : vector<16xf32> to vector<1x16xf32>
        tpu.vector_store %arg18[%parallel_loop3A_766, %parallel_loop3A_767], %parallel_loop3A_770 {strides = array<i32>} : memref<40x128xf32, #tpu.memory_space<vmem>>, vector<1x16xf32>,
        %parallel_loop3A_771 = arith.index_cast %parallel_loop3A_748 : i32 to index
        %parallel_loop3A_772 = arith.constant 16 : index
        %parallel_loop3A_773 = tpu.vector_load %arg12[%parallel_loop3A_771, %parallel_loop3A_772] {strides = array<i32>} : memref<40x128xf32, #tpu.memory_space<vmem>>, vector<1x16xf32>,
        %parallel_loop3A_774 = vector.shape_cast %parallel_loop3A_773 : vector<1x16xf32> to vector<16xf32>
        %parallel_loop3A_775 = arith.index_cast %parallel_loop3A_748 : i32 to index
        %parallel_loop3A_776 = arith.constant 16 : index
        %parallel_loop3A_777 = tpu.vector_load %arg14[%parallel_loop3A_775, %parallel_loop3A_776] {strides = array<i32>} : memref<40x128xf32, #tpu.memory_space<vmem>>, vector<1x16xf32>,
        %parallel_loop3A_778 = vector.shape_cast %parallel_loop3A_777 : vector<1x16xf32> to vector<16xf32>
        %parallel_loop3A_779 = arith.addf %parallel_loop3A_774, %parallel_loop3A_778 : vector<16xf32>
        %parallel_loop3A_780 = arith.index_cast %parallel_loop3A_748 : i32 to index
        %parallel_loop3A_781 = arith.constant 16 : index
        %parallel_loop3A_782 = tpu.vector_load %arg16[%parallel_loop3A_780, %parallel_loop3A_781] {strides = array<i32>} : memref<40x128xf32, #tpu.memory_space<vmem>>, vector<1x16xf32>,
        %parallel_loop3A_783 = vector.shape_cast %parallel_loop3A_782 : vector<1x16xf32> to vector<16xf32>
        %parallel_loop3A_784 = arith.addf %parallel_loop3A_779, %parallel_loop3A_783 : vector<16xf32>
        %parallel_loop3A_785 = arith.constant 0.000000e+00 : f32
        %parallel_loop3A_786 = vector.broadcast %parallel_loop3A_785 : f32 to vector<16xf32>
        %parallel_loop3A_787 = arith.maximumf %parallel_loop3A_784, %parallel_loop3A_786 : vector<16xf32>
        %parallel_loop3A_788 = arith.index_cast %parallel_loop3A_748 : i32 to index
        %parallel_loop3A_789 = arith.constant 16 : index
        %parallel_loop3A_790 = tpu.vector_load %arg18[%parallel_loop3A_788, %parallel_loop3A_789] {strides = array<i32>} : memref<40x128xf32, #tpu.memory_space<vmem>>, vector<1x16xf32>,
        %parallel_loop3A_791 = vector.shape_cast %parallel_loop3A_790 : vector<1x16xf32> to vector<16xf32>
        %parallel_loop3A_792 = vector.shape_cast %parallel_loop3A_787 : vector<16xf32> to vector<1x16xf32>
        tpu.vector_store %arg18[%parallel_loop3A_788, %parallel_loop3A_789], %parallel_loop3A_792 {strides = array<i32>} : memref<40x128xf32, #tpu.memory_space<vmem>>, vector<1x16xf32>,
        %parallel_loop3A_793 = arith.index_cast %parallel_loop3A_748 : i32 to index
        %parallel_loop3A_794 = arith.constant 32 : index
        %parallel_loop3A_795 = tpu.vector_load %arg12[%parallel_loop3A_793, %parallel_loop3A_794] {strides = array<i32>} : memref<40x128xf32, #tpu.memory_space<vmem>>, vector<1x16xf32>,
        %parallel_loop3A_796 = vector.shape_cast %parallel_loop3A_795 : vector<1x16xf32> to vector<16xf32>
        %parallel_loop3A_797 = arith.index_cast %parallel_loop3A_748 : i32 to index
        %parallel_loop3A_798 = arith.constant 32 : index
        %parallel_loop3A_799 = tpu.vector_load %arg14[%parallel_loop3A_797, %parallel_loop3A_798] {strides = array<i32>} : memref<40x128xf32, #tpu.memory_space<vmem>>, vector<1x16xf32>,
        %parallel_loop3A_800 = vector.shape_cast %parallel_loop3A_799 : vector<1x16xf32> to vector<16xf32>
        %parallel_loop3A_801 = arith.addf %parallel_loop3A_796, %parallel_loop3A_800 : vector<16xf32>
        %parallel_loop3A_802 = arith.index_cast %parallel_loop3A_748 : i32 to index
        %parallel_loop3A_803 = arith.constant 32 : index
        %parallel_loop3A_804 = tpu.vector_load %arg16[%parallel_loop3A_802, %parallel_loop3A_803] {strides = array<i32>} : memref<40x128xf32, #tpu.memory_space<vmem>>, vector<1x16xf32>,
        %parallel_loop3A_805 = vector.shape_cast %parallel_loop3A_804 : vector<1x16xf32> to vector<16xf32>
        %parallel_loop3A_806 = arith.addf %parallel_loop3A_801, %parallel_loop3A_805 : vector<16xf32>
        %parallel_loop3A_807 = arith.constant 0.000000e+00 : f32
        %parallel_loop3A_808 = vector.broadcast %parallel_loop3A_807 : f32 to vector<16xf32>
        %parallel_loop3A_809 = arith.maximumf %parallel_loop3A_806, %parallel_loop3A_808 : vector<16xf32>
        %parallel_loop3A_810 = arith.index_cast %parallel_loop3A_748 : i32 to index
        %parallel_loop3A_811 = arith.constant 32 : index
        %parallel_loop3A_812 = tpu.vector_load %arg18[%parallel_loop3A_810, %parallel_loop3A_811] {strides = array<i32>} : memref<40x128xf32, #tpu.memory_space<vmem>>, vector<1x16xf32>,
        %parallel_loop3A_813 = vector.shape_cast %parallel_loop3A_812 : vector<1x16xf32> to vector<16xf32>
        %parallel_loop3A_814 = vector.shape_cast %parallel_loop3A_809 : vector<16xf32> to vector<1x16xf32>
        tpu.vector_store %arg18[%parallel_loop3A_810, %parallel_loop3A_811], %parallel_loop3A_814 {strides = array<i32>} : memref<40x128xf32, #tpu.memory_space<vmem>>, vector<1x16xf32>,
        %parallel_loop3A_815 = arith.index_cast %parallel_loop3A_748 : i32 to index
        %parallel_loop3A_816 = arith.constant 48 : index
        %parallel_loop3A_817 = tpu.vector_load %arg12[%parallel_loop3A_815, %parallel_loop3A_816] {strides = array<i32>} : memref<40x128xf32, #tpu.memory_space<vmem>>, vector<1x16xf32>,
        %parallel_loop3A_818 = vector.shape_cast %parallel_loop3A_817 : vector<1x16xf32> to vector<16xf32>
        %parallel_loop3A_819 = arith.index_cast %parallel_loop3A_748 : i32 to index
        %parallel_loop3A_820 = arith.constant 48 : index
        %parallel_loop3A_821 = tpu.vector_load %arg14[%parallel_loop3A_819, %parallel_loop3A_820] {strides = array<i32>} : memref<40x128xf32, #tpu.memory_space<vmem>>, vector<1x16xf32>,
        %parallel_loop3A_822 = vector.shape_cast %parallel_loop3A_821 : vector<1x16xf32> to vector<16xf32>
        %parallel_loop3A_823 = arith.addf %parallel_loop3A_818, %parallel_loop3A_822 : vector<16xf32>
        %parallel_loop3A_824 = arith.index_cast %parallel_loop3A_748 : i32 to index
        %parallel_loop3A_825 = arith.constant 48 : index
        %parallel_loop3A_826 = tpu.vector_load %arg16[%parallel_loop3A_824, %parallel_loop3A_825] {strides = array<i32>} : memref<40x128xf32, #tpu.memory_space<vmem>>, vector<1x16xf32>,
        %parallel_loop3A_827 = vector.shape_cast %parallel_loop3A_826 : vector<1x16xf32> to vector<16xf32>
        %parallel_loop3A_828 = arith.addf %parallel_loop3A_823, %parallel_loop3A_827 : vector<16xf32>
        %parallel_loop3A_829 = arith.constant 0.000000e+00 : f32
        %parallel_loop3A_830 = vector.broadcast %parallel_loop3A_829 : f32 to vector<16xf32>
        %parallel_loop3A_831 = arith.maximumf %parallel_loop3A_828, %parallel_loop3A_830 : vector<16xf32>
        %parallel_loop3A_832 = arith.index_cast %parallel_loop3A_748 : i32 to index
        %parallel_loop3A_833 = arith.constant 48 : index
        %parallel_loop3A_834 = tpu.vector_load %arg18[%parallel_loop3A_832, %parallel_loop3A_833] {strides = array<i32>} : memref<40x128xf32, #tpu.memory_space<vmem>>, vector<1x16xf32>,
        %parallel_loop3A_835 = vector.shape_cast %parallel_loop3A_834 : vector<1x16xf32> to vector<16xf32>
        %parallel_loop3A_836 = vector.shape_cast %parallel_loop3A_831 : vector<16xf32> to vector<1x16xf32>
        tpu.vector_store %arg18[%parallel_loop3A_832, %parallel_loop3A_833], %parallel_loop3A_836 {strides = array<i32>} : memref<40x128xf32, #tpu.memory_space<vmem>>, vector<1x16xf32>,
        %parallel_loop3A_837 = arith.index_cast %parallel_loop3A_748 : i32 to index
        %parallel_loop3A_838 = arith.constant 64 : index
        %parallel_loop3A_839 = tpu.vector_load %arg12[%parallel_loop3A_837, %parallel_loop3A_838] {strides = array<i32>} : memref<40x128xf32, #tpu.memory_space<vmem>>, vector<1x16xf32>,
        %parallel_loop3A_840 = vector.shape_cast %parallel_loop3A_839 : vector<1x16xf32> to vector<16xf32>
        %parallel_loop3A_841 = arith.index_cast %parallel_loop3A_748 : i32 to index
        %parallel_loop3A_842 = arith.constant 64 : index
        %parallel_loop3A_843 = tpu.vector_load %arg14[%parallel_loop3A_841, %parallel_loop3A_842] {strides = array<i32>} : memref<40x128xf32, #tpu.memory_space<vmem>>, vector<1x16xf32>,
        %parallel_loop3A_844 = vector.shape_cast %parallel_loop3A_843 : vector<1x16xf32> to vector<16xf32>
        %parallel_loop3A_845 = arith.addf %parallel_loop3A_840, %parallel_loop3A_844 : vector<16xf32>
        %parallel_loop3A_846 = arith.index_cast %parallel_loop3A_748 : i32 to index
        %parallel_loop3A_847 = arith.constant 64 : index
        %parallel_loop3A_848 = tpu.vector_load %arg16[%parallel_loop3A_846, %parallel_loop3A_847] {strides = array<i32>} : memref<40x128xf32, #tpu.memory_space<vmem>>, vector<1x16xf32>,
        %parallel_loop3A_849 = vector.shape_cast %parallel_loop3A_848 : vector<1x16xf32> to vector<16xf32>
        %parallel_loop3A_850 = arith.addf %parallel_loop3A_845, %parallel_loop3A_849 : vector<16xf32>
        %parallel_loop3A_851 = arith.constant 0.000000e+00 : f32
        %parallel_loop3A_852 = vector.broadcast %parallel_loop3A_851 : f32 to vector<16xf32>
        %parallel_loop3A_853 = arith.maximumf %parallel_loop3A_850, %parallel_loop3A_852 : vector<16xf32>
        %parallel_loop3A_854 = arith.index_cast %parallel_loop3A_748 : i32 to index
        %parallel_loop3A_855 = arith.constant 64 : index
        %parallel_loop3A_856 = tpu.vector_load %arg18[%parallel_loop3A_854, %parallel_loop3A_855] {strides = array<i32>} : memref<40x128xf32, #tpu.memory_space<vmem>>, vector<1x16xf32>,
        %parallel_loop3A_857 = vector.shape_cast %parallel_loop3A_856 : vector<1x16xf32> to vector<16xf32>
        %parallel_loop3A_858 = vector.shape_cast %parallel_loop3A_853 : vector<16xf32> to vector<1x16xf32>
        tpu.vector_store %arg18[%parallel_loop3A_854, %parallel_loop3A_855], %parallel_loop3A_858 {strides = array<i32>} : memref<40x128xf32, #tpu.memory_space<vmem>>, vector<1x16xf32>,
        %parallel_loop3A_859 = arith.index_cast %parallel_loop3A_748 : i32 to index
        %parallel_loop3A_860 = arith.constant 80 : index
        %parallel_loop3A_861 = tpu.vector_load %arg12[%parallel_loop3A_859, %parallel_loop3A_860] {strides = array<i32>} : memref<40x128xf32, #tpu.memory_space<vmem>>, vector<1x16xf32>,
        %parallel_loop3A_862 = vector.shape_cast %parallel_loop3A_861 : vector<1x16xf32> to vector<16xf32>
        %parallel_loop3A_863 = arith.index_cast %parallel_loop3A_748 : i32 to index
        %parallel_loop3A_864 = arith.constant 80 : index
        %parallel_loop3A_865 = tpu.vector_load %arg14[%parallel_loop3A_863, %parallel_loop3A_864] {strides = array<i32>} : memref<40x128xf32, #tpu.memory_space<vmem>>, vector<1x16xf32>,
        %parallel_loop3A_866 = vector.shape_cast %parallel_loop3A_865 : vector<1x16xf32> to vector<16xf32>
        %parallel_loop3A_867 = arith.addf %parallel_loop3A_862, %parallel_loop3A_866 : vector<16xf32>
        %parallel_loop3A_868 = arith.index_cast %parallel_loop3A_748 : i32 to index
        %parallel_loop3A_869 = arith.constant 80 : index
        %parallel_loop3A_870 = tpu.vector_load %arg16[%parallel_loop3A_868, %parallel_loop3A_869] {strides = array<i32>} : memref<40x128xf32, #tpu.memory_space<vmem>>, vector<1x16xf32>,
        %parallel_loop3A_871 = vector.shape_cast %parallel_loop3A_870 : vector<1x16xf32> to vector<16xf32>
        %parallel_loop3A_872 = arith.addf %parallel_loop3A_867, %parallel_loop3A_871 : vector<16xf32>
        %parallel_loop3A_873 = arith.constant 0.000000e+00 : f32
        %parallel_loop3A_874 = vector.broadcast %parallel_loop3A_873 : f32 to vector<16xf32>
        %parallel_loop3A_875 = arith.maximumf %parallel_loop3A_872, %parallel_loop3A_874 : vector<16xf32>
        %parallel_loop3A_876 = arith.index_cast %parallel_loop3A_748 : i32 to index
        %parallel_loop3A_877 = arith.constant 80 : index
        %parallel_loop3A_878 = tpu.vector_load %arg18[%parallel_loop3A_876, %parallel_loop3A_877] {strides = array<i32>} : memref<40x128xf32, #tpu.memory_space<vmem>>, vector<1x16xf32>,
        %parallel_loop3A_879 = vector.shape_cast %parallel_loop3A_878 : vector<1x16xf32> to vector<16xf32>
        %parallel_loop3A_880 = vector.shape_cast %parallel_loop3A_875 : vector<16xf32> to vector<1x16xf32>
        tpu.vector_store %arg18[%parallel_loop3A_876, %parallel_loop3A_877], %parallel_loop3A_880 {strides = array<i32>} : memref<40x128xf32, #tpu.memory_space<vmem>>, vector<1x16xf32>,
        %parallel_loop3A_881 = arith.index_cast %parallel_loop3A_748 : i32 to index
        %parallel_loop3A_882 = arith.constant 96 : index
        %parallel_loop3A_883 = tpu.vector_load %arg12[%parallel_loop3A_881, %parallel_loop3A_882] {strides = array<i32>} : memref<40x128xf32, #tpu.memory_space<vmem>>, vector<1x16xf32>,
        %parallel_loop3A_884 = vector.shape_cast %parallel_loop3A_883 : vector<1x16xf32> to vector<16xf32>
        %parallel_loop3A_885 = arith.index_cast %parallel_loop3A_748 : i32 to index
        %parallel_loop3A_886 = arith.constant 96 : index
        %parallel_loop3A_887 = tpu.vector_load %arg14[%parallel_loop3A_885, %parallel_loop3A_886] {strides = array<i32>} : memref<40x128xf32, #tpu.memory_space<vmem>>, vector<1x16xf32>,
        %parallel_loop3A_888 = vector.shape_cast %parallel_loop3A_887 : vector<1x16xf32> to vector<16xf32>
        %parallel_loop3A_889 = arith.addf %parallel_loop3A_884, %parallel_loop3A_888 : vector<16xf32>
        %parallel_loop3A_890 = arith.index_cast %parallel_loop3A_748 : i32 to index
        %parallel_loop3A_891 = arith.constant 96 : index
        %parallel_loop3A_892 = tpu.vector_load %arg16[%parallel_loop3A_890, %parallel_loop3A_891] {strides = array<i32>} : memref<40x128xf32, #tpu.memory_space<vmem>>, vector<1x16xf32>,
        %parallel_loop3A_893 = vector.shape_cast %parallel_loop3A_892 : vector<1x16xf32> to vector<16xf32>
        %parallel_loop3A_894 = arith.addf %parallel_loop3A_889, %parallel_loop3A_893 : vector<16xf32>
        %parallel_loop3A_895 = arith.constant 0.000000e+00 : f32
        %parallel_loop3A_896 = vector.broadcast %parallel_loop3A_895 : f32 to vector<16xf32>
        %parallel_loop3A_897 = arith.maximumf %parallel_loop3A_894, %parallel_loop3A_896 : vector<16xf32>
        %parallel_loop3A_898 = arith.index_cast %parallel_loop3A_748 : i32 to index
        %parallel_loop3A_899 = arith.constant 96 : index
        %parallel_loop3A_900 = tpu.vector_load %arg18[%parallel_loop3A_898, %parallel_loop3A_899] {strides = array<i32>} : memref<40x128xf32, #tpu.memory_space<vmem>>, vector<1x16xf32>,
        %parallel_loop3A_901 = vector.shape_cast %parallel_loop3A_900 : vector<1x16xf32> to vector<16xf32>
        %parallel_loop3A_902 = vector.shape_cast %parallel_loop3A_897 : vector<16xf32> to vector<1x16xf32>
        tpu.vector_store %arg18[%parallel_loop3A_898, %parallel_loop3A_899], %parallel_loop3A_902 {strides = array<i32>} : memref<40x128xf32, #tpu.memory_space<vmem>>, vector<1x16xf32>,
        %parallel_loop3A_903 = arith.index_cast %parallel_loop3A_748 : i32 to index
        %parallel_loop3A_904 = arith.constant 112 : index
        %parallel_loop3A_905 = tpu.vector_load %arg12[%parallel_loop3A_903, %parallel_loop3A_904] {strides = array<i32>} : memref<40x128xf32, #tpu.memory_space<vmem>>, vector<1x16xf32>,
        %parallel_loop3A_906 = vector.shape_cast %parallel_loop3A_905 : vector<1x16xf32> to vector<16xf32>
        %parallel_loop3A_907 = arith.index_cast %parallel_loop3A_748 : i32 to index
        %parallel_loop3A_908 = arith.constant 112 : index
        %parallel_loop3A_909 = tpu.vector_load %arg14[%parallel_loop3A_907, %parallel_loop3A_908] {strides = array<i32>} : memref<40x128xf32, #tpu.memory_space<vmem>>, vector<1x16xf32>,
        %parallel_loop3A_910 = vector.shape_cast %parallel_loop3A_909 : vector<1x16xf32> to vector<16xf32>
        %parallel_loop3A_911 = arith.addf %parallel_loop3A_906, %parallel_loop3A_910 : vector<16xf32>
        %parallel_loop3A_912 = arith.index_cast %parallel_loop3A_748 : i32 to index
        %parallel_loop3A_913 = arith.constant 112 : index
        %parallel_loop3A_914 = tpu.vector_load %arg16[%parallel_loop3A_912, %parallel_loop3A_913] {strides = array<i32>} : memref<40x128xf32, #tpu.memory_space<vmem>>, vector<1x16xf32>,
        %parallel_loop3A_915 = vector.shape_cast %parallel_loop3A_914 : vector<1x16xf32> to vector<16xf32>
        %parallel_loop3A_916 = arith.addf %parallel_loop3A_911, %parallel_loop3A_915 : vector<16xf32>
        %parallel_loop3A_917 = arith.constant 0.000000e+00 : f32
        %parallel_loop3A_918 = vector.broadcast %parallel_loop3A_917 : f32 to vector<16xf32>
        %parallel_loop3A_919 = arith.maximumf %parallel_loop3A_916, %parallel_loop3A_918 : vector<16xf32>
        %parallel_loop3A_920 = arith.index_cast %parallel_loop3A_748 : i32 to index
        %parallel_loop3A_921 = arith.constant 112 : index
        %parallel_loop3A_922 = tpu.vector_load %arg18[%parallel_loop3A_920, %parallel_loop3A_921] {strides = array<i32>} : memref<40x128xf32, #tpu.memory_space<vmem>>, vector<1x16xf32>,
        %parallel_loop3A_923 = vector.shape_cast %parallel_loop3A_922 : vector<1x16xf32> to vector<16xf32>
        %parallel_loop3A_924 = vector.shape_cast %parallel_loop3A_919 : vector<16xf32> to vector<1x16xf32>
        tpu.vector_store %arg18[%parallel_loop3A_920, %parallel_loop3A_921], %parallel_loop3A_924 {strides = array<i32>} : memref<40x128xf32, #tpu.memory_space<vmem>>, vector<1x16xf32>,
      } {sc.loop_unroll_factor = 4 : i64, sc.parallel_access}
      %dma_start3A_693 = arith.constant 0 : i32
      %dma_start3A_694 = arith.constant 0 : i32
      %dma_start3A_695 = tpu.memref_slice %arg20[%dma_start3A_693, %dma_start3A_694] : memref<10240x128xf32, #tpu.memory_space<vmem_shared>> -> memref<10240x128xf32, #tpu.memory_space<vmem_shared>>
      tpu.enqueue_indirect_dma source(%arg18 : memref<40x128xf32, #tpu.memory_space<vmem>>) target(%dma_start3A_695 : memref<10240x128xf32, #tpu.memory_space<vmem_shared>>) offsets(%arg10 : memref<40xi32, #tpu.memory_space<vmem>>) semaphore(%arg27 : memref<!tpu.dma_semaphore, #tpu.memory_space<semaphore_mem>>) {add = true}
      %add3A_696 = arith.constant 1960 : i32
      %add3A_697 = arith.addi %add3A_496, %add3A_696 : i32
      %dma_wait3A_698 = arith.constant 1960 : i32
      %dma_wait3A_699 = tpu.memref_slice %arg8[%dma_wait3A_698] : memref<2000xi32, #tpu.memory_space<vmem>> -> memref<40xi32, #tpu.memory_space<vmem>>
      %dma_wait3A_700 = arith.constant 0 : i32
      %dma_wait3A_701 = arith.constant 0 : i32
      %dma_wait3A_702 = tpu.memref_slice %arg2[%dma_wait3A_700, %dma_wait3A_701] : memref<10000x128xf32, #tpu.memory_space<hbm>> -> memref<10000x128xf32, #tpu.memory_space<hbm>>
      tpu.wait_indirect_dma semaphore(%arg22 : memref<!tpu.dma_semaphore, #tpu.memory_space<semaphore_mem>>) src(%dma_wait3A_702 : memref<10000x128xf32, #tpu.memory_space<hbm>>) dst(%arg13 : memref<40x128xf32, #tpu.memory_space<vmem>>)
      %dma_wait3A_703 = arith.constant 1960 : i32
      %dma_wait3A_704 = tpu.memref_slice %arg9[%dma_wait3A_703] : memref<2000xi32, #tpu.memory_space<vmem>> -> memref<40xi32, #tpu.memory_space<vmem>>
      %dma_wait3A_705 = arith.constant 0 : i32
      %dma_wait3A_706 = arith.constant 0 : i32
      %dma_wait3A_707 = tpu.memref_slice %arg3[%dma_wait3A_705, %dma_wait3A_706] : memref<10000x128xf32, #tpu.memory_space<hbm>> -> memref<10000x128xf32, #tpu.memory_space<hbm>>
      tpu.wait_indirect_dma semaphore(%arg24 : memref<!tpu.dma_semaphore, #tpu.memory_space<semaphore_mem>>) src(%dma_wait3A_707 : memref<10000x128xf32, #tpu.memory_space<hbm>>) dst(%arg15 : memref<40x128xf32, #tpu.memory_space<vmem>>)
      %dma_wait3A_708 = arith.constant 0 : i32
      %dma_wait3A_709 = tpu.memref_slice %arg4[%add3A_697, %dma_wait3A_708] : memref<320000x128xf32, #tpu.memory_space<hbm>> -> memref<40x128xf32, #tpu.memory_space<hbm>>
      %dma_wait3A_710 = arith.constant 0 : i32
      %dma_wait3A_711 = tpu.memref_slice %arg4[%add3A_697, %dma_wait3A_710] : memref<320000x128xf32, #tpu.memory_space<hbm>> -> memref<40x128xf32, #tpu.memory_space<hbm>>
      tpu.wait_dma2 semaphore(%arg26 : memref<!tpu.dma_semaphore, #tpu.memory_space<semaphore_mem>>) src(%dma_wait3A_711 : memref<40x128xf32, #tpu.memory_space<hbm>>) dst(%arg17 : memref<40x128xf32, #tpu.memory_space<vmem>>)
      %dma_wait3A_712 = arith.constant 0 : i32
      %dma_wait3A_713 = arith.constant 0 : i32
      %dma_wait3A_714 = tpu.memref_slice %arg20[%dma_wait3A_712, %dma_wait3A_713] : memref<10240x128xf32, #tpu.memory_space<vmem_shared>> -> memref<10240x128xf32, #tpu.memory_space<vmem_shared>>
      tpu.wait_indirect_dma semaphore(%arg28 : memref<!tpu.dma_semaphore, #tpu.memory_space<semaphore_mem>>) src(%arg19 : memref<40x128xf32, #tpu.memory_space<vmem>>) dst(%dma_wait3A_714 : memref<10240x128xf32, #tpu.memory_space<vmem_shared>>)
      %get3A_715 = arith.constant 1960 : index
      %get3A_716 = tpu.vector_load %arg9[%get3A_715] {strides = array<i32>} : memref<2000xi32, #tpu.memory_space<vmem>>, vector<16xi32>,
      %get3A_717 = vector.shape_cast %get3A_716 : vector<16xi32> to vector<16xi32>
      %swap3A_718 = arith.constant 0 : index
      %swap3A_719 = tpu.vector_load %arg11[%swap3A_718] {strides = array<i32>} : memref<40xi32, #tpu.memory_space<vmem>>, vector<16xi32>,
      %swap3A_720 = vector.shape_cast %swap3A_719 : vector<16xi32> to vector<16xi32>
      %swap3A_721 = vector.shape_cast %get3A_717 : vector<16xi32> to vector<16xi32>
      tpu.vector_store %arg11[%swap3A_718], %swap3A_721 {strides = array<i32>} : memref<40xi32, #tpu.memory_space<vmem>>, vector<16xi32>,
      %get3A_722 = arith.constant 1976 : index
      %get3A_723 = tpu.vector_load %arg9[%get3A_722] {strides = array<i32>} : memref<2000xi32, #tpu.memory_space<vmem>>, vector<16xi32>,
      %get3A_724 = vector.shape_cast %get3A_723 : vector<16xi32> to vector<16xi32>
      %swap3A_725 = arith.constant 16 : index
      %swap3A_726 = tpu.vector_load %arg11[%swap3A_725] {strides = array<i32>} : memref<40xi32, #tpu.memory_space<vmem>>, vector<16xi32>,
      %swap3A_727 = vector.shape_cast %swap3A_726 : vector<16xi32> to vector<16xi32>
      %swap3A_728 = vector.shape_cast %get3A_724 : vector<16xi32> to vector<16xi32>
      tpu.vector_store %arg11[%swap3A_725], %swap3A_728 {strides = array<i32>} : memref<40xi32, #tpu.memory_space<vmem>>, vector<16xi32>,
      %get3A_729 = arith.constant 1984 : index
      %get3A_730 = tpu.vector_load %arg9[%get3A_729] {strides = array<i32>} : memref<2000xi32, #tpu.memory_space<vmem>>, vector<16xi32>,
      %get3A_731 = vector.shape_cast %get3A_730 : vector<16xi32> to vector<16xi32>
      %swap3A_732 = arith.constant 24 : index
      %swap3A_733 = tpu.vector_load %arg11[%swap3A_732] {strides = array<i32>} : memref<40xi32, #tpu.memory_space<vmem>>, vector<16xi32>,
      %swap3A_734 = vector.shape_cast %swap3A_733 : vector<16xi32> to vector<16xi32>
      %swap3A_735 = vector.shape_cast %get3A_731 : vector<16xi32> to vector<16xi32>
      tpu.vector_store %arg11[%swap3A_732], %swap3A_735 {strides = array<i32>} : memref<40xi32, #tpu.memory_space<vmem>>, vector<16xi32>,
      %parallel_loop3A_736 = arith.constant 0 : i32
      %parallel_loop3A_737 = arith.constant 40 : i32
      %parallel_loop3A_738 = arith.constant 1 : i32
      scf.for %parallel_loop3A_748 = %parallel_loop3A_736 to %parallel_loop3A_737 step %parallel_loop3A_738  : i32 {
        %parallel_loop3A_749 = arith.index_cast %parallel_loop3A_748 : i32 to index
        %parallel_loop3A_750 = arith.constant 0 : index
        %parallel_loop3A_751 = tpu.vector_load %arg13[%parallel_loop3A_749, %parallel_loop3A_750] {strides = array<i32>} : memref<40x128xf32, #tpu.memory_space<vmem>>, vector<1x16xf32>,
        %parallel_loop3A_752 = vector.shape_cast %parallel_loop3A_751 : vector<1x16xf32> to vector<16xf32>
        %parallel_loop3A_753 = arith.index_cast %parallel_loop3A_748 : i32 to index
        %parallel_loop3A_754 = arith.constant 0 : index
        %parallel_loop3A_755 = tpu.vector_load %arg15[%parallel_loop3A_753, %parallel_loop3A_754] {strides = array<i32>} : memref<40x128xf32, #tpu.memory_space<vmem>>, vector<1x16xf32>,
        %parallel_loop3A_756 = vector.shape_cast %parallel_loop3A_755 : vector<1x16xf32> to vector<16xf32>
        %parallel_loop3A_757 = arith.addf %parallel_loop3A_752, %parallel_loop3A_756 : vector<16xf32>
        %parallel_loop3A_758 = arith.index_cast %parallel_loop3A_748 : i32 to index
        %parallel_loop3A_759 = arith.constant 0 : index
        %parallel_loop3A_760 = tpu.vector_load %arg17[%parallel_loop3A_758, %parallel_loop3A_759] {strides = array<i32>} : memref<40x128xf32, #tpu.memory_space<vmem>>, vector<1x16xf32>,
        %parallel_loop3A_761 = vector.shape_cast %parallel_loop3A_760 : vector<1x16xf32> to vector<16xf32>
        %parallel_loop3A_762 = arith.addf %parallel_loop3A_757, %parallel_loop3A_761 : vector<16xf32>
        %parallel_loop3A_763 = arith.constant 0.000000e+00 : f32
        %parallel_loop3A_764 = vector.broadcast %parallel_loop3A_763 : f32 to vector<16xf32>
        %parallel_loop3A_765 = arith.maximumf %parallel_loop3A_762, %parallel_loop3A_764 : vector<16xf32>
        %parallel_loop3A_766 = arith.index_cast %parallel_loop3A_748 : i32 to index
        %parallel_loop3A_767 = arith.constant 0 : index
        %parallel_loop3A_768 = tpu.vector_load %arg19[%parallel_loop3A_766, %parallel_loop3A_767] {strides = array<i32>} : memref<40x128xf32, #tpu.memory_space<vmem>>, vector<1x16xf32>,
        %parallel_loop3A_769 = vector.shape_cast %parallel_loop3A_768 : vector<1x16xf32> to vector<16xf32>
        %parallel_loop3A_770 = vector.shape_cast %parallel_loop3A_765 : vector<16xf32> to vector<1x16xf32>
        tpu.vector_store %arg19[%parallel_loop3A_766, %parallel_loop3A_767], %parallel_loop3A_770 {strides = array<i32>} : memref<40x128xf32, #tpu.memory_space<vmem>>, vector<1x16xf32>,
        %parallel_loop3A_771 = arith.index_cast %parallel_loop3A_748 : i32 to index
        %parallel_loop3A_772 = arith.constant 16 : index
        %parallel_loop3A_773 = tpu.vector_load %arg13[%parallel_loop3A_771, %parallel_loop3A_772] {strides = array<i32>} : memref<40x128xf32, #tpu.memory_space<vmem>>, vector<1x16xf32>,
        %parallel_loop3A_774 = vector.shape_cast %parallel_loop3A_773 : vector<1x16xf32> to vector<16xf32>
        %parallel_loop3A_775 = arith.index_cast %parallel_loop3A_748 : i32 to index
        %parallel_loop3A_776 = arith.constant 16 : index
        %parallel_loop3A_777 = tpu.vector_load %arg15[%parallel_loop3A_775, %parallel_loop3A_776] {strides = array<i32>} : memref<40x128xf32, #tpu.memory_space<vmem>>, vector<1x16xf32>,
        %parallel_loop3A_778 = vector.shape_cast %parallel_loop3A_777 : vector<1x16xf32> to vector<16xf32>
        %parallel_loop3A_779 = arith.addf %parallel_loop3A_774, %parallel_loop3A_778 : vector<16xf32>
        %parallel_loop3A_780 = arith.index_cast %parallel_loop3A_748 : i32 to index
        %parallel_loop3A_781 = arith.constant 16 : index
        %parallel_loop3A_782 = tpu.vector_load %arg17[%parallel_loop3A_780, %parallel_loop3A_781] {strides = array<i32>} : memref<40x128xf32, #tpu.memory_space<vmem>>, vector<1x16xf32>,
        %parallel_loop3A_783 = vector.shape_cast %parallel_loop3A_782 : vector<1x16xf32> to vector<16xf32>
        %parallel_loop3A_784 = arith.addf %parallel_loop3A_779, %parallel_loop3A_783 : vector<16xf32>
        %parallel_loop3A_785 = arith.constant 0.000000e+00 : f32
        %parallel_loop3A_786 = vector.broadcast %parallel_loop3A_785 : f32 to vector<16xf32>
        %parallel_loop3A_787 = arith.maximumf %parallel_loop3A_784, %parallel_loop3A_786 : vector<16xf32>
        %parallel_loop3A_788 = arith.index_cast %parallel_loop3A_748 : i32 to index
        %parallel_loop3A_789 = arith.constant 16 : index
        %parallel_loop3A_790 = tpu.vector_load %arg19[%parallel_loop3A_788, %parallel_loop3A_789] {strides = array<i32>} : memref<40x128xf32, #tpu.memory_space<vmem>>, vector<1x16xf32>,
        %parallel_loop3A_791 = vector.shape_cast %parallel_loop3A_790 : vector<1x16xf32> to vector<16xf32>
        %parallel_loop3A_792 = vector.shape_cast %parallel_loop3A_787 : vector<16xf32> to vector<1x16xf32>
        tpu.vector_store %arg19[%parallel_loop3A_788, %parallel_loop3A_789], %parallel_loop3A_792 {strides = array<i32>} : memref<40x128xf32, #tpu.memory_space<vmem>>, vector<1x16xf32>,
        %parallel_loop3A_793 = arith.index_cast %parallel_loop3A_748 : i32 to index
        %parallel_loop3A_794 = arith.constant 32 : index
        %parallel_loop3A_795 = tpu.vector_load %arg13[%parallel_loop3A_793, %parallel_loop3A_794] {strides = array<i32>} : memref<40x128xf32, #tpu.memory_space<vmem>>, vector<1x16xf32>,
        %parallel_loop3A_796 = vector.shape_cast %parallel_loop3A_795 : vector<1x16xf32> to vector<16xf32>
        %parallel_loop3A_797 = arith.index_cast %parallel_loop3A_748 : i32 to index
        %parallel_loop3A_798 = arith.constant 32 : index
        %parallel_loop3A_799 = tpu.vector_load %arg15[%parallel_loop3A_797, %parallel_loop3A_798] {strides = array<i32>} : memref<40x128xf32, #tpu.memory_space<vmem>>, vector<1x16xf32>,
        %parallel_loop3A_800 = vector.shape_cast %parallel_loop3A_799 : vector<1x16xf32> to vector<16xf32>
        %parallel_loop3A_801 = arith.addf %parallel_loop3A_796, %parallel_loop3A_800 : vector<16xf32>
        %parallel_loop3A_802 = arith.index_cast %parallel_loop3A_748 : i32 to index
        %parallel_loop3A_803 = arith.constant 32 : index
        %parallel_loop3A_804 = tpu.vector_load %arg17[%parallel_loop3A_802, %parallel_loop3A_803] {strides = array<i32>} : memref<40x128xf32, #tpu.memory_space<vmem>>, vector<1x16xf32>,
        %parallel_loop3A_805 = vector.shape_cast %parallel_loop3A_804 : vector<1x16xf32> to vector<16xf32>
        %parallel_loop3A_806 = arith.addf %parallel_loop3A_801, %parallel_loop3A_805 : vector<16xf32>
        %parallel_loop3A_807 = arith.constant 0.000000e+00 : f32
        %parallel_loop3A_808 = vector.broadcast %parallel_loop3A_807 : f32 to vector<16xf32>
        %parallel_loop3A_809 = arith.maximumf %parallel_loop3A_806, %parallel_loop3A_808 : vector<16xf32>
        %parallel_loop3A_810 = arith.index_cast %parallel_loop3A_748 : i32 to index
        %parallel_loop3A_811 = arith.constant 32 : index
        %parallel_loop3A_812 = tpu.vector_load %arg19[%parallel_loop3A_810, %parallel_loop3A_811] {strides = array<i32>} : memref<40x128xf32, #tpu.memory_space<vmem>>, vector<1x16xf32>,
        %parallel_loop3A_813 = vector.shape_cast %parallel_loop3A_812 : vector<1x16xf32> to vector<16xf32>
        %parallel_loop3A_814 = vector.shape_cast %parallel_loop3A_809 : vector<16xf32> to vector<1x16xf32>
        tpu.vector_store %arg19[%parallel_loop3A_810, %parallel_loop3A_811], %parallel_loop3A_814 {strides = array<i32>} : memref<40x128xf32, #tpu.memory_space<vmem>>, vector<1x16xf32>,
        %parallel_loop3A_815 = arith.index_cast %parallel_loop3A_748 : i32 to index
        %parallel_loop3A_816 = arith.constant 48 : index
        %parallel_loop3A_817 = tpu.vector_load %arg13[%parallel_loop3A_815, %parallel_loop3A_816] {strides = array<i32>} : memref<40x128xf32, #tpu.memory_space<vmem>>, vector<1x16xf32>,
        %parallel_loop3A_818 = vector.shape_cast %parallel_loop3A_817 : vector<1x16xf32> to vector<16xf32>
        %parallel_loop3A_819 = arith.index_cast %parallel_loop3A_748 : i32 to index
        %parallel_loop3A_820 = arith.constant 48 : index
        %parallel_loop3A_821 = tpu.vector_load %arg15[%parallel_loop3A_819, %parallel_loop3A_820] {strides = array<i32>} : memref<40x128xf32, #tpu.memory_space<vmem>>, vector<1x16xf32>,
        %parallel_loop3A_822 = vector.shape_cast %parallel_loop3A_821 : vector<1x16xf32> to vector<16xf32>
        %parallel_loop3A_823 = arith.addf %parallel_loop3A_818, %parallel_loop3A_822 : vector<16xf32>
        %parallel_loop3A_824 = arith.index_cast %parallel_loop3A_748 : i32 to index
        %parallel_loop3A_825 = arith.constant 48 : index
        %parallel_loop3A_826 = tpu.vector_load %arg17[%parallel_loop3A_824, %parallel_loop3A_825] {strides = array<i32>} : memref<40x128xf32, #tpu.memory_space<vmem>>, vector<1x16xf32>,
        %parallel_loop3A_827 = vector.shape_cast %parallel_loop3A_826 : vector<1x16xf32> to vector<16xf32>
        %parallel_loop3A_828 = arith.addf %parallel_loop3A_823, %parallel_loop3A_827 : vector<16xf32>
        %parallel_loop3A_829 = arith.constant 0.000000e+00 : f32
        %parallel_loop3A_830 = vector.broadcast %parallel_loop3A_829 : f32 to vector<16xf32>
        %parallel_loop3A_831 = arith.maximumf %parallel_loop3A_828, %parallel_loop3A_830 : vector<16xf32>
        %parallel_loop3A_832 = arith.index_cast %parallel_loop3A_748 : i32 to index
        %parallel_loop3A_833 = arith.constant 48 : index
        %parallel_loop3A_834 = tpu.vector_load %arg19[%parallel_loop3A_832, %parallel_loop3A_833] {strides = array<i32>} : memref<40x128xf32, #tpu.memory_space<vmem>>, vector<1x16xf32>,
        %parallel_loop3A_835 = vector.shape_cast %parallel_loop3A_834 : vector<1x16xf32> to vector<16xf32>
        %parallel_loop3A_836 = vector.shape_cast %parallel_loop3A_831 : vector<16xf32> to vector<1x16xf32>
        tpu.vector_store %arg19[%parallel_loop3A_832, %parallel_loop3A_833], %parallel_loop3A_836 {strides = array<i32>} : memref<40x128xf32, #tpu.memory_space<vmem>>, vector<1x16xf32>,
        %parallel_loop3A_837 = arith.index_cast %parallel_loop3A_748 : i32 to index
        %parallel_loop3A_838 = arith.constant 64 : index
        %parallel_loop3A_839 = tpu.vector_load %arg13[%parallel_loop3A_837, %parallel_loop3A_838] {strides = array<i32>} : memref<40x128xf32, #tpu.memory_space<vmem>>, vector<1x16xf32>,
        %parallel_loop3A_840 = vector.shape_cast %parallel_loop3A_839 : vector<1x16xf32> to vector<16xf32>
        %parallel_loop3A_841 = arith.index_cast %parallel_loop3A_748 : i32 to index
        %parallel_loop3A_842 = arith.constant 64 : index
        %parallel_loop3A_843 = tpu.vector_load %arg15[%parallel_loop3A_841, %parallel_loop3A_842] {strides = array<i32>} : memref<40x128xf32, #tpu.memory_space<vmem>>, vector<1x16xf32>,
        %parallel_loop3A_844 = vector.shape_cast %parallel_loop3A_843 : vector<1x16xf32> to vector<16xf32>
        %parallel_loop3A_845 = arith.addf %parallel_loop3A_840, %parallel_loop3A_844 : vector<16xf32>
        %parallel_loop3A_846 = arith.index_cast %parallel_loop3A_748 : i32 to index
        %parallel_loop3A_847 = arith.constant 64 : index
        %parallel_loop3A_848 = tpu.vector_load %arg17[%parallel_loop3A_846, %parallel_loop3A_847] {strides = array<i32>} : memref<40x128xf32, #tpu.memory_space<vmem>>, vector<1x16xf32>,
        %parallel_loop3A_849 = vector.shape_cast %parallel_loop3A_848 : vector<1x16xf32> to vector<16xf32>
        %parallel_loop3A_850 = arith.addf %parallel_loop3A_845, %parallel_loop3A_849 : vector<16xf32>
        %parallel_loop3A_851 = arith.constant 0.000000e+00 : f32
        %parallel_loop3A_852 = vector.broadcast %parallel_loop3A_851 : f32 to vector<16xf32>
        %parallel_loop3A_853 = arith.maximumf %parallel_loop3A_850, %parallel_loop3A_852 : vector<16xf32>
        %parallel_loop3A_854 = arith.index_cast %parallel_loop3A_748 : i32 to index
        %parallel_loop3A_855 = arith.constant 64 : index
        %parallel_loop3A_856 = tpu.vector_load %arg19[%parallel_loop3A_854, %parallel_loop3A_855] {strides = array<i32>} : memref<40x128xf32, #tpu.memory_space<vmem>>, vector<1x16xf32>,
        %parallel_loop3A_857 = vector.shape_cast %parallel_loop3A_856 : vector<1x16xf32> to vector<16xf32>
        %parallel_loop3A_858 = vector.shape_cast %parallel_loop3A_853 : vector<16xf32> to vector<1x16xf32>
        tpu.vector_store %arg19[%parallel_loop3A_854, %parallel_loop3A_855], %parallel_loop3A_858 {strides = array<i32>} : memref<40x128xf32, #tpu.memory_space<vmem>>, vector<1x16xf32>,
        %parallel_loop3A_859 = arith.index_cast %parallel_loop3A_748 : i32 to index
        %parallel_loop3A_860 = arith.constant 80 : index
        %parallel_loop3A_861 = tpu.vector_load %arg13[%parallel_loop3A_859, %parallel_loop3A_860] {strides = array<i32>} : memref<40x128xf32, #tpu.memory_space<vmem>>, vector<1x16xf32>,
        %parallel_loop3A_862 = vector.shape_cast %parallel_loop3A_861 : vector<1x16xf32> to vector<16xf32>
        %parallel_loop3A_863 = arith.index_cast %parallel_loop3A_748 : i32 to index
        %parallel_loop3A_864 = arith.constant 80 : index
        %parallel_loop3A_865 = tpu.vector_load %arg15[%parallel_loop3A_863, %parallel_loop3A_864] {strides = array<i32>} : memref<40x128xf32, #tpu.memory_space<vmem>>, vector<1x16xf32>,
        %parallel_loop3A_866 = vector.shape_cast %parallel_loop3A_865 : vector<1x16xf32> to vector<16xf32>
        %parallel_loop3A_867 = arith.addf %parallel_loop3A_862, %parallel_loop3A_866 : vector<16xf32>
        %parallel_loop3A_868 = arith.index_cast %parallel_loop3A_748 : i32 to index
        %parallel_loop3A_869 = arith.constant 80 : index
        %parallel_loop3A_870 = tpu.vector_load %arg17[%parallel_loop3A_868, %parallel_loop3A_869] {strides = array<i32>} : memref<40x128xf32, #tpu.memory_space<vmem>>, vector<1x16xf32>,
        %parallel_loop3A_871 = vector.shape_cast %parallel_loop3A_870 : vector<1x16xf32> to vector<16xf32>
        %parallel_loop3A_872 = arith.addf %parallel_loop3A_867, %parallel_loop3A_871 : vector<16xf32>
        %parallel_loop3A_873 = arith.constant 0.000000e+00 : f32
        %parallel_loop3A_874 = vector.broadcast %parallel_loop3A_873 : f32 to vector<16xf32>
        %parallel_loop3A_875 = arith.maximumf %parallel_loop3A_872, %parallel_loop3A_874 : vector<16xf32>
        %parallel_loop3A_876 = arith.index_cast %parallel_loop3A_748 : i32 to index
        %parallel_loop3A_877 = arith.constant 80 : index
        %parallel_loop3A_878 = tpu.vector_load %arg19[%parallel_loop3A_876, %parallel_loop3A_877] {strides = array<i32>} : memref<40x128xf32, #tpu.memory_space<vmem>>, vector<1x16xf32>,
        %parallel_loop3A_879 = vector.shape_cast %parallel_loop3A_878 : vector<1x16xf32> to vector<16xf32>
        %parallel_loop3A_880 = vector.shape_cast %parallel_loop3A_875 : vector<16xf32> to vector<1x16xf32>
        tpu.vector_store %arg19[%parallel_loop3A_876, %parallel_loop3A_877], %parallel_loop3A_880 {strides = array<i32>} : memref<40x128xf32, #tpu.memory_space<vmem>>, vector<1x16xf32>,
        %parallel_loop3A_881 = arith.index_cast %parallel_loop3A_748 : i32 to index
        %parallel_loop3A_882 = arith.constant 96 : index
        %parallel_loop3A_883 = tpu.vector_load %arg13[%parallel_loop3A_881, %parallel_loop3A_882] {strides = array<i32>} : memref<40x128xf32, #tpu.memory_space<vmem>>, vector<1x16xf32>,
        %parallel_loop3A_884 = vector.shape_cast %parallel_loop3A_883 : vector<1x16xf32> to vector<16xf32>
        %parallel_loop3A_885 = arith.index_cast %parallel_loop3A_748 : i32 to index
        %parallel_loop3A_886 = arith.constant 96 : index
        %parallel_loop3A_887 = tpu.vector_load %arg15[%parallel_loop3A_885, %parallel_loop3A_886] {strides = array<i32>} : memref<40x128xf32, #tpu.memory_space<vmem>>, vector<1x16xf32>,
        %parallel_loop3A_888 = vector.shape_cast %parallel_loop3A_887 : vector<1x16xf32> to vector<16xf32>
        %parallel_loop3A_889 = arith.addf %parallel_loop3A_884, %parallel_loop3A_888 : vector<16xf32>
        %parallel_loop3A_890 = arith.index_cast %parallel_loop3A_748 : i32 to index
        %parallel_loop3A_891 = arith.constant 96 : index
        %parallel_loop3A_892 = tpu.vector_load %arg17[%parallel_loop3A_890, %parallel_loop3A_891] {strides = array<i32>} : memref<40x128xf32, #tpu.memory_space<vmem>>, vector<1x16xf32>,
        %parallel_loop3A_893 = vector.shape_cast %parallel_loop3A_892 : vector<1x16xf32> to vector<16xf32>
        %parallel_loop3A_894 = arith.addf %parallel_loop3A_889, %parallel_loop3A_893 : vector<16xf32>
        %parallel_loop3A_895 = arith.constant 0.000000e+00 : f32
        %parallel_loop3A_896 = vector.broadcast %parallel_loop3A_895 : f32 to vector<16xf32>
        %parallel_loop3A_897 = arith.maximumf %parallel_loop3A_894, %parallel_loop3A_896 : vector<16xf32>
        %parallel_loop3A_898 = arith.index_cast %parallel_loop3A_748 : i32 to index
        %parallel_loop3A_899 = arith.constant 96 : index
        %parallel_loop3A_900 = tpu.vector_load %arg19[%parallel_loop3A_898, %parallel_loop3A_899] {strides = array<i32>} : memref<40x128xf32, #tpu.memory_space<vmem>>, vector<1x16xf32>,
        %parallel_loop3A_901 = vector.shape_cast %parallel_loop3A_900 : vector<1x16xf32> to vector<16xf32>
        %parallel_loop3A_902 = vector.shape_cast %parallel_loop3A_897 : vector<16xf32> to vector<1x16xf32>
        tpu.vector_store %arg19[%parallel_loop3A_898, %parallel_loop3A_899], %parallel_loop3A_902 {strides = array<i32>} : memref<40x128xf32, #tpu.memory_space<vmem>>, vector<1x16xf32>,
        %parallel_loop3A_903 = arith.index_cast %parallel_loop3A_748 : i32 to index
        %parallel_loop3A_904 = arith.constant 112 : index
        %parallel_loop3A_905 = tpu.vector_load %arg13[%parallel_loop3A_903, %parallel_loop3A_904] {strides = array<i32>} : memref<40x128xf32, #tpu.memory_space<vmem>>, vector<1x16xf32>,
        %parallel_loop3A_906 = vector.shape_cast %parallel_loop3A_905 : vector<1x16xf32> to vector<16xf32>
        %parallel_loop3A_907 = arith.index_cast %parallel_loop3A_748 : i32 to index
        %parallel_loop3A_908 = arith.constant 112 : index
        %parallel_loop3A_909 = tpu.vector_load %arg15[%parallel_loop3A_907, %parallel_loop3A_908] {strides = array<i32>} : memref<40x128xf32, #tpu.memory_space<vmem>>, vector<1x16xf32>,
        %parallel_loop3A_910 = vector.shape_cast %parallel_loop3A_909 : vector<1x16xf32> to vector<16xf32>
        %parallel_loop3A_911 = arith.addf %parallel_loop3A_906, %parallel_loop3A_910 : vector<16xf32>
        %parallel_loop3A_912 = arith.index_cast %parallel_loop3A_748 : i32 to index
        %parallel_loop3A_913 = arith.constant 112 : index
        %parallel_loop3A_914 = tpu.vector_load %arg17[%parallel_loop3A_912, %parallel_loop3A_913] {strides = array<i32>} : memref<40x128xf32, #tpu.memory_space<vmem>>, vector<1x16xf32>,
        %parallel_loop3A_915 = vector.shape_cast %parallel_loop3A_914 : vector<1x16xf32> to vector<16xf32>
        %parallel_loop3A_916 = arith.addf %parallel_loop3A_911, %parallel_loop3A_915 : vector<16xf32>
        %parallel_loop3A_917 = arith.constant 0.000000e+00 : f32
        %parallel_loop3A_918 = vector.broadcast %parallel_loop3A_917 : f32 to vector<16xf32>
        %parallel_loop3A_919 = arith.maximumf %parallel_loop3A_916, %parallel_loop3A_918 : vector<16xf32>
        %parallel_loop3A_920 = arith.index_cast %parallel_loop3A_748 : i32 to index
        %parallel_loop3A_921 = arith.constant 112 : index
        %parallel_loop3A_922 = tpu.vector_load %arg19[%parallel_loop3A_920, %parallel_loop3A_921] {strides = array<i32>} : memref<40x128xf32, #tpu.memory_space<vmem>>, vector<1x16xf32>,
        %parallel_loop3A_923 = vector.shape_cast %parallel_loop3A_922 : vector<1x16xf32> to vector<16xf32>
        %parallel_loop3A_924 = vector.shape_cast %parallel_loop3A_919 : vector<16xf32> to vector<1x16xf32>
        tpu.vector_store %arg19[%parallel_loop3A_920, %parallel_loop3A_921], %parallel_loop3A_924 {strides = array<i32>} : memref<40x128xf32, #tpu.memory_space<vmem>>, vector<1x16xf32>,
      } {sc.loop_unroll_factor = 4 : i64, sc.parallel_access}
      %dma_start3A_739 = arith.constant 0 : i32
      %dma_start3A_740 = arith.constant 0 : i32
      %dma_start3A_741 = tpu.memref_slice %arg20[%dma_start3A_739, %dma_start3A_740] : memref<10240x128xf32, #tpu.memory_space<vmem_shared>> -> memref<10240x128xf32, #tpu.memory_space<vmem_shared>>
      tpu.enqueue_indirect_dma source(%arg19 : memref<40x128xf32, #tpu.memory_space<vmem>>) target(%dma_start3A_741 : memref<10240x128xf32, #tpu.memory_space<vmem_shared>>) offsets(%arg11 : memref<40xi32, #tpu.memory_space<vmem>>) semaphore(%arg28 : memref<!tpu.dma_semaphore, #tpu.memory_space<semaphore_mem>>) {add = true}
      %dma_wait3A_742 = arith.constant 0 : i32
      %dma_wait3A_743 = arith.constant 0 : i32
      %dma_wait3A_744 = tpu.memref_slice %arg20[%dma_wait3A_742, %dma_wait3A_743] : memref<10240x128xf32, #tpu.memory_space<vmem_shared>> -> memref<10240x128xf32, #tpu.memory_space<vmem_shared>>
      tpu.wait_indirect_dma semaphore(%arg27 : memref<!tpu.dma_semaphore, #tpu.memory_space<semaphore_mem>>) src(%arg18 : memref<40x128xf32, #tpu.memory_space<vmem>>) dst(%dma_wait3A_744 : memref<10240x128xf32, #tpu.memory_space<vmem_shared>>)
      %dma_wait3A_745 = arith.constant 0 : i32
      %dma_wait3A_746 = arith.constant 0 : i32
      %dma_wait3A_747 = tpu.memref_slice %arg20[%dma_wait3A_745, %dma_wait3A_746] : memref<10240x128xf32, #tpu.memory_space<vmem_shared>> -> memref<10240x128xf32, #tpu.memory_space<vmem_shared>>
      tpu.wait_indirect_dma semaphore(%arg28 : memref<!tpu.dma_semaphore, #tpu.memory_space<semaphore_mem>>) src(%arg19 : memref<40x128xf32, #tpu.memory_space<vmem>>) dst(%dma_wait3A_747 : memref<10240x128xf32, #tpu.memory_space<vmem_shared>>)
    }
    %scan3A_201 = arith.constant 5 : i32
    %barrier3A_202 = arith.constant 0 : index
    tpu.barrier barrier_id(%barrier3A_202)
    %mul3A_203 = arith.constant 640 : i32
    %mul3A_204 = arith.muli %arg1, %mul3A_203 : i32
    %add3A_205 = arith.constant 0 : i32
    %add3A_206 = arith.addi %mul3A_204, %add3A_205 : i32
    %mul3A_207 = arith.constant 640 : i32
    %mul3A_208 = arith.muli %arg1, %mul3A_207 : i32
    %add3A_209 = arith.constant 0 : i32
    %add3A_210 = arith.addi %mul3A_208, %add3A_209 : i32
    %mul3A_211 = arith.constant 640 : i32
    %mul3A_212 = arith.muli %arg1, %mul3A_211 : i32
    %add3A_213 = arith.constant 40 : i32
    %add3A_214 = arith.addi %mul3A_212, %add3A_213 : i32
    %mul3A_215 = arith.constant 640 : i32
    %mul3A_216 = arith.muli %arg1, %mul3A_215 : i32
    %add3A_217 = arith.constant 40 : i32
    %add3A_218 = arith.addi %mul3A_216, %add3A_217 : i32
    %mul3A_219 = arith.constant 640 : i32
    %mul3A_220 = arith.muli %arg1, %mul3A_219 : i32
    %add3A_221 = arith.constant 80 : i32
    %add3A_222 = arith.addi %mul3A_220, %add3A_221 : i32
    %mul3A_223 = arith.constant 640 : i32
    %mul3A_224 = arith.muli %arg1, %mul3A_223 : i32
    %add3A_225 = arith.constant 80 : i32
    %add3A_226 = arith.addi %mul3A_224, %add3A_225 : i32
    %mul3A_227 = arith.constant 640 : i32
    %mul3A_228 = arith.muli %arg1, %mul3A_227 : i32
    %add3A_229 = arith.constant 120 : i32
    %add3A_230 = arith.addi %mul3A_228, %add3A_229 : i32
    %mul3A_231 = arith.constant 640 : i32
    %mul3A_232 = arith.muli %arg1, %mul3A_231 : i32
    %add3A_233 = arith.constant 120 : i32
    %add3A_234 = arith.addi %mul3A_232, %add3A_233 : i32
    %mul3A_235 = arith.constant 640 : i32
    %mul3A_236 = arith.muli %arg1, %mul3A_235 : i32
    %add3A_237 = arith.constant 160 : i32
    %add3A_238 = arith.addi %mul3A_236, %add3A_237 : i32
    %mul3A_239 = arith.constant 640 : i32
    %mul3A_240 = arith.muli %arg1, %mul3A_239 : i32
    %add3A_241 = arith.constant 160 : i32
    %add3A_242 = arith.addi %mul3A_240, %add3A_241 : i32
    %mul3A_243 = arith.constant 640 : i32
    %mul3A_244 = arith.muli %arg1, %mul3A_243 : i32
    %add3A_245 = arith.constant 200 : i32
    %add3A_246 = arith.addi %mul3A_244, %add3A_245 : i32
    %mul3A_247 = arith.constant 640 : i32
    %mul3A_248 = arith.muli %arg1, %mul3A_247 : i32
    %add3A_249 = arith.constant 200 : i32
    %add3A_250 = arith.addi %mul3A_248, %add3A_249 : i32
    %mul3A_251 = arith.constant 640 : i32
    %mul3A_252 = arith.muli %arg1, %mul3A_251 : i32
    %add3A_253 = arith.constant 240 : i32
    %add3A_254 = arith.addi %mul3A_252, %add3A_253 : i32
    %mul3A_255 = arith.constant 640 : i32
    %mul3A_256 = arith.muli %arg1, %mul3A_255 : i32
    %add3A_257 = arith.constant 240 : i32
    %add3A_258 = arith.addi %mul3A_256, %add3A_257 : i32
    %mul3A_259 = arith.constant 640 : i32
    %mul3A_260 = arith.muli %arg1, %mul3A_259 : i32
    %add3A_261 = arith.constant 280 : i32
    %add3A_262 = arith.addi %mul3A_260, %add3A_261 : i32
    %mul3A_263 = arith.constant 640 : i32
    %mul3A_264 = arith.muli %arg1, %mul3A_263 : i32
    %add3A_265 = arith.constant 280 : i32
    %add3A_266 = arith.addi %mul3A_264, %add3A_265 : i32
    %mul3A_267 = arith.constant 640 : i32
    %mul3A_268 = arith.muli %arg1, %mul3A_267 : i32
    %add3A_269 = arith.constant 320 : i32
    %add3A_270 = arith.addi %mul3A_268, %add3A_269 : i32
    %mul3A_271 = arith.constant 640 : i32
    %mul3A_272 = arith.muli %arg1, %mul3A_271 : i32
    %add3A_273 = arith.constant 320 : i32
    %add3A_274 = arith.addi %mul3A_272, %add3A_273 : i32
    %mul3A_275 = arith.constant 640 : i32
    %mul3A_276 = arith.muli %arg1, %mul3A_275 : i32
    %add3A_277 = arith.constant 360 : i32
    %add3A_278 = arith.addi %mul3A_276, %add3A_277 : i32
    %mul3A_279 = arith.constant 640 : i32
    %mul3A_280 = arith.muli %arg1, %mul3A_279 : i32
    %add3A_281 = arith.constant 360 : i32
    %add3A_282 = arith.addi %mul3A_280, %add3A_281 : i32
    %mul3A_283 = arith.constant 640 : i32
    %mul3A_284 = arith.muli %arg1, %mul3A_283 : i32
    %add3A_285 = arith.constant 400 : i32
    %add3A_286 = arith.addi %mul3A_284, %add3A_285 : i32
    %mul3A_287 = arith.constant 640 : i32
    %mul3A_288 = arith.muli %arg1, %mul3A_287 : i32
    %add3A_289 = arith.constant 400 : i32
    %add3A_290 = arith.addi %mul3A_288, %add3A_289 : i32
    %mul3A_291 = arith.constant 640 : i32
    %mul3A_292 = arith.muli %arg1, %mul3A_291 : i32
    %add3A_293 = arith.constant 440 : i32
    %add3A_294 = arith.addi %mul3A_292, %add3A_293 : i32
    %mul3A_295 = arith.constant 640 : i32
    %mul3A_296 = arith.muli %arg1, %mul3A_295 : i32
    %add3A_297 = arith.constant 440 : i32
    %add3A_298 = arith.addi %mul3A_296, %add3A_297 : i32
    %mul3A_299 = arith.constant 640 : i32
    %mul3A_300 = arith.muli %arg1, %mul3A_299 : i32
    %add3A_301 = arith.constant 480 : i32
    %add3A_302 = arith.addi %mul3A_300, %add3A_301 : i32
    %mul3A_303 = arith.constant 640 : i32
    %mul3A_304 = arith.muli %arg1, %mul3A_303 : i32
    %add3A_305 = arith.constant 480 : i32
    %add3A_306 = arith.addi %mul3A_304, %add3A_305 : i32
    %mul3A_307 = arith.constant 640 : i32
    %mul3A_308 = arith.muli %arg1, %mul3A_307 : i32
    %add3A_309 = arith.constant 520 : i32
    %add3A_310 = arith.addi %mul3A_308, %add3A_309 : i32
    %mul3A_311 = arith.constant 640 : i32
    %mul3A_312 = arith.muli %arg1, %mul3A_311 : i32
    %add3A_313 = arith.constant 520 : i32
    %add3A_314 = arith.addi %mul3A_312, %add3A_313 : i32
    %mul3A_315 = arith.constant 640 : i32
    %mul3A_316 = arith.muli %arg1, %mul3A_315 : i32
    %add3A_317 = arith.constant 560 : i32
    %add3A_318 = arith.addi %mul3A_316, %add3A_317 : i32
    %mul3A_319 = arith.constant 640 : i32
    %mul3A_320 = arith.muli %arg1, %mul3A_319 : i32
    %add3A_321 = arith.constant 560 : i32
    %add3A_322 = arith.addi %mul3A_320, %add3A_321 : i32
    %mul3A_323 = arith.constant 640 : i32
    %mul3A_324 = arith.muli %arg1, %mul3A_323 : i32
    %add3A_325 = arith.constant 600 : i32
    %add3A_326 = arith.addi %mul3A_324, %add3A_325 : i32
    %mul3A_327 = arith.constant 640 : i32
    %mul3A_328 = arith.muli %arg1, %mul3A_327 : i32
    %add3A_329 = arith.constant 600 : i32
    %add3A_330 = arith.addi %mul3A_328, %add3A_329 : i32
    %dma_start3A_331 = arith.constant 0 : i32
    %dma_start3A_332 = tpu.memref_slice %arg7[%arg0, %add3A_210, %dma_start3A_331] : memref<2x10240x128xf32, #tpu.memory_space<hbm>> -> memref<1x40x128xf32, #tpu.memory_space<hbm>>
    %dma_start3A_333 = tpu.memref_squeeze %dma_start3A_332 : memref<1x40x128xf32, #tpu.memory_space<hbm>> -> memref<40x128xf32, #tpu.memory_space<hbm>>
    %dma_start3A_334 = arith.constant 0 : i32
    %dma_start3A_335 = tpu.memref_slice %arg20[%add3A_206, %dma_start3A_334] : memref<10240x128xf32, #tpu.memory_space<vmem_shared>> -> memref<40x128xf32, #tpu.memory_space<vmem_shared>>
    tpu.enqueue_dma source(%dma_start3A_335 : memref<40x128xf32, #tpu.memory_space<vmem_shared>>) target(%dma_start3A_333 : memref<40x128xf32, #tpu.memory_space<hbm>>) target_semaphore(%arg27 : memref<!tpu.dma_semaphore, #tpu.memory_space<semaphore_mem>>)
    %dma_start3A_336 = arith.constant 0 : i32
    %dma_start3A_337 = tpu.memref_slice %arg7[%arg0, %add3A_218, %dma_start3A_336] : memref<2x10240x128xf32, #tpu.memory_space<hbm>> -> memref<1x40x128xf32, #tpu.memory_space<hbm>>
    %dma_start3A_338 = tpu.memref_squeeze %dma_start3A_337 : memref<1x40x128xf32, #tpu.memory_space<hbm>> -> memref<40x128xf32, #tpu.memory_space<hbm>>
    %dma_start3A_339 = arith.constant 0 : i32
    %dma_start3A_340 = tpu.memref_slice %arg20[%add3A_214, %dma_start3A_339] : memref<10240x128xf32, #tpu.memory_space<vmem_shared>> -> memref<40x128xf32, #tpu.memory_space<vmem_shared>>
    tpu.enqueue_dma source(%dma_start3A_340 : memref<40x128xf32, #tpu.memory_space<vmem_shared>>) target(%dma_start3A_338 : memref<40x128xf32, #tpu.memory_space<hbm>>) target_semaphore(%arg27 : memref<!tpu.dma_semaphore, #tpu.memory_space<semaphore_mem>>)
    %dma_start3A_341 = arith.constant 0 : i32
    %dma_start3A_342 = tpu.memref_slice %arg7[%arg0, %add3A_226, %dma_start3A_341] : memref<2x10240x128xf32, #tpu.memory_space<hbm>> -> memref<1x40x128xf32, #tpu.memory_space<hbm>>
    %dma_start3A_343 = tpu.memref_squeeze %dma_start3A_342 : memref<1x40x128xf32, #tpu.memory_space<hbm>> -> memref<40x128xf32, #tpu.memory_space<hbm>>
    %dma_start3A_344 = arith.constant 0 : i32
    %dma_start3A_345 = tpu.memref_slice %arg20[%add3A_222, %dma_start3A_344] : memref<10240x128xf32, #tpu.memory_space<vmem_shared>> -> memref<40x128xf32, #tpu.memory_space<vmem_shared>>
    tpu.enqueue_dma source(%dma_start3A_345 : memref<40x128xf32, #tpu.memory_space<vmem_shared>>) target(%dma_start3A_343 : memref<40x128xf32, #tpu.memory_space<hbm>>) target_semaphore(%arg27 : memref<!tpu.dma_semaphore, #tpu.memory_space<semaphore_mem>>)
    %dma_start3A_346 = arith.constant 0 : i32
    %dma_start3A_347 = tpu.memref_slice %arg7[%arg0, %add3A_234, %dma_start3A_346] : memref<2x10240x128xf32, #tpu.memory_space<hbm>> -> memref<1x40x128xf32, #tpu.memory_space<hbm>>
    %dma_start3A_348 = tpu.memref_squeeze %dma_start3A_347 : memref<1x40x128xf32, #tpu.memory_space<hbm>> -> memref<40x128xf32, #tpu.memory_space<hbm>>
    %dma_start3A_349 = arith.constant 0 : i32
    %dma_start3A_350 = tpu.memref_slice %arg20[%add3A_230, %dma_start3A_349] : memref<10240x128xf32, #tpu.memory_space<vmem_shared>> -> memref<40x128xf32, #tpu.memory_space<vmem_shared>>
    tpu.enqueue_dma source(%dma_start3A_350 : memref<40x128xf32, #tpu.memory_space<vmem_shared>>) target(%dma_start3A_348 : memref<40x128xf32, #tpu.memory_space<hbm>>) target_semaphore(%arg27 : memref<!tpu.dma_semaphore, #tpu.memory_space<semaphore_mem>>)
    %dma_start3A_351 = arith.constant 0 : i32
    %dma_start3A_352 = tpu.memref_slice %arg7[%arg0, %add3A_242, %dma_start3A_351] : memref<2x10240x128xf32, #tpu.memory_space<hbm>> -> memref<1x40x128xf32, #tpu.memory_space<hbm>>
    %dma_start3A_353 = tpu.memref_squeeze %dma_start3A_352 : memref<1x40x128xf32, #tpu.memory_space<hbm>> -> memref<40x128xf32, #tpu.memory_space<hbm>>
    %dma_start3A_354 = arith.constant 0 : i32
    %dma_start3A_355 = tpu.memref_slice %arg20[%add3A_238, %dma_start3A_354] : memref<10240x128xf32, #tpu.memory_space<vmem_shared>> -> memref<40x128xf32, #tpu.memory_space<vmem_shared>>
    tpu.enqueue_dma source(%dma_start3A_355 : memref<40x128xf32, #tpu.memory_space<vmem_shared>>) target(%dma_start3A_353 : memref<40x128xf32, #tpu.memory_space<hbm>>) target_semaphore(%arg27 : memref<!tpu.dma_semaphore, #tpu.memory_space<semaphore_mem>>)
    %dma_start3A_356 = arith.constant 0 : i32
    %dma_start3A_357 = tpu.memref_slice %arg7[%arg0, %add3A_250, %dma_start3A_356] : memref<2x10240x128xf32, #tpu.memory_space<hbm>> -> memref<1x40x128xf32, #tpu.memory_space<hbm>>
    %dma_start3A_358 = tpu.memref_squeeze %dma_start3A_357 : memref<1x40x128xf32, #tpu.memory_space<hbm>> -> memref<40x128xf32, #tpu.memory_space<hbm>>
    %dma_start3A_359 = arith.constant 0 : i32
    %dma_start3A_360 = tpu.memref_slice %arg20[%add3A_246, %dma_start3A_359] : memref<10240x128xf32, #tpu.memory_space<vmem_shared>> -> memref<40x128xf32, #tpu.memory_space<vmem_shared>>
    tpu.enqueue_dma source(%dma_start3A_360 : memref<40x128xf32, #tpu.memory_space<vmem_shared>>) target(%dma_start3A_358 : memref<40x128xf32, #tpu.memory_space<hbm>>) target_semaphore(%arg27 : memref<!tpu.dma_semaphore, #tpu.memory_space<semaphore_mem>>)
    %dma_start3A_361 = arith.constant 0 : i32
    %dma_start3A_362 = tpu.memref_slice %arg7[%arg0, %add3A_258, %dma_start3A_361] : memref<2x10240x128xf32, #tpu.memory_space<hbm>> -> memref<1x40x128xf32, #tpu.memory_space<hbm>>
    %dma_start3A_363 = tpu.memref_squeeze %dma_start3A_362 : memref<1x40x128xf32, #tpu.memory_space<hbm>> -> memref<40x128xf32, #tpu.memory_space<hbm>>
    %dma_start3A_364 = arith.constant 0 : i32
    %dma_start3A_365 = tpu.memref_slice %arg20[%add3A_254, %dma_start3A_364] : memref<10240x128xf32, #tpu.memory_space<vmem_shared>> -> memref<40x128xf32, #tpu.memory_space<vmem_shared>>
    tpu.enqueue_dma source(%dma_start3A_365 : memref<40x128xf32, #tpu.memory_space<vmem_shared>>) target(%dma_start3A_363 : memref<40x128xf32, #tpu.memory_space<hbm>>) target_semaphore(%arg27 : memref<!tpu.dma_semaphore, #tpu.memory_space<semaphore_mem>>)
    %dma_start3A_366 = arith.constant 0 : i32
    %dma_start3A_367 = tpu.memref_slice %arg7[%arg0, %add3A_266, %dma_start3A_366] : memref<2x10240x128xf32, #tpu.memory_space<hbm>> -> memref<1x40x128xf32, #tpu.memory_space<hbm>>
    %dma_start3A_368 = tpu.memref_squeeze %dma_start3A_367 : memref<1x40x128xf32, #tpu.memory_space<hbm>> -> memref<40x128xf32, #tpu.memory_space<hbm>>
    %dma_start3A_369 = arith.constant 0 : i32
    %dma_start3A_370 = tpu.memref_slice %arg20[%add3A_262, %dma_start3A_369] : memref<10240x128xf32, #tpu.memory_space<vmem_shared>> -> memref<40x128xf32, #tpu.memory_space<vmem_shared>>
    tpu.enqueue_dma source(%dma_start3A_370 : memref<40x128xf32, #tpu.memory_space<vmem_shared>>) target(%dma_start3A_368 : memref<40x128xf32, #tpu.memory_space<hbm>>) target_semaphore(%arg27 : memref<!tpu.dma_semaphore, #tpu.memory_space<semaphore_mem>>)
    %dma_start3A_371 = arith.constant 0 : i32
    %dma_start3A_372 = tpu.memref_slice %arg7[%arg0, %add3A_274, %dma_start3A_371] : memref<2x10240x128xf32, #tpu.memory_space<hbm>> -> memref<1x40x128xf32, #tpu.memory_space<hbm>>
    %dma_start3A_373 = tpu.memref_squeeze %dma_start3A_372 : memref<1x40x128xf32, #tpu.memory_space<hbm>> -> memref<40x128xf32, #tpu.memory_space<hbm>>
    %dma_start3A_374 = arith.constant 0 : i32
    %dma_start3A_375 = tpu.memref_slice %arg20[%add3A_270, %dma_start3A_374] : memref<10240x128xf32, #tpu.memory_space<vmem_shared>> -> memref<40x128xf32, #tpu.memory_space<vmem_shared>>
    tpu.enqueue_dma source(%dma_start3A_375 : memref<40x128xf32, #tpu.memory_space<vmem_shared>>) target(%dma_start3A_373 : memref<40x128xf32, #tpu.memory_space<hbm>>) target_semaphore(%arg27 : memref<!tpu.dma_semaphore, #tpu.memory_space<semaphore_mem>>)
    %dma_start3A_376 = arith.constant 0 : i32
    %dma_start3A_377 = tpu.memref_slice %arg7[%arg0, %add3A_282, %dma_start3A_376] : memref<2x10240x128xf32, #tpu.memory_space<hbm>> -> memref<1x40x128xf32, #tpu.memory_space<hbm>>
    %dma_start3A_378 = tpu.memref_squeeze %dma_start3A_377 : memref<1x40x128xf32, #tpu.memory_space<hbm>> -> memref<40x128xf32, #tpu.memory_space<hbm>>
    %dma_start3A_379 = arith.constant 0 : i32
    %dma_start3A_380 = tpu.memref_slice %arg20[%add3A_278, %dma_start3A_379] : memref<10240x128xf32, #tpu.memory_space<vmem_shared>> -> memref<40x128xf32, #tpu.memory_space<vmem_shared>>
    tpu.enqueue_dma source(%dma_start3A_380 : memref<40x128xf32, #tpu.memory_space<vmem_shared>>) target(%dma_start3A_378 : memref<40x128xf32, #tpu.memory_space<hbm>>) target_semaphore(%arg27 : memref<!tpu.dma_semaphore, #tpu.memory_space<semaphore_mem>>)
    %dma_start3A_381 = arith.constant 0 : i32
    %dma_start3A_382 = tpu.memref_slice %arg7[%arg0, %add3A_290, %dma_start3A_381] : memref<2x10240x128xf32, #tpu.memory_space<hbm>> -> memref<1x40x128xf32, #tpu.memory_space<hbm>>
    %dma_start3A_383 = tpu.memref_squeeze %dma_start3A_382 : memref<1x40x128xf32, #tpu.memory_space<hbm>> -> memref<40x128xf32, #tpu.memory_space<hbm>>
    %dma_start3A_384 = arith.constant 0 : i32
    %dma_start3A_385 = tpu.memref_slice %arg20[%add3A_286, %dma_start3A_384] : memref<10240x128xf32, #tpu.memory_space<vmem_shared>> -> memref<40x128xf32, #tpu.memory_space<vmem_shared>>
    tpu.enqueue_dma source(%dma_start3A_385 : memref<40x128xf32, #tpu.memory_space<vmem_shared>>) target(%dma_start3A_383 : memref<40x128xf32, #tpu.memory_space<hbm>>) target_semaphore(%arg27 : memref<!tpu.dma_semaphore, #tpu.memory_space<semaphore_mem>>)
    %dma_start3A_386 = arith.constant 0 : i32
    %dma_start3A_387 = tpu.memref_slice %arg7[%arg0, %add3A_298, %dma_start3A_386] : memref<2x10240x128xf32, #tpu.memory_space<hbm>> -> memref<1x40x128xf32, #tpu.memory_space<hbm>>
    %dma_start3A_388 = tpu.memref_squeeze %dma_start3A_387 : memref<1x40x128xf32, #tpu.memory_space<hbm>> -> memref<40x128xf32, #tpu.memory_space<hbm>>
    %dma_start3A_389 = arith.constant 0 : i32
    %dma_start3A_390 = tpu.memref_slice %arg20[%add3A_294, %dma_start3A_389] : memref<10240x128xf32, #tpu.memory_space<vmem_shared>> -> memref<40x128xf32, #tpu.memory_space<vmem_shared>>
    tpu.enqueue_dma source(%dma_start3A_390 : memref<40x128xf32, #tpu.memory_space<vmem_shared>>) target(%dma_start3A_388 : memref<40x128xf32, #tpu.memory_space<hbm>>) target_semaphore(%arg27 : memref<!tpu.dma_semaphore, #tpu.memory_space<semaphore_mem>>)
    %dma_start3A_391 = arith.constant 0 : i32
    %dma_start3A_392 = tpu.memref_slice %arg7[%arg0, %add3A_306, %dma_start3A_391] : memref<2x10240x128xf32, #tpu.memory_space<hbm>> -> memref<1x40x128xf32, #tpu.memory_space<hbm>>
    %dma_start3A_393 = tpu.memref_squeeze %dma_start3A_392 : memref<1x40x128xf32, #tpu.memory_space<hbm>> -> memref<40x128xf32, #tpu.memory_space<hbm>>
    %dma_start3A_394 = arith.constant 0 : i32
    %dma_start3A_395 = tpu.memref_slice %arg20[%add3A_302, %dma_start3A_394] : memref<10240x128xf32, #tpu.memory_space<vmem_shared>> -> memref<40x128xf32, #tpu.memory_space<vmem_shared>>
    tpu.enqueue_dma source(%dma_start3A_395 : memref<40x128xf32, #tpu.memory_space<vmem_shared>>) target(%dma_start3A_393 : memref<40x128xf32, #tpu.memory_space<hbm>>) target_semaphore(%arg27 : memref<!tpu.dma_semaphore, #tpu.memory_space<semaphore_mem>>)
    %dma_start3A_396 = arith.constant 0 : i32
    %dma_start3A_397 = tpu.memref_slice %arg7[%arg0, %add3A_314, %dma_start3A_396] : memref<2x10240x128xf32, #tpu.memory_space<hbm>> -> memref<1x40x128xf32, #tpu.memory_space<hbm>>
    %dma_start3A_398 = tpu.memref_squeeze %dma_start3A_397 : memref<1x40x128xf32, #tpu.memory_space<hbm>> -> memref<40x128xf32, #tpu.memory_space<hbm>>
    %dma_start3A_399 = arith.constant 0 : i32
    %dma_start3A_400 = tpu.memref_slice %arg20[%add3A_310, %dma_start3A_399] : memref<10240x128xf32, #tpu.memory_space<vmem_shared>> -> memref<40x128xf32, #tpu.memory_space<vmem_shared>>
    tpu.enqueue_dma source(%dma_start3A_400 : memref<40x128xf32, #tpu.memory_space<vmem_shared>>) target(%dma_start3A_398 : memref<40x128xf32, #tpu.memory_space<hbm>>) target_semaphore(%arg27 : memref<!tpu.dma_semaphore, #tpu.memory_space<semaphore_mem>>)
    %dma_start3A_401 = arith.constant 0 : i32
    %dma_start3A_402 = tpu.memref_slice %arg7[%arg0, %add3A_322, %dma_start3A_401] : memref<2x10240x128xf32, #tpu.memory_space<hbm>> -> memref<1x40x128xf32, #tpu.memory_space<hbm>>
    %dma_start3A_403 = tpu.memref_squeeze %dma_start3A_402 : memref<1x40x128xf32, #tpu.memory_space<hbm>> -> memref<40x128xf32, #tpu.memory_space<hbm>>
    %dma_start3A_404 = arith.constant 0 : i32
    %dma_start3A_405 = tpu.memref_slice %arg20[%add3A_318, %dma_start3A_404] : memref<10240x128xf32, #tpu.memory_space<vmem_shared>> -> memref<40x128xf32, #tpu.memory_space<vmem_shared>>
    tpu.enqueue_dma source(%dma_start3A_405 : memref<40x128xf32, #tpu.memory_space<vmem_shared>>) target(%dma_start3A_403 : memref<40x128xf32, #tpu.memory_space<hbm>>) target_semaphore(%arg27 : memref<!tpu.dma_semaphore, #tpu.memory_space<semaphore_mem>>)
    %dma_start3A_406 = arith.constant 0 : i32
    %dma_start3A_407 = tpu.memref_slice %arg7[%arg0, %add3A_330, %dma_start3A_406] : memref<2x10240x128xf32, #tpu.memory_space<hbm>> -> memref<1x40x128xf32, #tpu.memory_space<hbm>>
    %dma_start3A_408 = tpu.memref_squeeze %dma_start3A_407 : memref<1x40x128xf32, #tpu.memory_space<hbm>> -> memref<40x128xf32, #tpu.memory_space<hbm>>
    %dma_start3A_409 = arith.constant 0 : i32
    %dma_start3A_410 = tpu.memref_slice %arg20[%add3A_326, %dma_start3A_409] : memref<10240x128xf32, #tpu.memory_space<vmem_shared>> -> memref<40x128xf32, #tpu.memory_space<vmem_shared>>
    tpu.enqueue_dma source(%dma_start3A_410 : memref<40x128xf32, #tpu.memory_space<vmem_shared>>) target(%dma_start3A_408 : memref<40x128xf32, #tpu.memory_space<hbm>>) target_semaphore(%arg27 : memref<!tpu.dma_semaphore, #tpu.memory_space<semaphore_mem>>)
    %dma_wait3A_411 = arith.constant 0 : i32
    %dma_wait3A_412 = tpu.memref_slice %arg7[%arg0, %add3A_210, %dma_wait3A_411] : memref<2x10240x128xf32, #tpu.memory_space<hbm>> -> memref<1x40x128xf32, #tpu.memory_space<hbm>>
    %dma_wait3A_413 = tpu.memref_squeeze %dma_wait3A_412 : memref<1x40x128xf32, #tpu.memory_space<hbm>> -> memref<40x128xf32, #tpu.memory_space<hbm>>
    %dma_wait3A_414 = arith.constant 0 : i32
    %dma_wait3A_415 = tpu.memref_slice %arg20[%add3A_206, %dma_wait3A_414] : memref<10240x128xf32, #tpu.memory_space<vmem_shared>> -> memref<40x128xf32, #tpu.memory_space<vmem_shared>>
    tpu.wait_dma2 semaphore(%arg27 : memref<!tpu.dma_semaphore, #tpu.memory_space<semaphore_mem>>) src(%dma_wait3A_415 : memref<40x128xf32, #tpu.memory_space<vmem_shared>>) dst(%dma_wait3A_413 : memref<40x128xf32, #tpu.memory_space<hbm>>)
    %dma_wait3A_416 = arith.constant 0 : i32
    %dma_wait3A_417 = tpu.memref_slice %arg7[%arg0, %add3A_218, %dma_wait3A_416] : memref<2x10240x128xf32, #tpu.memory_space<hbm>> -> memref<1x40x128xf32, #tpu.memory_space<hbm>>
    %dma_wait3A_418 = tpu.memref_squeeze %dma_wait3A_417 : memref<1x40x128xf32, #tpu.memory_space<hbm>> -> memref<40x128xf32, #tpu.memory_space<hbm>>
    %dma_wait3A_419 = arith.constant 0 : i32
    %dma_wait3A_420 = tpu.memref_slice %arg20[%add3A_214, %dma_wait3A_419] : memref<10240x128xf32, #tpu.memory_space<vmem_shared>> -> memref<40x128xf32, #tpu.memory_space<vmem_shared>>
    tpu.wait_dma2 semaphore(%arg27 : memref<!tpu.dma_semaphore, #tpu.memory_space<semaphore_mem>>) src(%dma_wait3A_420 : memref<40x128xf32, #tpu.memory_space<vmem_shared>>) dst(%dma_wait3A_418 : memref<40x128xf32, #tpu.memory_space<hbm>>)
    %dma_wait3A_421 = arith.constant 0 : i32
    %dma_wait3A_422 = tpu.memref_slice %arg7[%arg0, %add3A_226, %dma_wait3A_421] : memref<2x10240x128xf32, #tpu.memory_space<hbm>> -> memref<1x40x128xf32, #tpu.memory_space<hbm>>
    %dma_wait3A_423 = tpu.memref_squeeze %dma_wait3A_422 : memref<1x40x128xf32, #tpu.memory_space<hbm>> -> memref<40x128xf32, #tpu.memory_space<hbm>>
    %dma_wait3A_424 = arith.constant 0 : i32
    %dma_wait3A_425 = tpu.memref_slice %arg20[%add3A_222, %dma_wait3A_424] : memref<10240x128xf32, #tpu.memory_space<vmem_shared>> -> memref<40x128xf32, #tpu.memory_space<vmem_shared>>
    tpu.wait_dma2 semaphore(%arg27 : memref<!tpu.dma_semaphore, #tpu.memory_space<semaphore_mem>>) src(%dma_wait3A_425 : memref<40x128xf32, #tpu.memory_space<vmem_shared>>) dst(%dma_wait3A_423 : memref<40x128xf32, #tpu.memory_space<hbm>>)
    %dma_wait3A_426 = arith.constant 0 : i32
    %dma_wait3A_427 = tpu.memref_slice %arg7[%arg0, %add3A_234, %dma_wait3A_426] : memref<2x10240x128xf32, #tpu.memory_space<hbm>> -> memref<1x40x128xf32, #tpu.memory_space<hbm>>
    %dma_wait3A_428 = tpu.memref_squeeze %dma_wait3A_427 : memref<1x40x128xf32, #tpu.memory_space<hbm>> -> memref<40x128xf32, #tpu.memory_space<hbm>>
    %dma_wait3A_429 = arith.constant 0 : i32
    %dma_wait3A_430 = tpu.memref_slice %arg20[%add3A_230, %dma_wait3A_429] : memref<10240x128xf32, #tpu.memory_space<vmem_shared>> -> memref<40x128xf32, #tpu.memory_space<vmem_shared>>
    tpu.wait_dma2 semaphore(%arg27 : memref<!tpu.dma_semaphore, #tpu.memory_space<semaphore_mem>>) src(%dma_wait3A_430 : memref<40x128xf32, #tpu.memory_space<vmem_shared>>) dst(%dma_wait3A_428 : memref<40x128xf32, #tpu.memory_space<hbm>>)
    %dma_wait3A_431 = arith.constant 0 : i32
    %dma_wait3A_432 = tpu.memref_slice %arg7[%arg0, %add3A_242, %dma_wait3A_431] : memref<2x10240x128xf32, #tpu.memory_space<hbm>> -> memref<1x40x128xf32, #tpu.memory_space<hbm>>
    %dma_wait3A_433 = tpu.memref_squeeze %dma_wait3A_432 : memref<1x40x128xf32, #tpu.memory_space<hbm>> -> memref<40x128xf32, #tpu.memory_space<hbm>>
    %dma_wait3A_434 = arith.constant 0 : i32
    %dma_wait3A_435 = tpu.memref_slice %arg20[%add3A_238, %dma_wait3A_434] : memref<10240x128xf32, #tpu.memory_space<vmem_shared>> -> memref<40x128xf32, #tpu.memory_space<vmem_shared>>
    tpu.wait_dma2 semaphore(%arg27 : memref<!tpu.dma_semaphore, #tpu.memory_space<semaphore_mem>>) src(%dma_wait3A_435 : memref<40x128xf32, #tpu.memory_space<vmem_shared>>) dst(%dma_wait3A_433 : memref<40x128xf32, #tpu.memory_space<hbm>>)
    %dma_wait3A_436 = arith.constant 0 : i32
    %dma_wait3A_437 = tpu.memref_slice %arg7[%arg0, %add3A_250, %dma_wait3A_436] : memref<2x10240x128xf32, #tpu.memory_space<hbm>> -> memref<1x40x128xf32, #tpu.memory_space<hbm>>
    %dma_wait3A_438 = tpu.memref_squeeze %dma_wait3A_437 : memref<1x40x128xf32, #tpu.memory_space<hbm>> -> memref<40x128xf32, #tpu.memory_space<hbm>>
    %dma_wait3A_439 = arith.constant 0 : i32
    %dma_wait3A_440 = tpu.memref_slice %arg20[%add3A_246, %dma_wait3A_439] : memref<10240x128xf32, #tpu.memory_space<vmem_shared>> -> memref<40x128xf32, #tpu.memory_space<vmem_shared>>
    tpu.wait_dma2 semaphore(%arg27 : memref<!tpu.dma_semaphore, #tpu.memory_space<semaphore_mem>>) src(%dma_wait3A_440 : memref<40x128xf32, #tpu.memory_space<vmem_shared>>) dst(%dma_wait3A_438 : memref<40x128xf32, #tpu.memory_space<hbm>>)
    %dma_wait3A_441 = arith.constant 0 : i32
    %dma_wait3A_442 = tpu.memref_slice %arg7[%arg0, %add3A_258, %dma_wait3A_441] : memref<2x10240x128xf32, #tpu.memory_space<hbm>> -> memref<1x40x128xf32, #tpu.memory_space<hbm>>
    %dma_wait3A_443 = tpu.memref_squeeze %dma_wait3A_442 : memref<1x40x128xf32, #tpu.memory_space<hbm>> -> memref<40x128xf32, #tpu.memory_space<hbm>>
    %dma_wait3A_444 = arith.constant 0 : i32
    %dma_wait3A_445 = tpu.memref_slice %arg20[%add3A_254, %dma_wait3A_444] : memref<10240x128xf32, #tpu.memory_space<vmem_shared>> -> memref<40x128xf32, #tpu.memory_space<vmem_shared>>
    tpu.wait_dma2 semaphore(%arg27 : memref<!tpu.dma_semaphore, #tpu.memory_space<semaphore_mem>>) src(%dma_wait3A_445 : memref<40x128xf32, #tpu.memory_space<vmem_shared>>) dst(%dma_wait3A_443 : memref<40x128xf32, #tpu.memory_space<hbm>>)
    %dma_wait3A_446 = arith.constant 0 : i32
    %dma_wait3A_447 = tpu.memref_slice %arg7[%arg0, %add3A_266, %dma_wait3A_446] : memref<2x10240x128xf32, #tpu.memory_space<hbm>> -> memref<1x40x128xf32, #tpu.memory_space<hbm>>
    %dma_wait3A_448 = tpu.memref_squeeze %dma_wait3A_447 : memref<1x40x128xf32, #tpu.memory_space<hbm>> -> memref<40x128xf32, #tpu.memory_space<hbm>>
    %dma_wait3A_449 = arith.constant 0 : i32
    %dma_wait3A_450 = tpu.memref_slice %arg20[%add3A_262, %dma_wait3A_449] : memref<10240x128xf32, #tpu.memory_space<vmem_shared>> -> memref<40x128xf32, #tpu.memory_space<vmem_shared>>
    tpu.wait_dma2 semaphore(%arg27 : memref<!tpu.dma_semaphore, #tpu.memory_space<semaphore_mem>>) src(%dma_wait3A_450 : memref<40x128xf32, #tpu.memory_space<vmem_shared>>) dst(%dma_wait3A_448 : memref<40x128xf32, #tpu.memory_space<hbm>>)
    %dma_wait3A_451 = arith.constant 0 : i32
    %dma_wait3A_452 = tpu.memref_slice %arg7[%arg0, %add3A_274, %dma_wait3A_451] : memref<2x10240x128xf32, #tpu.memory_space<hbm>> -> memref<1x40x128xf32, #tpu.memory_space<hbm>>
    %dma_wait3A_453 = tpu.memref_squeeze %dma_wait3A_452 : memref<1x40x128xf32, #tpu.memory_space<hbm>> -> memref<40x128xf32, #tpu.memory_space<hbm>>
    %dma_wait3A_454 = arith.constant 0 : i32
    %dma_wait3A_455 = tpu.memref_slice %arg20[%add3A_270, %dma_wait3A_454] : memref<10240x128xf32, #tpu.memory_space<vmem_shared>> -> memref<40x128xf32, #tpu.memory_space<vmem_shared>>
    tpu.wait_dma2 semaphore(%arg27 : memref<!tpu.dma_semaphore, #tpu.memory_space<semaphore_mem>>) src(%dma_wait3A_455 : memref<40x128xf32, #tpu.memory_space<vmem_shared>>) dst(%dma_wait3A_453 : memref<40x128xf32, #tpu.memory_space<hbm>>)
    %dma_wait3A_456 = arith.constant 0 : i32
    %dma_wait3A_457 = tpu.memref_slice %arg7[%arg0, %add3A_282, %dma_wait3A_456] : memref<2x10240x128xf32, #tpu.memory_space<hbm>> -> memref<1x40x128xf32, #tpu.memory_space<hbm>>
    %dma_wait3A_458 = tpu.memref_squeeze %dma_wait3A_457 : memref<1x40x128xf32, #tpu.memory_space<hbm>> -> memref<40x128xf32, #tpu.memory_space<hbm>>
    %dma_wait3A_459 = arith.constant 0 : i32
    %dma_wait3A_460 = tpu.memref_slice %arg20[%add3A_278, %dma_wait3A_459] : memref<10240x128xf32, #tpu.memory_space<vmem_shared>> -> memref<40x128xf32, #tpu.memory_space<vmem_shared>>
    tpu.wait_dma2 semaphore(%arg27 : memref<!tpu.dma_semaphore, #tpu.memory_space<semaphore_mem>>) src(%dma_wait3A_460 : memref<40x128xf32, #tpu.memory_space<vmem_shared>>) dst(%dma_wait3A_458 : memref<40x128xf32, #tpu.memory_space<hbm>>)
    %dma_wait3A_461 = arith.constant 0 : i32
    %dma_wait3A_462 = tpu.memref_slice %arg7[%arg0, %add3A_290, %dma_wait3A_461] : memref<2x10240x128xf32, #tpu.memory_space<hbm>> -> memref<1x40x128xf32, #tpu.memory_space<hbm>>
    %dma_wait3A_463 = tpu.memref_squeeze %dma_wait3A_462 : memref<1x40x128xf32, #tpu.memory_space<hbm>> -> memref<40x128xf32, #tpu.memory_space<hbm>>
    %dma_wait3A_464 = arith.constant 0 : i32
    %dma_wait3A_465 = tpu.memref_slice %arg20[%add3A_286, %dma_wait3A_464] : memref<10240x128xf32, #tpu.memory_space<vmem_shared>> -> memref<40x128xf32, #tpu.memory_space<vmem_shared>>
    tpu.wait_dma2 semaphore(%arg27 : memref<!tpu.dma_semaphore, #tpu.memory_space<semaphore_mem>>) src(%dma_wait3A_465 : memref<40x128xf32, #tpu.memory_space<vmem_shared>>) dst(%dma_wait3A_463 : memref<40x128xf32, #tpu.memory_space<hbm>>)
    %dma_wait3A_466 = arith.constant 0 : i32
    %dma_wait3A_467 = tpu.memref_slice %arg7[%arg0, %add3A_298, %dma_wait3A_466] : memref<2x10240x128xf32, #tpu.memory_space<hbm>> -> memref<1x40x128xf32, #tpu.memory_space<hbm>>
    %dma_wait3A_468 = tpu.memref_squeeze %dma_wait3A_467 : memref<1x40x128xf32, #tpu.memory_space<hbm>> -> memref<40x128xf32, #tpu.memory_space<hbm>>
    %dma_wait3A_469 = arith.constant 0 : i32
    %dma_wait3A_470 = tpu.memref_slice %arg20[%add3A_294, %dma_wait3A_469] : memref<10240x128xf32, #tpu.memory_space<vmem_shared>> -> memref<40x128xf32, #tpu.memory_space<vmem_shared>>
    tpu.wait_dma2 semaphore(%arg27 : memref<!tpu.dma_semaphore, #tpu.memory_space<semaphore_mem>>) src(%dma_wait3A_470 : memref<40x128xf32, #tpu.memory_space<vmem_shared>>) dst(%dma_wait3A_468 : memref<40x128xf32, #tpu.memory_space<hbm>>)
    %dma_wait3A_471 = arith.constant 0 : i32
    %dma_wait3A_472 = tpu.memref_slice %arg7[%arg0, %add3A_306, %dma_wait3A_471] : memref<2x10240x128xf32, #tpu.memory_space<hbm>> -> memref<1x40x128xf32, #tpu.memory_space<hbm>>
    %dma_wait3A_473 = tpu.memref_squeeze %dma_wait3A_472 : memref<1x40x128xf32, #tpu.memory_space<hbm>> -> memref<40x128xf32, #tpu.memory_space<hbm>>
    %dma_wait3A_474 = arith.constant 0 : i32
    %dma_wait3A_475 = tpu.memref_slice %arg20[%add3A_302, %dma_wait3A_474] : memref<10240x128xf32, #tpu.memory_space<vmem_shared>> -> memref<40x128xf32, #tpu.memory_space<vmem_shared>>
    tpu.wait_dma2 semaphore(%arg27 : memref<!tpu.dma_semaphore, #tpu.memory_space<semaphore_mem>>) src(%dma_wait3A_475 : memref<40x128xf32, #tpu.memory_space<vmem_shared>>) dst(%dma_wait3A_473 : memref<40x128xf32, #tpu.memory_space<hbm>>)
    %dma_wait3A_476 = arith.constant 0 : i32
    %dma_wait3A_477 = tpu.memref_slice %arg7[%arg0, %add3A_314, %dma_wait3A_476] : memref<2x10240x128xf32, #tpu.memory_space<hbm>> -> memref<1x40x128xf32, #tpu.memory_space<hbm>>
    %dma_wait3A_478 = tpu.memref_squeeze %dma_wait3A_477 : memref<1x40x128xf32, #tpu.memory_space<hbm>> -> memref<40x128xf32, #tpu.memory_space<hbm>>
    %dma_wait3A_479 = arith.constant 0 : i32
    %dma_wait3A_480 = tpu.memref_slice %arg20[%add3A_310, %dma_wait3A_479] : memref<10240x128xf32, #tpu.memory_space<vmem_shared>> -> memref<40x128xf32, #tpu.memory_space<vmem_shared>>
    tpu.wait_dma2 semaphore(%arg27 : memref<!tpu.dma_semaphore, #tpu.memory_space<semaphore_mem>>) src(%dma_wait3A_480 : memref<40x128xf32, #tpu.memory_space<vmem_shared>>) dst(%dma_wait3A_478 : memref<40x128xf32, #tpu.memory_space<hbm>>)
    %dma_wait3A_481 = arith.constant 0 : i32
    %dma_wait3A_482 = tpu.memref_slice %arg7[%arg0, %add3A_322, %dma_wait3A_481] : memref<2x10240x128xf32, #tpu.memory_space<hbm>> -> memref<1x40x128xf32, #tpu.memory_space<hbm>>
    %dma_wait3A_483 = tpu.memref_squeeze %dma_wait3A_482 : memref<1x40x128xf32, #tpu.memory_space<hbm>> -> memref<40x128xf32, #tpu.memory_space<hbm>>
    %dma_wait3A_484 = arith.constant 0 : i32
    %dma_wait3A_485 = tpu.memref_slice %arg20[%add3A_318, %dma_wait3A_484] : memref<10240x128xf32, #tpu.memory_space<vmem_shared>> -> memref<40x128xf32, #tpu.memory_space<vmem_shared>>
    tpu.wait_dma2 semaphore(%arg27 : memref<!tpu.dma_semaphore, #tpu.memory_space<semaphore_mem>>) src(%dma_wait3A_485 : memref<40x128xf32, #tpu.memory_space<vmem_shared>>) dst(%dma_wait3A_483 : memref<40x128xf32, #tpu.memory_space<hbm>>)
    %dma_wait3A_486 = arith.constant 0 : i32
    %dma_wait3A_487 = tpu.memref_slice %arg7[%arg0, %add3A_330, %dma_wait3A_486] : memref<2x10240x128xf32, #tpu.memory_space<hbm>> -> memref<1x40x128xf32, #tpu.memory_space<hbm>>
    %dma_wait3A_488 = tpu.memref_squeeze %dma_wait3A_487 : memref<1x40x128xf32, #tpu.memory_space<hbm>> -> memref<40x128xf32, #tpu.memory_space<hbm>>
    %dma_wait3A_489 = arith.constant 0 : i32
    %dma_wait3A_490 = tpu.memref_slice %arg20[%add3A_326, %dma_wait3A_489] : memref<10240x128xf32, #tpu.memory_space<vmem_shared>> -> memref<40x128xf32, #tpu.memory_space<vmem_shared>>
    tpu.wait_dma2 semaphore(%arg27 : memref<!tpu.dma_semaphore, #tpu.memory_space<semaphore_mem>>) src(%dma_wait3A_490 : memref<40x128xf32, #tpu.memory_space<vmem_shared>>) dst(%dma_wait3A_488 : memref<40x128xf32, #tpu.memory_space<hbm>>)
    return
  }
}

module attributes {stable_mosaic.version = 14 : i64} {
  func.func @_edge_proj_body(%arg0: i32, %arg1: memref<16000x16xf32, #tpu.memory_space<vmem>>, %arg2: memref<16x128xf32, #tpu.memory_space<vmem>>, %arg3: memref<1x128xf32, #tpu.memory_space<vmem>>, %arg4: memref<16000x128xf32, #tpu.memory_space<vmem>>) attributes {dimension_semantics = [#tpu.dimension_semantics<arbitrary>], iteration_bounds = array<i64: 20>, scalar_prefetch = 0 : i64, scratch_operands = 0 : i64, tpu.core_type = #tpu.core_type<tc>, window_params = [{transform_indices = @transform_0, window_bounds = array<i64: 16000, 16>}, {pipeline_mode = #tpu.pipeline_mode<synchronous>, transform_indices = @transform_1, window_bounds = array<i64: 16, 128>}, {pipeline_mode = #tpu.pipeline_mode<synchronous>, transform_indices = @transform_2, window_bounds = array<i64: 1, 128>}, {transform_indices = @transform_3, window_bounds = array<i64: 16000, 128>}]} {
    %get3A = arith.constant 0 : index
    %get3A_0 = arith.constant 0 : index
    %get3A_1 = vector.load %arg1[%get3A, %get3A_0] : memref<16000x16xf32, #tpu.memory_space<vmem>>, vector<16000x16xf32>
    %get3A_2 = arith.constant 0 : index
    %get3A_3 = arith.constant 0 : index
    %get3A_4 = vector.load %arg2[%get3A_2, %get3A_3] : memref<16x128xf32, #tpu.memory_space<vmem>>, vector<16x128xf32>
    %dot_general3A = arith.constant dense<0.000000e+00> : vector<16000x128xf32>
    %dot_general3A_5 = tpu.matmul %get3A_1, %get3A_4, %dot_general3A {dimension_numbers = #tpu.dot_dimension_numbers<[1], [0], [0], [1], [0, 0, 1, 1], [], []>, transpose_lhs_hint = false} : vector<16000x16xf32>, vector<16x128xf32>, vector<16000x128xf32> -> vector<16000x128xf32>
    %get3A_6 = arith.constant 0 : index
    %get3A_7 = arith.constant 0 : index
    %get3A_8 = vector.load %arg3[%get3A_6, %get3A_7] : memref<1x128xf32, #tpu.memory_space<vmem>>, vector<1x128xf32>
    %add3A = vector.broadcast %get3A_8 : vector<1x128xf32> to vector<16000x128xf32>
    %add3A_9 = arith.addf %dot_general3A_5, %add3A : vector<16000x128xf32>
    %swap3A = arith.constant 0 : index
    %swap3A_10 = arith.constant 0 : index
    %swap3A_11 = vector.load %arg4[%swap3A, %swap3A_10] : memref<16000x128xf32, #tpu.memory_space<vmem>>, vector<16000x128xf32>
    tpu.vector_store %arg4[%swap3A, %swap3A_10], %add3A_9 {strides = array<i32>} : memref<16000x128xf32, #tpu.memory_space<vmem>>, vector<16000x128xf32>,
    return
  }
  func.func @transform_0(%arg0: i32) -> (i32, i32) {
    %c0_i32 = arith.constant 0 : i32
    %c0_i32_0 = arith.constant 0 : i32
    return %arg0, %c0_i32 : i32, i32
  }
  func.func @transform_1(%arg0: i32) -> (i32, i32) {
    %c0_i32 = arith.constant 0 : i32
    %c0_i32_0 = arith.constant 0 : i32
    %c0_i32_1 = arith.constant 0 : i32
    return %c0_i32, %c0_i32_0 : i32, i32
  }
  func.func @transform_2(%arg0: i32) -> (i32, i32) {
    %c0_i32 = arith.constant 0 : i32
    %c0_i32_0 = arith.constant 0 : i32
    %c0_i32_1 = arith.constant 0 : i32
    return %c0_i32, %c0_i32_0 : i32, i32
  }
  func.func @transform_3(%arg0: i32) -> (i32, i32) {
    %c0_i32 = arith.constant 0 : i32
    %c0_i32_0 = arith.constant 0 : i32
    return %arg0, %c0_i32 : i32, i32
  }
}

module attributes {stable_mosaic.version = 14 : i64} {
  func.func @_enc_tables_body(%arg0: i32, %arg1: memref<2000x128xf32, #tpu.memory_space<vmem>>, %arg2: memref<2000x128xf32, #tpu.memory_space<vmem>>, %arg3: memref<128x128xf32, #tpu.memory_space<vmem>>, %arg4: memref<128x128xf32, #tpu.memory_space<vmem>>, %arg5: memref<1x128xf32, #tpu.memory_space<vmem>>, %arg6: memref<128x128xf32, #tpu.memory_space<vmem>>, %arg7: memref<128x128xf32, #tpu.memory_space<vmem>>, %arg8: memref<2000x128xf32, #tpu.memory_space<vmem>>, %arg9: memref<2000x128xf32, #tpu.memory_space<vmem>>, %arg10: memref<2000x128xf32, #tpu.memory_space<vmem>>) attributes {dimension_semantics = [#tpu.dimension_semantics<arbitrary>], iteration_bounds = array<i64: 5>, scalar_prefetch = 0 : i64, scratch_operands = 0 : i64, tpu.core_type = #tpu.core_type<tc>, window_params = [{transform_indices = @transform_0, window_bounds = array<i64: 2000, 128>}, {transform_indices = @transform_1, window_bounds = array<i64: 2000, 128>}, {pipeline_mode = #tpu.pipeline_mode<synchronous>, transform_indices = @transform_2, window_bounds = array<i64: 128, 128>}, {pipeline_mode = #tpu.pipeline_mode<synchronous>, transform_indices = @transform_3, window_bounds = array<i64: 128, 128>}, {pipeline_mode = #tpu.pipeline_mode<synchronous>, transform_indices = @transform_4, window_bounds = array<i64: 1, 128>}, {pipeline_mode = #tpu.pipeline_mode<synchronous>, transform_indices = @transform_5, window_bounds = array<i64: 128, 128>}, {pipeline_mode = #tpu.pipeline_mode<synchronous>, transform_indices = @transform_6, window_bounds = array<i64: 128, 128>}, {transform_indices = @transform_7, window_bounds = array<i64: 2000, 128>}, {transform_indices = @transform_8, window_bounds = array<i64: 2000, 128>}, {transform_indices = @transform_9, window_bounds = array<i64: 2000, 128>}]} {
    %get3A = arith.constant 0 : index
    %get3A_0 = arith.constant 0 : index
    %get3A_1 = vector.load %arg1[%get3A, %get3A_0] : memref<2000x128xf32, #tpu.memory_space<vmem>>, vector<2000x128xf32>
    %get3A_2 = arith.constant 0 : index
    %get3A_3 = arith.constant 0 : index
    %get3A_4 = vector.load %arg3[%get3A_2, %get3A_3] : memref<128x128xf32, #tpu.memory_space<vmem>>, vector<128x128xf32>
    %dot_general3A = arith.constant dense<0.000000e+00> : vector<2000x128xf32>
    %dot_general3A_5 = tpu.matmul %get3A_1, %get3A_4, %dot_general3A {dimension_numbers = #tpu.dot_dimension_numbers<[1], [0], [0], [1], [0, 0, 1, 1], [], []>, transpose_lhs_hint = false} : vector<2000x128xf32>, vector<128x128xf32>, vector<2000x128xf32> -> vector<2000x128xf32>
    %get3A_6 = arith.constant 0 : index
    %get3A_7 = arith.constant 0 : index
    %get3A_8 = vector.load %arg2[%get3A_6, %get3A_7] : memref<2000x128xf32, #tpu.memory_space<vmem>>, vector<2000x128xf32>
    %get3A_9 = arith.constant 0 : index
    %get3A_10 = arith.constant 0 : index
    %get3A_11 = vector.load %arg4[%get3A_9, %get3A_10] : memref<128x128xf32, #tpu.memory_space<vmem>>, vector<128x128xf32>
    %dot_general3A_12 = arith.constant dense<0.000000e+00> : vector<2000x128xf32>
    %dot_general3A_13 = tpu.matmul %get3A_8, %get3A_11, %dot_general3A_12 {dimension_numbers = #tpu.dot_dimension_numbers<[1], [0], [0], [1], [0, 0, 1, 1], [], []>, transpose_lhs_hint = false} : vector<2000x128xf32>, vector<128x128xf32>, vector<2000x128xf32> -> vector<2000x128xf32>
    %add3A = arith.addf %dot_general3A_5, %dot_general3A_13 : vector<2000x128xf32>
    %get3A_14 = arith.constant 0 : index
    %get3A_15 = arith.constant 0 : index
    %get3A_16 = vector.load %arg5[%get3A_14, %get3A_15] : memref<1x128xf32, #tpu.memory_space<vmem>>, vector<1x128xf32>
    %add3A_17 = vector.broadcast %get3A_16 : vector<1x128xf32> to vector<2000x128xf32>
    %add3A_18 = arith.addf %add3A, %add3A_17 : vector<2000x128xf32>
    %max3A = arith.constant 0.000000e+00 : f32
    %max3A_19 = vector.broadcast %max3A : f32 to vector<2000x128xf32>
    %max3A_20 = arith.maximumf %add3A_18, %max3A_19 : vector<2000x128xf32>
    %swap3A = arith.constant 0 : index
    %swap3A_21 = arith.constant 0 : index
    %swap3A_22 = vector.load %arg8[%swap3A, %swap3A_21] : memref<2000x128xf32, #tpu.memory_space<vmem>>, vector<2000x128xf32>
    tpu.vector_store %arg8[%swap3A, %swap3A_21], %max3A_20 {strides = array<i32>} : memref<2000x128xf32, #tpu.memory_space<vmem>>, vector<2000x128xf32>,
    %get3A_23 = arith.constant 0 : index
    %get3A_24 = arith.constant 0 : index
    %get3A_25 = vector.load %arg6[%get3A_23, %get3A_24] : memref<128x128xf32, #tpu.memory_space<vmem>>, vector<128x128xf32>
    %dot_general3A_26 = arith.constant dense<0.000000e+00> : vector<2000x128xf32>
    %dot_general3A_27 = tpu.matmul %max3A_20, %get3A_25, %dot_general3A_26 {dimension_numbers = #tpu.dot_dimension_numbers<[1], [0], [0], [1], [0, 0, 1, 1], [], []>, transpose_lhs_hint = false} : vector<2000x128xf32>, vector<128x128xf32>, vector<2000x128xf32> -> vector<2000x128xf32>
    %swap3A_28 = arith.constant 0 : index
    %swap3A_29 = arith.constant 0 : index
    %swap3A_30 = vector.load %arg9[%swap3A_28, %swap3A_29] : memref<2000x128xf32, #tpu.memory_space<vmem>>, vector<2000x128xf32>
    tpu.vector_store %arg9[%swap3A_28, %swap3A_29], %dot_general3A_27 {strides = array<i32>} : memref<2000x128xf32, #tpu.memory_space<vmem>>, vector<2000x128xf32>,
    %get3A_31 = arith.constant 0 : index
    %get3A_32 = arith.constant 0 : index
    %get3A_33 = vector.load %arg7[%get3A_31, %get3A_32] : memref<128x128xf32, #tpu.memory_space<vmem>>, vector<128x128xf32>
    %dot_general3A_34 = arith.constant dense<0.000000e+00> : vector<2000x128xf32>
    %dot_general3A_35 = tpu.matmul %max3A_20, %get3A_33, %dot_general3A_34 {dimension_numbers = #tpu.dot_dimension_numbers<[1], [0], [0], [1], [0, 0, 1, 1], [], []>, transpose_lhs_hint = false} : vector<2000x128xf32>, vector<128x128xf32>, vector<2000x128xf32> -> vector<2000x128xf32>
    %swap3A_36 = arith.constant 0 : index
    %swap3A_37 = arith.constant 0 : index
    %swap3A_38 = vector.load %arg10[%swap3A_36, %swap3A_37] : memref<2000x128xf32, #tpu.memory_space<vmem>>, vector<2000x128xf32>
    tpu.vector_store %arg10[%swap3A_36, %swap3A_37], %dot_general3A_35 {strides = array<i32>} : memref<2000x128xf32, #tpu.memory_space<vmem>>, vector<2000x128xf32>,
    return
  }
  func.func @transform_0(%arg0: i32) -> (i32, i32) {
    %c0_i32 = arith.constant 0 : i32
    %c0_i32_0 = arith.constant 0 : i32
    return %arg0, %c0_i32 : i32, i32
  }
  func.func @transform_1(%arg0: i32) -> (i32, i32) {
    %c0_i32 = arith.constant 0 : i32
    %c0_i32_0 = arith.constant 0 : i32
    return %arg0, %c0_i32 : i32, i32
  }
  func.func @transform_2(%arg0: i32) -> (i32, i32) {
    %c0_i32 = arith.constant 0 : i32
    %c0_i32_0 = arith.constant 0 : i32
    %c0_i32_1 = arith.constant 0 : i32
    return %c0_i32, %c0_i32_0 : i32, i32
  }
  func.func @transform_3(%arg0: i32) -> (i32, i32) {
    %c0_i32 = arith.constant 0 : i32
    %c0_i32_0 = arith.constant 0 : i32
    %c0_i32_1 = arith.constant 0 : i32
    return %c0_i32, %c0_i32_0 : i32, i32
  }
  func.func @transform_4(%arg0: i32) -> (i32, i32) {
    %c0_i32 = arith.constant 0 : i32
    %c0_i32_0 = arith.constant 0 : i32
    %c0_i32_1 = arith.constant 0 : i32
    return %c0_i32, %c0_i32_0 : i32, i32
  }
  func.func @transform_5(%arg0: i32) -> (i32, i32) {
    %c0_i32 = arith.constant 0 : i32
    %c0_i32_0 = arith.constant 0 : i32
    %c0_i32_1 = arith.constant 0 : i32
    return %c0_i32, %c0_i32_0 : i32, i32
  }
  func.func @transform_6(%arg0: i32) -> (i32, i32) {
    %c0_i32 = arith.constant 0 : i32
    %c0_i32_0 = arith.constant 0 : i32
    %c0_i32_1 = arith.constant 0 : i32
    return %c0_i32, %c0_i32_0 : i32, i32
  }
  func.func @transform_7(%arg0: i32) -> (i32, i32) {
    %c0_i32 = arith.constant 0 : i32
    %c0_i32_0 = arith.constant 0 : i32
    return %arg0, %c0_i32 : i32, i32
  }
  func.func @transform_8(%arg0: i32) -> (i32, i32) {
    %c0_i32 = arith.constant 0 : i32
    %c0_i32_0 = arith.constant 0 : i32
    return %arg0, %c0_i32 : i32, i32
  }
  func.func @transform_9(%arg0: i32) -> (i32, i32) {
    %c0_i32 = arith.constant 0 : i32
    %c0_i32_0 = arith.constant 0 : i32
    return %arg0, %c0_i32 : i32, i32
  }
}

module attributes {stable_mosaic.version = 14 : i64} {
  func.func @_decode_body(%arg0: i32, %arg1: memref<2000x128xf32, #tpu.memory_space<vmem>>, %arg2: memref<1x2000x128xf32, #tpu.memory_space<vmem>>, %arg3: memref<1x2000x128xf32, #tpu.memory_space<vmem>>, %arg4: memref<128x128xf32, #tpu.memory_space<vmem>>, %arg5: memref<128x128xf32, #tpu.memory_space<vmem>>, %arg6: memref<1x128xf32, #tpu.memory_space<vmem>>, %arg7: memref<128x128xf32, #tpu.memory_space<vmem>>, %arg8: memref<128x128xf32, #tpu.memory_space<vmem>>, %arg9: memref<1x128xf32, #tpu.memory_space<vmem>>, %arg10: memref<128x1xf32, #tpu.memory_space<vmem>>, %arg11: memref<1x1xf32, #tpu.memory_space<vmem>>, %arg12: memref<2000x128xf32, #tpu.memory_space<vmem>>, %arg13: memref<2000x1xf32, #tpu.memory_space<vmem>>, %arg14: memref<2000x128xf32, #tpu.memory_space<vmem>>) attributes {dimension_semantics = [#tpu.dimension_semantics<arbitrary>], iteration_bounds = array<i64: 5>, scalar_prefetch = 0 : i64, scratch_operands = 0 : i64, tpu.core_type = #tpu.core_type<tc>, window_params = [{transform_indices = @transform_0, window_bounds = array<i64: 2000, 128>}, {transform_indices = @transform_1, window_bounds = array<i64: 1, 2000, 128>}, {transform_indices = @transform_2, window_bounds = array<i64: 1, 2000, 128>}, {pipeline_mode = #tpu.pipeline_mode<synchronous>, transform_indices = @transform_3, window_bounds = array<i64: 128, 128>}, {pipeline_mode = #tpu.pipeline_mode<synchronous>, transform_indices = @transform_4, window_bounds = array<i64: 128, 128>}, {pipeline_mode = #tpu.pipeline_mode<synchronous>, transform_indices = @transform_5, window_bounds = array<i64: 1, 128>}, {pipeline_mode = #tpu.pipeline_mode<synchronous>, transform_indices = @transform_6, window_bounds = array<i64: 128, 128>}, {pipeline_mode = #tpu.pipeline_mode<synchronous>, transform_indices = @transform_7, window_bounds = array<i64: 128, 128>}, {pipeline_mode = #tpu.pipeline_mode<synchronous>, transform_indices = @transform_8, window_bounds = array<i64: 1, 128>}, {pipeline_mode = #tpu.pipeline_mode<synchronous>, transform_indices = @transform_9, window_bounds = array<i64: 128, 1>}, {pipeline_mode = #tpu.pipeline_mode<synchronous>, transform_indices = @transform_10, window_bounds = array<i64: 1, 1>}, {transform_indices = @transform_11, window_bounds = array<i64: 2000, 128>}, {transform_indices = @transform_12, window_bounds = array<i64: 2000, 1>}, {transform_indices = @transform_13, window_bounds = array<i64: 2000, 128>}]} {
    %get3A = arith.constant 0 : index
    %get3A_0 = arith.constant 0 : index
    %get3A_1 = vector.load %arg1[%get3A, %get3A_0] : memref<2000x128xf32, #tpu.memory_space<vmem>>, vector<2000x128xf32>
    %get3A_2 = arith.constant 0 : index
    %get3A_3 = arith.constant 0 : index
    %get3A_4 = arith.constant 0 : index
    %get3A_5 = vector.load %arg2[%get3A_2, %get3A_3, %get3A_4] : memref<1x2000x128xf32, #tpu.memory_space<vmem>>, vector<1x2000x128xf32>
    %get3A_6 = vector.shape_cast %get3A_5 : vector<1x2000x128xf32> to vector<2000x128xf32>
    %get3A_7 = arith.constant 0 : index
    %get3A_8 = arith.constant 0 : index
    %get3A_9 = arith.constant 0 : index
    %get3A_10 = vector.load %arg3[%get3A_7, %get3A_8, %get3A_9] : memref<1x2000x128xf32, #tpu.memory_space<vmem>>, vector<1x2000x128xf32>
    %get3A_11 = vector.shape_cast %get3A_10 : vector<1x2000x128xf32> to vector<2000x128xf32>
    %add3A = arith.addf %get3A_6, %get3A_11 : vector<2000x128xf32>
    %get3A_12 = arith.constant 0 : index
    %get3A_13 = arith.constant 0 : index
    %get3A_14 = vector.load %arg4[%get3A_12, %get3A_13] : memref<128x128xf32, #tpu.memory_space<vmem>>, vector<128x128xf32>
    %dot_general3A = arith.constant dense<0.000000e+00> : vector<2000x128xf32>
    %dot_general3A_15 = tpu.matmul %get3A_1, %get3A_14, %dot_general3A {dimension_numbers = #tpu.dot_dimension_numbers<[1], [0], [0], [1], [0, 0, 1, 1], [], []>, transpose_lhs_hint = false} : vector<2000x128xf32>, vector<128x128xf32>, vector<2000x128xf32> -> vector<2000x128xf32>
    %get3A_16 = arith.constant 0 : index
    %get3A_17 = arith.constant 0 : index
    %get3A_18 = vector.load %arg5[%get3A_16, %get3A_17] : memref<128x128xf32, #tpu.memory_space<vmem>>, vector<128x128xf32>
    %dot_general3A_19 = arith.constant dense<0.000000e+00> : vector<2000x128xf32>
    %dot_general3A_20 = tpu.matmul %add3A, %get3A_18, %dot_general3A_19 {dimension_numbers = #tpu.dot_dimension_numbers<[1], [0], [0], [1], [0, 0, 1, 1], [], []>, transpose_lhs_hint = false} : vector<2000x128xf32>, vector<128x128xf32>, vector<2000x128xf32> -> vector<2000x128xf32>
    %add3A_21 = arith.addf %dot_general3A_15, %dot_general3A_20 : vector<2000x128xf32>
    %get3A_22 = arith.constant 0 : index
    %get3A_23 = arith.constant 0 : index
    %get3A_24 = vector.load %arg6[%get3A_22, %get3A_23] : memref<1x128xf32, #tpu.memory_space<vmem>>, vector<1x128xf32>
    %add3A_25 = vector.broadcast %get3A_24 : vector<1x128xf32> to vector<2000x128xf32>
    %add3A_26 = arith.addf %add3A_21, %add3A_25 : vector<2000x128xf32>
    %max3A = arith.constant 0.000000e+00 : f32
    %max3A_27 = vector.broadcast %max3A : f32 to vector<2000x128xf32>
    %max3A_28 = arith.maximumf %add3A_26, %max3A_27 : vector<2000x128xf32>
    %swap3A = arith.constant 0 : index
    %swap3A_29 = arith.constant 0 : index
    %swap3A_30 = vector.load %arg14[%swap3A, %swap3A_29] : memref<2000x128xf32, #tpu.memory_space<vmem>>, vector<2000x128xf32>
    tpu.vector_store %arg14[%swap3A, %swap3A_29], %max3A_28 {strides = array<i32>} : memref<2000x128xf32, #tpu.memory_space<vmem>>, vector<2000x128xf32>,
    %get3A_31 = arith.constant 0 : index
    %get3A_32 = arith.constant 0 : index
    %get3A_33 = vector.load %arg7[%get3A_31, %get3A_32] : memref<128x128xf32, #tpu.memory_space<vmem>>, vector<128x128xf32>
    %dot_general3A_34 = arith.constant dense<0.000000e+00> : vector<2000x128xf32>
    %dot_general3A_35 = tpu.matmul %get3A_1, %get3A_33, %dot_general3A_34 {dimension_numbers = #tpu.dot_dimension_numbers<[1], [0], [0], [1], [0, 0, 1, 1], [], []>, transpose_lhs_hint = false} : vector<2000x128xf32>, vector<128x128xf32>, vector<2000x128xf32> -> vector<2000x128xf32>
    %get3A_36 = arith.constant 0 : index
    %get3A_37 = arith.constant 0 : index
    %get3A_38 = vector.load %arg8[%get3A_36, %get3A_37] : memref<128x128xf32, #tpu.memory_space<vmem>>, vector<128x128xf32>
    %dot_general3A_39 = arith.constant dense<0.000000e+00> : vector<2000x128xf32>
    %dot_general3A_40 = tpu.matmul %max3A_28, %get3A_38, %dot_general3A_39 {dimension_numbers = #tpu.dot_dimension_numbers<[1], [0], [0], [1], [0, 0, 1, 1], [], []>, transpose_lhs_hint = false} : vector<2000x128xf32>, vector<128x128xf32>, vector<2000x128xf32> -> vector<2000x128xf32>
    %add3A_41 = arith.addf %dot_general3A_35, %dot_general3A_40 : vector<2000x128xf32>
    %get3A_42 = arith.constant 0 : index
    %get3A_43 = arith.constant 0 : index
    %get3A_44 = vector.load %arg9[%get3A_42, %get3A_43] : memref<1x128xf32, #tpu.memory_space<vmem>>, vector<1x128xf32>
    %add3A_45 = vector.broadcast %get3A_44 : vector<1x128xf32> to vector<2000x128xf32>
    %add3A_46 = arith.addf %add3A_41, %add3A_45 : vector<2000x128xf32>
    %swap3A_47 = arith.constant 0 : index
    %swap3A_48 = arith.constant 0 : index
    %swap3A_49 = vector.load %arg12[%swap3A_47, %swap3A_48] : memref<2000x128xf32, #tpu.memory_space<vmem>>, vector<2000x128xf32>
    tpu.vector_store %arg12[%swap3A_47, %swap3A_48], %add3A_46 {strides = array<i32>} : memref<2000x128xf32, #tpu.memory_space<vmem>>, vector<2000x128xf32>,
    %get3A_50 = arith.constant 0 : index
    %get3A_51 = arith.constant 0 : index
    %get3A_52 = vector.load %arg10[%get3A_50, %get3A_51] : memref<128x1xf32, #tpu.memory_space<vmem>>, vector<128x1xf32>
    %dot_general3A_53 = arith.constant dense<0.000000e+00> : vector<2000x1xf32>
    %dot_general3A_54 = tpu.matmul %max3A_28, %get3A_52, %dot_general3A_53 {dimension_numbers = #tpu.dot_dimension_numbers<[1], [0], [0], [1], [0, 0, 1, 1], [], []>, transpose_lhs_hint = false} : vector<2000x128xf32>, vector<128x1xf32>, vector<2000x1xf32> -> vector<2000x1xf32>
    %get3A_55 = arith.constant 0 : index
    %get3A_56 = arith.constant 0 : index
    %get3A_57 = vector.load %arg11[%get3A_55, %get3A_56] : memref<1x1xf32, #tpu.memory_space<vmem>>, vector<1x1xf32>
    %add3A_58 = vector.broadcast %get3A_57 : vector<1x1xf32> to vector<2000x1xf32>
    %add3A_59 = arith.addf %dot_general3A_54, %add3A_58 : vector<2000x1xf32>
    %neg3A = arith.constant 0.000000e+00 : f32
    %neg3A_60 = vector.broadcast %neg3A : f32 to vector<2000x1xf32>
    %neg3A_61 = arith.subf %neg3A_60, %add3A_59 : vector<2000x1xf32>
    %exp3A = math.exp %neg3A_61 : vector<2000x1xf32>
    %add3A_62 = arith.constant 1.000000e+00 : f32
    %add3A_63 = vector.broadcast %add3A_62 : f32 to vector<2000x1xf32>
    %add3A_64 = arith.addf %add3A_63, %exp3A : vector<2000x1xf32>
    %div3A = arith.constant 1.000000e+00 : f32
    %div3A_65 = vector.broadcast %div3A : f32 to vector<2000x1xf32>
    %div3A_66 = arith.divf %div3A_65, %add3A_64 : vector<2000x1xf32>
    %swap3A_67 = arith.constant 0 : index
    %swap3A_68 = arith.constant 0 : index
    %swap3A_69 = vector.load %arg13[%swap3A_67, %swap3A_68] : memref<2000x1xf32, #tpu.memory_space<vmem>>, vector<2000x1xf32>
    tpu.vector_store %arg13[%swap3A_67, %swap3A_68], %div3A_66 {strides = array<i32>} : memref<2000x1xf32, #tpu.memory_space<vmem>>, vector<2000x1xf32>,
    return
  }
  func.func @transform_0(%arg0: i32) -> (i32, i32) {
    %c0_i32 = arith.constant 0 : i32
    %c0_i32_0 = arith.constant 0 : i32
    return %arg0, %c0_i32 : i32, i32
  }
  func.func @transform_1(%arg0: i32) -> (i32, i32, i32) {
    %c0_i32 = arith.constant 0 : i32
    %c0_i32_0 = arith.constant 0 : i32
    %c0_i32_1 = arith.constant 0 : i32
    return %c0_i32, %arg0, %c0_i32_0 : i32, i32, i32
  }
  func.func @transform_2(%arg0: i32) -> (i32, i32, i32) {
    %c1_i32 = arith.constant 1 : i32
    %c0_i32 = arith.constant 0 : i32
    %c0_i32_0 = arith.constant 0 : i32
    return %c1_i32, %arg0, %c0_i32 : i32, i32, i32
  }
  func.func @transform_3(%arg0: i32) -> (i32, i32) {
    %c0_i32 = arith.constant 0 : i32
    %c0_i32_0 = arith.constant 0 : i32
    %c0_i32_1 = arith.constant 0 : i32
    return %c0_i32, %c0_i32_0 : i32, i32
  }
  func.func @transform_4(%arg0: i32) -> (i32, i32) {
    %c0_i32 = arith.constant 0 : i32
    %c0_i32_0 = arith.constant 0 : i32
    %c0_i32_1 = arith.constant 0 : i32
    return %c0_i32, %c0_i32_0 : i32, i32
  }
  func.func @transform_5(%arg0: i32) -> (i32, i32) {
    %c0_i32 = arith.constant 0 : i32
    %c0_i32_0 = arith.constant 0 : i32
    %c0_i32_1 = arith.constant 0 : i32
    return %c0_i32, %c0_i32_0 : i32, i32
  }
  func.func @transform_6(%arg0: i32) -> (i32, i32) {
    %c0_i32 = arith.constant 0 : i32
    %c0_i32_0 = arith.constant 0 : i32
    %c0_i32_1 = arith.constant 0 : i32
    return %c0_i32, %c0_i32_0 : i32, i32
  }
  func.func @transform_7(%arg0: i32) -> (i32, i32) {
    %c0_i32 = arith.constant 0 : i32
    %c0_i32_0 = arith.constant 0 : i32
    %c0_i32_1 = arith.constant 0 : i32
    return %c0_i32, %c0_i32_0 : i32, i32
  }
  func.func @transform_8(%arg0: i32) -> (i32, i32) {
    %c0_i32 = arith.constant 0 : i32
    %c0_i32_0 = arith.constant 0 : i32
    %c0_i32_1 = arith.constant 0 : i32
    return %c0_i32, %c0_i32_0 : i32, i32
  }
  func.func @transform_9(%arg0: i32) -> (i32, i32) {
    %c0_i32 = arith.constant 0 : i32
    %c0_i32_0 = arith.constant 0 : i32
    %c0_i32_1 = arith.constant 0 : i32
    return %c0_i32, %c0_i32_0 : i32, i32
  }
  func.func @transform_10(%arg0: i32) -> (i32, i32) {
    %c0_i32 = arith.constant 0 : i32
    %c0_i32_0 = arith.constant 0 : i32
    %c0_i32_1 = arith.constant 0 : i32
    return %c0_i32, %c0_i32_0 : i32, i32
  }
  func.func @transform_11(%arg0: i32) -> (i32, i32) {
    %c0_i32 = arith.constant 0 : i32
    %c0_i32_0 = arith.constant 0 : i32
    return %arg0, %c0_i32 : i32, i32
  }
  func.func @transform_12(%arg0: i32) -> (i32, i32) {
    %c0_i32 = arith.constant 0 : i32
    %c0_i32_0 = arith.constant 0 : i32
    return %arg0, %c0_i32 : i32, i32
  }
  func.func @transform_13(%arg0: i32) -> (i32, i32) {
    %c0_i32 = arith.constant 0 : i32
    %c0_i32_0 = arith.constant 0 : i32
    return %arg0, %c0_i32 : i32, i32
  }
}

</mosaic_0001>

<sc_bundles>
// kernel: kernel.6.cloned.1.call-start
scs
__scs_entry_jumppad:
0x0: {  	(pc) =	sbr.rel $0x88, $3  }
0x1: {  	(tag) =	ssettag $0x0;
	lr =	simm.s32 $0x1  }
0x2: {  	[smem:$0x3F93] =	sst lr;
	_ =	strace $0xD0000000  }
0x3: {  	_ = 	snop  }
0x4: {  	_ = 	snop  }
0x5: {  	_ = 	snop  }
0x6: {  	_ = 	snop  }
0x7: {  	_ = 	snop  }
__scs_overlays_trampoline_lowered:
0x8: {  	[smem:$0x3FA2] =	sst s0  }
0x9: {  	[smem:$0x3FA3] =	sst s1  }
0xa: {  	[smem:$0x3FA4] =	sst s2  }
0xb: {  	[smem:$0x3FA5] =	sst s3  }
0xc: {  	[smem:$0x3FA6] =	sst s4  }
0xd: {  	[smem:$0x3FA7] =	sst s5  }
0xe: {  	[smem:$0x3FA8] =	sst s6  }
0xf: {  	[smem:$0x3FA9] =	sst s7  }
0x10: {  	[smem:$0x3FAA] =	sst s8  }
0x11: {  	[smem:$0x3FAB] =	sst s9;
	s0 =	simm.s32 @!p0 $0x0  }
0x12: {  	s1 =	sld [smem:$0x3F91];
	s0 =	simm.s32 @p0 $0x1  }
0x13: {  	[smem:$0x3FAC] =	sst s0;
	s0 =	simm.s32 @!p1 $0x0  }
0x14: {  	s2 =	sld [smem:$0x3F90];
	s0 =	simm.s32 @p1 $0x1  }
0x15: {  	[smem:$0x3FAD] =	sst s0;
	s0 =	simm.s32 @!p2 $0x0  }
0x16: {  	s3 =	sld [smem:$0x3FDB];
	s0 =	simm.s32 @p2 $0x1  }
0x17: {  	s4 =	simm.s32 $0x1BF5;
	[smem:$0x3FAF] =	sst s0  }
0x18: {  	s0 =	sld [smem:$0x3F92];
	_ =	swait.ge [sflag:s4], $0x0  }
0x19: {  	s7 =	sld [smem:$0x3F93]  }
0x1a: {  	s8 =	sadd.s32 $0xFFFFE003, lr  }
0x1b: {  	s9 =	sadd.s32 $0xFFFFFEF7, lr;
	s5 =	simm.s32 $0xFFFFFFFF;
	p2 =	slt.u32 s8, $0xFFFFF086  }
0x1c: {  	p1 =	slt.u32 s9, $0xF7A;
	s5 =	simm.s32 @!p2 $0x0  }
0x1d: {  	s5 =	simm.s32 @p1 $0x1;
	p0 =	seq.s32 s7, s2  }
0x1e: {  	s7 =	smul.u32 @!p0 $0xF7A, s2;
	p2 =	seq.s32 @!p0 s5, $0x0  }
0x1f: {  	s9 =	smul.u32 $0xF7A, s1;
	s8 =	simm.s32 @!p0 $0x1BF5;
	p2 =	por !p2, p0  }
0x20: {  	[sflag:s8] =	ssyncset.s32 @!p0 $0xFFFFF086;
	s6 =	sadd.s32 @!p0 s3, s7;
	s7 =	simm.s32 @!p0 $0x108  }
0x21: {  	s3 =	sadd.s32 s3, s9;
	s6 =	sadd.s32 @!p0 $0x88, s6;
	s7 =	simm.s32 @p2 $0x1082  }
0x22: {  	[simem:s7], [sflag:s8] =	dma.local @!p0 [hbm:s6], $0xF7A  }
0x23: {  	s9 =	sor.u32 $0xD0000000, s2;
	s6 =	simm.s32 $0x108;
	_ =	swait.ge @!p0 [sflag:s8], $0x0  }
0x24: {  	s3 =	sadd.s32 $0x88, s3;
	s6 =	simm.s32 @!p1 $0x1082;
	[sflag:s4] =	ssyncset.s32 $0xFFFFF086  }
0x25: {  	[simem:s6], [sflag:s4] =	dma.local [hbm:s3], $0xF7A  }
0x26: {  	[smem:$0x3F93] =	sst s1;
	(tag) =	ssettag s2;
	_ =	strace s9  }
0x27: {  	s1 =	sld [smem:$0x3FA3]  }
0x28: {  	s2 =	sld [smem:$0x3FA4]  }
0x29: {  	s4 =	sld [smem:$0x3FA6]  }
0x2a: {  	p0 =	seq.s32 s5, $0x0;
	s5 =	sld [smem:$0x3FA7]  }
0x2b: {  	s6 =	sld [smem:$0x3FA8]  }
0x2c: {  	s7 =	sld [smem:$0x3FA9]  }
0x2d: {  	s3 =	simm.s32 $0x108;
	s8 =	sld [smem:$0x3FAA]  }
0x2e: {  	s3 =	simm.s32 @!p0 $0x1082;
	s9 =	sld [smem:$0x3FAB]  }
0x2f: {  	lr =	sadd.s32 s0, s3;
	s0 =	sld [smem:$0x3FA2]  }
0x30: {  	s3 =	sld [smem:$0x3FA5]  }
0x31: {  	[smem:$0x3FAE] =	sst s10  }
0x32: {  	s10 =	sld [smem:$0x3FAC];
	_ =	sdelay $0x3  }
0x33: {  	p0 =	seq.s32 s10, $0x1;
	s10 =	sld [smem:$0x3FAE];
	_ =	sdelay $0x3  }
0x34: {  	[smem:$0x3FAE] =	sst s10  }
0x35: {  	s10 =	sld [smem:$0x3FAD];
	_ =	sdelay $0x3  }
0x36: {  	p1 =	seq.s32 s10, $0x1;
	s10 =	sld [smem:$0x3FAE];
	_ =	sdelay $0x3  }
0x37: {  	[smem:$0x3FAE] =	sst s10  }
0x38: {  	s10 =	sld [smem:$0x3FAF]  }
0x39: {  	_ = 	snop;
	(pc) =	sbr.ind lr, $3  }
0x3a: {  	_ = 	snop  }
0x3b: {  	_ = 	snop  }
0x3c: {  	p2 =	seq.s32 s10, $0x1;
	s10 =	sld [smem:$0x3FAE]  }
0x3d: {  	_ =	shalt  }
0x3e: {  	_ =	shalt  }
0x3f: {  	_ =	shalt  }
0x40: {  	_ =	shalt  }
0x41: {  	_ =	shalt  }
0x42: {  	_ =	shalt  }
0x43: {  	_ =	shalt  }
0x44: {  	_ =	shalt  }
0x45: {  	_ =	shalt  }
0x46: {  	_ =	shalt  }
0x47: {  	_ =	shalt  }
0x48: {  	_ =	shalt  }
0x49: {  	_ =	shalt  }
0x4a: {  	_ =	shalt  }
0x4b: {  	_ =	shalt  }
0x4c: {  	_ =	shalt  }
0x4d: {  	_ =	shalt  }
0x4e: {  	_ =	shalt  }
0x4f: {  	_ =	shalt  }
0x50: {  	_ =	shalt  }
0x51: {  	_ =	shalt  }
0x52: {  	_ =	shalt  }
0x53: {  	_ =	shalt  }
0x54: {  	_ =	shalt  }
0x55: {  	_ =	shalt  }
0x56: {  	_ =	shalt  }
0x57: {  	_ =	shalt  }
0x58: {  	_ =	shalt  }
0x59: {  	_ =	shalt  }
0x5a: {  	_ =	shalt  }
0x5b: {  	_ =	shalt  }
0x5c: {  	_ =	shalt  }
0x5d: {  	_ =	shalt  }
0x5e: {  	_ =	shalt  }
0x5f: {  	_ =	shalt  }
0x60: {  	_ =	shalt  }
0x61: {  	_ =	shalt  }
0x62: {  	_ =	shalt  }
0x63: {  	_ =	shalt  }
0x64: {  	_ =	shalt  }
0x65: {  	_ =	shalt  }
0x66: {  	_ =	shalt  }
0x67: {  	_ =	shalt  }
0x68: {  	_ =	shalt  }
0x69: {  	_ =	shalt  }
0x6a: {  	_ =	shalt  }
0x6b: {  	_ =	shalt  }
0x6c: {  	_ =	shalt  }
0x6d: {  	_ =	shalt  }
0x6e: {  	_ =	shalt  }
0x6f: {  	_ =	shalt  }
0x70: {  	_ =	shalt  }
0x71: {  	_ =	shalt  }
0x72: {  	_ =	shalt  }
0x73: {  	_ =	shalt  }
0x74: {  	_ =	shalt  }
0x75: {  	_ =	shalt  }
0x76: {  	_ =	shalt  }
0x77: {  	_ =	shalt  }
0x78: {  	_ =	shalt  }
0x79: {  	_ =	shalt  }
0x7a: {  	_ =	shalt  }
0x7b: {  	_ =	shalt  }
0x7c: {  	_ =	shalt  }
0x7d: {  	_ =	shalt  }
0x7e: {  	_ =	shalt  }
0x7f: {  	_ =	shalt  }
0x80: {  	_ =	shalt  }
0x81: {  	_ =	shalt  }
0x82: {  	_ =	shalt  }
0x83: {  	_ =	shalt  }
0x84: {  	_ =	shalt  }
0x85: {  	_ =	shalt  }
0x86: {  	_ =	shalt  }
0x87: {  	_ =	shalt  }
.Lfunc_end0:
.L_simem_size_0:
called_computation_lowered:
.L_overlay_start_0:
0x88: {  	s2 =	sld [smem:$0x3FD9]  }
0x89: {  	s3 =	sld [smem:$0x3FFE];
	_ =	sdelay $0x1  }
0x8a: {  	s1 =	srdreg.scid  }
0x8b: {  	s0 =	sand.u32 $0x1, s1  }
0x8c: {  	s14 =	sshll.u32 s0, $0xA;
	s2 =	sadd.s32 s3, s2  }
0x8d: {  	s2 =	sadd.s32 s2, s14  }
0x8e: {  	[smem:$0x3FBA] =	sst s2  }
0x8f: {  	_ = 	snop  }
0x90: {  	s2 =	sld [smem:$0x3FD0];
	_ =	sdelay $0x2  }
0x91: {  	s15 =	simm.s32 $0xA;
	s4 =	simm.s32 $0x10  }
0x92: {  	[smem:s4], [sflag:s15] =	dma.local [hbm:s2], $0x1  }
0x93: {  	_ =	swait.eq [sflag:s15], $0x1  }
0x94: {  	[sflag:s15] =	ssyncset.done $0x0  }
0x95: {  	[sflag:s15] =	ssyncadd.s32 $0xFFFFFFFF  }
0x96: {  	s16 =	sld [smem:$0x10];
	(tm) =	ssettm $0x1  }
0x97: {  	s17 =	sld [smem:$0x3FFB];
	_ =	sdelay $0x3  }
0x98: {  	_ =	strace s17  }
0x99: {  	s3 =	sld [smem:$0x3FFC];
	_ =	sdelay $0x3  }
0x9a: {  	_ =	strace s3  }
0x9b: {  	s3 =	sld [smem:$0x3FFD];
	_ =	sdelay $0x3  }
0x9c: {  	_ =	strace s3  }
0x9d: {  	_ =	strace $0x8FFFFFFF  }
0x9e: {  	s18 =	sld [smem:$0x3FDB];
	_ =	sdelay $0x1  }
0x9f: {  	s19 =	simm.s32 $_scs_section_size  }
0xa0: {  	s5 =	simm.s32 $_size__tile_overlayer_lowered;
	s6 =	simm.s32 $_tile_overlayer_lowered  }
0xa1: {  	s22 =	simm.s32 $0x1BFF;
	s21 =	sshll.u32 s6, $0x1;
	s3 =	sadd.s32 s19, s18  }
0xa2: {  	s7 =	simm.s32 $0x0;
	s20 =	sshll.u32 s5, $0x1;
	s5 =	sadd.s32 s21, s3  }
0xa3: {  	[timem:s7], [sflag:s22] =	dma.local [hbm:s5], s20  }
0xa4: {  	_ =	swait.ge [sflag:s22], s20  }
0xa5: {  	s4 =	ssub.s32 $0x0, s20;
	[sflag:s22] =	ssyncset.done $0x0  }
0xa6: {  	[sflag:s22] =	ssyncadd.s32 s4;
	_ =	sdelay $0x1  }
0xa7: {  	s23 =	simm.s32 $0x1B8B  }
0xa8: {  	_ =	swait.ge [sflag:s23], $0x1  }
0xa9: {  	[sflag:s23] =	ssyncset.done $0x0  }
0xaa: {  	s25 =	simm.s32 $0x1B8E;
	s24 =	sld [smem:$0x3FFE];
	[sflag:s23] =	ssyncadd.s32 $0xFFFFFFFF  }
0xab: {  	s26 =	simm.s32 $execute0_lowered;
	[smem:$0x3FD2] =	sst s25  }
0xac: {  	s5 =	sshll.u32 s26, $0x1;
	_ =	strace $0x80000046;
	[dreg:$0x1] =	wrdreg $0xFFFFFFFF  }
0xad: {  	s28 =	simm.s32 $_size_execute0_lowered;
	s3 =	sadd.s32 s3, s5;
	[dreg:$0x0] =	wrdreg $0x0  }
0xae: {  	s5 =	sshll.u32 s28, $0x1;
	[dreg:$0x2] =	wrdreg s3  }
0xaf: {  	[dreg:$0x3] =	wrdreg s5  }
0xb0: {  	[dreg:$0x4] =	wrdreg $0xC0  }
0xb1: {  	_ =	task [dreg:s7], $0x5FFFF  }
0xb2: {  	[dreg:$0x1] =	wrdreg $0xFFFFFFFF  }
0xb3: {  	[dreg:$0x0] =	wrdreg $0x60  }
0xb4: {  	[dreg:$0x2] =	wrdreg s16  }
0xb5: {  	[dreg:$0x3] =	wrdreg s24  }
0xb6: {  	[dreg:$0x4] =	wrdreg $0xB1000  }
0xb7: {  	[dreg:$0x5] =	wrdreg $0x9  }
0xb8: {  	_ =	task.clear_ibuf [dreg:s7], $0x6FFFF;
	_ =	strace $0x90000046  }
0xb9: {  	s29 =	simm.s32 $0x9;
	_ =	strace $0x80000048  }
0xba: {  	_ =	swait.ge [sflag:s29], $0x1  }
0xbb: {  	[sflag:s29] =	ssyncadd.s32 $0xFFFFFFFF  }
0xbc: {  	_ =	strace $0x90000048  }
0xbd: {  	_ =	sfence  }
0xbe: {  	s30 =	sld [smem:$0x0];
	_ =	sdelay $0x2  }
0xbf: {  	s31 =	sshll.u32 s1, $0xD;
	s1 =	sshrl.u32 s1, $0x2  }
0xc0: {  	s3 =	sand.u32 $0x4000, s31;
	s1 =	sadd.s32 s1, s30  }
0xc1: {  	s0 =	sor.u32 s3, s0;
	s1 =	sshll.u32 s1, $0x11  }
0xc2: {  	s0 =	sor.u32 s1, s0  }
0xc3: {  	s0 =	sadd.s32 $0x8F2B, s0  }
0xc4: {  	[sflag:s0] =	ssyncadd.remote.s32 $0x1  }
0xc5: {  	_ =	sfence.sel $0xFFFF  }
0xc6: {  	[dreg:$0x0] =	wrdreg $0xFFFFFFFF;
	(pc) =	sbr.abs _section_cstart, $3  }
0xc7: {  	[dreg:$0x1] =	wrdreg $0xFFFFFFFF  }
0xc8: {  	_ =	task.clear_ibuf [dreg:s7], $0x2FFFF;
	_ =	strace $0x9FFFFFFF  }
0xc9: {  	(tm) =	ssettm $0x7FFFFFFF  }
tec
execute0_lowered:
.L_overlay_start_1:
0x0: {  	(tag) =	ssettag $0x1  }
0x1: {  	s0 =	rddreg [dreg:$0x1];
	s1 =	simm.s32 $0x0;
	s2 =	srdreg.scid  }
0x2: {  	s7 =	stileid.u32;
	[smem:$0x7FF] =	sst s1  }
0x3: {  	s14 =	sand.u32 $0x1, s2;
	s4 =	sadd.s32 $0x29800, s0;
	s15 =	smul.u32 $0x14000, s7  }
0x4: {  	s5 =	smul.u32 $0x50000, s7;
	s6 =	sshll.u32 s7, $0x1;
	s2 =	ssub.s32 $0x2, s14  }
0x5: {  	s18 =	smul.u32 $0x140000, s14;
	s3 =	sshrl.u32 s2, $0x1;
	s7 =	sor.u32 $0x2800, s15  }
0x6: {  	s8 =	sor.u32 $0x3C00, s15;
	s9 =	sadd.s32 $0x5000, s15;
	s10 =	sadd.s32 $0x6400, s15  }
0x7: {  	s11 =	sadd.s32 $0x7800, s15;
	s12 =	sadd.s32 $0x8C00, s15;
	s13 =	sadd.s32 $0xA000, s15  }
0x8: {  	s17 =	sadd.s32 $0xB400, s15;
	s19 =	sadd.s32 $0xC800, s15;
	s20 =	sadd.s32 $0xDC00, s15  }
0x9: {  	s21 =	sadd.s32 $0xF000, s15;
	s22 =	sadd.s32 $0x10400, s15;
	s2 =	ssub.s32 s2, s3  }
0xa: {  	s3 =	sor.u32 s14, s6;
	s6 =	sor.u32 $0x1400, s15;
	s16 =	sadd.s32 s15, s18  }
0xb: {  	s14 =	sadd.s32 $0x11800, s15;
	s15 =	sadd.s32 $0x12C00, s15;
	s25 =	sadd.s32 s18, s7  }
0xc: {  	s26 =	sadd.s32 s18, s8;
	s16 =	sshrl.u32 s16, $0x3;
	s23 =	sadd.s32 s18, s6  }
0xd: {  	s16 =	sadd.s32 s4, s16;
	s24 =	sshrl.u32 s23, $0x3;
	s23 =	sshrl.u32 s26, $0x3  }
0xe: {  	s26 =	sadd.s32 s18, s12;
	[dreg:$0x4] =	wrdreg s16;
	s16 =	sadd.s32 s4, s24  }
0xf: {  	s24 =	sadd.s32 s18, s9;
	s28 =	sadd.s32 s4, s23;
	[dreg:$0x5] =	wrdreg s16  }
0x10: {  	s16 =	sshrl.u32 s25, $0x3;
	[dreg:$0x7] =	wrdreg s28;
	s23 =	sshrl.u32 s24, $0x3  }
0x11: {  	s24 =	sadd.s32 s18, s10;
	s25 =	sadd.s32 s18, s11;
	s16 =	sadd.s32 s4, s16  }
0x12: {  	[dreg:$0x6] =	wrdreg s16;
	s16 =	sadd.s32 s4, s23;
	s23 =	sshrl.u32 s25, $0x3  }
0x13: {  	s25 =	sadd.s32 s18, s17;
	[dreg:$0x8] =	wrdreg s16;
	s16 =	sshrl.u32 s24, $0x3  }
0x14: {  	s28 =	sadd.s32 s4, s23;
	s23 =	sshrl.u32 s26, $0x3;
	s24 =	sadd.s32 s18, s13  }
0x15: {  	s26 =	sadd.s32 s18, s19;
	s16 =	sadd.s32 s4, s16;
	[dreg:$0xa] =	wrdreg s28  }
0x16: {  	[dreg:$0x9] =	wrdreg s16;
	s16 =	sadd.s32 s4, s23;
	s23 =	sshrl.u32 s25, $0x3  }
0x17: {  	s25 =	sadd.s32 s18, s21;
	[dreg:$0xb] =	wrdreg s16;
	s16 =	sshrl.u32 s24, $0x3  }
0x18: {  	s28 =	sadd.s32 s4, s23;
	s23 =	sshrl.u32 s26, $0x3;
	s24 =	sadd.s32 s18, s20  }
0x19: {  	s26 =	sadd.s32 s18, s22;
	s16 =	sadd.s32 s4, s16;
	[dreg:$0xd] =	wrdreg s28  }
0x1a: {  	[dreg:$0xc] =	wrdreg s16;
	s16 =	sadd.s32 s4, s23;
	s23 =	sshrl.u32 s25, $0x3  }
0x1b: {  	s25 =	sadd.s32 s18, s15;
	[dreg:$0xe] =	wrdreg s16;
	s16 =	sshrl.u32 s24, $0x3  }
0x1c: {  	s28 =	sadd.s32 s4, s23;
	s24 =	sadd.s32 s18, s14;
	s18 =	rddreg [dreg:$0x2]  }
0x1d: {  	s23 =	sshrl.u32 s26, $0x3;
	s16 =	sadd.s32 s4, s16;
	[dreg:$0x10] =	wrdreg s28  }
0x1e: {  	[dreg:$0xf] =	wrdreg s16;
	s16 =	sadd.s32 s4, s23  }
0x1f: {  	s23 =	sshrl.u32 s24, $0x3;
	[dreg:$0x11] =	wrdreg s16  }
0x20: {  	s26 =	sshrl.u32 s25, $0x3;
	s16 =	rddreg [dreg:$0x0];
	s23 =	sadd.s32 s4, s23  }
0x21: {  	s5 =	sshrl.u32 s5, $0x2;
	s4 =	sadd.s32 s4, s26;
	[dreg:$0x12] =	wrdreg s23  }
0x22: {  	s28 =	sadd.s32 s6, s18;
	[dreg:$0x13] =	wrdreg s4;
	s23 =	sadd.s32 s5, s18  }
0x23: {  	s5 =	sadd.s32 s7, s18;
	_ =	strace $0x80000047;
	[dreg:$0x15] =	wrdreg s28  }
0x24: {  	s6 =	sadd.s32 s8, s18;
	[dreg:$0x16] =	wrdreg s5  }
0x25: {  	s7 =	sadd.s32 s9, s18;
	[dreg:$0x17] =	wrdreg s6  }
0x26: {  	s8 =	sadd.s32 s10, s18;
	[dreg:$0x18] =	wrdreg s7  }
0x27: {  	s9 =	sadd.s32 s11, s18;
	[dreg:$0x19] =	wrdreg s8  }
0x28: {  	s10 =	sadd.s32 s17, s18;
	[dreg:$0x1a] =	wrdreg s9  }
0x29: {  	s11 =	sadd.s32 s19, s18;
	[dreg:$0x1d] =	wrdreg s10  }
0x2a: {  	s3 =	smul.u32 $0x2710, s3;
	s17 =	sadd.s32 s21, s18;
	[dreg:$0x1e] =	wrdreg s11  }
0x2b: {  	s29 =	simm.s32 $0x1;
	[smem:$0x7F3] =	sst s17  }
0x2c: {  	s30 =	simm.s32 $0x3;
	s19 =	sadd.s32 $0x4EE400, s0;
	[smem:$0x7F4] =	sst s3  }
0x2d: {  	s25 =	sadd.s32 $0x4F8480, s0;
	s21 =	sadd.s32 s15, s18;
	[smem:$0x7F5] =	sst s19  }
0x2e: {  	s31 =	simm.s32 $0x5;
	s24 =	sadd.s32 $0x4E4600, s0;
	[smem:$0x7F6] =	sst s21  }
0x2f: {  	s12 =	sadd.s32 s12, s18;
	s13 =	sadd.s32 s13, s18;
	[smem:$0x7F7] =	sst s24  }
0x30: {  	s20 =	sadd.s32 s20, s18;
	s26 =	sadd.s32 $0x4F8700, s0;
	[smem:$0x7F8] =	sst s25  }
0x31: {  	s22 =	sadd.s32 s22, s18;
	s14 =	sadd.s32 s14, s18;
	[smem:$0x7F9] =	sst s26  }
0x32: {  	s15 =	simm.s32 $0x1100;
	s4 =	simm.s32 $0x8;
	[dreg:$0x14] =	wrdreg s23  }
0x33: {  	s5 =	sadd.s32 $0x2600, s0;
	s7 =	sadd.s32 $0x4F8200, s0;
	[dreg:$0x1b] =	wrdreg s12  }
0x34: {  	s0 =	sadd.s32 $0x4F8980, s0;
	s28 =	smax.u32 s2, $0x1;
	[dreg:$0x1c] =	wrdreg s13  }
0x35: {  	s19 =	simm.s32 $0x7;
	s21 =	simm.s32 $0x28;
	[dreg:$0x1f] =	wrdreg s20  }
0x36: {  	s2 =	simm.s32 $0x1000;
	s3 =	simm.s32 $0x8900;
	[smem:$0x7FC] =	sst s22  }
0x37: {  	s6 =	simm.s32 $0x2;
	s9 =	simm.s32 $0x4;
	[smem:$0x7FD] =	sst s14  }
0x38: {  	s25 =	simm.s32 $0x6;
	s17 =	simm.s32 $0x1080;
	[smem:$0x7FA] =	sst s0  }
0x39: {  	v0 =	vimm.f32 $0.0e+00;
	s10 =	simm.s32 $0x0;
	[smem:$0x7FB] =	sst s28;
	s0 =	simm.s32 $0x9D00  }
.LBB2_1:
0x3a: {  	[smem:$0x7F2] =	sst s10;
	s8 =	simm.s32 $0x0;
	s10 =	simm.s32 $0x200  }
.LBB2_2:
0x3b: {  	p0 =	sne.s32 s10, $0x4E00;
	[tilespmem:s8+$0x1170] =	vst v0  }
0x3c: {  	[tilespmem:s8+$0x1100] =	vst v0  }
0x3d: {  	[tilespmem:s8+$0x1110] =	vst v0  }
.Ltmp0:
0x3e: {  	[tilespmem:s8+$0x1120] =	vst v0;
	(pc) =	sbr.rel @p0 .LBB2_2-.Ltmp0, $4  }
0x3f: {  	[tilespmem:s8+$0x1130] =	vst v0  }
0x40: {  	[tilespmem:s8+$0x1140] =	vst v0  }
0x41: {  	[tilespmem:s8+$0x1150] =	vst v0  }
0x42: {  	[tilespmem:s8+$0x1160] =	vst v0;
	s8 =	sshra.s32 s10, $0x2;
	s10 =	sadd.s32 $0x200, s10  }
0x43: {  	[tilespmem:s8+$0x1170] =	vst v0  }
0x44: {  	[tilespmem:s8+$0x1100] =	vst v0  }
0x45: {  	[tilespmem:s8+$0x1110] =	vst v0  }
0x46: {  	[tilespmem:s8+$0x1120] =	vst v0  }
0x47: {  	[tilespmem:s8+$0x1130] =	vst v0  }
0x48: {  	[tilespmem:s8+$0x1140] =	vst v0  }
0x49: {  	[tilespmem:s8+$0x1150] =	vst v0  }
0x4a: {  	[tilespmem:s8+$0x1160] =	vst v0  }
0x4b: {  	[spmem:s23] =	stream.linear.scatter [tilespmem:s15], [sflag:$0x7], $0x1400, $0x38;
	[tilespmem:$0x1F100] =	vst v63  }
0x4c: {  	s23 =	rddreg [dreg:$0x15]  }
0x4d: {  	[spmem:s23] =	stream.linear.scatter [tilespmem:s15], [sflag:$0x7], $0x1400, $0x38;
	[tilespmem:$0x1F100] =	vst v63  }
0x4e: {  	s24 =	rddreg [dreg:$0x16]  }
0x4f: {  	[spmem:s24] =	stream.linear.scatter [tilespmem:s15], [sflag:$0x7], $0x1400, $0x38;
	[tilespmem:$0x1F100] =	vst v63  }
0x50: {  	s26 =	rddreg [dreg:$0x17]  }
0x51: {  	[spmem:s26] =	stream.linear.scatter [tilespmem:s15], [sflag:$0x7], $0x1400, $0x38;
	[tilespmem:$0x1F100] =	vst v63  }
0x52: {  	s28 =	rddreg [dreg:$0x18]  }
0x53: {  	[spmem:s28] =	stream.linear.scatter [tilespmem:s15], [sflag:$0x7], $0x1400, $0x38;
	[tilespmem:$0x1F100] =	vst v63  }
0x54: {  	s10 =	rddreg [dreg:$0x19]  }
0x55: {  	[spmem:s10] =	stream.linear.scatter [tilespmem:s15], [sflag:$0x7], $0x1400, $0x38;
	[tilespmem:$0x1F100] =	vst v63  }
0x56: {  	s11 =	rddreg [dreg:$0x1a]  }
0x57: {  	[spmem:s11] =	stream.linear.scatter [tilespmem:s15], [sflag:$0x7], $0x1400, $0x38;
	[tilespmem:$0x1F100] =	vst v63  }
0x58: {  	_ = 	snop  }
0x59: {  	[spmem:s12] =	stream.linear.scatter [tilespmem:s15], [sflag:$0x7], $0x1400, $0x38;
	[tilespmem:$0x1F100] =	vst v63  }
0x5a: {  	_ = 	snop  }
0x5b: {  	[spmem:s13] =	stream.linear.scatter [tilespmem:s15], [sflag:$0x7], $0x1400, $0x38;
	[tilespmem:$0x1F100] =	vst v63  }
0x5c: {  	s23 =	rddreg [dreg:$0x1d]  }
0x5d: {  	[spmem:s23] =	stream.linear.scatter [tilespmem:s15], [sflag:$0x7], $0x1400, $0x38;
	[tilespmem:$0x1F100] =	vst v63  }
0x5e: {  	s24 =	rddreg [dreg:$0x1e]  }
0x5f: {  	[spmem:s24] =	stream.linear.scatter [tilespmem:s15], [sflag:$0x7], $0x1400, $0x38;
	[tilespmem:$0x1F100] =	vst v63  }
0x60: {  	s26 =	sld [smem:$0x7F3]  }
0x61: {  	[spmem:s20] =	stream.linear.scatter [tilespmem:s15], [sflag:$0x7], $0x1400, $0x38;
	[tilespmem:$0x1F100] =	vst v63  }
0x62: {  	_ = 	snop  }
0x63: {  	[spmem:s26] =	stream.linear.scatter [tilespmem:s15], [sflag:$0x7], $0x1400, $0x38;
	[tilespmem:$0x1F100] =	vst v63  }
0x64: {  	_ = 	snop  }
0x65: {  	[spmem:s22] =	stream.linear.scatter [tilespmem:s15], [sflag:$0x7], $0x1400, $0x38;
	[tilespmem:$0x1F100] =	vst v63  }
0x66: {  	s28 =	sld [smem:$0x7F6]  }
0x67: {  	[spmem:s14] =	stream.linear.scatter [tilespmem:s15], [sflag:$0x7], $0x1400, $0x38;
	[tilespmem:$0x1F100] =	vst v63  }
0x68: {  	_ = 	snop  }
0x69: {  	[spmem:s28] =	stream.linear.scatter [tilespmem:s15], [sflag:$0x7], $0x1400, $0x38;
	[tilespmem:$0x1F100] =	vst v63  }
0x6a: {  	_ =	swait.ge [sflag:s19], $0x1400  }
0x6b: {  	[sflag:s19] =	ssyncset.done $0x0  }
0x6c: {  	[sflag:s19] =	ssyncadd.s32 $0xFFFFEC00  }
0x6d: {  	_ =	swait.ge [sflag:s19], $0x1400  }
0x6e: {  	[sflag:s19] =	ssyncset.done $0x0  }
0x6f: {  	[sflag:s19] =	ssyncadd.s32 $0xFFFFEC00  }
0x70: {  	_ =	swait.ge [sflag:s19], $0x1400  }
0x71: {  	[sflag:s19] =	ssyncset.done $0x0  }
0x72: {  	[sflag:s19] =	ssyncadd.s32 $0xFFFFEC00  }
0x73: {  	_ =	swait.ge [sflag:s19], $0x1400  }
0x74: {  	[sflag:s19] =	ssyncset.done $0x0  }
0x75: {  	[sflag:s19] =	ssyncadd.s32 $0xFFFFEC00  }
0x76: {  	_ =	swait.ge [sflag:s19], $0x1400  }
0x77: {  	[sflag:s19] =	ssyncset.done $0x0  }
0x78: {  	[sflag:s19] =	ssyncadd.s32 $0xFFFFEC00  }
0x79: {  	_ =	swait.ge [sflag:s19], $0x1400  }
0x7a: {  	[sflag:s19] =	ssyncset.done $0x0  }
0x7b: {  	[sflag:s19] =	ssyncadd.s32 $0xFFFFEC00  }
0x7c: {  	_ =	swait.ge [sflag:s19], $0x1400  }
0x7d: {  	[sflag:s19] =	ssyncset.done $0x0  }
0x7e: {  	[sflag:s19] =	ssyncadd.s32 $0xFFFFEC00  }
0x7f: {  	_ =	swait.ge [sflag:s19], $0x1400  }
0x80: {  	[sflag:s19] =	ssyncset.done $0x0  }
0x81: {  	[sflag:s19] =	ssyncadd.s32 $0xFFFFEC00  }
0x82: {  	_ =	swait.ge [sflag:s19], $0x1400  }
0x83: {  	[sflag:s19] =	ssyncset.done $0x0  }
0x84: {  	[sflag:s19] =	ssyncadd.s32 $0xFFFFEC00  }
0x85: {  	_ =	swait.ge [sflag:s19], $0x1400  }
0x86: {  	[sflag:s19] =	ssyncset.done $0x0  }
0x87: {  	[sflag:s19] =	ssyncadd.s32 $0xFFFFEC00  }
0x88: {  	_ =	swait.ge [sflag:s19], $0x1400  }
0x89: {  	[sflag:s19] =	ssyncset.done $0x0  }
0x8a: {  	[sflag:s19] =	ssyncadd.s32 $0xFFFFEC00  }
0x8b: {  	_ =	swait.ge [sflag:s19], $0x1400  }
0x8c: {  	[sflag:s19] =	ssyncset.done $0x0  }
0x8d: {  	[sflag:s19] =	ssyncadd.s32 $0xFFFFEC00  }
0x8e: {  	_ =	swait.ge [sflag:s19], $0x1400  }
0x8f: {  	[sflag:s19] =	ssyncset.done $0x0  }
0x90: {  	[sflag:s19] =	ssyncadd.s32 $0xFFFFEC00  }
0x91: {  	_ =	swait.ge [sflag:s19], $0x1400  }
0x92: {  	[sflag:s19] =	ssyncset.done $0x0  }
0x93: {  	[sflag:s19] =	ssyncadd.s32 $0xFFFFEC00  }
0x94: {  	_ =	swait.ge [sflag:s19], $0x1400  }
0x95: {  	[sflag:s19] =	ssyncset.done $0x0  }
0x96: {  	[sflag:s19] =	ssyncadd.s32 $0xFFFFEC00  }
0x97: {  	_ =	swait.ge [sflag:s19], $0x1400  }
0x98: {  	[sflag:s19] =	ssyncset.done $0x0  }
0x99: {  	[sflag:s19] =	ssyncadd.s32 $0xFFFFEC00  }
0x9a: {  	s8 =	simm.s32 $0x0;
	[bflag:$0x0] =	sbarrier.arrive $0xFFFF  }
.LBB2_4:
0x9b: {  	s10 =	sld [smem:$0x7F4]  }
0x9c: {  	s24 =	smul.u32 $0x7D0, s8  }
0x9d: {  	s11 =	sld [smem:$0x7F5]  }
0x9e: {  	s10 =	sadd.s32 s10, s24  }
0x9f: {  	[smem:$0x7F1] =	sst s8;
	s8 =	sshrl.u32 s10, $0x3  }
0xa0: {  	s12 =	simm.s32 $0x9;
	s11 =	sadd.s32 s11, s8  }
0xa1: {  	[tilespmem:s1], [sflag:$0x9] =	stream.linear.gather [hbm4b:s11+s1], $0x7D0, $0x38;
	[tilespmem:$0x1F100] =	vst v63  }
0xa2: {  	_ =	swait.ge [sflag:s12], $0x7D0  }
0xa3: {  	s26 =	sld [smem:$0x7F7];
	_ =	sdelay $0x1  }
0xa4: {  	[sflag:s12] =	ssyncset.done $0x0  }
0xa5: {  	s28 =	simm.s32 $0x800;
	[sflag:s12] =	ssyncadd.s32 $0xFFFFF830;
	s8 =	sadd.s32 s26, s8  }
0xa6: {  	[tilespmem:s28], [sflag:$0x9] =	stream.linear.gather [hbm4b:s8+s1], $0x7D0, $0x38;
	[tilespmem:$0x1F100] =	vst v63  }
0xa7: {  	_ =	swait.ge [sflag:s12], $0x7D0  }
0xa8: {  	[sflag:s12] =	ssyncset.done $0x0  }
0xa9: {  	[sflag:s12] =	ssyncadd.s32 $0xFFFFF830  }
0xaa: {  	[tilespmem:s15], [sflag:$0x1] =	stream.indirect.gather [hbm4b:s16+s21], $0x80, s1, s21, $0xb8;
	[tilespmem:$0x1F100] =	vst v63  }
0xab: {  	s13 =	simm.s32 $0x3900;
	s11 =	sshll.u32 s10, $0x4  }
0xac: {  	[tilespmem:s13], [sflag:$0x3] =	stream.indirect.gather [hbm4b:s5+s21], $0x80, s28, s21, $0xb8;
	[tilespmem:$0x1F100] =	vst v63  }
0xad: {  	s20 =	simm.s32 $0x6100;
	s14 =	sadd.s32 s7, s11  }
0xae: {  	[tilespmem:s20], [sflag:$0x5] =	stream.linear.gather [hbm4b:s14+s1], $0x1400, $0x38;
	[tilespmem:$0x1F100] =	vst v63  }
0xaf: {  	s22 =	simm.s32 $0x2500;
	s26 =	sld [smem:$0x7F8]  }
0xb0: {  	[tilespmem:s22], [sflag:$0x2] =	stream.indirect.gather [hbm4b:s16+s21], $0x80, s21, s21, $0xb8;
	[tilespmem:$0x1F100] =	vst v63  }
0xb1: {  	s23 =	simm.s32 $0x828;
	s24 =	simm.s32 $0x4D00  }
0xb2: {  	[tilespmem:s24], [sflag:$0x4] =	stream.indirect.gather [hbm4b:s5+s21], $0x80, s23, s21, $0xb8;
	[tilespmem:$0x1F100] =	vst v63  }
0xb3: {  	s8 =	sadd.s32 s11, s26;
	s28 =	simm.s32 $0x7500  }
0xb4: {  	[tilespmem:s28], [sflag:$0x6] =	stream.linear.gather [hbm4b:s8+s1], $0x1400, $0x38;
	[tilespmem:$0x1F100] =	vst v63  }
0xb5: {  	_ =	swait.ge [sflag:s29], $0x1400  }
0xb6: {  	[sflag:s29] =	ssyncset.done $0x0  }
0xb7: {  	[sflag:s29] =	ssyncadd.s32 $0xFFFFEC00  }
0xb8: {  	_ =	swait.ge [sflag:s30], $0x1400  }
0xb9: {  	[sflag:s30] =	ssyncset.done $0x0  }
0xba: {  	[sflag:s30] =	ssyncadd.s32 $0xFFFFEC00  }
0xbb: {  	_ =	swait.ge [sflag:s31], $0x1400  }
0xbc: {  	[sflag:s31] =	ssyncset.done $0x0  }
0xbd: {  	[sflag:s31] =	ssyncadd.s32 $0xFFFFEC00  }
0xbe: {  	v1 =	vld [tilespmem:$0x800]  }
0xbf: {  	v2 =	vld [tilespmem:$0x810]  }
0xc0: {  	v3 =	vld [tilespmem:$0x818];
	_ =	sdelay $0x2  }
0xc1: {  	[tilespmem:$0x1000] =	vst v1  }
0xc2: {  	[tilespmem:$0x1010] =	vst v2  }
0xc3: {  	s24 =	simm.s32 $0x1200;
	[tilespmem:$0x1018] =	vst v3  }
0xc4: {  	s23 =	simm.s32 $0x3A00;
	v1 =	vld [tilespmem:s24+$0x80]  }
0xc5: {  	v2 =	vld [tilespmem:s23+$0x80]  }
0xc6: {  	s22 =	simm.s32 $0x6200  }
0xc7: {  	v3 =	vld [tilespmem:s22+$0x80];
	_ =	sdelay $0x2  }
0xc8: {  	v1 =	vadd.f32 v2, v1;
	_ =	sdelay $0x1  }
0xc9: {  	v4 =	vld [tilespmem:s23+$0xFFFFFF00];
	v1 =	vadd.f32 v3, v1  }
0xca: {  	v5 =	vld [tilespmem:s24+$0xFFFFFF80]  }
0xcb: {  	s12 =	simm.s32 $0x8A00;
	v6 =	vld [tilespmem:s23+$0xFFFFFF80];
	v1 =	vmax.f32 v1, $0.0e+00  }
0xcc: {  	v7 =	vld [tilespmem:s22+$0xFFFFFF80];
	[tilespmem:s12+$0x80] =	vst v1  }
0xcd: {  	v1 =	vld [tilespmem:s24+$0x90]  }
0xce: {  	v2 =	vld [tilespmem:s23+$0x90]  }
0xcf: {  	v8 =	vld [tilespmem:s24+$0x0]  }
0xd0: {  	s14 =	simm.s32 $0x1400;
	v3 =	vld [tilespmem:s22+$0x90]  }
0xd1: {  	s20 =	simm.s32 $0x3C00;
	v11 =	vld [tilespmem:s14+$0x80]  }
0xd2: {  	v12 =	vld [tilespmem:s20+$0x80]  }
0xd3: {  	v1 =	vadd.f32 v2, v1;
	v2 =	vld [tilespmem:s24+$0xFFFFFF00]  }
0xd4: {  	v13 =	vld [tilespmem:s20+$0xFFFFFF00]  }
0xd5: {  	s8 =	simm.s32 $0x6400;
	v1 =	vadd.f32 v3, v1;
	v3 =	vld [tilespmem:s22+$0xFFFFFF00]  }
0xd6: {  	v14 =	vld [tilespmem:s8+$0x80]  }
0xd7: {  	v15 =	vld [tilespmem:s14+$0xFFFFFF80];
	v1 =	vmax.f32 v1, $0.0e+00  }
0xd8: {  	v16 =	vld [tilespmem:s20+$0xFFFFFF80];
	[tilespmem:s12+$0x90] =	vst v1;
	v1 =	vadd.f32 v4, v2  }
0xd9: {  	v2 =	vld [tilespmem:s24+$0xA0]  }
0xda: {  	v5 =	vadd.f32 v6, v5;
	v4 =	vld [tilespmem:s23+$0xA0];
	v1 =	vadd.f32 v3, v1  }
0xdb: {  	v6 =	vld [tilespmem:s23+$0x0]  }
0xdc: {  	v5 =	vadd.f32 v7, v5;
	v3 =	vld [tilespmem:s22+$0xA0];
	v1 =	vmax.f32 v1, $0.0e+00  }
0xdd: {  	v7 =	vld [tilespmem:s22+$0x0];
	[tilespmem:s12+$0xFFFFFF00] =	vst v1  }
0xde: {  	v1 =	vmax.f32 v5, $0.0e+00;
	v5 =	vld [tilespmem:s24+$0xFFFFFF10]  }
0xdf: {  	v2 =	vadd.f32 v4, v2;
	[tilespmem:s12+$0xFFFFFF80] =	vst v1;
	v1 =	vld [tilespmem:s23+$0xFFFFFF10]  }
0xe0: {  	v6 =	vadd.f32 v6, v8;
	v8 =	vld [tilespmem:s22+$0xFFFFFF10]  }
0xe1: {  	v4 =	vld [tilespmem:s24+$0xFFFFFF90];
	v2 =	vadd.f32 v3, v2  }
0xe2: {  	v3 =	vld [tilespmem:s23+$0xFFFFFF90]  }
0xe3: {  	v17 =	vld [tilespmem:s14+$0x0];
	v2 =	vmax.f32 v2, $0.0e+00  }
0xe4: {  	v9 =	vld [tilespmem:s22+$0xFFFFFF90];
	[tilespmem:s12+$0xA0] =	vst v2;
	v2 =	vadd.f32 v7, v6  }
0xe5: {  	v1 =	vadd.f32 v1, v5;
	v6 =	vld [tilespmem:s24+$0xB0]  }
0xe6: {  	v5 =	vld [tilespmem:s23+$0xB0];
	v2 =	vmax.f32 v2, $0.0e+00  }
0xe7: {  	v1 =	vadd.f32 v8, v1;
	[tilespmem:s12+$0x0] =	vst v2;
	v2 =	vadd.f32 v3, v4;
	v3 =	vld [tilespmem:s22+$0xB0]  }
0xe8: {  	v4 =	vld [tilespmem:s24+$0x10]  }
0xe9: {  	v7 =	vld [tilespmem:s23+$0x10];
	v1 =	vmax.f32 v1, $0.0e+00;
	v2 =	vadd.f32 v9, v2  }
0xea: {  	v8 =	vld [tilespmem:s22+$0x10];
	[tilespmem:s12+$0xFFFFFF10] =	vst v1  }
0xeb: {  	v1 =	vadd.f32 v5, v6;
	v5 =	vld [tilespmem:s24+$0xFFFFFF20];
	v2 =	vmax.f32 v2, $0.0e+00  }
0xec: {  	[tilespmem:s12+$0xFFFFFF90] =	vst v2;
	v2 =	vld [tilespmem:s23+$0xFFFFFF20]  }
0xed: {  	v1 =	vadd.f32 v3, v1;
	v3 =	vld [tilespmem:s24+$0xFFFFFFA0]  }
0xee: {  	v6 =	vld [tilespmem:s23+$0xFFFFFFA0];
	v4 =	vadd.f32 v7, v4  }
0xef: {  	v7 =	vld [tilespmem:s22+$0xFFFFFF20];
	v1 =	vmax.f32 v1, $0.0e+00  }
0xf0: {  	v42 =	vld [tilespmem:s22+$0xFFFFFFA0];
	[tilespmem:s12+$0xB0] =	vst v1;
	v4 =	vadd.f32 v8, v4  }
0xf1: {  	v1 =	vld [tilespmem:s24+$0xC0]  }
0xf2: {  	v8 =	vld [tilespmem:s23+$0xC0];
	v4 =	vmax.f32 v4, $0.0e+00  }
0xf3: {  	v2 =	vadd.f32 v2, v5;
	v5 =	vld [tilespmem:s22+$0xC0];
	[tilespmem:s12+$0x10] =	vst v4  }
0xf4: {  	v4 =	vld [tilespmem:s24+$0x20]  }
0xf5: {  	v3 =	vadd.f32 v6, v3;
	v2 =	vadd.f32 v7, v2;
	v6 =	vld [tilespmem:s23+$0x20]  }
0xf6: {  	v46 =	vld [tilespmem:s20+$0x0]  }
0xf7: {  	v7 =	vld [tilespmem:s22+$0x20];
	v3 =	vadd.f32 v42, v3;
	v1 =	vadd.f32 v8, v1;
	v2 =	vmax.f32 v2, $0.0e+00  }
0xf8: {  	v18 =	vld [tilespmem:s14+$0xFFFFFF00];
	[tilespmem:s12+$0xFFFFFF20] =	vst v2  }
0xf9: {  	v2 =	vmax.f32 v3, $0.0e+00;
	v1 =	vadd.f32 v5, v1;
	v3 =	vld [tilespmem:s24+$0xFFFFFF30]  }
0xfa: {  	[tilespmem:s12+$0xFFFFFFA0] =	vst v2;
	v2 =	vld [tilespmem:s23+$0xFFFFFF30];
	v4 =	vadd.f32 v6, v4  }
0xfb: {  	v5 =	vld [tilespmem:s24+$0xFFFFFFB0];
	v1 =	vmax.f32 v1, $0.0e+00  }
0xfc: {  	[tilespmem:s12+$0xC0] =	vst v1;
	v4 =	vadd.f32 v7, v4;
	v7 =	vld [tilespmem:s22+$0xFFFFFF30]  }
0xfd: {  	v1 =	vld [tilespmem:s24+$0xD0]  }
0xfe: {  	v6 =	vld [tilespmem:s23+$0xD0]  }
0xff: {  	v8 =	vld [tilespmem:s22+$0xD0];
	v4 =	vmax.f32 v4, $0.0e+00  }
0x100: {  	[tilespmem:s12+$0x20] =	vst v4;
	v4 =	vld [tilespmem:s23+$0xFFFFFFB0]  }
0x101: {  	v2 =	vadd.f32 v2, v3;
	v43 =	vld [tilespmem:s24+$0x30]  }
0x102: {  	v3 =	vld [tilespmem:s23+$0x30]  }
0x103: {  	v2 =	vadd.f32 v7, v2;
	v1 =	vadd.f32 v6, v1;
	v6 =	vld [tilespmem:s22+$0xFFFFFFB0]  }
0x104: {  	v47 =	vld [tilespmem:s8+$0xFFFFFF00]  }
0x105: {  	v7 =	vld [tilespmem:s22+$0x30];
	v2 =	vmax.f32 v2, $0.0e+00;
	v1 =	vadd.f32 v8, v1  }
0x106: {  	v19 =	vld [tilespmem:s8+$0xFFFFFF80];
	v4 =	vadd.f32 v4, v5;
	[tilespmem:s12+$0xFFFFFF30] =	vst v2  }
0x107: {  	v2 =	vld [tilespmem:s24+$0xFFFFFF40];
	v1 =	vmax.f32 v1, $0.0e+00  }
0x108: {  	[tilespmem:s12+$0xD0] =	vst v1;
	v1 =	vadd.f32 v3, v43;
	v3 =	vadd.f32 v6, v4;
	v6 =	vld [tilespmem:s23+$0xFFFFFF40]  }
0x109: {  	v4 =	vld [tilespmem:s24+$0xE0]  }
0x10a: {  	v5 =	vld [tilespmem:s23+$0xE0];
	v1 =	vadd.f32 v7, v1;
	v3 =	vmax.f32 v3, $0.0e+00  }
0x10b: {  	[tilespmem:s12+$0xFFFFFFB0] =	vst v3;
	v3 =	vld [tilespmem:s22+$0xE0]  }
0x10c: {  	v11 =	vadd.f32 v12, v11;
	v1 =	vmax.f32 v1, $0.0e+00;
	v7 =	vld [tilespmem:s24+$0xFFFFFFC0]  }
0x10d: {  	[tilespmem:s12+$0x30] =	vst v1;
	v1 =	vld [tilespmem:s23+$0xFFFFFFC0]  }
0x10e: {  	v11 =	vadd.f32 v14, v11;
	v8 =	vld [tilespmem:s24+$0x40]  }
0x10f: {  	v4 =	vadd.f32 v5, v4;
	v5 =	vld [tilespmem:s22+$0xFFFFFF40]  }
0x110: {  	s13 =	simm.s32 $0x8C00;
	v15 =	vadd.f32 v16, v15;
	v11 =	vmax.f32 v11, $0.0e+00;
	v44 =	vld [tilespmem:s23+$0x40]  }
0x111: {  	[tilespmem:s13+$0x80] =	vst v11;
	v3 =	vadd.f32 v3, v4;
	v4 =	vld [tilespmem:s22+$0xFFFFFFC0]  }
0x112: {  	v15 =	vadd.f32 v19, v15;
	v11 =	vld [tilespmem:s14+$0x90];
	v2 =	vadd.f32 v6, v2  }
0x113: {  	v6 =	vld [tilespmem:s22+$0x40]  }
0x114: {  	v55 =	vmax.f32 v15, $0.0e+00;
	v49 =	vld [tilespmem:s20+$0x90];
	v1 =	vadd.f32 v1, v7;
	v5 =	vadd.f32 v5, v2  }
0x115: {  	[tilespmem:s13+$0xFFFFFF80] =	vst v55;
	v51 =	vld [tilespmem:s8+$0x90];
	v3 =	vmax.f32 v3, $0.0e+00  }
0x116: {  	v58 =	vld [tilespmem:s14+$0xFFFFFF90];
	[tilespmem:s12+$0xE0] =	vst v3;
	v7 =	vadd.f32 v44, v8;
	v4 =	vadd.f32 v4, v1;
	v5 =	vmax.f32 v5, $0.0e+00  }
0x117: {  	v2 =	vld [tilespmem:s24+$0xF0];
	[tilespmem:s12+$0xFFFFFF40] =	vst v5  }
0x118: {  	v5 =	vadd.f32 v6, v7;
	v4 =	vmax.f32 v4, $0.0e+00;
	v6 =	vld [tilespmem:s24+$0xFFFFFF50]  }
0x119: {  	[tilespmem:s12+$0xFFFFFFC0] =	vst v4;
	v4 =	vld [tilespmem:s23+$0xFFFFFF50]  }
0x11a: {  	v3 =	vld [tilespmem:s23+$0xF0]  }
0x11b: {  	v10 =	vld [tilespmem:s22+$0xFFFFFF50]  }
0x11c: {  	v1 =	vld [tilespmem:s22+$0xF0]  }
0x11d: {  	v5 =	vmax.f32 v5, $0.0e+00;
	v7 =	vld [tilespmem:s24+$0xFFFFFFD0]  }
0x11e: {  	[tilespmem:s12+$0x40] =	vst v5;
	v5 =	vld [tilespmem:s23+$0xFFFFFFD0];
	v4 =	vadd.f32 v4, v6  }
0x11f: {  	v50 =	vld [tilespmem:s22+$0xFFFFFFD0]  }
0x120: {  	v48 =	vadd.f32 v13, v18;
	v8 =	vld [tilespmem:s24+$0x50];
	v4 =	vadd.f32 v10, v4  }
0x121: {  	v45 =	vld [tilespmem:s23+$0x50]  }
0x122: {  	v6 =	vld [tilespmem:s8+$0x0];
	v10 =	vadd.f32 v47, v48;
	v4 =	vmax.f32 v4, $0.0e+00  }
0x123: {  	v5 =	vadd.f32 v5, v7;
	[tilespmem:s12+$0xFFFFFF50] =	vst v4;
	v4 =	vld [tilespmem:s22+$0x50]  }
0x124: {  	v53 =	vadd.f32 v49, v11;
	v10 =	vmax.f32 v10, $0.0e+00;
	v52 =	vld [tilespmem:s24+$0xFFFFFF60]  }
0x125: {  	v5 =	vadd.f32 v50, v5;
	[tilespmem:s13+$0xFFFFFF00] =	vst v10;
	v54 =	vld [tilespmem:s23+$0xFFFFFF60]  }
0x126: {  	v10 =	vadd.f32 v51, v53;
	v56 =	vld [tilespmem:s14+$0xFFFFFF10]  }
0x127: {  	v5 =	vmax.f32 v5, $0.0e+00;
	v57 =	vld [tilespmem:s20+$0xFFFFFF10]  }
0x128: {  	v62 =	vld [tilespmem:s8+$0xFFFFFF10];
	[tilespmem:s12+$0xFFFFFFD0] =	vst v5;
	v10 =	vmax.f32 v10, $0.0e+00  }
0x129: {  	v63 =	vld [tilespmem:s24+$0xFFFFFFE0];
	[tilespmem:s13+$0x90] =	vst v10  }
0x12a: {  	v12 =	vadd.f32 v46, v17;
	v10 =	vld [tilespmem:s14+$0xA0]  }
0x12b: {  	v7 =	vld [tilespmem:s20+$0xA0]  }
0x12c: {  	v6 =	vadd.f32 v6, v12;
	v21 =	vld [tilespmem:s23+$0xFFFFFFE0]  }
0x12d: {  	v8 =	vadd.f32 v45, v8;
	v61 =	vld [tilespmem:s8+$0xA0]  }
0x12e: {  	v6 =	vmax.f32 v6, $0.0e+00;
	v32 =	vld [tilespmem:s22+$0xFFFFFFE0]  }
0x12f: {  	[tilespmem:s13+$0x0] =	vst v6;
	v6 =	vld [tilespmem:s20+$0xFFFFFF90];
	v4 =	vadd.f32 v4, v8  }
0x130: {  	v59 =	vld [tilespmem:s14+$0x10];
	v7 =	vadd.f32 v7, v10  }
0x131: {  	v60 =	vld [tilespmem:s20+$0x10];
	v4 =	vmax.f32 v4, $0.0e+00  }
0x132: {  	v5 =	vld [tilespmem:s8+$0x10];
	[tilespmem:s12+$0x50] =	vst v4;
	v4 =	vadd.f32 v57, v56;
	v7 =	vadd.f32 v61, v7  }
0x133: {  	v8 =	vld [tilespmem:s8+$0xFFFFFF90]  }
0x134: {  	v9 =	vadd.f32 v21, v63;
	v22 =	vld [tilespmem:s24+$0x60];
	v4 =	vadd.f32 v62, v4;
	v7 =	vmax.f32 v7, $0.0e+00  }
0x135: {  	v23 =	vld [tilespmem:s23+$0x60];
	[tilespmem:s13+$0xA0] =	vst v7  }
0x136: {  	v9 =	vadd.f32 v32, v9;
	v4 =	vmax.f32 v4, $0.0e+00;
	v24 =	vld [tilespmem:s14+$0xB0]  }
0x137: {  	[tilespmem:s13+$0xFFFFFF10] =	vst v4;
	v4 =	vld [tilespmem:s20+$0xB0]  }
0x138: {  	v6 =	vadd.f32 v6, v58;
	v34 =	vld [tilespmem:s22+$0x60];
	v9 =	vmax.f32 v9, $0.0e+00  }
0x139: {  	[tilespmem:s12+$0xFFFFFFE0] =	vst v9;
	v25 =	vld [tilespmem:s8+$0xB0]  }
0x13a: {  	v6 =	vadd.f32 v8, v6;
	v45 =	vld [tilespmem:s24+$0xFFFFFFF0]  }
0x13b: {  	v15 =	vadd.f32 v60, v59;
	v46 =	vld [tilespmem:s23+$0xFFFFFFF0]  }
0x13c: {  	v6 =	vmax.f32 v6, $0.0e+00;
	v8 =	vld [tilespmem:s14+$0xFFFFFF20];
	v4 =	vadd.f32 v4, v24  }
0x13d: {  	v5 =	vadd.f32 v5, v15;
	[tilespmem:s13+$0xFFFFFF90] =	vst v6;
	v6 =	vld [tilespmem:s20+$0xFFFFFF20]  }
0x13e: {  	v7 =	vld [tilespmem:s22+$0xFFFFFF60];
	v4 =	vadd.f32 v25, v4  }
0x13f: {  	v5 =	vmax.f32 v5, $0.0e+00;
	v26 =	vld [tilespmem:s14+$0xFFFFFFA0]  }
0x140: {  	[tilespmem:s13+$0x10] =	vst v5;
	v5 =	vld [tilespmem:s20+$0xFFFFFFA0];
	v4 =	vmax.f32 v4, $0.0e+00  }
0x141: {  	v29 =	vld [tilespmem:s8+$0xFFFFFF20];
	[tilespmem:s13+$0xB0] =	vst v4  }
0x142: {  	v4 =	vadd.f32 v6, v8;
	v6 =	vld [tilespmem:s14+$0xC0]  }
0x143: {  	v8 =	vld [tilespmem:s20+$0xC0]  }
0x144: {  	v30 =	vld [tilespmem:s8+$0xFFFFFFA0];
	v12 =	vadd.f32 v23, v22  }
0x145: {  	v11 =	vadd.f32 v54, v52;
	v33 =	vld [tilespmem:s8+$0xC0]  }
0x146: {  	v2 =	vadd.f32 v3, v2;
	v3 =	vld [tilespmem:s22+$0xFFFFFFF0];
	v12 =	vadd.f32 v34, v12  }
0x147: {  	v27 =	vld [tilespmem:s14+$0x20];
	v7 =	vadd.f32 v7, v11;
	v5 =	vadd.f32 v5, v26  }
0x148: {  	v28 =	vld [tilespmem:s20+$0x20];
	v44 =	vmax.f32 v12, $0.0e+00;
	v4 =	vadd.f32 v29, v4;
	v6 =	vadd.f32 v8, v6  }
0x149: {  	v31 =	vld [tilespmem:s8+$0x20];
	[tilespmem:s12+$0x60] =	vst v44;
	v7 =	vmax.f32 v7, $0.0e+00;
	v5 =	vadd.f32 v30, v5  }
0x14a: {  	v47 =	vld [tilespmem:s24+$0x70];
	[tilespmem:s12+$0xFFFFFF60] =	vst v7;
	v4 =	vmax.f32 v4, $0.0e+00;
	v6 =	vadd.f32 v33, v6  }
0x14b: {  	v5 =	vmax.f32 v5, $0.0e+00;
	v43 =	vld [tilespmem:s23+$0xFFFFFF70];
	[tilespmem:s13+$0xFFFFFF20] =	vst v4  }
0x14c: {  	[tilespmem:s13+$0xFFFFFFA0] =	vst v5;
	v35 =	vld [tilespmem:s14+$0xFFFFFF30];
	v6 =	vmax.f32 v6, $0.0e+00  }
0x14d: {  	v7 =	vadd.f32 v28, v27;
	v5 =	vld [tilespmem:s20+$0xFFFFFF30];
	[tilespmem:s13+$0xC0] =	vst v6  }
0x14e: {  	v6 =	vld [tilespmem:s14+$0xD0]  }
0x14f: {  	v7 =	vadd.f32 v31, v7;
	v38 =	vld [tilespmem:s20+$0xD0]  }
0x150: {  	v39 =	vld [tilespmem:s8+$0xFFFFFF30]  }
0x151: {  	v7 =	vmax.f32 v7, $0.0e+00;
	v40 =	vld [tilespmem:s8+$0xD0]  }
0x152: {  	[tilespmem:s13+$0x20] =	vst v7;
	v7 =	vld [tilespmem:s20+$0xFFFFFFB0]  }
0x153: {  	v8 =	vld [tilespmem:s14+$0xFFFFFFB0];
	v5 =	vadd.f32 v5, v35  }
0x154: {  	v41 =	vld [tilespmem:s8+$0xFFFFFFB0];
	v6 =	vadd.f32 v38, v6  }
0x155: {  	v36 =	vld [tilespmem:s14+$0x30];
	v5 =	vadd.f32 v39, v5  }
0x156: {  	v37 =	vld [tilespmem:s20+$0x30];
	v6 =	vadd.f32 v40, v6  }
0x157: {  	v42 =	vld [tilespmem:s8+$0x30];
	v5 =	vmax.f32 v5, $0.0e+00  }
0x158: {  	v4 =	vld [tilespmem:s24+$0xFFFFFF70];
	v7 =	vadd.f32 v7, v8;
	[tilespmem:s13+$0xFFFFFF30] =	vst v5;
	v5 =	vmax.f32 v6, $0.0e+00  }
0x159: {  	v8 =	vld [tilespmem:s14+$0xFFFFFF40];
	[tilespmem:s13+$0xD0] =	vst v5  }
0x15a: {  	v7 =	vadd.f32 v41, v7;
	v48 =	vld [tilespmem:s14+$0xE0]  }
0x15b: {  	v49 =	vld [tilespmem:s20+$0xE0]  }
0x15c: {  	v7 =	vmax.f32 v7, $0.0e+00;
	v50 =	vld [tilespmem:s20+$0xFFFFFF40];
	v5 =	vadd.f32 v37, v36  }
0x15d: {  	[tilespmem:s13+$0xFFFFFFB0] =	vst v7;
	v7 =	vld [tilespmem:s8+$0xE0]  }
0x15e: {  	v51 =	vld [tilespmem:s14+$0xFFFFFFC0];
	v5 =	vadd.f32 v42, v5  }
0x15f: {  	v54 =	vld [tilespmem:s8+$0xFFFFFF40]  }
0x160: {  	v55 =	vld [tilespmem:s8+$0xFFFFFFC0];
	v5 =	vmax.f32 v5, $0.0e+00;
	v13 =	vadd.f32 v49, v48  }
0x161: {  	[tilespmem:s13+$0x30] =	vst v5;
	v5 =	vld [tilespmem:s20+$0xFFFFFFC0]  }
0x162: {  	v52 =	vld [tilespmem:s14+$0x40];
	v7 =	vadd.f32 v7, v13  }
0x163: {  	v53 =	vld [tilespmem:s20+$0x40]  }
0x164: {  	v56 =	vld [tilespmem:s8+$0x40];
	v7 =	vmax.f32 v7, $0.0e+00  }
0x165: {  	v8 =	vadd.f32 v50, v8;
	[tilespmem:s13+$0xE0] =	vst v7;
	v7 =	vld [tilespmem:s22+$0xFFFFFF70]  }
0x166: {  	v57 =	vld [tilespmem:s14+$0xF0]  }
0x167: {  	v8 =	vadd.f32 v54, v8;
	v5 =	vadd.f32 v5, v51;
	v58 =	vld [tilespmem:s20+$0xF0]  }
0x168: {  	v6 =	vld [tilespmem:s23+$0x70]  }
0x169: {  	v8 =	vmax.f32 v8, $0.0e+00;
	v15 =	vadd.f32 v53, v52;
	v5 =	vadd.f32 v55, v5;
	v59 =	vld [tilespmem:s8+$0xF0]  }
0x16a: {  	v1 =	vadd.f32 v1, v2;
	v2 =	vadd.f32 v43, v4;
	[tilespmem:s13+$0xFFFFFF40] =	vst v8;
	v8 =	vld [tilespmem:s22+$0x70]  }
0x16b: {  	v4 =	vadd.f32 v46, v45;
	v61 =	vld [tilespmem:s14+$0xFFFFFF50];
	v60 =	vadd.f32 v56, v15;
	v5 =	vmax.f32 v5, $0.0e+00  }
0x16c: {  	v1 =	vmax.f32 v1, $0.0e+00;
	v62 =	vld [tilespmem:s20+$0xFFFFFF50];
	[tilespmem:s13+$0xFFFFFFC0] =	vst v5;
	v7 =	vadd.f32 v7, v2;
	v5 =	vadd.f32 v58, v57  }
0x16d: {  	[tilespmem:s12+$0xF0] =	vst v1;
	v63 =	vadd.f32 v3, v4;
	v1 =	vadd.f32 v6, v47;
	v6 =	vmax.f32 v60, $0.0e+00;
	v2 =	vld [tilespmem:s14+$0xFFFFFFD0]  }
0x16e: {  	[tilespmem:s13+$0x40] =	vst v6;
	v4 =	vld [tilespmem:s20+$0xFFFFFFD0];
	v3 =	vmax.f32 v7, $0.0e+00;
	v6 =	vadd.f32 v59, v5  }
0x16f: {  	v1 =	vadd.f32 v8, v1;
	v7 =	vmax.f32 v63, $0.0e+00;
	[tilespmem:s12+$0xFFFFFF70] =	vst v3;
	v3 =	vld [tilespmem:s14+$0x50]  }
0x170: {  	s26 =	simm.s32 $0x1600;
	v5 =	vld [tilespmem:s20+$0x50];
	[tilespmem:s12+$0xFFFFFFF0] =	vst v7;
	v8 =	vmax.f32 v6, $0.0e+00  }
0x171: {  	s24 =	simm.s32 $0x4;
	s23 =	simm.s32 $0x3C00;
	s22 =	simm.s32 $0x6400;
	v1 =	vmax.f32 v1, $0.0e+00;
	v7 =	vld [tilespmem:s8+$0xFFFFFF50];
	v6 =	vadd.f32 v62, v61;
	[tilespmem:s13+$0xF0] =	vst v8  }
.LBB2_5:
0x172: {  	v8 =	vld [tilespmem:s26+$0x80];
	s20 =	sadd.s32 $0x200, s20;
	[tilespmem:s12+$0x70] =	vst v1;
	s12 =	smov.u32 s13  }
0x173: {  	v1 =	vld [tilespmem:s20+$0x80];
	v2 =	vadd.f32 v4, v2  }
0x174: {  	s8 =	sadd.s32 $0x200, s8;
	v4 =	vld [tilespmem:s20+$0xFFFFFF00]  }
0x175: {  	v9 =	vld [tilespmem:s8+$0x80];
	v3 =	vadd.f32 v5, v3  }
0x176: {  	v5 =	vld [tilespmem:s26+$0xFFFFFF80];
	v6 =	vadd.f32 v7, v6  }
0x177: {  	v7 =	vld [tilespmem:s20+$0xFFFFFF80]  }
0x178: {  	v10 =	vld [tilespmem:s26+$0x0];
	v1 =	vadd.f32 v1, v8;
	v6 =	vmax.f32 v6, $0.0e+00  }
0x179: {  	v8 =	vld [tilespmem:s20+$0x0];
	[tilespmem:s13+$0xFFFFFF50] =	vst v6  }
0x17a: {  	s24 =	sadd.s32 $0x4, s24;
	v6 =	vld [tilespmem:s26+$0xFFFFFF00];
	v1 =	vadd.f32 v9, v1  }
0x17b: {  	p0 =	slt.u32 s24, $0x24;
	v9 =	vld [tilespmem:s8+$0xFFFFFF00]  }
0x17c: {  	s13 =	sadd.s32 $0x200, s13;
	v5 =	vadd.f32 v7, v5;
	v7 =	vld [tilespmem:s8+$0xFFFFFF80];
	v1 =	vmax.f32 v1, $0.0e+00  }
0x17d: {  	v11 =	vld [tilespmem:s8+$0x0];
	[tilespmem:s13+$0x80] =	vst v1  }
0x17e: {  	v1 =	vadd.f32 v8, v10;
	v8 =	vld [tilespmem:s26+$0x90]  }
0x17f: {  	v4 =	vadd.f32 v4, v6;
	v6 =	vld [tilespmem:s20+$0x90]  }
0x180: {  	v10 =	vld [tilespmem:s22+$0xFFFFFFD0]  }
0x181: {  	v4 =	vadd.f32 v9, v4;
	v5 =	vadd.f32 v7, v5;
	v7 =	vld [tilespmem:s8+$0x90]  }
0x182: {  	v1 =	vadd.f32 v11, v1;
	v9 =	vld [tilespmem:s22+$0x50]  }
0x183: {  	v4 =	vmax.f32 v4, $0.0e+00;
	v5 =	vmax.f32 v5, $0.0e+00;
	v11 =	vld [tilespmem:s14+$0xFFFFFF60]  }
0x184: {  	[tilespmem:s13+$0xFFFFFF00] =	vst v4;
	v1 =	vmax.f32 v1, $0.0e+00;
	v4 =	vadd.f32 v6, v8;
	v6 =	vld [tilespmem:s23+$0xFFFFFF60]  }
0x185: {  	v8 =	vld [tilespmem:s26+$0xFFFFFF10];
	[tilespmem:s13+$0xFFFFFF80] =	vst v5;
	v2 =	vadd.f32 v10, v2  }
0x186: {  	v5 =	vld [tilespmem:s20+$0xFFFFFF10];
	[tilespmem:s13+$0x0] =	vst v1;
	v1 =	vadd.f32 v7, v4  }
0x187: {  	v4 =	vld [tilespmem:s26+$0xFFFFFF90];
	v2 =	vmax.f32 v2, $0.0e+00;
	v3 =	vadd.f32 v9, v3  }
0x188: {  	v7 =	vld [tilespmem:s20+$0xFFFFFF90];
	v1 =	vmax.f32 v1, $0.0e+00;
	[tilespmem:s12+$0xFFFFFFD0] =	vst v2  }
0x189: {  	v2 =	vld [tilespmem:s26+$0x10];
	[tilespmem:s13+$0x90] =	vst v1;
	v1 =	vadd.f32 v6, v11;
	v3 =	vmax.f32 v3, $0.0e+00  }
0x18a: {  	v6 =	vld [tilespmem:s26+$0xA0];
	[tilespmem:s12+$0x50] =	vst v3  }
0x18b: {  	v3 =	vadd.f32 v5, v8;
	v5 =	vld [tilespmem:s20+$0xA0]  }
0x18c: {  	v8 =	vld [tilespmem:s20+$0x10]  }
0x18d: {  	v4 =	vadd.f32 v7, v4;
	v7 =	vld [tilespmem:s8+$0xA0]  }
0x18e: {  	v9 =	vld [tilespmem:s8+$0xFFFFFF10]  }
0x18f: {  	v10 =	vld [tilespmem:s8+$0xFFFFFF90]  }
0x190: {  	v11 =	vld [tilespmem:s8+$0x10];
	v5 =	vadd.f32 v5, v6  }
0x191: {  	v2 =	vadd.f32 v8, v2;
	v6 =	vld [tilespmem:s14+$0xFFFFFFE0]  }
0x192: {  	v5 =	vadd.f32 v7, v5;
	v7 =	vld [tilespmem:s23+$0xFFFFFFE0]  }
0x193: {  	v3 =	vadd.f32 v9, v3;
	v8 =	vld [tilespmem:s14+$0x60]  }
0x194: {  	v4 =	vadd.f32 v10, v4;
	v5 =	vmax.f32 v5, $0.0e+00;
	v9 =	vld [tilespmem:s23+$0x60]  }
0x195: {  	v3 =	vmax.f32 v3, $0.0e+00;
	v2 =	vadd.f32 v11, v2;
	[tilespmem:s13+$0xA0] =	vst v5;
	v5 =	vld [tilespmem:s22+$0xFFFFFF60]  }
0x196: {  	[tilespmem:s13+$0xFFFFFF10] =	vst v3;
	v3 =	vmax.f32 v4, $0.0e+00;
	v4 =	vld [tilespmem:s26+$0xB0]  }
0x197: {  	[tilespmem:s13+$0xFFFFFF90] =	vst v3;
	v2 =	vmax.f32 v2, $0.0e+00;
	v3 =	vld [tilespmem:s20+$0xB0];
	v6 =	vadd.f32 v7, v6  }
0x198: {  	v7 =	vld [tilespmem:s26+$0xFFFFFF20];
	[tilespmem:s13+$0x10] =	vst v2  }
0x199: {  	v2 =	vld [tilespmem:s8+$0xB0];
	v8 =	vadd.f32 v9, v8  }
0x19a: {  	v9 =	vld [tilespmem:s20+$0xFFFFFF20];
	v1 =	vadd.f32 v5, v1  }
0x19b: {  	v5 =	vld [tilespmem:s26+$0xFFFFFFA0]  }
0x19c: {  	v10 =	vld [tilespmem:s20+$0xFFFFFFA0];
	v3 =	vadd.f32 v3, v4;
	v1 =	vmax.f32 v1, $0.0e+00  }
0x19d: {  	v4 =	vld [tilespmem:s26+$0x20];
	[tilespmem:s12+$0xFFFFFF60] =	vst v1  }
0x19e: {  	v1 =	vld [tilespmem:s20+$0x20];
	v2 =	vadd.f32 v2, v3  }
0x19f: {  	v3 =	vadd.f32 v9, v7;
	v7 =	vld [tilespmem:s8+$0xFFFFFF20]  }
0x1a0: {  	v9 =	vld [tilespmem:s8+$0xFFFFFFA0];
	v2 =	vmax.f32 v2, $0.0e+00  }
0x1a1: {  	v5 =	vadd.f32 v10, v5;
	v10 =	vld [tilespmem:s8+$0x20];
	[tilespmem:s13+$0xB0] =	vst v2  }
0x1a2: {  	v2 =	vld [tilespmem:s26+$0xC0]  }
0x1a3: {  	v1 =	vadd.f32 v1, v4;
	v4 =	vld [tilespmem:s20+$0xC0]  }
0x1a4: {  	v3 =	vadd.f32 v7, v3;
	v7 =	vld [tilespmem:s22+$0xFFFFFFE0]  }
0x1a5: {  	v5 =	vadd.f32 v9, v5;
	v9 =	vld [tilespmem:s8+$0xC0]  }
0x1a6: {  	v3 =	vmax.f32 v3, $0.0e+00;
	v1 =	vadd.f32 v10, v1;
	v10 =	vld [tilespmem:s22+$0x60]  }
0x1a7: {  	[tilespmem:s13+$0xFFFFFF20] =	vst v3;
	v3 =	vmax.f32 v5, $0.0e+00;
	v5 =	vld [tilespmem:s14+$0xFFFFFF70]  }
0x1a8: {  	v11 =	vld [tilespmem:s26+$0xFFFFFF30];
	[tilespmem:s13+$0xFFFFFFA0] =	vst v3;
	v1 =	vmax.f32 v1, $0.0e+00;
	v2 =	vadd.f32 v4, v2  }
0x1a9: {  	v3 =	vld [tilespmem:s20+$0xFFFFFF30];
	[tilespmem:s13+$0x20] =	vst v1;
	v1 =	vadd.f32 v7, v6  }
0x1aa: {  	v4 =	vld [tilespmem:s26+$0xFFFFFFB0];
	v2 =	vadd.f32 v9, v2  }
0x1ab: {  	v6 =	vld [tilespmem:s20+$0xFFFFFFB0];
	v1 =	vmax.f32 v1, $0.0e+00;
	v7 =	vadd.f32 v10, v8  }
0x1ac: {  	v8 =	vld [tilespmem:s26+$0x30];
	v2 =	vmax.f32 v2, $0.0e+00;
	[tilespmem:s12+$0xFFFFFFE0] =	vst v1  }
0x1ad: {  	v1 =	vld [tilespmem:s20+$0x30];
	[tilespmem:s13+$0xC0] =	vst v2;
	v2 =	vmax.f32 v7, $0.0e+00  }
0x1ae: {  	v3 =	vadd.f32 v3, v11;
	v7 =	vld [tilespmem:s26+$0xD0];
	[tilespmem:s12+$0x60] =	vst v2  }
0x1af: {  	v2 =	vld [tilespmem:s20+$0xD0]  }
0x1b0: {  	v9 =	vld [tilespmem:s8+$0xFFFFFF30];
	v4 =	vadd.f32 v6, v4  }
0x1b1: {  	v6 =	vld [tilespmem:s8+$0xD0]  }
0x1b2: {  	v10 =	vld [tilespmem:s8+$0xFFFFFFB0];
	v1 =	vadd.f32 v1, v8  }
0x1b3: {  	v8 =	vld [tilespmem:s8+$0x30]  }
0x1b4: {  	v2 =	vadd.f32 v2, v7;
	v7 =	vld [tilespmem:s23+$0xFFFFFF70]  }
0x1b5: {  	v3 =	vadd.f32 v9, v3;
	v9 =	vld [tilespmem:s14+$0xFFFFFFF0]  }
0x1b6: {  	v2 =	vadd.f32 v6, v2;
	v6 =	vld [tilespmem:s23+$0xFFFFFFF0]  }
0x1b7: {  	v3 =	vmax.f32 v3, $0.0e+00;
	v4 =	vadd.f32 v10, v4;
	v10 =	vld [tilespmem:s14+$0x70];
	s14 =	smov.u32 s26  }
0x1b8: {  	[tilespmem:s13+$0xFFFFFF30] =	vst v3;
	v1 =	vadd.f32 v8, v1;
	v2 =	vmax.f32 v2, $0.0e+00;
	v3 =	vld [tilespmem:s23+$0x70];
	s23 =	smov.u32 s20  }
0x1b9: {  	v8 =	vld [tilespmem:s26+$0xFFFFFF40];
	v4 =	vmax.f32 v4, $0.0e+00;
	[tilespmem:s13+$0xD0] =	vst v2;
	v2 =	vadd.f32 v7, v5  }
0x1ba: {  	[tilespmem:s13+$0xFFFFFFB0] =	vst v4;
	v1 =	vmax.f32 v1, $0.0e+00;
	v4 =	vld [tilespmem:s26+$0xE0]  }
0x1bb: {  	[tilespmem:s13+$0x30] =	vst v1;
	v1 =	vld [tilespmem:s20+$0xE0];
	v5 =	vadd.f32 v6, v9  }
0x1bc: {  	v6 =	vld [tilespmem:s20+$0xFFFFFF40]  }
0x1bd: {  	v7 =	vld [tilespmem:s8+$0xE0];
	v9 =	vadd.f32 v3, v10  }
0x1be: {  	v3 =	vld [tilespmem:s26+$0xFFFFFFC0]  }
0x1bf: {  	v10 =	vld [tilespmem:s20+$0xFFFFFFC0]  }
0x1c0: {  	v11 =	vld [tilespmem:s26+$0x40];
	v1 =	vadd.f32 v1, v4  }
0x1c1: {  	v4 =	vadd.f32 v6, v8;
	v6 =	vld [tilespmem:s20+$0x40]  }
0x1c2: {  	v8 =	vld [tilespmem:s8+$0xFFFFFF40];
	v1 =	vadd.f32 v7, v1  }
0x1c3: {  	v7 =	vld [tilespmem:s8+$0xFFFFFFC0]  }
0x1c4: {  	v3 =	vadd.f32 v10, v3;
	v10 =	vld [tilespmem:s8+$0x40];
	v1 =	vmax.f32 v1, $0.0e+00  }
0x1c5: {  	[tilespmem:s13+$0xE0] =	vst v1;
	v1 =	vld [tilespmem:s22+$0xFFFFFF70]  }
0x1c6: {  	v6 =	vadd.f32 v6, v11;
	v11 =	vld [tilespmem:s26+$0xF0]  }
0x1c7: {  	v4 =	vadd.f32 v8, v4;
	v8 =	vld [tilespmem:s20+$0xF0]  }
0x1c8: {  	v3 =	vadd.f32 v7, v3;
	v7 =	vld [tilespmem:s22+$0xFFFFFFF0]  }
0x1c9: {  	v4 =	vmax.f32 v4, $0.0e+00;
	v6 =	vadd.f32 v10, v6;
	v10 =	vld [tilespmem:s8+$0xF0]  }
0x1ca: {  	[tilespmem:s13+$0xFFFFFF40] =	vst v4;
	v3 =	vmax.f32 v3, $0.0e+00;
	v1 =	vadd.f32 v1, v2;
	v12 =	vld [tilespmem:s22+$0x70];
	s22 =	smov.u32 s8  }
0x1cb: {  	v13 =	vld [tilespmem:s26+$0xFFFFFF50];
	[tilespmem:s13+$0xFFFFFFC0] =	vst v3;
	v2 =	vmax.f32 v6, $0.0e+00  }
0x1cc: {  	v6 =	vld [tilespmem:s20+$0xFFFFFF50];
	[tilespmem:s13+$0x40] =	vst v2;
	v3 =	vadd.f32 v8, v11;
	v1 =	vmax.f32 v1, $0.0e+00  }
.Ltmp1:
0x1cd: {  	v2 =	vld [tilespmem:s26+$0xFFFFFFD0];
	[tilespmem:s12+$0xFFFFFF70] =	vst v1;
	v1 =	vadd.f32 v7, v5;
	(pc) =	sbr.rel @p0 .LBB2_5-.Ltmp1, $4  }
0x1ce: {  	v4 =	vld [tilespmem:s20+$0xFFFFFFD0];
	v7 =	vadd.f32 v10, v3  }
0x1cf: {  	v3 =	vld [tilespmem:s26+$0x50];
	v1 =	vmax.f32 v1, $0.0e+00;
	v8 =	vadd.f32 v12, v9  }
0x1d0: {  	v5 =	vld [tilespmem:s20+$0x50];
	v9 =	vmax.f32 v7, $0.0e+00;
	[tilespmem:s12+$0xFFFFFFF0] =	vst v1  }
0x1d1: {  	s26 =	sadd.s32 $0x200, s26;
	v6 =	vadd.f32 v6, v13;
	v7 =	vld [tilespmem:s8+$0xFFFFFF50];
	[tilespmem:s13+$0xF0] =	vst v9;
	v1 =	vmax.f32 v8, $0.0e+00  }
0x1d2: {  	_ =	sdelay $0x1  }
0x1d3: {  	v8 =	vld [tilespmem:s22+$0xFFFFFFD0];
	_ =	sdelay $0x1  }
0x1d4: {  	v9 =	vld [tilespmem:s22+$0x50];
	v2 =	vadd.f32 v4, v2;
	v4 =	vadd.f32 v7, v6;
	_ =	sdelay $0x1  }
0x1d5: {  	v4 =	vmax.f32 v4, $0.0e+00  }
0x1d6: {  	v3 =	vadd.f32 v5, v3;
	v2 =	vadd.f32 v8, v2;
	[tilespmem:s13+$0xFFFFFF50] =	vst v4  }
0x1d7: {  	v4 =	vld [tilespmem:s14+$0xFFFFFF60]  }
0x1d8: {  	v3 =	vadd.f32 v9, v3;
	v2 =	vmax.f32 v2, $0.0e+00;
	v5 =	vld [tilespmem:s23+$0xFFFFFF60]  }
0x1d9: {  	[tilespmem:s13+$0xFFFFFFD0] =	vst v2;
	v7 =	vld [tilespmem:s22+$0xFFFFFF60]  }
0x1da: {  	v2 =	vmax.f32 v3, $0.0e+00;
	v3 =	vld [tilespmem:s14+$0xFFFFFFE0]  }
0x1db: {  	[tilespmem:s13+$0x50] =	vst v2;
	v2 =	vld [tilespmem:s23+$0xFFFFFFE0]  }
0x1dc: {  	v38 =	vld [tilespmem:s22+$0xFFFFFFE0]  }
0x1dd: {  	v6 =	vld [tilespmem:s14+$0x60]  }
0x1de: {  	v8 =	vld [tilespmem:s23+$0x60];
	v4 =	vadd.f32 v5, v4;
	_ =	sdelay $0x1  }
0x1df: {  	v5 =	vld [tilespmem:s22+$0x60];
	v2 =	vadd.f32 v2, v3;
	v3 =	vadd.f32 v7, v4;
	_ =	sdelay $0x1  }
0x1e0: {  	v2 =	vadd.f32 v38, v2;
	v3 =	vmax.f32 v3, $0.0e+00  }
0x1e1: {  	v4 =	vadd.f32 v8, v6;
	[tilespmem:s13+$0xFFFFFF60] =	vst v3  }
0x1e2: {  	v2 =	vmax.f32 v2, $0.0e+00;
	v3 =	vld [tilespmem:s14+$0xFFFFFF70]  }
0x1e3: {  	v4 =	vadd.f32 v5, v4;
	[tilespmem:s13+$0xFFFFFFE0] =	vst v2;
	v2 =	vld [tilespmem:s23+$0xFFFFFF70]  }
0x1e4: {  	v8 =	vld [tilespmem:s22+$0xFFFFFF70]  }
0x1e5: {  	v4 =	vmax.f32 v4, $0.0e+00;
	v5 =	vld [tilespmem:s14+$0xFFFFFFF0]  }
0x1e6: {  	[tilespmem:s13+$0x60] =	vst v4;
	v4 =	vld [tilespmem:s23+$0xFFFFFFF0]  }
0x1e7: {  	v6 =	vld [tilespmem:s14+$0x70]  }
0x1e8: {  	v7 =	vld [tilespmem:s23+$0x70]  }
0x1e9: {  	v39 =	vld [tilespmem:s22+$0xFFFFFFF0]  }
0x1ea: {  	v10 =	vld [tilespmem:s22+$0x70]  }
0x1eb: {  	v2 =	vadd.f32 v2, v3  }
0x1ec: {  	v3 =	vadd.f32 v4, v5  }
0x1ed: {  	v2 =	vadd.f32 v8, v2;
	v4 =	vadd.f32 v7, v6  }
0x1ee: {  	v3 =	vadd.f32 v39, v3  }
0x1ef: {  	[tilespmem:s12+$0x70] =	vst v1;
	v1 =	vmax.f32 v2, $0.0e+00;
	v2 =	vadd.f32 v10, v4  }
0x1f0: {  	[tilespmem:s13+$0xFFFFFF70] =	vst v1;
	v1 =	vmax.f32 v3, $0.0e+00  }
0x1f1: {  	[tilespmem:s13+$0xFFFFFFF0] =	vst v1;
	v1 =	vmax.f32 v2, $0.0e+00  }
0x1f2: {  	s8 =	simm.s32 $0x50;
	[tilespmem:s13+$0x70] =	vst v1  }
0x1f3: {  	[tilespmem:s15], [sflag:$0x1] =	stream.indirect.gather [hbm4b:s16+s21], $0x80, s8, s21, $0xb8;
	[tilespmem:$0x1F100] =	vst v63  }
0x1f4: {  	s23 =	sld [smem:$0x7F9]  }
0x1f5: {  	s20 =	simm.s32 $0x3900;
	s22 =	simm.s32 $0x850  }
0x1f6: {  	[tilespmem:s20], [sflag:$0x3] =	stream.indirect.gather [hbm4b:s5+s21], $0x80, s22, s21, $0xb8;
	[tilespmem:$0x1F100] =	vst v63  }
0x1f7: {  	s24 =	simm.s32 $0x6100;
	s8 =	sadd.s32 s11, s23  }
0x1f8: {  	[tilespmem:s24], [sflag:$0x5] =	stream.linear.gather [hbm4b:s8+s1], $0x1400, $0x38;
	[tilespmem:$0x1F100] =	vst v63  }
0x1f9: {  	_ = 	snop  }
0x1fa: {  	[spmem:s18] =	stream.indirect.scatter.add.f32 [tilespmem:s3], [sflag:$0x7], $0x80, s2, s21, $0xb8;
	[tilespmem:$0x1F100] =	vst v63  }
0x1fb: {  	_ =	swait.ge [sflag:s6], $0x1400  }
0x1fc: {  	[sflag:s6] =	ssyncset.done $0x0  }
0x1fd: {  	[sflag:s6] =	ssyncadd.s32 $0xFFFFEC00  }
0x1fe: {  	_ =	swait.ge [sflag:s9], $0x1400  }
0x1ff: {  	[sflag:s9] =	ssyncset.done $0x0  }
0x200: {  	[sflag:s9] =	ssyncadd.s32 $0xFFFFEC00  }
0x201: {  	_ =	swait.ge [sflag:s25], $0x1400  }
0x202: {  	[sflag:s25] =	ssyncset.done $0x0  }
0x203: {  	[sflag:s25] =	ssyncadd.s32 $0xFFFFEC00  }
0x204: {  	v1 =	vld [tilespmem:$0x828]  }
0x205: {  	v2 =	vld [tilespmem:$0x838]  }
0x206: {  	v3 =	vld [tilespmem:$0x840];
	_ =	sdelay $0x2  }
0x207: {  	[tilespmem:$0x1080] =	vst v1  }
0x208: {  	[tilespmem:$0x1090] =	vst v2  }
0x209: {  	s24 =	simm.s32 $0x2600;
	[tilespmem:$0x1098] =	vst v3  }
0x20a: {  	s26 =	simm.s32 $0x4E00;
	v1 =	vld [tilespmem:s24+$0x80]  }
0x20b: {  	s28 =	simm.s32 $0x7600;
	v2 =	vld [tilespmem:s26+$0x80]  }
0x20c: {  	v3 =	vld [tilespmem:s28+$0x80]  }
0x20d: {  	v4 =	vld [tilespmem:s26+$0xFFFFFF00]  }
0x20e: {  	v5 =	vld [tilespmem:s24+$0xFFFFFF80]  }
0x20f: {  	v6 =	vld [tilespmem:s26+$0xFFFFFF80]  }
0x210: {  	v7 =	vld [tilespmem:s28+$0xFFFFFF80];
	v1 =	vadd.f32 v2, v1  }
0x211: {  	s14 =	simm.s32 $0x2800;
	v8 =	vld [tilespmem:s24+$0x0]  }
0x212: {  	s20 =	simm.s32 $0x5000;
	v11 =	vld [tilespmem:s14+$0x80];
	v1 =	vadd.f32 v3, v1  }
0x213: {  	v12 =	vld [tilespmem:s20+$0x80]  }
0x214: {  	s12 =	simm.s32 $0x9E00;
	s8 =	simm.s32 $0x7800;
	v13 =	vld [tilespmem:s20+$0xFFFFFF00];
	v1 =	vmax.f32 v1, $0.0e+00  }
0x215: {  	v14 =	vld [tilespmem:s8+$0x80];
	[tilespmem:s12+$0x80] =	vst v1  }
0x216: {  	v1 =	vld [tilespmem:s24+$0x90]  }
0x217: {  	v2 =	vld [tilespmem:s26+$0x90]  }
0x218: {  	v15 =	vld [tilespmem:s14+$0xFFFFFF80]  }
0x219: {  	v3 =	vld [tilespmem:s28+$0x90]  }
0x21a: {  	v16 =	vld [tilespmem:s20+$0xFFFFFF80]  }
0x21b: {  	v17 =	vld [tilespmem:s14+$0x0]  }
0x21c: {  	v46 =	vld [tilespmem:s20+$0x0];
	v1 =	vadd.f32 v2, v1  }
0x21d: {  	v2 =	vld [tilespmem:s24+$0xFFFFFF00]  }
0x21e: {  	v18 =	vld [tilespmem:s14+$0xFFFFFF00];
	v1 =	vadd.f32 v3, v1  }
0x21f: {  	v3 =	vld [tilespmem:s28+$0xFFFFFF00]  }
0x220: {  	v47 =	vld [tilespmem:s8+$0xFFFFFF00];
	v1 =	vmax.f32 v1, $0.0e+00  }
0x221: {  	v19 =	vld [tilespmem:s8+$0xFFFFFF80];
	v11 =	vadd.f32 v12, v11;
	[tilespmem:s12+$0x90] =	vst v1  }
0x222: {  	v1 =	vadd.f32 v4, v2;
	v2 =	vld [tilespmem:s24+$0xA0]  }
0x223: {  	v11 =	vadd.f32 v14, v11;
	v4 =	vld [tilespmem:s26+$0xA0]  }
0x224: {  	v5 =	vadd.f32 v6, v5;
	v6 =	vld [tilespmem:s26+$0x0];
	v1 =	vadd.f32 v3, v1  }
0x225: {  	s13 =	simm.s32 $0xA000;
	v11 =	vmax.f32 v11, $0.0e+00;
	v3 =	vld [tilespmem:s28+$0xA0]  }
0x226: {  	v5 =	vadd.f32 v7, v5;
	v7 =	vld [tilespmem:s28+$0x0];
	[tilespmem:s13+$0x80] =	vst v11;
	v1 =	vmax.f32 v1, $0.0e+00  }
0x227: {  	v11 =	vld [tilespmem:s14+$0x90];
	[tilespmem:s12+$0xFFFFFF00] =	vst v1  }
0x228: {  	v1 =	vmax.f32 v5, $0.0e+00;
	v5 =	vld [tilespmem:s24+$0xFFFFFF10];
	v2 =	vadd.f32 v4, v2  }
0x229: {  	[tilespmem:s12+$0xFFFFFF80] =	vst v1;
	v1 =	vld [tilespmem:s26+$0xFFFFFF10]  }
0x22a: {  	v6 =	vadd.f32 v6, v8;
	v8 =	vld [tilespmem:s28+$0xFFFFFF10];
	v2 =	vadd.f32 v3, v2  }
0x22b: {  	v4 =	vld [tilespmem:s24+$0xFFFFFF90]  }
0x22c: {  	v3 =	vld [tilespmem:s26+$0xFFFFFF90];
	v2 =	vmax.f32 v2, $0.0e+00  }
0x22d: {  	v40 =	vld [tilespmem:s28+$0xFFFFFF90];
	[tilespmem:s12+$0xA0] =	vst v2  }
0x22e: {  	v2 =	vadd.f32 v7, v6;
	v6 =	vld [tilespmem:s24+$0xB0]  }
0x22f: {  	v1 =	vadd.f32 v1, v5;
	v5 =	vld [tilespmem:s26+$0xB0]  }
0x230: {  	v49 =	vld [tilespmem:s20+$0x90];
	v2 =	vmax.f32 v2, $0.0e+00  }
0x231: {  	v1 =	vadd.f32 v8, v1;
	[tilespmem:s12+$0x0] =	vst v2;
	v2 =	vadd.f32 v3, v4;
	v3 =	vld [tilespmem:s28+$0xB0]  }
0x232: {  	v4 =	vld [tilespmem:s24+$0x10]  }
0x233: {  	v7 =	vld [tilespmem:s26+$0x10];
	v1 =	vmax.f32 v1, $0.0e+00;
	v2 =	vadd.f32 v40, v2  }
0x234: {  	v8 =	vld [tilespmem:s28+$0x10];
	[tilespmem:s12+$0xFFFFFF10] =	vst v1;
	v1 =	vadd.f32 v5, v6  }
0x235: {  	v5 =	vld [tilespmem:s24+$0xFFFFFF20];
	v2 =	vmax.f32 v2, $0.0e+00  }
0x236: {  	[tilespmem:s12+$0xFFFFFF90] =	vst v2;
	v2 =	vld [tilespmem:s26+$0xFFFFFF20];
	v1 =	vadd.f32 v3, v1  }
0x237: {  	v3 =	vld [tilespmem:s24+$0xFFFFFFA0]  }
0x238: {  	v6 =	vld [tilespmem:s26+$0xFFFFFFA0];
	v1 =	vmax.f32 v1, $0.0e+00  }
0x239: {  	v4 =	vadd.f32 v7, v4;
	v7 =	vld [tilespmem:s28+$0xFFFFFF20];
	[tilespmem:s12+$0xB0] =	vst v1  }
0x23a: {  	v1 =	vld [tilespmem:s24+$0xC0]  }
0x23b: {  	v48 =	vadd.f32 v13, v18;
	v4 =	vadd.f32 v8, v4;
	v8 =	vld [tilespmem:s26+$0xC0]  }
0x23c: {  	v41 =	vld [tilespmem:s28+$0xFFFFFFA0]  }
0x23d: {  	v10 =	vadd.f32 v47, v48;
	v4 =	vmax.f32 v4, $0.0e+00;
	v2 =	vadd.f32 v2, v5;
	v5 =	vld [tilespmem:s28+$0xC0]  }
0x23e: {  	v51 =	vld [tilespmem:s8+$0x90];
	[tilespmem:s12+$0x10] =	vst v4  }
0x23f: {  	v10 =	vmax.f32 v10, $0.0e+00;
	v3 =	vadd.f32 v6, v3;
	v4 =	vld [tilespmem:s24+$0x20];
	v2 =	vadd.f32 v7, v2  }
0x240: {  	[tilespmem:s13+$0xFFFFFF00] =	vst v10;
	v6 =	vld [tilespmem:s26+$0x20];
	v1 =	vadd.f32 v8, v1  }
0x241: {  	v56 =	vld [tilespmem:s14+$0xFFFFFF10];
	v3 =	vadd.f32 v41, v3;
	v2 =	vmax.f32 v2, $0.0e+00  }
0x242: {  	v7 =	vld [tilespmem:s28+$0x20];
	[tilespmem:s12+$0xFFFFFF20] =	vst v2;
	v1 =	vadd.f32 v5, v1  }
0x243: {  	v2 =	vmax.f32 v3, $0.0e+00;
	v3 =	vld [tilespmem:s24+$0xFFFFFF30]  }
0x244: {  	[tilespmem:s12+$0xFFFFFFA0] =	vst v2;
	v2 =	vld [tilespmem:s26+$0xFFFFFF30];
	v1 =	vmax.f32 v1, $0.0e+00  }
0x245: {  	v4 =	vadd.f32 v6, v4;
	v5 =	vld [tilespmem:s24+$0xFFFFFFB0];
	[tilespmem:s12+$0xC0] =	vst v1  }
0x246: {  	v1 =	vld [tilespmem:s24+$0xD0]  }
0x247: {  	v4 =	vadd.f32 v7, v4;
	v6 =	vld [tilespmem:s26+$0xD0]  }
0x248: {  	v7 =	vld [tilespmem:s28+$0xFFFFFF30]  }
0x249: {  	v8 =	vld [tilespmem:s28+$0xD0];
	v4 =	vmax.f32 v4, $0.0e+00  }
0x24a: {  	v15 =	vadd.f32 v16, v15;
	[tilespmem:s12+$0x20] =	vst v4;
	v4 =	vld [tilespmem:s26+$0xFFFFFFB0]  }
0x24b: {  	v2 =	vadd.f32 v2, v3;
	v42 =	vld [tilespmem:s24+$0x30]  }
0x24c: {  	v15 =	vadd.f32 v19, v15;
	v3 =	vld [tilespmem:s26+$0x30];
	v1 =	vadd.f32 v6, v1  }
0x24d: {  	v2 =	vadd.f32 v7, v2;
	v6 =	vld [tilespmem:s28+$0xFFFFFFB0]  }
0x24e: {  	v55 =	vmax.f32 v15, $0.0e+00;
	v57 =	vld [tilespmem:s20+$0xFFFFFF10];
	v1 =	vadd.f32 v8, v1  }
0x24f: {  	[tilespmem:s13+$0xFFFFFF80] =	vst v55;
	v7 =	vld [tilespmem:s28+$0x30];
	v2 =	vmax.f32 v2, $0.0e+00  }
0x250: {  	v58 =	vld [tilespmem:s14+$0xFFFFFF90];
	v4 =	vadd.f32 v4, v5;
	[tilespmem:s12+$0xFFFFFF30] =	vst v2;
	v1 =	vmax.f32 v1, $0.0e+00  }
0x251: {  	v2 =	vld [tilespmem:s24+$0xFFFFFF40];
	[tilespmem:s12+$0xD0] =	vst v1  }
0x252: {  	v1 =	vadd.f32 v3, v42;
	v3 =	vadd.f32 v6, v4;
	v4 =	vld [tilespmem:s24+$0xE0]  }
0x253: {  	v5 =	vld [tilespmem:s26+$0xE0]  }
0x254: {  	v6 =	vld [tilespmem:s26+$0xFFFFFF40];
	v1 =	vadd.f32 v7, v1;
	v3 =	vmax.f32 v3, $0.0e+00  }
0x255: {  	[tilespmem:s12+$0xFFFFFFB0] =	vst v3;
	v3 =	vld [tilespmem:s28+$0xE0]  }
0x256: {  	v1 =	vmax.f32 v1, $0.0e+00;
	v7 =	vld [tilespmem:s24+$0xFFFFFFC0]  }
0x257: {  	[tilespmem:s12+$0x30] =	vst v1;
	v1 =	vld [tilespmem:s26+$0xFFFFFFC0]  }
0x258: {  	v53 =	vadd.f32 v49, v11;
	v4 =	vadd.f32 v5, v4;
	v5 =	vld [tilespmem:s28+$0xFFFFFF40]  }
0x259: {  	v8 =	vld [tilespmem:s24+$0x40]  }
0x25a: {  	v10 =	vadd.f32 v51, v53;
	v43 =	vld [tilespmem:s26+$0x40]  }
0x25b: {  	v2 =	vadd.f32 v6, v2;
	v3 =	vadd.f32 v3, v4;
	v4 =	vld [tilespmem:s28+$0xFFFFFFC0]  }
0x25c: {  	v10 =	vmax.f32 v10, $0.0e+00;
	v6 =	vld [tilespmem:s28+$0x40]  }
0x25d: {  	v62 =	vld [tilespmem:s8+$0xFFFFFF10];
	[tilespmem:s13+$0x90] =	vst v10;
	v5 =	vadd.f32 v5, v2  }
0x25e: {  	v10 =	vld [tilespmem:s14+$0xA0];
	v3 =	vmax.f32 v3, $0.0e+00;
	v1 =	vadd.f32 v1, v7  }
0x25f: {  	v61 =	vld [tilespmem:s8+$0xA0];
	[tilespmem:s12+$0xE0] =	vst v3;
	v7 =	vadd.f32 v43, v8;
	v5 =	vmax.f32 v5, $0.0e+00  }
0x260: {  	v2 =	vld [tilespmem:s24+$0xF0];
	v4 =	vadd.f32 v4, v1;
	[tilespmem:s12+$0xFFFFFF40] =	vst v5  }
0x261: {  	v5 =	vadd.f32 v6, v7;
	v6 =	vld [tilespmem:s24+$0xFFFFFF50]  }
0x262: {  	v4 =	vmax.f32 v4, $0.0e+00;
	v45 =	vld [tilespmem:s28+$0xFFFFFF50]  }
0x263: {  	[tilespmem:s12+$0xFFFFFFC0] =	vst v4;
	v4 =	vld [tilespmem:s26+$0xFFFFFF50]  }
0x264: {  	v5 =	vmax.f32 v5, $0.0e+00;
	v7 =	vld [tilespmem:s24+$0xFFFFFFD0]  }
0x265: {  	[tilespmem:s12+$0x40] =	vst v5;
	v5 =	vld [tilespmem:s26+$0xFFFFFFD0]  }
0x266: {  	v3 =	vld [tilespmem:s26+$0xF0]  }
0x267: {  	v50 =	vld [tilespmem:s28+$0xFFFFFFD0]  }
0x268: {  	v1 =	vld [tilespmem:s28+$0xF0];
	v4 =	vadd.f32 v4, v6  }
0x269: {  	v8 =	vld [tilespmem:s24+$0x50]  }
0x26a: {  	v44 =	vld [tilespmem:s26+$0x50];
	v5 =	vadd.f32 v5, v7;
	v4 =	vadd.f32 v45, v4  }
0x26b: {  	v6 =	vld [tilespmem:s8+$0x0]  }
0x26c: {  	v7 =	vld [tilespmem:s20+$0xA0];
	v5 =	vadd.f32 v50, v5;
	v4 =	vmax.f32 v4, $0.0e+00  }
0x26d: {  	[tilespmem:s12+$0xFFFFFF50] =	vst v4;
	v4 =	vld [tilespmem:s28+$0x50]  }
0x26e: {  	v12 =	vadd.f32 v46, v17;
	v5 =	vmax.f32 v5, $0.0e+00;
	v52 =	vld [tilespmem:s24+$0xFFFFFF60]  }
0x26f: {  	v54 =	vld [tilespmem:s26+$0xFFFFFF60];
	[tilespmem:s12+$0xFFFFFFD0] =	vst v5  }
0x270: {  	v6 =	vadd.f32 v6, v12;
	v63 =	vld [tilespmem:s24+$0xFFFFFFE0]  }
0x271: {  	v8 =	vadd.f32 v44, v8;
	v21 =	vld [tilespmem:s26+$0xFFFFFFE0]  }
0x272: {  	v6 =	vmax.f32 v6, $0.0e+00;
	v32 =	vld [tilespmem:s28+$0xFFFFFFE0]  }
0x273: {  	v7 =	vadd.f32 v7, v10;
	[tilespmem:s13+$0x0] =	vst v6;
	v6 =	vld [tilespmem:s20+$0xFFFFFF90];
	v4 =	vadd.f32 v4, v8  }
0x274: {  	v59 =	vld [tilespmem:s14+$0x10]  }
0x275: {  	v7 =	vadd.f32 v61, v7;
	v60 =	vld [tilespmem:s20+$0x10];
	v4 =	vmax.f32 v4, $0.0e+00  }
0x276: {  	v5 =	vld [tilespmem:s8+$0x10];
	[tilespmem:s12+$0x50] =	vst v4;
	v4 =	vadd.f32 v57, v56  }
0x277: {  	v8 =	vld [tilespmem:s8+$0xFFFFFF90];
	v7 =	vmax.f32 v7, $0.0e+00  }
0x278: {  	[tilespmem:s13+$0xA0] =	vst v7;
	v7 =	vld [tilespmem:s28+$0xFFFFFF60];
	v4 =	vadd.f32 v62, v4  }
0x279: {  	v24 =	vld [tilespmem:s14+$0xB0];
	v9 =	vadd.f32 v21, v63  }
0x27a: {  	v25 =	vld [tilespmem:s8+$0xB0];
	v4 =	vmax.f32 v4, $0.0e+00  }
0x27b: {  	v9 =	vadd.f32 v32, v9;
	[tilespmem:s13+$0xFFFFFF10] =	vst v4;
	v4 =	vld [tilespmem:s20+$0xB0]  }
0x27c: {  	v6 =	vadd.f32 v6, v58;
	v22 =	vld [tilespmem:s24+$0x60]  }
0x27d: {  	v23 =	vld [tilespmem:s26+$0x60];
	v9 =	vmax.f32 v9, $0.0e+00  }
0x27e: {  	v34 =	vld [tilespmem:s28+$0x60];
	v6 =	vadd.f32 v8, v6;
	[tilespmem:s12+$0xFFFFFFE0] =	vst v9  }
0x27f: {  	v15 =	vadd.f32 v60, v59;
	v45 =	vld [tilespmem:s24+$0xFFFFFFF0]  }
0x280: {  	v6 =	vmax.f32 v6, $0.0e+00;
	v8 =	vld [tilespmem:s14+$0xFFFFFF20];
	v4 =	vadd.f32 v4, v24  }
0x281: {  	v5 =	vadd.f32 v5, v15;
	[tilespmem:s13+$0xFFFFFF90] =	vst v6;
	v6 =	vld [tilespmem:s20+$0xFFFFFF20]  }
0x282: {  	v46 =	vld [tilespmem:s26+$0xFFFFFFF0];
	v4 =	vadd.f32 v25, v4  }
0x283: {  	v5 =	vmax.f32 v5, $0.0e+00;
	v26 =	vld [tilespmem:s14+$0xFFFFFFA0]  }
0x284: {  	[tilespmem:s13+$0x10] =	vst v5;
	v5 =	vld [tilespmem:s20+$0xFFFFFFA0];
	v4 =	vmax.f32 v4, $0.0e+00  }
0x285: {  	v29 =	vld [tilespmem:s8+$0xFFFFFF20];
	[tilespmem:s13+$0xB0] =	vst v4  }
0x286: {  	v4 =	vadd.f32 v6, v8;
	v6 =	vld [tilespmem:s14+$0xC0]  }
0x287: {  	v8 =	vld [tilespmem:s20+$0xC0]  }
0x288: {  	v11 =	vadd.f32 v54, v52;
	v30 =	vld [tilespmem:s8+$0xFFFFFFA0]  }
0x289: {  	v12 =	vadd.f32 v23, v22;
	v33 =	vld [tilespmem:s8+$0xC0]  }
0x28a: {  	v2 =	vadd.f32 v3, v2;
	v7 =	vadd.f32 v7, v11;
	v3 =	vld [tilespmem:s28+$0xFFFFFFF0]  }
0x28b: {  	v27 =	vld [tilespmem:s14+$0x20];
	v12 =	vadd.f32 v34, v12;
	v5 =	vadd.f32 v5, v26  }
0x28c: {  	v7 =	vmax.f32 v7, $0.0e+00;
	v28 =	vld [tilespmem:s20+$0x20];
	v4 =	vadd.f32 v29, v4;
	v6 =	vadd.f32 v8, v6  }
0x28d: {  	[tilespmem:s12+$0xFFFFFF60] =	vst v7;
	v31 =	vld [tilespmem:s8+$0x20];
	v44 =	vmax.f32 v12, $0.0e+00;
	v5 =	vadd.f32 v30, v5  }
0x28e: {  	v43 =	vld [tilespmem:s26+$0xFFFFFF70];
	[tilespmem:s12+$0x60] =	vst v44;
	v4 =	vmax.f32 v4, $0.0e+00;
	v6 =	vadd.f32 v33, v6  }
0x28f: {  	v47 =	vld [tilespmem:s24+$0x70];
	v5 =	vmax.f32 v5, $0.0e+00;
	[tilespmem:s13+$0xFFFFFF20] =	vst v4  }
0x290: {  	[tilespmem:s13+$0xFFFFFFA0] =	vst v5;
	v35 =	vld [tilespmem:s14+$0xFFFFFF30];
	v6 =	vmax.f32 v6, $0.0e+00  }
0x291: {  	v7 =	vadd.f32 v28, v27;
	v5 =	vld [tilespmem:s20+$0xFFFFFF30];
	[tilespmem:s13+$0xC0] =	vst v6  }
0x292: {  	v6 =	vld [tilespmem:s14+$0xD0]  }
0x293: {  	v7 =	vadd.f32 v31, v7;
	v38 =	vld [tilespmem:s20+$0xD0]  }
0x294: {  	v39 =	vld [tilespmem:s8+$0xFFFFFF30]  }
0x295: {  	v7 =	vmax.f32 v7, $0.0e+00;
	v40 =	vld [tilespmem:s8+$0xD0]  }
0x296: {  	[tilespmem:s13+$0x20] =	vst v7;
	v7 =	vld [tilespmem:s20+$0xFFFFFFB0]  }
0x297: {  	v8 =	vld [tilespmem:s14+$0xFFFFFFB0];
	v5 =	vadd.f32 v5, v35  }
0x298: {  	v41 =	vld [tilespmem:s8+$0xFFFFFFB0];
	v6 =	vadd.f32 v38, v6  }
0x299: {  	v36 =	vld [tilespmem:s14+$0x30];
	v5 =	vadd.f32 v39, v5  }
0x29a: {  	v37 =	vld [tilespmem:s20+$0x30];
	v6 =	vadd.f32 v40, v6  }
0x29b: {  	v42 =	vld [tilespmem:s8+$0x30];
	v5 =	vmax.f32 v5, $0.0e+00  }
0x29c: {  	v4 =	vld [tilespmem:s24+$0xFFFFFF70];
	v7 =	vadd.f32 v7, v8;
	[tilespmem:s13+$0xFFFFFF30] =	vst v5;
	v5 =	vmax.f32 v6, $0.0e+00  }
0x29d: {  	v8 =	vld [tilespmem:s14+$0xFFFFFF40];
	[tilespmem:s13+$0xD0] =	vst v5  }
0x29e: {  	v7 =	vadd.f32 v41, v7;
	v48 =	vld [tilespmem:s14+$0xE0]  }
0x29f: {  	v49 =	vld [tilespmem:s20+$0xE0]  }
0x2a0: {  	v7 =	vmax.f32 v7, $0.0e+00;
	v50 =	vld [tilespmem:s20+$0xFFFFFF40];
	v5 =	vadd.f32 v37, v36  }
0x2a1: {  	[tilespmem:s13+$0xFFFFFFB0] =	vst v7;
	v7 =	vld [tilespmem:s8+$0xE0]  }
0x2a2: {  	v51 =	vld [tilespmem:s14+$0xFFFFFFC0];
	v5 =	vadd.f32 v42, v5  }
0x2a3: {  	v54 =	vld [tilespmem:s8+$0xFFFFFF40]  }
0x2a4: {  	v55 =	vld [tilespmem:s8+$0xFFFFFFC0];
	v5 =	vmax.f32 v5, $0.0e+00;
	v13 =	vadd.f32 v49, v48  }
0x2a5: {  	[tilespmem:s13+$0x30] =	vst v5;
	v5 =	vld [tilespmem:s20+$0xFFFFFFC0]  }
0x2a6: {  	v52 =	vld [tilespmem:s14+$0x40];
	v7 =	vadd.f32 v7, v13  }
0x2a7: {  	v53 =	vld [tilespmem:s20+$0x40]  }
0x2a8: {  	v56 =	vld [tilespmem:s8+$0x40];
	v7 =	vmax.f32 v7, $0.0e+00  }
0x2a9: {  	v8 =	vadd.f32 v50, v8;
	[tilespmem:s13+$0xE0] =	vst v7;
	v7 =	vld [tilespmem:s28+$0xFFFFFF70]  }
0x2aa: {  	v57 =	vld [tilespmem:s14+$0xF0]  }
0x2ab: {  	v8 =	vadd.f32 v54, v8;
	v5 =	vadd.f32 v5, v51;
	v58 =	vld [tilespmem:s20+$0xF0]  }
0x2ac: {  	v6 =	vld [tilespmem:s26+$0x70]  }
0x2ad: {  	v8 =	vmax.f32 v8, $0.0e+00;
	v15 =	vadd.f32 v53, v52;
	v5 =	vadd.f32 v55, v5;
	v59 =	vld [tilespmem:s8+$0xF0]  }
0x2ae: {  	v1 =	vadd.f32 v1, v2;
	v2 =	vadd.f32 v43, v4;
	[tilespmem:s13+$0xFFFFFF40] =	vst v8;
	v8 =	vld [tilespmem:s28+$0x70]  }
0x2af: {  	v4 =	vadd.f32 v46, v45;
	v61 =	vld [tilespmem:s14+$0xFFFFFF50];
	v60 =	vadd.f32 v56, v15;
	v5 =	vmax.f32 v5, $0.0e+00  }
0x2b0: {  	v1 =	vmax.f32 v1, $0.0e+00;
	v62 =	vld [tilespmem:s20+$0xFFFFFF50];
	[tilespmem:s13+$0xFFFFFFC0] =	vst v5;
	v7 =	vadd.f32 v7, v2;
	v5 =	vadd.f32 v58, v57  }
0x2b1: {  	[tilespmem:s12+$0xF0] =	vst v1;
	v63 =	vadd.f32 v3, v4;
	v1 =	vadd.f32 v6, v47;
	v6 =	vmax.f32 v60, $0.0e+00;
	v2 =	vld [tilespmem:s14+$0xFFFFFFD0]  }
0x2b2: {  	[tilespmem:s13+$0x40] =	vst v6;
	v4 =	vld [tilespmem:s20+$0xFFFFFFD0];
	v3 =	vmax.f32 v7, $0.0e+00;
	v6 =	vadd.f32 v59, v5  }
0x2b3: {  	v1 =	vadd.f32 v8, v1;
	v7 =	vmax.f32 v63, $0.0e+00;
	[tilespmem:s12+$0xFFFFFF70] =	vst v3;
	v3 =	vld [tilespmem:s14+$0x50]  }
0x2b4: {  	s22 =	simm.s32 $0x7800;
	v5 =	vld [tilespmem:s20+$0x50];
	[tilespmem:s12+$0xFFFFFFF0] =	vst v7;
	v8 =	vmax.f32 v6, $0.0e+00  }
0x2b5: {  	s23 =	simm.s32 $0x5000;
	s24 =	simm.s32 $0x4;
	s26 =	simm.s32 $0x2A00;
	v1 =	vmax.f32 v1, $0.0e+00;
	v7 =	vld [tilespmem:s8+$0xFFFFFF50];
	v6 =	vadd.f32 v62, v61;
	[tilespmem:s13+$0xF0] =	vst v8  }
.LBB2_7:
0x2b6: {  	v8 =	vld [tilespmem:s26+$0x80];
	s20 =	sadd.s32 $0x200, s20;
	[tilespmem:s12+$0x70] =	vst v1;
	s12 =	smov.u32 s13  }
0x2b7: {  	v1 =	vld [tilespmem:s20+$0x80];
	v2 =	vadd.f32 v4, v2  }
0x2b8: {  	s8 =	sadd.s32 $0x200, s8;
	v4 =	vld [tilespmem:s20+$0xFFFFFF00]  }
0x2b9: {  	v9 =	vld [tilespmem:s8+$0x80];
	v3 =	vadd.f32 v5, v3  }
0x2ba: {  	v5 =	vld [tilespmem:s26+$0xFFFFFF80];
	v6 =	vadd.f32 v7, v6  }
0x2bb: {  	v7 =	vld [tilespmem:s20+$0xFFFFFF80]  }
0x2bc: {  	v10 =	vld [tilespmem:s26+$0x0];
	v1 =	vadd.f32 v1, v8;
	v6 =	vmax.f32 v6, $0.0e+00  }
0x2bd: {  	v8 =	vld [tilespmem:s20+$0x0];
	[tilespmem:s13+$0xFFFFFF50] =	vst v6  }
0x2be: {  	s24 =	sadd.s32 $0x4, s24;
	v6 =	vld [tilespmem:s26+$0xFFFFFF00];
	v1 =	vadd.f32 v9, v1  }
0x2bf: {  	p0 =	slt.u32 s24, $0x24;
	v9 =	vld [tilespmem:s8+$0xFFFFFF00]  }
0x2c0: {  	s13 =	sadd.s32 $0x200, s13;
	v5 =	vadd.f32 v7, v5;
	v7 =	vld [tilespmem:s8+$0xFFFFFF80];
	v1 =	vmax.f32 v1, $0.0e+00  }
0x2c1: {  	v11 =	vld [tilespmem:s8+$0x0];
	[tilespmem:s13+$0x80] =	vst v1  }
0x2c2: {  	v1 =	vadd.f32 v8, v10;
	v8 =	vld [tilespmem:s26+$0x90]  }
0x2c3: {  	v4 =	vadd.f32 v4, v6;
	v6 =	vld [tilespmem:s20+$0x90]  }
0x2c4: {  	v10 =	vld [tilespmem:s22+$0xFFFFFFD0]  }
0x2c5: {  	v4 =	vadd.f32 v9, v4;
	v5 =	vadd.f32 v7, v5;
	v7 =	vld [tilespmem:s8+$0x90]  }
0x2c6: {  	v1 =	vadd.f32 v11, v1;
	v9 =	vld [tilespmem:s22+$0x50]  }
0x2c7: {  	v4 =	vmax.f32 v4, $0.0e+00;
	v5 =	vmax.f32 v5, $0.0e+00;
	v11 =	vld [tilespmem:s14+$0xFFFFFF60]  }
0x2c8: {  	[tilespmem:s13+$0xFFFFFF00] =	vst v4;
	v1 =	vmax.f32 v1, $0.0e+00;
	v4 =	vadd.f32 v6, v8;
	v6 =	vld [tilespmem:s23+$0xFFFFFF60]  }
0x2c9: {  	v8 =	vld [tilespmem:s26+$0xFFFFFF10];
	[tilespmem:s13+$0xFFFFFF80] =	vst v5;
	v2 =	vadd.f32 v10, v2  }
0x2ca: {  	v5 =	vld [tilespmem:s20+$0xFFFFFF10];
	[tilespmem:s13+$0x0] =	vst v1;
	v1 =	vadd.f32 v7, v4  }
0x2cb: {  	v4 =	vld [tilespmem:s26+$0xFFFFFF90];
	v2 =	vmax.f32 v2, $0.0e+00;
	v3 =	vadd.f32 v9, v3  }
0x2cc: {  	v7 =	vld [tilespmem:s20+$0xFFFFFF90];
	v1 =	vmax.f32 v1, $0.0e+00;
	[tilespmem:s12+$0xFFFFFFD0] =	vst v2  }
0x2cd: {  	v2 =	vld [tilespmem:s26+$0x10];
	[tilespmem:s13+$0x90] =	vst v1;
	v1 =	vadd.f32 v6, v11;
	v3 =	vmax.f32 v3, $0.0e+00  }
0x2ce: {  	v6 =	vld [tilespmem:s26+$0xA0];
	[tilespmem:s12+$0x50] =	vst v3  }
0x2cf: {  	v3 =	vadd.f32 v5, v8;
	v5 =	vld [tilespmem:s20+$0xA0]  }
0x2d0: {  	v8 =	vld [tilespmem:s20+$0x10]  }
0x2d1: {  	v4 =	vadd.f32 v7, v4;
	v7 =	vld [tilespmem:s8+$0xA0]  }
0x2d2: {  	v9 =	vld [tilespmem:s8+$0xFFFFFF10]  }
0x2d3: {  	v10 =	vld [tilespmem:s8+$0xFFFFFF90]  }
0x2d4: {  	v11 =	vld [tilespmem:s8+$0x10];
	v5 =	vadd.f32 v5, v6  }
0x2d5: {  	v2 =	vadd.f32 v8, v2;
	v6 =	vld [tilespmem:s14+$0xFFFFFFE0]  }
0x2d6: {  	v5 =	vadd.f32 v7, v5;
	v7 =	vld [tilespmem:s23+$0xFFFFFFE0]  }
0x2d7: {  	v3 =	vadd.f32 v9, v3;
	v8 =	vld [tilespmem:s14+$0x60]  }
0x2d8: {  	v4 =	vadd.f32 v10, v4;
	v5 =	vmax.f32 v5, $0.0e+00;
	v9 =	vld [tilespmem:s23+$0x60]  }
0x2d9: {  	v3 =	vmax.f32 v3, $0.0e+00;
	v2 =	vadd.f32 v11, v2;
	[tilespmem:s13+$0xA0] =	vst v5;
	v5 =	vld [tilespmem:s22+$0xFFFFFF60]  }
0x2da: {  	[tilespmem:s13+$0xFFFFFF10] =	vst v3;
	v3 =	vmax.f32 v4, $0.0e+00;
	v4 =	vld [tilespmem:s26+$0xB0]  }
0x2db: {  	[tilespmem:s13+$0xFFFFFF90] =	vst v3;
	v2 =	vmax.f32 v2, $0.0e+00;
	v3 =	vld [tilespmem:s20+$0xB0];
	v6 =	vadd.f32 v7, v6  }
0x2dc: {  	v7 =	vld [tilespmem:s26+$0xFFFFFF20];
	[tilespmem:s13+$0x10] =	vst v2  }
0x2dd: {  	v2 =	vld [tilespmem:s8+$0xB0];
	v8 =	vadd.f32 v9, v8  }
0x2de: {  	v9 =	vld [tilespmem:s20+$0xFFFFFF20];
	v1 =	vadd.f32 v5, v1  }
0x2df: {  	v5 =	vld [tilespmem:s26+$0xFFFFFFA0]  }
0x2e0: {  	v10 =	vld [tilespmem:s20+$0xFFFFFFA0];
	v3 =	vadd.f32 v3, v4;
	v1 =	vmax.f32 v1, $0.0e+00  }
0x2e1: {  	v4 =	vld [tilespmem:s26+$0x20];
	[tilespmem:s12+$0xFFFFFF60] =	vst v1  }
0x2e2: {  	v1 =	vld [tilespmem:s20+$0x20];
	v2 =	vadd.f32 v2, v3  }
0x2e3: {  	v3 =	vadd.f32 v9, v7;
	v7 =	vld [tilespmem:s8+$0xFFFFFF20]  }
0x2e4: {  	v9 =	vld [tilespmem:s8+$0xFFFFFFA0];
	v2 =	vmax.f32 v2, $0.0e+00  }
0x2e5: {  	v5 =	vadd.f32 v10, v5;
	v10 =	vld [tilespmem:s8+$0x20];
	[tilespmem:s13+$0xB0] =	vst v2  }
0x2e6: {  	v2 =	vld [tilespmem:s26+$0xC0]  }
0x2e7: {  	v1 =	vadd.f32 v1, v4;
	v4 =	vld [tilespmem:s20+$0xC0]  }
0x2e8: {  	v3 =	vadd.f32 v7, v3;
	v7 =	vld [tilespmem:s22+$0xFFFFFFE0]  }
0x2e9: {  	v5 =	vadd.f32 v9, v5;
	v9 =	vld [tilespmem:s8+$0xC0]  }
0x2ea: {  	v3 =	vmax.f32 v3, $0.0e+00;
	v1 =	vadd.f32 v10, v1;
	v10 =	vld [tilespmem:s22+$0x60]  }
0x2eb: {  	[tilespmem:s13+$0xFFFFFF20] =	vst v3;
	v3 =	vmax.f32 v5, $0.0e+00;
	v5 =	vld [tilespmem:s14+$0xFFFFFF70]  }
0x2ec: {  	v11 =	vld [tilespmem:s26+$0xFFFFFF30];
	[tilespmem:s13+$0xFFFFFFA0] =	vst v3;
	v1 =	vmax.f32 v1, $0.0e+00;
	v2 =	vadd.f32 v4, v2  }
0x2ed: {  	v3 =	vld [tilespmem:s20+$0xFFFFFF30];
	[tilespmem:s13+$0x20] =	vst v1;
	v1 =	vadd.f32 v7, v6  }
0x2ee: {  	v4 =	vld [tilespmem:s26+$0xFFFFFFB0];
	v2 =	vadd.f32 v9, v2  }
0x2ef: {  	v6 =	vld [tilespmem:s20+$0xFFFFFFB0];
	v1 =	vmax.f32 v1, $0.0e+00;
	v7 =	vadd.f32 v10, v8  }
0x2f0: {  	v8 =	vld [tilespmem:s26+$0x30];
	v2 =	vmax.f32 v2, $0.0e+00;
	[tilespmem:s12+$0xFFFFFFE0] =	vst v1  }
0x2f1: {  	v1 =	vld [tilespmem:s20+$0x30];
	[tilespmem:s13+$0xC0] =	vst v2;
	v2 =	vmax.f32 v7, $0.0e+00  }
0x2f2: {  	v3 =	vadd.f32 v3, v11;
	v7 =	vld [tilespmem:s26+$0xD0];
	[tilespmem:s12+$0x60] =	vst v2  }
0x2f3: {  	v2 =	vld [tilespmem:s20+$0xD0]  }
0x2f4: {  	v9 =	vld [tilespmem:s8+$0xFFFFFF30];
	v4 =	vadd.f32 v6, v4  }
0x2f5: {  	v6 =	vld [tilespmem:s8+$0xD0]  }
0x2f6: {  	v10 =	vld [tilespmem:s8+$0xFFFFFFB0];
	v1 =	vadd.f32 v1, v8  }
0x2f7: {  	v8 =	vld [tilespmem:s8+$0x30]  }
0x2f8: {  	v2 =	vadd.f32 v2, v7;
	v7 =	vld [tilespmem:s23+$0xFFFFFF70]  }
0x2f9: {  	v3 =	vadd.f32 v9, v3;
	v9 =	vld [tilespmem:s14+$0xFFFFFFF0]  }
0x2fa: {  	v2 =	vadd.f32 v6, v2;
	v6 =	vld [tilespmem:s23+$0xFFFFFFF0]  }
0x2fb: {  	v3 =	vmax.f32 v3, $0.0e+00;
	v4 =	vadd.f32 v10, v4;
	v10 =	vld [tilespmem:s14+$0x70];
	s14 =	smov.u32 s26  }
0x2fc: {  	[tilespmem:s13+$0xFFFFFF30] =	vst v3;
	v1 =	vadd.f32 v8, v1;
	v2 =	vmax.f32 v2, $0.0e+00;
	v3 =	vld [tilespmem:s23+$0x70];
	s23 =	smov.u32 s20  }
0x2fd: {  	v8 =	vld [tilespmem:s26+$0xFFFFFF40];
	v4 =	vmax.f32 v4, $0.0e+00;
	[tilespmem:s13+$0xD0] =	vst v2;
	v2 =	vadd.f32 v7, v5  }
0x2fe: {  	[tilespmem:s13+$0xFFFFFFB0] =	vst v4;
	v1 =	vmax.f32 v1, $0.0e+00;
	v4 =	vld [tilespmem:s26+$0xE0]  }
0x2ff: {  	[tilespmem:s13+$0x30] =	vst v1;
	v1 =	vld [tilespmem:s20+$0xE0];
	v5 =	vadd.f32 v6, v9  }
0x300: {  	v6 =	vld [tilespmem:s20+$0xFFFFFF40]  }
0x301: {  	v7 =	vld [tilespmem:s8+$0xE0];
	v9 =	vadd.f32 v3, v10  }
0x302: {  	v3 =	vld [tilespmem:s26+$0xFFFFFFC0]  }
0x303: {  	v10 =	vld [tilespmem:s20+$0xFFFFFFC0]  }
0x304: {  	v11 =	vld [tilespmem:s26+$0x40];
	v1 =	vadd.f32 v1, v4  }
0x305: {  	v4 =	vadd.f32 v6, v8;
	v6 =	vld [tilespmem:s20+$0x40]  }
0x306: {  	v8 =	vld [tilespmem:s8+$0xFFFFFF40];
	v1 =	vadd.f32 v7, v1  }
0x307: {  	v7 =	vld [tilespmem:s8+$0xFFFFFFC0]  }
0x308: {  	v3 =	vadd.f32 v10, v3;
	v10 =	vld [tilespmem:s8+$0x40];
	v1 =	vmax.f32 v1, $0.0e+00  }
0x309: {  	[tilespmem:s13+$0xE0] =	vst v1;
	v1 =	vld [tilespmem:s22+$0xFFFFFF70]  }
0x30a: {  	v6 =	vadd.f32 v6, v11;
	v11 =	vld [tilespmem:s26+$0xF0]  }
0x30b: {  	v4 =	vadd.f32 v8, v4;
	v8 =	vld [tilespmem:s20+$0xF0]  }
0x30c: {  	v3 =	vadd.f32 v7, v3;
	v7 =	vld [tilespmem:s22+$0xFFFFFFF0]  }
0x30d: {  	v4 =	vmax.f32 v4, $0.0e+00;
	v6 =	vadd.f32 v10, v6;
	v10 =	vld [tilespmem:s8+$0xF0]  }
0x30e: {  	[tilespmem:s13+$0xFFFFFF40] =	vst v4;
	v3 =	vmax.f32 v3, $0.0e+00;
	v1 =	vadd.f32 v1, v2;
	v12 =	vld [tilespmem:s22+$0x70];
	s22 =	smov.u32 s8  }
0x30f: {  	v13 =	vld [tilespmem:s26+$0xFFFFFF50];
	[tilespmem:s13+$0xFFFFFFC0] =	vst v3;
	v2 =	vmax.f32 v6, $0.0e+00  }
0x310: {  	v6 =	vld [tilespmem:s20+$0xFFFFFF50];
	[tilespmem:s13+$0x40] =	vst v2;
	v3 =	vadd.f32 v8, v11;
	v1 =	vmax.f32 v1, $0.0e+00  }
.Ltmp2:
0x311: {  	v2 =	vld [tilespmem:s26+$0xFFFFFFD0];
	[tilespmem:s12+$0xFFFFFF70] =	vst v1;
	v1 =	vadd.f32 v7, v5;
	(pc) =	sbr.rel @p0 .LBB2_7-.Ltmp2, $4  }
0x312: {  	v4 =	vld [tilespmem:s20+$0xFFFFFFD0];
	v7 =	vadd.f32 v10, v3  }
0x313: {  	v3 =	vld [tilespmem:s26+$0x50];
	v1 =	vmax.f32 v1, $0.0e+00;
	v8 =	vadd.f32 v12, v9  }
0x314: {  	v5 =	vld [tilespmem:s20+$0x50];
	v9 =	vmax.f32 v7, $0.0e+00;
	[tilespmem:s12+$0xFFFFFFF0] =	vst v1  }
0x315: {  	s26 =	sadd.s32 $0x200, s26;
	v6 =	vadd.f32 v6, v13;
	v7 =	vld [tilespmem:s8+$0xFFFFFF50];
	[tilespmem:s13+$0xF0] =	vst v9;
	v1 =	vmax.f32 v8, $0.0e+00  }
0x316: {  	_ =	sdelay $0x1  }
0x317: {  	v8 =	vld [tilespmem:s22+$0xFFFFFFD0];
	_ =	sdelay $0x1  }
0x318: {  	v9 =	vld [tilespmem:s22+$0x50];
	v49 =	vadd.f32 v7, v6  }
0x319: {  	v2 =	vadd.f32 v4, v2  }
0x31a: {  	v4 =	vmax.f32 v49, $0.0e+00  }
0x31b: {  	v3 =	vadd.f32 v5, v3;
	v2 =	vadd.f32 v8, v2;
	[tilespmem:s13+$0xFFFFFF50] =	vst v4  }
0x31c: {  	v4 =	vld [tilespmem:s14+$0xFFFFFF60]  }
0x31d: {  	v3 =	vadd.f32 v9, v3;
	v2 =	vmax.f32 v2, $0.0e+00;
	v50 =	vld [tilespmem:s23+$0xFFFFFF60]  }
0x31e: {  	[tilespmem:s13+$0xFFFFFFD0] =	vst v2;
	v52 =	vld [tilespmem:s22+$0xFFFFFF60]  }
0x31f: {  	v2 =	vmax.f32 v3, $0.0e+00;
	v3 =	vld [tilespmem:s14+$0xFFFFFFE0]  }
0x320: {  	[tilespmem:s13+$0x50] =	vst v2;
	v2 =	vld [tilespmem:s23+$0xFFFFFFE0]  }
0x321: {  	v54 =	vld [tilespmem:s22+$0xFFFFFFE0]  }
0x322: {  	v51 =	vld [tilespmem:s14+$0x60]  }
0x323: {  	v53 =	vld [tilespmem:s23+$0x60];
	v4 =	vadd.f32 v50, v4;
	_ =	sdelay $0x1  }
0x324: {  	v55 =	vld [tilespmem:s22+$0x60];
	v2 =	vadd.f32 v2, v3;
	v3 =	vadd.f32 v52, v4;
	_ =	sdelay $0x1  }
0x325: {  	v2 =	vadd.f32 v54, v2;
	v3 =	vmax.f32 v3, $0.0e+00  }
0x326: {  	v56 =	vadd.f32 v53, v51;
	[tilespmem:s13+$0xFFFFFF60] =	vst v3  }
0x327: {  	v2 =	vmax.f32 v2, $0.0e+00;
	v3 =	vld [tilespmem:s14+$0xFFFFFF70]  }
0x328: {  	v4 =	vadd.f32 v55, v56;
	[tilespmem:s13+$0xFFFFFFE0] =	vst v2;
	v2 =	vld [tilespmem:s23+$0xFFFFFF70]  }
0x329: {  	v61 =	vld [tilespmem:s22+$0xFFFFFF70]  }
0x32a: {  	v4 =	vmax.f32 v4, $0.0e+00;
	v57 =	vld [tilespmem:s14+$0xFFFFFFF0]  }
0x32b: {  	[tilespmem:s13+$0x60] =	vst v4;
	v58 =	vld [tilespmem:s23+$0xFFFFFFF0]  }
0x32c: {  	v59 =	vld [tilespmem:s14+$0x70]  }
0x32d: {  	v60 =	vld [tilespmem:s23+$0x70]  }
0x32e: {  	v62 =	vld [tilespmem:s22+$0xFFFFFFF0]  }
0x32f: {  	v10 =	vld [tilespmem:s22+$0x70]  }
0x330: {  	v2 =	vadd.f32 v2, v3  }
0x331: {  	v3 =	vadd.f32 v58, v57  }
0x332: {  	v63 =	vadd.f32 v60, v59;
	v2 =	vadd.f32 v61, v2  }
0x333: {  	v3 =	vadd.f32 v62, v3  }
0x334: {  	[tilespmem:s12+$0x70] =	vst v1;
	v1 =	vmax.f32 v2, $0.0e+00;
	v2 =	vadd.f32 v10, v63  }
0x335: {  	[tilespmem:s13+$0xFFFFFF70] =	vst v1;
	v1 =	vmax.f32 v3, $0.0e+00  }
0x336: {  	[tilespmem:s13+$0xFFFFFFF0] =	vst v1;
	v1 =	vmax.f32 v2, $0.0e+00  }
0x337: {  	s8 =	simm.s32 $0x2500;
	s22 =	simm.s32 $0x78;
	[tilespmem:s13+$0x70] =	vst v1  }
0x338: {  	[tilespmem:s8], [sflag:$0x2] =	stream.indirect.gather [hbm4b:s16+s21], $0x80, s22, s21, $0xb8;
	[tilespmem:$0x1F100] =	vst v63  }
0x339: {  	s26 =	sld [smem:$0x7FA]  }
0x33a: {  	s24 =	simm.s32 $0x878;
	s23 =	simm.s32 $0x4D00  }
0x33b: {  	[tilespmem:s23], [sflag:$0x4] =	stream.indirect.gather [hbm4b:s5+s21], $0x80, s24, s21, $0xb8;
	[tilespmem:$0x1F100] =	vst v63  }
0x33c: {  	s28 =	simm.s32 $0x7500;
	s8 =	sadd.s32 s11, s26  }
0x33d: {  	[tilespmem:s28], [sflag:$0x6] =	stream.linear.gather [hbm4b:s8+s1], $0x1400, $0x38;
	[tilespmem:$0x1F100] =	vst v63  }
0x33e: {  	s11 =	simm.s32 $0x1  }
0x33f: {  	[spmem:s18] =	stream.indirect.scatter.add.f32 [tilespmem:s0], [sflag:$0x8], $0x80, s17, s21, $0xb8;
	[tilespmem:$0x1F100] =	vst v63  }
.LBB2_9:
0x340: {  	_ =	swait.ge [sflag:s29], $0x1400  }
0x341: {  	[sflag:s29] =	ssyncset.done $0x0  }
0x342: {  	[sflag:s29] =	ssyncadd.s32 $0xFFFFEC00  }
0x343: {  	_ =	swait.ge [sflag:s30], $0x1400  }
0x344: {  	[sflag:s30] =	ssyncset.done $0x0  }
0x345: {  	[sflag:s30] =	ssyncadd.s32 $0xFFFFEC00  }
0x346: {  	_ =	swait.ge [sflag:s31], $0x1400  }
0x347: {  	[sflag:s31] =	ssyncset.done $0x0  }
0x348: {  	[sflag:s31] =	ssyncadd.s32 $0xFFFFEC00  }
0x349: {  	_ =	swait.ge [sflag:s19], $0x1400  }
0x34a: {  	s12 =	smul.u32 $0x50, s11;
	[sflag:s19] =	ssyncset.done $0x0  }
0x34b: {  	[sflag:s19] =	ssyncadd.s32 $0xFFFFEC00  }
0x34c: {  	v1 =	vld [tilespmem:s12+$0x800];
	_ =	sdelay $0x4  }
0x34d: {  	[tilespmem:$0x1000] =	vst v1  }
0x34e: {  	v1 =	vld [tilespmem:s12+$0x810];
	_ =	sdelay $0x4  }
0x34f: {  	[tilespmem:$0x1010] =	vst v1  }
0x350: {  	v1 =	vld [tilespmem:s12+$0x818];
	_ =	sdelay $0x4  }
0x351: {  	s26 =	simm.s32 $0x1200;
	[tilespmem:$0x1018] =	vst v1  }
0x352: {  	s24 =	simm.s32 $0x3A00;
	v1 =	vld [tilespmem:s26+$0x80]  }
0x353: {  	v2 =	vld [tilespmem:s24+$0x80]  }
0x354: {  	s23 =	simm.s32 $0x6200  }
0x355: {  	v3 =	vld [tilespmem:s23+$0x80];
	_ =	sdelay $0x2  }
0x356: {  	v1 =	vadd.f32 v2, v1;
	_ =	sdelay $0x1  }
0x357: {  	v4 =	vld [tilespmem:s24+$0xFFFFFF00];
	v1 =	vadd.f32 v3, v1  }
0x358: {  	v5 =	vld [tilespmem:s26+$0xFFFFFF80]  }
0x359: {  	s13 =	simm.s32 $0x8A00;
	v6 =	vld [tilespmem:s24+$0xFFFFFF80];
	v1 =	vmax.f32 v1, $0.0e+00  }
0x35a: {  	v7 =	vld [tilespmem:s23+$0xFFFFFF80];
	[tilespmem:s13+$0x80] =	vst v1  }
0x35b: {  	v1 =	vld [tilespmem:s26+$0x90]  }
0x35c: {  	v2 =	vld [tilespmem:s24+$0x90]  }
0x35d: {  	v8 =	vld [tilespmem:s26+$0x0]  }
0x35e: {  	s20 =	simm.s32 $0x1400;
	v3 =	vld [tilespmem:s23+$0x90]  }
0x35f: {  	s8 =	simm.s32 $0x3C00;
	v11 =	vld [tilespmem:s20+$0x80]  }
0x360: {  	v12 =	vld [tilespmem:s8+$0x80]  }
0x361: {  	v1 =	vadd.f32 v2, v1;
	v2 =	vld [tilespmem:s26+$0xFFFFFF00]  }
0x362: {  	v13 =	vld [tilespmem:s8+$0xFFFFFF00]  }
0x363: {  	s22 =	simm.s32 $0x6400;
	v1 =	vadd.f32 v3, v1;
	v3 =	vld [tilespmem:s23+$0xFFFFFF00]  }
0x364: {  	v14 =	vld [tilespmem:s22+$0x80]  }
0x365: {  	v15 =	vld [tilespmem:s20+$0xFFFFFF80];
	v1 =	vmax.f32 v1, $0.0e+00  }
0x366: {  	v16 =	vld [tilespmem:s8+$0xFFFFFF80];
	[tilespmem:s13+$0x90] =	vst v1;
	v1 =	vadd.f32 v4, v2  }
0x367: {  	v2 =	vld [tilespmem:s26+$0xA0]  }
0x368: {  	v5 =	vadd.f32 v6, v5;
	v4 =	vld [tilespmem:s24+$0xA0];
	v1 =	vadd.f32 v3, v1  }
0x369: {  	v6 =	vld [tilespmem:s24+$0x0]  }
0x36a: {  	v5 =	vadd.f32 v7, v5;
	v3 =	vld [tilespmem:s23+$0xA0];
	v1 =	vmax.f32 v1, $0.0e+00  }
0x36b: {  	v7 =	vld [tilespmem:s23+$0x0];
	[tilespmem:s13+$0xFFFFFF00] =	vst v1  }
0x36c: {  	v1 =	vmax.f32 v5, $0.0e+00;
	v5 =	vld [tilespmem:s26+$0xFFFFFF10]  }
0x36d: {  	v2 =	vadd.f32 v4, v2;
	[tilespmem:s13+$0xFFFFFF80] =	vst v1;
	v1 =	vld [tilespmem:s24+$0xFFFFFF10]  }
0x36e: {  	v6 =	vadd.f32 v6, v8;
	v8 =	vld [tilespmem:s23+$0xFFFFFF10]  }
0x36f: {  	v4 =	vld [tilespmem:s26+$0xFFFFFF90];
	v2 =	vadd.f32 v3, v2  }
0x370: {  	v3 =	vld [tilespmem:s24+$0xFFFFFF90]  }
0x371: {  	v17 =	vld [tilespmem:s20+$0x0];
	v2 =	vmax.f32 v2, $0.0e+00  }
0x372: {  	v9 =	vld [tilespmem:s23+$0xFFFFFF90];
	[tilespmem:s13+$0xA0] =	vst v2;
	v2 =	vadd.f32 v7, v6  }
0x373: {  	v1 =	vadd.f32 v1, v5;
	v6 =	vld [tilespmem:s26+$0xB0]  }
0x374: {  	v5 =	vld [tilespmem:s24+$0xB0];
	v2 =	vmax.f32 v2, $0.0e+00  }
0x375: {  	v1 =	vadd.f32 v8, v1;
	[tilespmem:s13+$0x0] =	vst v2;
	v2 =	vadd.f32 v3, v4;
	v3 =	vld [tilespmem:s23+$0xB0]  }
0x376: {  	v4 =	vld [tilespmem:s26+$0x10]  }
0x377: {  	v7 =	vld [tilespmem:s24+$0x10];
	v1 =	vmax.f32 v1, $0.0e+00;
	v2 =	vadd.f32 v9, v2  }
0x378: {  	v8 =	vld [tilespmem:s23+$0x10];
	[tilespmem:s13+$0xFFFFFF10] =	vst v1  }
0x379: {  	v1 =	vadd.f32 v5, v6;
	v5 =	vld [tilespmem:s26+$0xFFFFFF20];
	v2 =	vmax.f32 v2, $0.0e+00  }
0x37a: {  	[tilespmem:s13+$0xFFFFFF90] =	vst v2;
	v2 =	vld [tilespmem:s24+$0xFFFFFF20]  }
0x37b: {  	v1 =	vadd.f32 v3, v1;
	v3 =	vld [tilespmem:s26+$0xFFFFFFA0]  }
0x37c: {  	v6 =	vld [tilespmem:s24+$0xFFFFFFA0];
	v4 =	vadd.f32 v7, v4  }
0x37d: {  	v7 =	vld [tilespmem:s23+$0xFFFFFF20];
	v1 =	vmax.f32 v1, $0.0e+00  }
0x37e: {  	v42 =	vld [tilespmem:s23+$0xFFFFFFA0];
	[tilespmem:s13+$0xB0] =	vst v1;
	v4 =	vadd.f32 v8, v4  }
0x37f: {  	v1 =	vld [tilespmem:s26+$0xC0]  }
0x380: {  	v8 =	vld [tilespmem:s24+$0xC0];
	v4 =	vmax.f32 v4, $0.0e+00  }
0x381: {  	v2 =	vadd.f32 v2, v5;
	v5 =	vld [tilespmem:s23+$0xC0];
	[tilespmem:s13+$0x10] =	vst v4  }
0x382: {  	v4 =	vld [tilespmem:s26+$0x20]  }
0x383: {  	v3 =	vadd.f32 v6, v3;
	v2 =	vadd.f32 v7, v2;
	v6 =	vld [tilespmem:s24+$0x20]  }
0x384: {  	v46 =	vld [tilespmem:s8+$0x0]  }
0x385: {  	v7 =	vld [tilespmem:s23+$0x20];
	v3 =	vadd.f32 v42, v3;
	v1 =	vadd.f32 v8, v1;
	v2 =	vmax.f32 v2, $0.0e+00  }
0x386: {  	v18 =	vld [tilespmem:s20+$0xFFFFFF00];
	[tilespmem:s13+$0xFFFFFF20] =	vst v2  }
0x387: {  	v2 =	vmax.f32 v3, $0.0e+00;
	v1 =	vadd.f32 v5, v1;
	v3 =	vld [tilespmem:s26+$0xFFFFFF30]  }
0x388: {  	[tilespmem:s13+$0xFFFFFFA0] =	vst v2;
	v2 =	vld [tilespmem:s24+$0xFFFFFF30];
	v4 =	vadd.f32 v6, v4  }
0x389: {  	v5 =	vld [tilespmem:s26+$0xFFFFFFB0];
	v1 =	vmax.f32 v1, $0.0e+00  }
0x38a: {  	[tilespmem:s13+$0xC0] =	vst v1;
	v4 =	vadd.f32 v7, v4;
	v7 =	vld [tilespmem:s23+$0xFFFFFF30]  }
0x38b: {  	v1 =	vld [tilespmem:s26+$0xD0]  }
0x38c: {  	v6 =	vld [tilespmem:s24+$0xD0]  }
0x38d: {  	v8 =	vld [tilespmem:s23+$0xD0];
	v4 =	vmax.f32 v4, $0.0e+00  }
0x38e: {  	[tilespmem:s13+$0x20] =	vst v4;
	v4 =	vld [tilespmem:s24+$0xFFFFFFB0]  }
0x38f: {  	v2 =	vadd.f32 v2, v3;
	v43 =	vld [tilespmem:s26+$0x30]  }
0x390: {  	v3 =	vld [tilespmem:s24+$0x30]  }
0x391: {  	v2 =	vadd.f32 v7, v2;
	v1 =	vadd.f32 v6, v1;
	v6 =	vld [tilespmem:s23+$0xFFFFFFB0]  }
0x392: {  	v47 =	vld [tilespmem:s22+$0xFFFFFF00]  }
0x393: {  	v7 =	vld [tilespmem:s23+$0x30];
	v2 =	vmax.f32 v2, $0.0e+00;
	v1 =	vadd.f32 v8, v1  }
0x394: {  	v19 =	vld [tilespmem:s22+$0xFFFFFF80];
	v4 =	vadd.f32 v4, v5;
	[tilespmem:s13+$0xFFFFFF30] =	vst v2  }
0x395: {  	v2 =	vld [tilespmem:s26+$0xFFFFFF40];
	v1 =	vmax.f32 v1, $0.0e+00  }
0x396: {  	[tilespmem:s13+$0xD0] =	vst v1;
	v1 =	vadd.f32 v3, v43;
	v3 =	vadd.f32 v6, v4;
	v6 =	vld [tilespmem:s24+$0xFFFFFF40]  }
0x397: {  	v4 =	vld [tilespmem:s26+$0xE0]  }
0x398: {  	v5 =	vld [tilespmem:s24+$0xE0];
	v1 =	vadd.f32 v7, v1;
	v3 =	vmax.f32 v3, $0.0e+00  }
0x399: {  	[tilespmem:s13+$0xFFFFFFB0] =	vst v3;
	v3 =	vld [tilespmem:s23+$0xE0]  }
0x39a: {  	v11 =	vadd.f32 v12, v11;
	v1 =	vmax.f32 v1, $0.0e+00;
	v7 =	vld [tilespmem:s26+$0xFFFFFFC0]  }
0x39b: {  	[tilespmem:s13+$0x30] =	vst v1;
	v1 =	vld [tilespmem:s24+$0xFFFFFFC0]  }
0x39c: {  	v11 =	vadd.f32 v14, v11;
	v8 =	vld [tilespmem:s26+$0x40]  }
0x39d: {  	v4 =	vadd.f32 v5, v4;
	v5 =	vld [tilespmem:s23+$0xFFFFFF40]  }
0x39e: {  	s14 =	simm.s32 $0x8C00;
	v15 =	vadd.f32 v16, v15;
	v11 =	vmax.f32 v11, $0.0e+00;
	v44 =	vld [tilespmem:s24+$0x40]  }
0x39f: {  	[tilespmem:s14+$0x80] =	vst v11;
	v3 =	vadd.f32 v3, v4;
	v4 =	vld [tilespmem:s23+$0xFFFFFFC0]  }
0x3a0: {  	v15 =	vadd.f32 v19, v15;
	v11 =	vld [tilespmem:s20+$0x90];
	v2 =	vadd.f32 v6, v2  }
0x3a1: {  	v6 =	vld [tilespmem:s23+$0x40]  }
0x3a2: {  	v55 =	vmax.f32 v15, $0.0e+00;
	v49 =	vld [tilespmem:s8+$0x90];
	v1 =	vadd.f32 v1, v7;
	v5 =	vadd.f32 v5, v2  }
0x3a3: {  	[tilespmem:s14+$0xFFFFFF80] =	vst v55;
	v51 =	vld [tilespmem:s22+$0x90];
	v3 =	vmax.f32 v3, $0.0e+00  }
0x3a4: {  	v58 =	vld [tilespmem:s20+$0xFFFFFF90];
	[tilespmem:s13+$0xE0] =	vst v3;
	v7 =	vadd.f32 v44, v8;
	v4 =	vadd.f32 v4, v1;
	v5 =	vmax.f32 v5, $0.0e+00  }
0x3a5: {  	v2 =	vld [tilespmem:s26+$0xF0];
	[tilespmem:s13+$0xFFFFFF40] =	vst v5  }
0x3a6: {  	v5 =	vadd.f32 v6, v7;
	v4 =	vmax.f32 v4, $0.0e+00;
	v6 =	vld [tilespmem:s26+$0xFFFFFF50]  }
0x3a7: {  	[tilespmem:s13+$0xFFFFFFC0] =	vst v4;
	v4 =	vld [tilespmem:s24+$0xFFFFFF50]  }
0x3a8: {  	v3 =	vld [tilespmem:s24+$0xF0]  }
0x3a9: {  	v10 =	vld [tilespmem:s23+$0xFFFFFF50]  }
0x3aa: {  	v1 =	vld [tilespmem:s23+$0xF0]  }
0x3ab: {  	v5 =	vmax.f32 v5, $0.0e+00;
	v7 =	vld [tilespmem:s26+$0xFFFFFFD0]  }
0x3ac: {  	[tilespmem:s13+$0x40] =	vst v5;
	v5 =	vld [tilespmem:s24+$0xFFFFFFD0];
	v4 =	vadd.f32 v4, v6  }
0x3ad: {  	v50 =	vld [tilespmem:s23+$0xFFFFFFD0]  }
0x3ae: {  	v48 =	vadd.f32 v13, v18;
	v8 =	vld [tilespmem:s26+$0x50];
	v4 =	vadd.f32 v10, v4  }
0x3af: {  	v45 =	vld [tilespmem:s24+$0x50]  }
0x3b0: {  	v6 =	vld [tilespmem:s22+$0x0];
	v10 =	vadd.f32 v47, v48;
	v4 =	vmax.f32 v4, $0.0e+00  }
0x3b1: {  	v5 =	vadd.f32 v5, v7;
	[tilespmem:s13+$0xFFFFFF50] =	vst v4;
	v4 =	vld [tilespmem:s23+$0x50]  }
0x3b2: {  	v53 =	vadd.f32 v49, v11;
	v10 =	vmax.f32 v10, $0.0e+00;
	v52 =	vld [tilespmem:s26+$0xFFFFFF60]  }
0x3b3: {  	v5 =	vadd.f32 v50, v5;
	[tilespmem:s14+$0xFFFFFF00] =	vst v10;
	v54 =	vld [tilespmem:s24+$0xFFFFFF60]  }
0x3b4: {  	v10 =	vadd.f32 v51, v53;
	v56 =	vld [tilespmem:s20+$0xFFFFFF10]  }
0x3b5: {  	v5 =	vmax.f32 v5, $0.0e+00;
	v57 =	vld [tilespmem:s8+$0xFFFFFF10]  }
0x3b6: {  	v62 =	vld [tilespmem:s22+$0xFFFFFF10];
	[tilespmem:s13+$0xFFFFFFD0] =	vst v5;
	v10 =	vmax.f32 v10, $0.0e+00  }
0x3b7: {  	v63 =	vld [tilespmem:s26+$0xFFFFFFE0];
	[tilespmem:s14+$0x90] =	vst v10  }
0x3b8: {  	v12 =	vadd.f32 v46, v17;
	v10 =	vld [tilespmem:s20+$0xA0]  }
0x3b9: {  	v7 =	vld [tilespmem:s8+$0xA0]  }
0x3ba: {  	v6 =	vadd.f32 v6, v12;
	v21 =	vld [tilespmem:s24+$0xFFFFFFE0]  }
0x3bb: {  	v8 =	vadd.f32 v45, v8;
	v61 =	vld [tilespmem:s22+$0xA0]  }
0x3bc: {  	v6 =	vmax.f32 v6, $0.0e+00;
	v32 =	vld [tilespmem:s23+$0xFFFFFFE0]  }
0x3bd: {  	[tilespmem:s14+$0x0] =	vst v6;
	v6 =	vld [tilespmem:s8+$0xFFFFFF90];
	v4 =	vadd.f32 v4, v8  }
0x3be: {  	v59 =	vld [tilespmem:s20+$0x10];
	v7 =	vadd.f32 v7, v10  }
0x3bf: {  	v60 =	vld [tilespmem:s8+$0x10];
	v4 =	vmax.f32 v4, $0.0e+00  }
0x3c0: {  	v5 =	vld [tilespmem:s22+$0x10];
	[tilespmem:s13+$0x50] =	vst v4;
	v4 =	vadd.f32 v57, v56;
	v7 =	vadd.f32 v61, v7  }
0x3c1: {  	v8 =	vld [tilespmem:s22+$0xFFFFFF90]  }
0x3c2: {  	v9 =	vadd.f32 v21, v63;
	v22 =	vld [tilespmem:s26+$0x60];
	v4 =	vadd.f32 v62, v4;
	v7 =	vmax.f32 v7, $0.0e+00  }
0x3c3: {  	v23 =	vld [tilespmem:s24+$0x60];
	[tilespmem:s14+$0xA0] =	vst v7  }
0x3c4: {  	v9 =	vadd.f32 v32, v9;
	v4 =	vmax.f32 v4, $0.0e+00;
	v24 =	vld [tilespmem:s20+$0xB0]  }
0x3c5: {  	[tilespmem:s14+$0xFFFFFF10] =	vst v4;
	v4 =	vld [tilespmem:s8+$0xB0]  }
0x3c6: {  	v6 =	vadd.f32 v6, v58;
	v34 =	vld [tilespmem:s23+$0x60];
	v9 =	vmax.f32 v9, $0.0e+00  }
0x3c7: {  	[tilespmem:s13+$0xFFFFFFE0] =	vst v9;
	v25 =	vld [tilespmem:s22+$0xB0]  }
0x3c8: {  	v6 =	vadd.f32 v8, v6;
	v45 =	vld [tilespmem:s26+$0xFFFFFFF0]  }
0x3c9: {  	v15 =	vadd.f32 v60, v59;
	v46 =	vld [tilespmem:s24+$0xFFFFFFF0]  }
0x3ca: {  	v6 =	vmax.f32 v6, $0.0e+00;
	v8 =	vld [tilespmem:s20+$0xFFFFFF20];
	v4 =	vadd.f32 v4, v24  }
0x3cb: {  	v5 =	vadd.f32 v5, v15;
	[tilespmem:s14+$0xFFFFFF90] =	vst v6;
	v6 =	vld [tilespmem:s8+$0xFFFFFF20]  }
0x3cc: {  	v7 =	vld [tilespmem:s23+$0xFFFFFF60];
	v4 =	vadd.f32 v25, v4  }
0x3cd: {  	v5 =	vmax.f32 v5, $0.0e+00;
	v26 =	vld [tilespmem:s20+$0xFFFFFFA0]  }
0x3ce: {  	[tilespmem:s14+$0x10] =	vst v5;
	v5 =	vld [tilespmem:s8+$0xFFFFFFA0];
	v4 =	vmax.f32 v4, $0.0e+00  }
0x3cf: {  	v29 =	vld [tilespmem:s22+$0xFFFFFF20];
	[tilespmem:s14+$0xB0] =	vst v4  }
0x3d0: {  	v4 =	vadd.f32 v6, v8;
	v6 =	vld [tilespmem:s20+$0xC0]  }
0x3d1: {  	v8 =	vld [tilespmem:s8+$0xC0]  }
0x3d2: {  	v30 =	vld [tilespmem:s22+$0xFFFFFFA0];
	v12 =	vadd.f32 v23, v22  }
0x3d3: {  	v11 =	vadd.f32 v54, v52;
	v33 =	vld [tilespmem:s22+$0xC0]  }
0x3d4: {  	v2 =	vadd.f32 v3, v2;
	v3 =	vld [tilespmem:s23+$0xFFFFFFF0];
	v12 =	vadd.f32 v34, v12  }
0x3d5: {  	v27 =	vld [tilespmem:s20+$0x20];
	v7 =	vadd.f32 v7, v11;
	v5 =	vadd.f32 v5, v26  }
0x3d6: {  	v28 =	vld [tilespmem:s8+$0x20];
	v44 =	vmax.f32 v12, $0.0e+00;
	v4 =	vadd.f32 v29, v4;
	v6 =	vadd.f32 v8, v6  }
0x3d7: {  	v31 =	vld [tilespmem:s22+$0x20];
	[tilespmem:s13+$0x60] =	vst v44;
	v7 =	vmax.f32 v7, $0.0e+00;
	v5 =	vadd.f32 v30, v5  }
0x3d8: {  	v47 =	vld [tilespmem:s26+$0x70];
	[tilespmem:s13+$0xFFFFFF60] =	vst v7;
	v4 =	vmax.f32 v4, $0.0e+00;
	v6 =	vadd.f32 v33, v6  }
0x3d9: {  	v5 =	vmax.f32 v5, $0.0e+00;
	v43 =	vld [tilespmem:s24+$0xFFFFFF70];
	[tilespmem:s14+$0xFFFFFF20] =	vst v4  }
0x3da: {  	[tilespmem:s14+$0xFFFFFFA0] =	vst v5;
	v35 =	vld [tilespmem:s20+$0xFFFFFF30];
	v6 =	vmax.f32 v6, $0.0e+00  }
0x3db: {  	v7 =	vadd.f32 v28, v27;
	v5 =	vld [tilespmem:s8+$0xFFFFFF30];
	[tilespmem:s14+$0xC0] =	vst v6  }
0x3dc: {  	v6 =	vld [tilespmem:s20+$0xD0]  }
0x3dd: {  	v7 =	vadd.f32 v31, v7;
	v38 =	vld [tilespmem:s8+$0xD0]  }
0x3de: {  	v39 =	vld [tilespmem:s22+$0xFFFFFF30]  }
0x3df: {  	v7 =	vmax.f32 v7, $0.0e+00;
	v40 =	vld [tilespmem:s22+$0xD0]  }
0x3e0: {  	[tilespmem:s14+$0x20] =	vst v7;
	v7 =	vld [tilespmem:s8+$0xFFFFFFB0]  }
0x3e1: {  	v8 =	vld [tilespmem:s20+$0xFFFFFFB0];
	v5 =	vadd.f32 v5, v35  }
0x3e2: {  	v41 =	vld [tilespmem:s22+$0xFFFFFFB0];
	v6 =	vadd.f32 v38, v6  }
0x3e3: {  	v36 =	vld [tilespmem:s20+$0x30];
	v5 =	vadd.f32 v39, v5  }
0x3e4: {  	v37 =	vld [tilespmem:s8+$0x30];
	v6 =	vadd.f32 v40, v6  }
0x3e5: {  	v42 =	vld [tilespmem:s22+$0x30];
	v5 =	vmax.f32 v5, $0.0e+00  }
0x3e6: {  	v4 =	vld [tilespmem:s26+$0xFFFFFF70];
	v7 =	vadd.f32 v7, v8;
	[tilespmem:s14+$0xFFFFFF30] =	vst v5;
	v5 =	vmax.f32 v6, $0.0e+00  }
0x3e7: {  	v8 =	vld [tilespmem:s20+$0xFFFFFF40];
	[tilespmem:s14+$0xD0] =	vst v5  }
0x3e8: {  	v7 =	vadd.f32 v41, v7;
	v48 =	vld [tilespmem:s20+$0xE0]  }
0x3e9: {  	v49 =	vld [tilespmem:s8+$0xE0]  }
0x3ea: {  	v7 =	vmax.f32 v7, $0.0e+00;
	v50 =	vld [tilespmem:s8+$0xFFFFFF40];
	v5 =	vadd.f32 v37, v36  }
0x3eb: {  	[tilespmem:s14+$0xFFFFFFB0] =	vst v7;
	v7 =	vld [tilespmem:s22+$0xE0]  }
0x3ec: {  	v51 =	vld [tilespmem:s20+$0xFFFFFFC0];
	v5 =	vadd.f32 v42, v5  }
0x3ed: {  	v54 =	vld [tilespmem:s22+$0xFFFFFF40]  }
0x3ee: {  	v55 =	vld [tilespmem:s22+$0xFFFFFFC0];
	v5 =	vmax.f32 v5, $0.0e+00;
	v13 =	vadd.f32 v49, v48  }
0x3ef: {  	[tilespmem:s14+$0x30] =	vst v5;
	v5 =	vld [tilespmem:s8+$0xFFFFFFC0]  }
0x3f0: {  	v52 =	vld [tilespmem:s20+$0x40];
	v7 =	vadd.f32 v7, v13  }
0x3f1: {  	v53 =	vld [tilespmem:s8+$0x40]  }
0x3f2: {  	v56 =	vld [tilespmem:s22+$0x40];
	v7 =	vmax.f32 v7, $0.0e+00  }
0x3f3: {  	v8 =	vadd.f32 v50, v8;
	[tilespmem:s14+$0xE0] =	vst v7;
	v7 =	vld [tilespmem:s23+$0xFFFFFF70]  }
0x3f4: {  	v57 =	vld [tilespmem:s20+$0xF0]  }
0x3f5: {  	v8 =	vadd.f32 v54, v8;
	v5 =	vadd.f32 v5, v51;
	v58 =	vld [tilespmem:s8+$0xF0]  }
0x3f6: {  	v6 =	vld [tilespmem:s24+$0x70]  }
0x3f7: {  	v8 =	vmax.f32 v8, $0.0e+00;
	v15 =	vadd.f32 v53, v52;
	v5 =	vadd.f32 v55, v5;
	v59 =	vld [tilespmem:s22+$0xF0]  }
0x3f8: {  	v1 =	vadd.f32 v1, v2;
	v2 =	vadd.f32 v43, v4;
	[tilespmem:s14+$0xFFFFFF40] =	vst v8;
	v8 =	vld [tilespmem:s23+$0x70]  }
0x3f9: {  	v4 =	vadd.f32 v46, v45;
	v61 =	vld [tilespmem:s20+$0xFFFFFF50];
	v60 =	vadd.f32 v56, v15;
	v5 =	vmax.f32 v5, $0.0e+00  }
0x3fa: {  	v1 =	vmax.f32 v1, $0.0e+00;
	v62 =	vld [tilespmem:s8+$0xFFFFFF50];
	[tilespmem:s14+$0xFFFFFFC0] =	vst v5;
	v7 =	vadd.f32 v7, v2;
	v5 =	vadd.f32 v58, v57  }
0x3fb: {  	[tilespmem:s13+$0xF0] =	vst v1;
	v63 =	vadd.f32 v3, v4;
	v1 =	vadd.f32 v6, v47;
	v6 =	vmax.f32 v60, $0.0e+00;
	v2 =	vld [tilespmem:s20+$0xFFFFFFD0]  }
0x3fc: {  	[tilespmem:s14+$0x40] =	vst v6;
	v4 =	vld [tilespmem:s8+$0xFFFFFFD0];
	v3 =	vmax.f32 v7, $0.0e+00;
	v6 =	vadd.f32 v59, v5  }
0x3fd: {  	v1 =	vadd.f32 v8, v1;
	v7 =	vmax.f32 v63, $0.0e+00;
	[tilespmem:s13+$0xFFFFFF70] =	vst v3;
	v3 =	vld [tilespmem:s20+$0x50]  }
0x3fe: {  	s28 =	simm.s32 $0x1600;
	v5 =	vld [tilespmem:s8+$0x50];
	[tilespmem:s13+$0xFFFFFFF0] =	vst v7;
	v8 =	vmax.f32 v6, $0.0e+00  }
0x3ff: {  	s26 =	simm.s32 $0x4;
	s24 =	simm.s32 $0x3C00;
	s23 =	simm.s32 $0x6400;
	v1 =	vmax.f32 v1, $0.0e+00;
	v7 =	vld [tilespmem:s22+$0xFFFFFF50];
	v6 =	vadd.f32 v62, v61;
	[tilespmem:s14+$0xF0] =	vst v8  }
.LBB2_10:
0x400: {  	v8 =	vld [tilespmem:s28+$0x80];
	s8 =	sadd.s32 $0x200, s8;
	[tilespmem:s13+$0x70] =	vst v1;
	s13 =	smov.u32 s14  }
0x401: {  	v1 =	vld [tilespmem:s8+$0x80];
	v2 =	vadd.f32 v4, v2  }
0x402: {  	s22 =	sadd.s32 $0x200, s22;
	v4 =	vld [tilespmem:s8+$0xFFFFFF00]  }
0x403: {  	v9 =	vld [tilespmem:s22+$0x80];
	v3 =	vadd.f32 v5, v3  }
0x404: {  	v5 =	vld [tilespmem:s28+$0xFFFFFF80];
	v6 =	vadd.f32 v7, v6  }
0x405: {  	v7 =	vld [tilespmem:s8+$0xFFFFFF80]  }
0x406: {  	v10 =	vld [tilespmem:s28+$0x0];
	v1 =	vadd.f32 v1, v8;
	v6 =	vmax.f32 v6, $0.0e+00  }
0x407: {  	v8 =	vld [tilespmem:s8+$0x0];
	[tilespmem:s14+$0xFFFFFF50] =	vst v6  }
0x408: {  	s26 =	sadd.s32 $0x4, s26;
	v6 =	vld [tilespmem:s28+$0xFFFFFF00];
	v1 =	vadd.f32 v9, v1  }
0x409: {  	p0 =	slt.u32 s26, $0x24;
	v9 =	vld [tilespmem:s22+$0xFFFFFF00]  }
0x40a: {  	s14 =	sadd.s32 $0x200, s14;
	v5 =	vadd.f32 v7, v5;
	v7 =	vld [tilespmem:s22+$0xFFFFFF80];
	v1 =	vmax.f32 v1, $0.0e+00  }
0x40b: {  	v11 =	vld [tilespmem:s22+$0x0];
	[tilespmem:s14+$0x80] =	vst v1  }
0x40c: {  	v1 =	vadd.f32 v8, v10;
	v8 =	vld [tilespmem:s28+$0x90]  }
0x40d: {  	v4 =	vadd.f32 v4, v6;
	v6 =	vld [tilespmem:s8+$0x90]  }
0x40e: {  	v10 =	vld [tilespmem:s23+$0xFFFFFFD0]  }
0x40f: {  	v4 =	vadd.f32 v9, v4;
	v5 =	vadd.f32 v7, v5;
	v7 =	vld [tilespmem:s22+$0x90]  }
0x410: {  	v1 =	vadd.f32 v11, v1;
	v9 =	vld [tilespmem:s23+$0x50]  }
0x411: {  	v4 =	vmax.f32 v4, $0.0e+00;
	v5 =	vmax.f32 v5, $0.0e+00;
	v11 =	vld [tilespmem:s20+$0xFFFFFF60]  }
0x412: {  	[tilespmem:s14+$0xFFFFFF00] =	vst v4;
	v1 =	vmax.f32 v1, $0.0e+00;
	v4 =	vadd.f32 v6, v8;
	v6 =	vld [tilespmem:s24+$0xFFFFFF60]  }
0x413: {  	v8 =	vld [tilespmem:s28+$0xFFFFFF10];
	[tilespmem:s14+$0xFFFFFF80] =	vst v5;
	v2 =	vadd.f32 v10, v2  }
0x414: {  	v5 =	vld [tilespmem:s8+$0xFFFFFF10];
	[tilespmem:s14+$0x0] =	vst v1;
	v1 =	vadd.f32 v7, v4  }
0x415: {  	v4 =	vld [tilespmem:s28+$0xFFFFFF90];
	v2 =	vmax.f32 v2, $0.0e+00;
	v3 =	vadd.f32 v9, v3  }
0x416: {  	v7 =	vld [tilespmem:s8+$0xFFFFFF90];
	v1 =	vmax.f32 v1, $0.0e+00;
	[tilespmem:s13+$0xFFFFFFD0] =	vst v2  }
0x417: {  	v2 =	vld [tilespmem:s28+$0x10];
	[tilespmem:s14+$0x90] =	vst v1;
	v1 =	vadd.f32 v6, v11;
	v3 =	vmax.f32 v3, $0.0e+00  }
0x418: {  	v6 =	vld [tilespmem:s28+$0xA0];
	[tilespmem:s13+$0x50] =	vst v3  }
0x419: {  	v3 =	vadd.f32 v5, v8;
	v5 =	vld [tilespmem:s8+$0xA0]  }
0x41a: {  	v8 =	vld [tilespmem:s8+$0x10]  }
0x41b: {  	v4 =	vadd.f32 v7, v4;
	v7 =	vld [tilespmem:s22+$0xA0]  }
0x41c: {  	v9 =	vld [tilespmem:s22+$0xFFFFFF10]  }
0x41d: {  	v10 =	vld [tilespmem:s22+$0xFFFFFF90]  }
0x41e: {  	v11 =	vld [tilespmem:s22+$0x10];
	v5 =	vadd.f32 v5, v6  }
0x41f: {  	v2 =	vadd.f32 v8, v2;
	v6 =	vld [tilespmem:s20+$0xFFFFFFE0]  }
0x420: {  	v5 =	vadd.f32 v7, v5;
	v7 =	vld [tilespmem:s24+$0xFFFFFFE0]  }
0x421: {  	v3 =	vadd.f32 v9, v3;
	v8 =	vld [tilespmem:s20+$0x60]  }
0x422: {  	v4 =	vadd.f32 v10, v4;
	v5 =	vmax.f32 v5, $0.0e+00;
	v9 =	vld [tilespmem:s24+$0x60]  }
0x423: {  	v3 =	vmax.f32 v3, $0.0e+00;
	v2 =	vadd.f32 v11, v2;
	[tilespmem:s14+$0xA0] =	vst v5;
	v5 =	vld [tilespmem:s23+$0xFFFFFF60]  }
0x424: {  	[tilespmem:s14+$0xFFFFFF10] =	vst v3;
	v3 =	vmax.f32 v4, $0.0e+00;
	v4 =	vld [tilespmem:s28+$0xB0]  }
0x425: {  	[tilespmem:s14+$0xFFFFFF90] =	vst v3;
	v2 =	vmax.f32 v2, $0.0e+00;
	v3 =	vld [tilespmem:s8+$0xB0];
	v6 =	vadd.f32 v7, v6  }
0x426: {  	v7 =	vld [tilespmem:s28+$0xFFFFFF20];
	[tilespmem:s14+$0x10] =	vst v2  }
0x427: {  	v2 =	vld [tilespmem:s22+$0xB0];
	v8 =	vadd.f32 v9, v8  }
0x428: {  	v9 =	vld [tilespmem:s8+$0xFFFFFF20];
	v1 =	vadd.f32 v5, v1  }
0x429: {  	v5 =	vld [tilespmem:s28+$0xFFFFFFA0]  }
0x42a: {  	v10 =	vld [tilespmem:s8+$0xFFFFFFA0];
	v3 =	vadd.f32 v3, v4;
	v1 =	vmax.f32 v1, $0.0e+00  }
0x42b: {  	v4 =	vld [tilespmem:s28+$0x20];
	[tilespmem:s13+$0xFFFFFF60] =	vst v1  }
0x42c: {  	v1 =	vld [tilespmem:s8+$0x20];
	v2 =	vadd.f32 v2, v3  }
0x42d: {  	v3 =	vadd.f32 v9, v7;
	v7 =	vld [tilespmem:s22+$0xFFFFFF20]  }
0x42e: {  	v9 =	vld [tilespmem:s22+$0xFFFFFFA0];
	v2 =	vmax.f32 v2, $0.0e+00  }
0x42f: {  	v5 =	vadd.f32 v10, v5;
	v10 =	vld [tilespmem:s22+$0x20];
	[tilespmem:s14+$0xB0] =	vst v2  }
0x430: {  	v2 =	vld [tilespmem:s28+$0xC0]  }
0x431: {  	v1 =	vadd.f32 v1, v4;
	v4 =	vld [tilespmem:s8+$0xC0]  }
0x432: {  	v3 =	vadd.f32 v7, v3;
	v7 =	vld [tilespmem:s23+$0xFFFFFFE0]  }
0x433: {  	v5 =	vadd.f32 v9, v5;
	v9 =	vld [tilespmem:s22+$0xC0]  }
0x434: {  	v3 =	vmax.f32 v3, $0.0e+00;
	v1 =	vadd.f32 v10, v1;
	v10 =	vld [tilespmem:s23+$0x60]  }
0x435: {  	[tilespmem:s14+$0xFFFFFF20] =	vst v3;
	v3 =	vmax.f32 v5, $0.0e+00;
	v5 =	vld [tilespmem:s20+$0xFFFFFF70]  }
0x436: {  	v11 =	vld [tilespmem:s28+$0xFFFFFF30];
	[tilespmem:s14+$0xFFFFFFA0] =	vst v3;
	v1 =	vmax.f32 v1, $0.0e+00;
	v2 =	vadd.f32 v4, v2  }
0x437: {  	v3 =	vld [tilespmem:s8+$0xFFFFFF30];
	[tilespmem:s14+$0x20] =	vst v1;
	v1 =	vadd.f32 v7, v6  }
0x438: {  	v4 =	vld [tilespmem:s28+$0xFFFFFFB0];
	v2 =	vadd.f32 v9, v2  }
0x439: {  	v6 =	vld [tilespmem:s8+$0xFFFFFFB0];
	v1 =	vmax.f32 v1, $0.0e+00;
	v7 =	vadd.f32 v10, v8  }
0x43a: {  	v8 =	vld [tilespmem:s28+$0x30];
	v2 =	vmax.f32 v2, $0.0e+00;
	[tilespmem:s13+$0xFFFFFFE0] =	vst v1  }
0x43b: {  	v1 =	vld [tilespmem:s8+$0x30];
	[tilespmem:s14+$0xC0] =	vst v2;
	v2 =	vmax.f32 v7, $0.0e+00  }
0x43c: {  	v3 =	vadd.f32 v3, v11;
	v7 =	vld [tilespmem:s28+$0xD0];
	[tilespmem:s13+$0x60] =	vst v2  }
0x43d: {  	v2 =	vld [tilespmem:s8+$0xD0]  }
0x43e: {  	v9 =	vld [tilespmem:s22+$0xFFFFFF30];
	v4 =	vadd.f32 v6, v4  }
0x43f: {  	v6 =	vld [tilespmem:s22+$0xD0]  }
0x440: {  	v10 =	vld [tilespmem:s22+$0xFFFFFFB0];
	v1 =	vadd.f32 v1, v8  }
0x441: {  	v8 =	vld [tilespmem:s22+$0x30]  }
0x442: {  	v2 =	vadd.f32 v2, v7;
	v7 =	vld [tilespmem:s24+$0xFFFFFF70]  }
0x443: {  	v3 =	vadd.f32 v9, v3;
	v9 =	vld [tilespmem:s20+$0xFFFFFFF0]  }
0x444: {  	v2 =	vadd.f32 v6, v2;
	v6 =	vld [tilespmem:s24+$0xFFFFFFF0]  }
0x445: {  	v3 =	vmax.f32 v3, $0.0e+00;
	v4 =	vadd.f32 v10, v4;
	v10 =	vld [tilespmem:s20+$0x70];
	s20 =	smov.u32 s28  }
0x446: {  	[tilespmem:s14+$0xFFFFFF30] =	vst v3;
	v1 =	vadd.f32 v8, v1;
	v2 =	vmax.f32 v2, $0.0e+00;
	v3 =	vld [tilespmem:s24+$0x70];
	s24 =	smov.u32 s8  }
0x447: {  	v8 =	vld [tilespmem:s28+$0xFFFFFF40];
	v4 =	vmax.f32 v4, $0.0e+00;
	[tilespmem:s14+$0xD0] =	vst v2;
	v2 =	vadd.f32 v7, v5  }
0x448: {  	[tilespmem:s14+$0xFFFFFFB0] =	vst v4;
	v1 =	vmax.f32 v1, $0.0e+00;
	v4 =	vld [tilespmem:s28+$0xE0]  }
0x449: {  	[tilespmem:s14+$0x30] =	vst v1;
	v1 =	vld [tilespmem:s8+$0xE0];
	v5 =	vadd.f32 v6, v9  }
0x44a: {  	v6 =	vld [tilespmem:s8+$0xFFFFFF40]  }
0x44b: {  	v7 =	vld [tilespmem:s22+$0xE0];
	v9 =	vadd.f32 v3, v10  }
0x44c: {  	v3 =	vld [tilespmem:s28+$0xFFFFFFC0]  }
0x44d: {  	v10 =	vld [tilespmem:s8+$0xFFFFFFC0]  }
0x44e: {  	v11 =	vld [tilespmem:s28+$0x40];
	v1 =	vadd.f32 v1, v4  }
0x44f: {  	v4 =	vadd.f32 v6, v8;
	v6 =	vld [tilespmem:s8+$0x40]  }
0x450: {  	v8 =	vld [tilespmem:s22+$0xFFFFFF40];
	v1 =	vadd.f32 v7, v1  }
0x451: {  	v7 =	vld [tilespmem:s22+$0xFFFFFFC0]  }
0x452: {  	v3 =	vadd.f32 v10, v3;
	v10 =	vld [tilespmem:s22+$0x40];
	v1 =	vmax.f32 v1, $0.0e+00  }
0x453: {  	[tilespmem:s14+$0xE0] =	vst v1;
	v1 =	vld [tilespmem:s23+$0xFFFFFF70]  }
0x454: {  	v6 =	vadd.f32 v6, v11;
	v11 =	vld [tilespmem:s28+$0xF0]  }
0x455: {  	v4 =	vadd.f32 v8, v4;
	v8 =	vld [tilespmem:s8+$0xF0]  }
0x456: {  	v3 =	vadd.f32 v7, v3;
	v7 =	vld [tilespmem:s23+$0xFFFFFFF0]  }
0x457: {  	v4 =	vmax.f32 v4, $0.0e+00;
	v6 =	vadd.f32 v10, v6;
	v10 =	vld [tilespmem:s22+$0xF0]  }
0x458: {  	[tilespmem:s14+$0xFFFFFF40] =	vst v4;
	v3 =	vmax.f32 v3, $0.0e+00;
	v1 =	vadd.f32 v1, v2;
	v12 =	vld [tilespmem:s23+$0x70];
	s23 =	smov.u32 s22  }
0x459: {  	v13 =	vld [tilespmem:s28+$0xFFFFFF50];
	[tilespmem:s14+$0xFFFFFFC0] =	vst v3;
	v2 =	vmax.f32 v6, $0.0e+00  }
0x45a: {  	v6 =	vld [tilespmem:s8+$0xFFFFFF50];
	[tilespmem:s14+$0x40] =	vst v2;
	v3 =	vadd.f32 v8, v11;
	v1 =	vmax.f32 v1, $0.0e+00  }
.Ltmp3:
0x45b: {  	v2 =	vld [tilespmem:s28+$0xFFFFFFD0];
	[tilespmem:s13+$0xFFFFFF70] =	vst v1;
	v1 =	vadd.f32 v7, v5;
	(pc) =	sbr.rel @p0 .LBB2_10-.Ltmp3, $4  }
0x45c: {  	v4 =	vld [tilespmem:s8+$0xFFFFFFD0];
	v7 =	vadd.f32 v10, v3  }
0x45d: {  	v3 =	vld [tilespmem:s28+$0x50];
	v1 =	vmax.f32 v1, $0.0e+00;
	v8 =	vadd.f32 v12, v9  }
0x45e: {  	v5 =	vld [tilespmem:s8+$0x50];
	v9 =	vmax.f32 v7, $0.0e+00;
	[tilespmem:s13+$0xFFFFFFF0] =	vst v1  }
0x45f: {  	s28 =	sadd.s32 $0x200, s28;
	v6 =	vadd.f32 v6, v13;
	v7 =	vld [tilespmem:s22+$0xFFFFFF50];
	[tilespmem:s14+$0xF0] =	vst v9;
	v1 =	vmax.f32 v8, $0.0e+00  }
0x460: {  	_ =	sdelay $0x1  }
0x461: {  	v8 =	vld [tilespmem:s23+$0xFFFFFFD0];
	_ =	sdelay $0x1  }
0x462: {  	v9 =	vld [tilespmem:s23+$0x50];
	v2 =	vadd.f32 v4, v2;
	v4 =	vadd.f32 v7, v6;
	_ =	sdelay $0x1  }
0x463: {  	v4 =	vmax.f32 v4, $0.0e+00  }
0x464: {  	v3 =	vadd.f32 v5, v3;
	v2 =	vadd.f32 v8, v2;
	[tilespmem:s14+$0xFFFFFF50] =	vst v4  }
0x465: {  	v4 =	vld [tilespmem:s20+$0xFFFFFF60]  }
0x466: {  	v3 =	vadd.f32 v9, v3;
	v2 =	vmax.f32 v2, $0.0e+00;
	v5 =	vld [tilespmem:s24+$0xFFFFFF60]  }
0x467: {  	[tilespmem:s14+$0xFFFFFFD0] =	vst v2;
	v7 =	vld [tilespmem:s23+$0xFFFFFF60]  }
0x468: {  	v2 =	vmax.f32 v3, $0.0e+00;
	v3 =	vld [tilespmem:s20+$0xFFFFFFE0]  }
0x469: {  	[tilespmem:s14+$0x50] =	vst v2;
	v2 =	vld [tilespmem:s24+$0xFFFFFFE0]  }
0x46a: {  	v38 =	vld [tilespmem:s23+$0xFFFFFFE0]  }
0x46b: {  	v6 =	vld [tilespmem:s20+$0x60]  }
0x46c: {  	v8 =	vld [tilespmem:s24+$0x60];
	v4 =	vadd.f32 v5, v4;
	_ =	sdelay $0x1  }
0x46d: {  	v5 =	vld [tilespmem:s23+$0x60];
	v2 =	vadd.f32 v2, v3;
	v3 =	vadd.f32 v7, v4;
	_ =	sdelay $0x1  }
0x46e: {  	v2 =	vadd.f32 v38, v2;
	v3 =	vmax.f32 v3, $0.0e+00  }
0x46f: {  	v4 =	vadd.f32 v8, v6;
	[tilespmem:s14+$0xFFFFFF60] =	vst v3  }
0x470: {  	v2 =	vmax.f32 v2, $0.0e+00;
	v3 =	vld [tilespmem:s20+$0xFFFFFF70]  }
0x471: {  	v4 =	vadd.f32 v5, v4;
	[tilespmem:s14+$0xFFFFFFE0] =	vst v2;
	v2 =	vld [tilespmem:s24+$0xFFFFFF70]  }
0x472: {  	v8 =	vld [tilespmem:s23+$0xFFFFFF70]  }
0x473: {  	v4 =	vmax.f32 v4, $0.0e+00;
	v5 =	vld [tilespmem:s20+$0xFFFFFFF0]  }
0x474: {  	[tilespmem:s14+$0x60] =	vst v4;
	v4 =	vld [tilespmem:s24+$0xFFFFFFF0]  }
0x475: {  	v6 =	vld [tilespmem:s20+$0x70]  }
0x476: {  	v7 =	vld [tilespmem:s24+$0x70]  }
0x477: {  	v39 =	vld [tilespmem:s23+$0xFFFFFFF0]  }
0x478: {  	v10 =	vld [tilespmem:s23+$0x70]  }
0x479: {  	v2 =	vadd.f32 v2, v3  }
0x47a: {  	v3 =	vadd.f32 v4, v5  }
0x47b: {  	v2 =	vadd.f32 v8, v2;
	v4 =	vadd.f32 v7, v6  }
0x47c: {  	v3 =	vadd.f32 v39, v3  }
0x47d: {  	[tilespmem:s13+$0x70] =	vst v1;
	v1 =	vmax.f32 v2, $0.0e+00;
	v2 =	vadd.f32 v10, v4  }
0x47e: {  	[tilespmem:s14+$0xFFFFFF70] =	vst v1;
	v1 =	vmax.f32 v3, $0.0e+00  }
0x47f: {  	[tilespmem:s14+$0xFFFFFFF0] =	vst v1;
	v1 =	vmax.f32 v2, $0.0e+00  }
0x480: {  	s8 =	sadd.s32 $0x50, s12;
	[tilespmem:s14+$0x70] =	vst v1  }
0x481: {  	[tilespmem:s15], [sflag:$0x1] =	stream.indirect.gather [hbm4b:s16+s21], $0x80, s8, s21, $0xb8;
	[tilespmem:$0x1F100] =	vst v63  }
0x482: {  	s8 =	sadd.s32 s10, s8  }
0x483: {  	s23 =	sadd.s32 $0x850, s12;
	s24 =	simm.s32 $0x3900;
	s8 =	sshll.u32 s8, $0x4  }
0x484: {  	[tilespmem:s24], [sflag:$0x3] =	stream.indirect.gather [hbm4b:s5+s21], $0x80, s23, s21, $0xb8;
	[tilespmem:$0x1F100] =	vst v63  }
0x485: {  	s26 =	simm.s32 $0x6100;
	s8 =	sadd.s32 s7, s8  }
0x486: {  	[tilespmem:s26], [sflag:$0x5] =	stream.linear.gather [hbm4b:s8+s1], $0x1400, $0x38;
	[tilespmem:$0x1F100] =	vst v63  }
0x487: {  	_ = 	snop  }
0x488: {  	[spmem:s18] =	stream.indirect.scatter.add.f32 [tilespmem:s3], [sflag:$0x7], $0x80, s2, s21, $0xb8;
	[tilespmem:$0x1F100] =	vst v63  }
0x489: {  	_ =	swait.ge [sflag:s6], $0x1400  }
0x48a: {  	[sflag:s6] =	ssyncset.done $0x0  }
0x48b: {  	[sflag:s6] =	ssyncadd.s32 $0xFFFFEC00  }
0x48c: {  	_ =	swait.ge [sflag:s9], $0x1400  }
0x48d: {  	[sflag:s9] =	ssyncset.done $0x0  }
0x48e: {  	[sflag:s9] =	ssyncadd.s32 $0xFFFFEC00  }
0x48f: {  	_ =	swait.ge [sflag:s25], $0x1400  }
0x490: {  	[sflag:s25] =	ssyncset.done $0x0  }
0x491: {  	[sflag:s25] =	ssyncadd.s32 $0xFFFFEC00  }
0x492: {  	_ =	swait.ge [sflag:s4], $0x1400  }
0x493: {  	[sflag:s4] =	ssyncset.done $0x0  }
0x494: {  	[sflag:s4] =	ssyncadd.s32 $0xFFFFEC00  }
0x495: {  	v1 =	vld [tilespmem:s12+$0x828];
	_ =	sdelay $0x4  }
0x496: {  	[tilespmem:$0x1080] =	vst v1  }
0x497: {  	v1 =	vld [tilespmem:s12+$0x838];
	_ =	sdelay $0x4  }
0x498: {  	[tilespmem:$0x1090] =	vst v1  }
0x499: {  	v1 =	vld [tilespmem:s12+$0x840];
	_ =	sdelay $0x4  }
0x49a: {  	s26 =	simm.s32 $0x2600;
	[tilespmem:$0x1098] =	vst v1  }
0x49b: {  	s24 =	simm.s32 $0x4E00;
	v1 =	vld [tilespmem:s26+$0x80]  }
0x49c: {  	s23 =	simm.s32 $0x7600;
	v2 =	vld [tilespmem:s24+$0x80]  }
0x49d: {  	v3 =	vld [tilespmem:s23+$0x80]  }
0x49e: {  	v4 =	vld [tilespmem:s24+$0xFFFFFF00]  }
0x49f: {  	v5 =	vld [tilespmem:s26+$0xFFFFFF80]  }
0x4a0: {  	v6 =	vld [tilespmem:s24+$0xFFFFFF80]  }
0x4a1: {  	v7 =	vld [tilespmem:s23+$0xFFFFFF80];
	v1 =	vadd.f32 v2, v1  }
0x4a2: {  	s20 =	simm.s32 $0x2800;
	v8 =	vld [tilespmem:s26+$0x0]  }
0x4a3: {  	s8 =	simm.s32 $0x5000;
	v11 =	vld [tilespmem:s20+$0x80];
	v1 =	vadd.f32 v3, v1  }
0x4a4: {  	v12 =	vld [tilespmem:s8+$0x80]  }
0x4a5: {  	s13 =	simm.s32 $0x9E00;
	s22 =	simm.s32 $0x7800;
	v13 =	vld [tilespmem:s8+$0xFFFFFF00];
	v1 =	vmax.f32 v1, $0.0e+00  }
0x4a6: {  	v14 =	vld [tilespmem:s22+$0x80];
	[tilespmem:s13+$0x80] =	vst v1  }
0x4a7: {  	v1 =	vld [tilespmem:s26+$0x90]  }
0x4a8: {  	v2 =	vld [tilespmem:s24+$0x90]  }
0x4a9: {  	v15 =	vld [tilespmem:s20+$0xFFFFFF80]  }
0x4aa: {  	v3 =	vld [tilespmem:s23+$0x90]  }
0x4ab: {  	v16 =	vld [tilespmem:s8+$0xFFFFFF80]  }
0x4ac: {  	v17 =	vld [tilespmem:s20+$0x0]  }
0x4ad: {  	v46 =	vld [tilespmem:s8+$0x0];
	v1 =	vadd.f32 v2, v1  }
0x4ae: {  	v2 =	vld [tilespmem:s26+$0xFFFFFF00]  }
0x4af: {  	v18 =	vld [tilespmem:s20+$0xFFFFFF00];
	v1 =	vadd.f32 v3, v1  }
0x4b0: {  	v3 =	vld [tilespmem:s23+$0xFFFFFF00]  }
0x4b1: {  	v47 =	vld [tilespmem:s22+$0xFFFFFF00];
	v1 =	vmax.f32 v1, $0.0e+00  }
0x4b2: {  	v19 =	vld [tilespmem:s22+$0xFFFFFF80];
	v11 =	vadd.f32 v12, v11;
	[tilespmem:s13+$0x90] =	vst v1  }
0x4b3: {  	v1 =	vadd.f32 v4, v2;
	v2 =	vld [tilespmem:s26+$0xA0]  }
0x4b4: {  	v11 =	vadd.f32 v14, v11;
	v4 =	vld [tilespmem:s24+$0xA0]  }
0x4b5: {  	v5 =	vadd.f32 v6, v5;
	v6 =	vld [tilespmem:s24+$0x0];
	v1 =	vadd.f32 v3, v1  }
0x4b6: {  	s14 =	simm.s32 $0xA000;
	v11 =	vmax.f32 v11, $0.0e+00;
	v3 =	vld [tilespmem:s23+$0xA0]  }
0x4b7: {  	v5 =	vadd.f32 v7, v5;
	v7 =	vld [tilespmem:s23+$0x0];
	[tilespmem:s14+$0x80] =	vst v11;
	v1 =	vmax.f32 v1, $0.0e+00  }
0x4b8: {  	v11 =	vld [tilespmem:s20+$0x90];
	[tilespmem:s13+$0xFFFFFF00] =	vst v1  }
0x4b9: {  	v1 =	vmax.f32 v5, $0.0e+00;
	v5 =	vld [tilespmem:s26+$0xFFFFFF10];
	v2 =	vadd.f32 v4, v2  }
0x4ba: {  	[tilespmem:s13+$0xFFFFFF80] =	vst v1;
	v1 =	vld [tilespmem:s24+$0xFFFFFF10]  }
0x4bb: {  	v6 =	vadd.f32 v6, v8;
	v8 =	vld [tilespmem:s23+$0xFFFFFF10];
	v2 =	vadd.f32 v3, v2  }
0x4bc: {  	v4 =	vld [tilespmem:s26+$0xFFFFFF90]  }
0x4bd: {  	v3 =	vld [tilespmem:s24+$0xFFFFFF90];
	v2 =	vmax.f32 v2, $0.0e+00  }
0x4be: {  	v40 =	vld [tilespmem:s23+$0xFFFFFF90];
	[tilespmem:s13+$0xA0] =	vst v2  }
0x4bf: {  	v2 =	vadd.f32 v7, v6;
	v6 =	vld [tilespmem:s26+$0xB0]  }
0x4c0: {  	v1 =	vadd.f32 v1, v5;
	v5 =	vld [tilespmem:s24+$0xB0]  }
0x4c1: {  	v49 =	vld [tilespmem:s8+$0x90];
	v2 =	vmax.f32 v2, $0.0e+00  }
0x4c2: {  	v1 =	vadd.f32 v8, v1;
	[tilespmem:s13+$0x0] =	vst v2;
	v2 =	vadd.f32 v3, v4;
	v3 =	vld [tilespmem:s23+$0xB0]  }
0x4c3: {  	v4 =	vld [tilespmem:s26+$0x10]  }
0x4c4: {  	v7 =	vld [tilespmem:s24+$0x10];
	v1 =	vmax.f32 v1, $0.0e+00;
	v2 =	vadd.f32 v40, v2  }
0x4c5: {  	v8 =	vld [tilespmem:s23+$0x10];
	[tilespmem:s13+$0xFFFFFF10] =	vst v1;
	v1 =	vadd.f32 v5, v6  }
0x4c6: {  	v5 =	vld [tilespmem:s26+$0xFFFFFF20];
	v2 =	vmax.f32 v2, $0.0e+00  }
0x4c7: {  	[tilespmem:s13+$0xFFFFFF90] =	vst v2;
	v2 =	vld [tilespmem:s24+$0xFFFFFF20];
	v1 =	vadd.f32 v3, v1  }
0x4c8: {  	v3 =	vld [tilespmem:s26+$0xFFFFFFA0]  }
0x4c9: {  	v6 =	vld [tilespmem:s24+$0xFFFFFFA0];
	v1 =	vmax.f32 v1, $0.0e+00  }
0x4ca: {  	v4 =	vadd.f32 v7, v4;
	v7 =	vld [tilespmem:s23+$0xFFFFFF20];
	[tilespmem:s13+$0xB0] =	vst v1  }
0x4cb: {  	v1 =	vld [tilespmem:s26+$0xC0]  }
0x4cc: {  	v48 =	vadd.f32 v13, v18;
	v4 =	vadd.f32 v8, v4;
	v8 =	vld [tilespmem:s24+$0xC0]  }
0x4cd: {  	v41 =	vld [tilespmem:s23+$0xFFFFFFA0]  }
0x4ce: {  	v10 =	vadd.f32 v47, v48;
	v4 =	vmax.f32 v4, $0.0e+00;
	v2 =	vadd.f32 v2, v5;
	v5 =	vld [tilespmem:s23+$0xC0]  }
0x4cf: {  	v51 =	vld [tilespmem:s22+$0x90];
	[tilespmem:s13+$0x10] =	vst v4  }
0x4d0: {  	v10 =	vmax.f32 v10, $0.0e+00;
	v3 =	vadd.f32 v6, v3;
	v4 =	vld [tilespmem:s26+$0x20];
	v2 =	vadd.f32 v7, v2  }
0x4d1: {  	[tilespmem:s14+$0xFFFFFF00] =	vst v10;
	v6 =	vld [tilespmem:s24+$0x20];
	v1 =	vadd.f32 v8, v1  }
0x4d2: {  	v56 =	vld [tilespmem:s20+$0xFFFFFF10];
	v3 =	vadd.f32 v41, v3;
	v2 =	vmax.f32 v2, $0.0e+00  }
0x4d3: {  	v7 =	vld [tilespmem:s23+$0x20];
	[tilespmem:s13+$0xFFFFFF20] =	vst v2;
	v1 =	vadd.f32 v5, v1  }
0x4d4: {  	v2 =	vmax.f32 v3, $0.0e+00;
	v3 =	vld [tilespmem:s26+$0xFFFFFF30]  }
0x4d5: {  	[tilespmem:s13+$0xFFFFFFA0] =	vst v2;
	v2 =	vld [tilespmem:s24+$0xFFFFFF30];
	v1 =	vmax.f32 v1, $0.0e+00  }
0x4d6: {  	v4 =	vadd.f32 v6, v4;
	v5 =	vld [tilespmem:s26+$0xFFFFFFB0];
	[tilespmem:s13+$0xC0] =	vst v1  }
0x4d7: {  	v1 =	vld [tilespmem:s26+$0xD0]  }
0x4d8: {  	v4 =	vadd.f32 v7, v4;
	v6 =	vld [tilespmem:s24+$0xD0]  }
0x4d9: {  	v7 =	vld [tilespmem:s23+$0xFFFFFF30]  }
0x4da: {  	v8 =	vld [tilespmem:s23+$0xD0];
	v4 =	vmax.f32 v4, $0.0e+00  }
0x4db: {  	v15 =	vadd.f32 v16, v15;
	[tilespmem:s13+$0x20] =	vst v4;
	v4 =	vld [tilespmem:s24+$0xFFFFFFB0]  }
0x4dc: {  	v2 =	vadd.f32 v2, v3;
	v42 =	vld [tilespmem:s26+$0x30]  }
0x4dd: {  	v15 =	vadd.f32 v19, v15;
	v3 =	vld [tilespmem:s24+$0x30];
	v1 =	vadd.f32 v6, v1  }
0x4de: {  	v2 =	vadd.f32 v7, v2;
	v6 =	vld [tilespmem:s23+$0xFFFFFFB0]  }
0x4df: {  	v55 =	vmax.f32 v15, $0.0e+00;
	v57 =	vld [tilespmem:s8+$0xFFFFFF10];
	v1 =	vadd.f32 v8, v1  }
0x4e0: {  	[tilespmem:s14+$0xFFFFFF80] =	vst v55;
	v7 =	vld [tilespmem:s23+$0x30];
	v2 =	vmax.f32 v2, $0.0e+00  }
0x4e1: {  	v58 =	vld [tilespmem:s20+$0xFFFFFF90];
	v4 =	vadd.f32 v4, v5;
	[tilespmem:s13+$0xFFFFFF30] =	vst v2;
	v1 =	vmax.f32 v1, $0.0e+00  }
0x4e2: {  	v2 =	vld [tilespmem:s26+$0xFFFFFF40];
	[tilespmem:s13+$0xD0] =	vst v1  }
0x4e3: {  	v1 =	vadd.f32 v3, v42;
	v3 =	vadd.f32 v6, v4;
	v4 =	vld [tilespmem:s26+$0xE0]  }
0x4e4: {  	v5 =	vld [tilespmem:s24+$0xE0]  }
0x4e5: {  	v6 =	vld [tilespmem:s24+$0xFFFFFF40];
	v1 =	vadd.f32 v7, v1;
	v3 =	vmax.f32 v3, $0.0e+00  }
0x4e6: {  	[tilespmem:s13+$0xFFFFFFB0] =	vst v3;
	v3 =	vld [tilespmem:s23+$0xE0]  }
0x4e7: {  	v1 =	vmax.f32 v1, $0.0e+00;
	v7 =	vld [tilespmem:s26+$0xFFFFFFC0]  }
0x4e8: {  	[tilespmem:s13+$0x30] =	vst v1;
	v1 =	vld [tilespmem:s24+$0xFFFFFFC0]  }
0x4e9: {  	v53 =	vadd.f32 v49, v11;
	v4 =	vadd.f32 v5, v4;
	v5 =	vld [tilespmem:s23+$0xFFFFFF40]  }
0x4ea: {  	v8 =	vld [tilespmem:s26+$0x40]  }
0x4eb: {  	v10 =	vadd.f32 v51, v53;
	v43 =	vld [tilespmem:s24+$0x40]  }
0x4ec: {  	v2 =	vadd.f32 v6, v2;
	v3 =	vadd.f32 v3, v4;
	v4 =	vld [tilespmem:s23+$0xFFFFFFC0]  }
0x4ed: {  	v10 =	vmax.f32 v10, $0.0e+00;
	v6 =	vld [tilespmem:s23+$0x40]  }
0x4ee: {  	v62 =	vld [tilespmem:s22+$0xFFFFFF10];
	[tilespmem:s14+$0x90] =	vst v10;
	v5 =	vadd.f32 v5, v2  }
0x4ef: {  	v10 =	vld [tilespmem:s20+$0xA0];
	v3 =	vmax.f32 v3, $0.0e+00;
	v1 =	vadd.f32 v1, v7  }
0x4f0: {  	v61 =	vld [tilespmem:s22+$0xA0];
	[tilespmem:s13+$0xE0] =	vst v3;
	v7 =	vadd.f32 v43, v8;
	v5 =	vmax.f32 v5, $0.0e+00  }
0x4f1: {  	v2 =	vld [tilespmem:s26+$0xF0];
	v4 =	vadd.f32 v4, v1;
	[tilespmem:s13+$0xFFFFFF40] =	vst v5  }
0x4f2: {  	v5 =	vadd.f32 v6, v7;
	v6 =	vld [tilespmem:s26+$0xFFFFFF50]  }
0x4f3: {  	v4 =	vmax.f32 v4, $0.0e+00;
	v45 =	vld [tilespmem:s23+$0xFFFFFF50]  }
0x4f4: {  	[tilespmem:s13+$0xFFFFFFC0] =	vst v4;
	v4 =	vld [tilespmem:s24+$0xFFFFFF50]  }
0x4f5: {  	v5 =	vmax.f32 v5, $0.0e+00;
	v7 =	vld [tilespmem:s26+$0xFFFFFFD0]  }
0x4f6: {  	[tilespmem:s13+$0x40] =	vst v5;
	v5 =	vld [tilespmem:s24+$0xFFFFFFD0]  }
0x4f7: {  	v3 =	vld [tilespmem:s24+$0xF0]  }
0x4f8: {  	v50 =	vld [tilespmem:s23+$0xFFFFFFD0]  }
0x4f9: {  	v1 =	vld [tilespmem:s23+$0xF0];
	v4 =	vadd.f32 v4, v6  }
0x4fa: {  	v8 =	vld [tilespmem:s26+$0x50]  }
0x4fb: {  	v44 =	vld [tilespmem:s24+$0x50];
	v5 =	vadd.f32 v5, v7;
	v4 =	vadd.f32 v45, v4  }
0x4fc: {  	v6 =	vld [tilespmem:s22+$0x0]  }
0x4fd: {  	v7 =	vld [tilespmem:s8+$0xA0];
	v5 =	vadd.f32 v50, v5;
	v4 =	vmax.f32 v4, $0.0e+00  }
0x4fe: {  	[tilespmem:s13+$0xFFFFFF50] =	vst v4;
	v4 =	vld [tilespmem:s23+$0x50]  }
0x4ff: {  	v12 =	vadd.f32 v46, v17;
	v5 =	vmax.f32 v5, $0.0e+00;
	v52 =	vld [tilespmem:s26+$0xFFFFFF60]  }
0x500: {  	v54 =	vld [tilespmem:s24+$0xFFFFFF60];
	[tilespmem:s13+$0xFFFFFFD0] =	vst v5  }
0x501: {  	v6 =	vadd.f32 v6, v12;
	v63 =	vld [tilespmem:s26+$0xFFFFFFE0]  }
0x502: {  	v8 =	vadd.f32 v44, v8;
	v21 =	vld [tilespmem:s24+$0xFFFFFFE0]  }
0x503: {  	v6 =	vmax.f32 v6, $0.0e+00;
	v32 =	vld [tilespmem:s23+$0xFFFFFFE0]  }
0x504: {  	v7 =	vadd.f32 v7, v10;
	[tilespmem:s14+$0x0] =	vst v6;
	v6 =	vld [tilespmem:s8+$0xFFFFFF90];
	v4 =	vadd.f32 v4, v8  }
0x505: {  	v59 =	vld [tilespmem:s20+$0x10]  }
0x506: {  	v7 =	vadd.f32 v61, v7;
	v60 =	vld [tilespmem:s8+$0x10];
	v4 =	vmax.f32 v4, $0.0e+00  }
0x507: {  	v5 =	vld [tilespmem:s22+$0x10];
	[tilespmem:s13+$0x50] =	vst v4;
	v4 =	vadd.f32 v57, v56  }
0x508: {  	v8 =	vld [tilespmem:s22+$0xFFFFFF90];
	v7 =	vmax.f32 v7, $0.0e+00  }
0x509: {  	[tilespmem:s14+$0xA0] =	vst v7;
	v7 =	vld [tilespmem:s23+$0xFFFFFF60];
	v4 =	vadd.f32 v62, v4  }
0x50a: {  	v24 =	vld [tilespmem:s20+$0xB0];
	v9 =	vadd.f32 v21, v63  }
0x50b: {  	v25 =	vld [tilespmem:s22+$0xB0];
	v4 =	vmax.f32 v4, $0.0e+00  }
0x50c: {  	v9 =	vadd.f32 v32, v9;
	[tilespmem:s14+$0xFFFFFF10] =	vst v4;
	v4 =	vld [tilespmem:s8+$0xB0]  }
0x50d: {  	v6 =	vadd.f32 v6, v58;
	v22 =	vld [tilespmem:s26+$0x60]  }
0x50e: {  	v23 =	vld [tilespmem:s24+$0x60];
	v9 =	vmax.f32 v9, $0.0e+00  }
0x50f: {  	v34 =	vld [tilespmem:s23+$0x60];
	v6 =	vadd.f32 v8, v6;
	[tilespmem:s13+$0xFFFFFFE0] =	vst v9  }
0x510: {  	v15 =	vadd.f32 v60, v59;
	v45 =	vld [tilespmem:s26+$0xFFFFFFF0]  }
0x511: {  	v6 =	vmax.f32 v6, $0.0e+00;
	v8 =	vld [tilespmem:s20+$0xFFFFFF20];
	v4 =	vadd.f32 v4, v24  }
0x512: {  	v5 =	vadd.f32 v5, v15;
	[tilespmem:s14+$0xFFFFFF90] =	vst v6;
	v6 =	vld [tilespmem:s8+$0xFFFFFF20]  }
0x513: {  	v46 =	vld [tilespmem:s24+$0xFFFFFFF0];
	v4 =	vadd.f32 v25, v4  }
0x514: {  	v5 =	vmax.f32 v5, $0.0e+00;
	v26 =	vld [tilespmem:s20+$0xFFFFFFA0]  }
0x515: {  	[tilespmem:s14+$0x10] =	vst v5;
	v5 =	vld [tilespmem:s8+$0xFFFFFFA0];
	v4 =	vmax.f32 v4, $0.0e+00  }
0x516: {  	v29 =	vld [tilespmem:s22+$0xFFFFFF20];
	[tilespmem:s14+$0xB0] =	vst v4  }
0x517: {  	v4 =	vadd.f32 v6, v8;
	v6 =	vld [tilespmem:s20+$0xC0]  }
0x518: {  	v8 =	vld [tilespmem:s8+$0xC0]  }
0x519: {  	v11 =	vadd.f32 v54, v52;
	v30 =	vld [tilespmem:s22+$0xFFFFFFA0]  }
0x51a: {  	v12 =	vadd.f32 v23, v22;
	v33 =	vld [tilespmem:s22+$0xC0]  }
0x51b: {  	v2 =	vadd.f32 v3, v2;
	v7 =	vadd.f32 v7, v11;
	v3 =	vld [tilespmem:s23+$0xFFFFFFF0]  }
0x51c: {  	v27 =	vld [tilespmem:s20+$0x20];
	v12 =	vadd.f32 v34, v12;
	v5 =	vadd.f32 v5, v26  }
0x51d: {  	v7 =	vmax.f32 v7, $0.0e+00;
	v28 =	vld [tilespmem:s8+$0x20];
	v4 =	vadd.f32 v29, v4;
	v6 =	vadd.f32 v8, v6  }
0x51e: {  	[tilespmem:s13+$0xFFFFFF60] =	vst v7;
	v31 =	vld [tilespmem:s22+$0x20];
	v44 =	vmax.f32 v12, $0.0e+00;
	v5 =	vadd.f32 v30, v5  }
0x51f: {  	v43 =	vld [tilespmem:s24+$0xFFFFFF70];
	[tilespmem:s13+$0x60] =	vst v44;
	v4 =	vmax.f32 v4, $0.0e+00;
	v6 =	vadd.f32 v33, v6  }
0x520: {  	v47 =	vld [tilespmem:s26+$0x70];
	v5 =	vmax.f32 v5, $0.0e+00;
	[tilespmem:s14+$0xFFFFFF20] =	vst v4  }
0x521: {  	[tilespmem:s14+$0xFFFFFFA0] =	vst v5;
	v35 =	vld [tilespmem:s20+$0xFFFFFF30];
	v6 =	vmax.f32 v6, $0.0e+00  }
0x522: {  	v7 =	vadd.f32 v28, v27;
	v5 =	vld [tilespmem:s8+$0xFFFFFF30];
	[tilespmem:s14+$0xC0] =	vst v6  }
0x523: {  	v6 =	vld [tilespmem:s20+$0xD0]  }
0x524: {  	v7 =	vadd.f32 v31, v7;
	v38 =	vld [tilespmem:s8+$0xD0]  }
0x525: {  	v39 =	vld [tilespmem:s22+$0xFFFFFF30]  }
0x526: {  	v7 =	vmax.f32 v7, $0.0e+00;
	v40 =	vld [tilespmem:s22+$0xD0]  }
0x527: {  	[tilespmem:s14+$0x20] =	vst v7;
	v7 =	vld [tilespmem:s8+$0xFFFFFFB0]  }
0x528: {  	v8 =	vld [tilespmem:s20+$0xFFFFFFB0];
	v5 =	vadd.f32 v5, v35  }
0x529: {  	v41 =	vld [tilespmem:s22+$0xFFFFFFB0];
	v6 =	vadd.f32 v38, v6  }
0x52a: {  	v36 =	vld [tilespmem:s20+$0x30];
	v5 =	vadd.f32 v39, v5  }
0x52b: {  	v37 =	vld [tilespmem:s8+$0x30];
	v6 =	vadd.f32 v40, v6  }
0x52c: {  	v42 =	vld [tilespmem:s22+$0x30];
	v5 =	vmax.f32 v5, $0.0e+00  }
0x52d: {  	v4 =	vld [tilespmem:s26+$0xFFFFFF70];
	v7 =	vadd.f32 v7, v8;
	[tilespmem:s14+$0xFFFFFF30] =	vst v5;
	v5 =	vmax.f32 v6, $0.0e+00  }
0x52e: {  	v8 =	vld [tilespmem:s20+$0xFFFFFF40];
	[tilespmem:s14+$0xD0] =	vst v5  }
0x52f: {  	v7 =	vadd.f32 v41, v7;
	v48 =	vld [tilespmem:s20+$0xE0]  }
0x530: {  	v49 =	vld [tilespmem:s8+$0xE0]  }
0x531: {  	v7 =	vmax.f32 v7, $0.0e+00;
	v50 =	vld [tilespmem:s8+$0xFFFFFF40];
	v5 =	vadd.f32 v37, v36  }
0x532: {  	[tilespmem:s14+$0xFFFFFFB0] =	vst v7;
	v7 =	vld [tilespmem:s22+$0xE0]  }
0x533: {  	v51 =	vld [tilespmem:s20+$0xFFFFFFC0];
	v5 =	vadd.f32 v42, v5  }
0x534: {  	v54 =	vld [tilespmem:s22+$0xFFFFFF40]  }
0x535: {  	v55 =	vld [tilespmem:s22+$0xFFFFFFC0];
	v5 =	vmax.f32 v5, $0.0e+00;
	v13 =	vadd.f32 v49, v48  }
0x536: {  	[tilespmem:s14+$0x30] =	vst v5;
	v5 =	vld [tilespmem:s8+$0xFFFFFFC0]  }
0x537: {  	v52 =	vld [tilespmem:s20+$0x40];
	v7 =	vadd.f32 v7, v13  }
0x538: {  	v53 =	vld [tilespmem:s8+$0x40]  }
0x539: {  	v56 =	vld [tilespmem:s22+$0x40];
	v7 =	vmax.f32 v7, $0.0e+00  }
0x53a: {  	v8 =	vadd.f32 v50, v8;
	[tilespmem:s14+$0xE0] =	vst v7;
	v7 =	vld [tilespmem:s23+$0xFFFFFF70]  }
0x53b: {  	v57 =	vld [tilespmem:s20+$0xF0]  }
0x53c: {  	v8 =	vadd.f32 v54, v8;
	v5 =	vadd.f32 v5, v51;
	v58 =	vld [tilespmem:s8+$0xF0]  }
0x53d: {  	v6 =	vld [tilespmem:s24+$0x70]  }
0x53e: {  	v8 =	vmax.f32 v8, $0.0e+00;
	v15 =	vadd.f32 v53, v52;
	v5 =	vadd.f32 v55, v5;
	v59 =	vld [tilespmem:s22+$0xF0]  }
0x53f: {  	v1 =	vadd.f32 v1, v2;
	v2 =	vadd.f32 v43, v4;
	[tilespmem:s14+$0xFFFFFF40] =	vst v8;
	v8 =	vld [tilespmem:s23+$0x70]  }
0x540: {  	v4 =	vadd.f32 v46, v45;
	v61 =	vld [tilespmem:s20+$0xFFFFFF50];
	v60 =	vadd.f32 v56, v15;
	v5 =	vmax.f32 v5, $0.0e+00  }
0x541: {  	v1 =	vmax.f32 v1, $0.0e+00;
	v62 =	vld [tilespmem:s8+$0xFFFFFF50];
	[tilespmem:s14+$0xFFFFFFC0] =	vst v5;
	v7 =	vadd.f32 v7, v2;
	v5 =	vadd.f32 v58, v57  }
0x542: {  	[tilespmem:s13+$0xF0] =	vst v1;
	v63 =	vadd.f32 v3, v4;
	v1 =	vadd.f32 v6, v47;
	v6 =	vmax.f32 v60, $0.0e+00;
	v2 =	vld [tilespmem:s20+$0xFFFFFFD0]  }
0x543: {  	[tilespmem:s14+$0x40] =	vst v6;
	v4 =	vld [tilespmem:s8+$0xFFFFFFD0];
	v3 =	vmax.f32 v7, $0.0e+00;
	v6 =	vadd.f32 v59, v5  }
0x544: {  	v1 =	vadd.f32 v8, v1;
	v7 =	vmax.f32 v63, $0.0e+00;
	[tilespmem:s13+$0xFFFFFF70] =	vst v3;
	v3 =	vld [tilespmem:s20+$0x50]  }
0x545: {  	s28 =	simm.s32 $0x2A00;
	v5 =	vld [tilespmem:s8+$0x50];
	[tilespmem:s13+$0xFFFFFFF0] =	vst v7;
	v8 =	vmax.f32 v6, $0.0e+00  }
0x546: {  	s26 =	simm.s32 $0x4;
	s24 =	simm.s32 $0x5000;
	s23 =	simm.s32 $0x7800;
	v1 =	vmax.f32 v1, $0.0e+00;
	v7 =	vld [tilespmem:s22+$0xFFFFFF50];
	v6 =	vadd.f32 v62, v61;
	[tilespmem:s14+$0xF0] =	vst v8  }
.LBB2_12:
0x547: {  	v8 =	vld [tilespmem:s28+$0x80];
	s8 =	sadd.s32 $0x200, s8;
	[tilespmem:s13+$0x70] =	vst v1;
	s13 =	smov.u32 s14  }
0x548: {  	v1 =	vld [tilespmem:s8+$0x80];
	v2 =	vadd.f32 v4, v2  }
0x549: {  	s22 =	sadd.s32 $0x200, s22;
	v4 =	vld [tilespmem:s8+$0xFFFFFF00]  }
0x54a: {  	v9 =	vld [tilespmem:s22+$0x80];
	v3 =	vadd.f32 v5, v3  }
0x54b: {  	v5 =	vld [tilespmem:s28+$0xFFFFFF80];
	v6 =	vadd.f32 v7, v6  }
0x54c: {  	v7 =	vld [tilespmem:s8+$0xFFFFFF80]  }
0x54d: {  	v10 =	vld [tilespmem:s28+$0x0];
	v1 =	vadd.f32 v1, v8;
	v6 =	vmax.f32 v6, $0.0e+00  }
0x54e: {  	v8 =	vld [tilespmem:s8+$0x0];
	[tilespmem:s14+$0xFFFFFF50] =	vst v6  }
0x54f: {  	s26 =	sadd.s32 $0x4, s26;
	v6 =	vld [tilespmem:s28+$0xFFFFFF00];
	v1 =	vadd.f32 v9, v1  }
0x550: {  	p0 =	slt.u32 s26, $0x24;
	v9 =	vld [tilespmem:s22+$0xFFFFFF00]  }
0x551: {  	s14 =	sadd.s32 $0x200, s14;
	v5 =	vadd.f32 v7, v5;
	v7 =	vld [tilespmem:s22+$0xFFFFFF80];
	v1 =	vmax.f32 v1, $0.0e+00  }
0x552: {  	v11 =	vld [tilespmem:s22+$0x0];
	[tilespmem:s14+$0x80] =	vst v1  }
0x553: {  	v1 =	vadd.f32 v8, v10;
	v8 =	vld [tilespmem:s28+$0x90]  }
0x554: {  	v4 =	vadd.f32 v4, v6;
	v6 =	vld [tilespmem:s8+$0x90]  }
0x555: {  	v10 =	vld [tilespmem:s23+$0xFFFFFFD0]  }
0x556: {  	v4 =	vadd.f32 v9, v4;
	v5 =	vadd.f32 v7, v5;
	v7 =	vld [tilespmem:s22+$0x90]  }
0x557: {  	v1 =	vadd.f32 v11, v1;
	v9 =	vld [tilespmem:s23+$0x50]  }
0x558: {  	v4 =	vmax.f32 v4, $0.0e+00;
	v5 =	vmax.f32 v5, $0.0e+00;
	v11 =	vld [tilespmem:s20+$0xFFFFFF60]  }
0x559: {  	[tilespmem:s14+$0xFFFFFF00] =	vst v4;
	v1 =	vmax.f32 v1, $0.0e+00;
	v4 =	vadd.f32 v6, v8;
	v6 =	vld [tilespmem:s24+$0xFFFFFF60]  }
0x55a: {  	v8 =	vld [tilespmem:s28+$0xFFFFFF10];
	[tilespmem:s14+$0xFFFFFF80] =	vst v5;
	v2 =	vadd.f32 v10, v2  }
0x55b: {  	v5 =	vld [tilespmem:s8+$0xFFFFFF10];
	[tilespmem:s14+$0x0] =	vst v1;
	v1 =	vadd.f32 v7, v4  }
0x55c: {  	v4 =	vld [tilespmem:s28+$0xFFFFFF90];
	v2 =	vmax.f32 v2, $0.0e+00;
	v3 =	vadd.f32 v9, v3  }
0x55d: {  	v7 =	vld [tilespmem:s8+$0xFFFFFF90];
	v1 =	vmax.f32 v1, $0.0e+00;
	[tilespmem:s13+$0xFFFFFFD0] =	vst v2  }
0x55e: {  	v2 =	vld [tilespmem:s28+$0x10];
	[tilespmem:s14+$0x90] =	vst v1;
	v1 =	vadd.f32 v6, v11;
	v3 =	vmax.f32 v3, $0.0e+00  }
0x55f: {  	v6 =	vld [tilespmem:s28+$0xA0];
	[tilespmem:s13+$0x50] =	vst v3  }
0x560: {  	v3 =	vadd.f32 v5, v8;
	v5 =	vld [tilespmem:s8+$0xA0]  }
0x561: {  	v8 =	vld [tilespmem:s8+$0x10]  }
0x562: {  	v4 =	vadd.f32 v7, v4;
	v7 =	vld [tilespmem:s22+$0xA0]  }
0x563: {  	v9 =	vld [tilespmem:s22+$0xFFFFFF10]  }
0x564: {  	v10 =	vld [tilespmem:s22+$0xFFFFFF90]  }
0x565: {  	v11 =	vld [tilespmem:s22+$0x10];
	v5 =	vadd.f32 v5, v6  }
0x566: {  	v2 =	vadd.f32 v8, v2;
	v6 =	vld [tilespmem:s20+$0xFFFFFFE0]  }
0x567: {  	v5 =	vadd.f32 v7, v5;
	v7 =	vld [tilespmem:s24+$0xFFFFFFE0]  }
0x568: {  	v3 =	vadd.f32 v9, v3;
	v8 =	vld [tilespmem:s20+$0x60]  }
0x569: {  	v4 =	vadd.f32 v10, v4;
	v5 =	vmax.f32 v5, $0.0e+00;
	v9 =	vld [tilespmem:s24+$0x60]  }
0x56a: {  	v3 =	vmax.f32 v3, $0.0e+00;
	v2 =	vadd.f32 v11, v2;
	[tilespmem:s14+$0xA0] =	vst v5;
	v5 =	vld [tilespmem:s23+$0xFFFFFF60]  }
0x56b: {  	[tilespmem:s14+$0xFFFFFF10] =	vst v3;
	v3 =	vmax.f32 v4, $0.0e+00;
	v4 =	vld [tilespmem:s28+$0xB0]  }
0x56c: {  	[tilespmem:s14+$0xFFFFFF90] =	vst v3;
	v2 =	vmax.f32 v2, $0.0e+00;
	v3 =	vld [tilespmem:s8+$0xB0];
	v6 =	vadd.f32 v7, v6  }
0x56d: {  	v7 =	vld [tilespmem:s28+$0xFFFFFF20];
	[tilespmem:s14+$0x10] =	vst v2  }
0x56e: {  	v2 =	vld [tilespmem:s22+$0xB0];
	v8 =	vadd.f32 v9, v8  }
0x56f: {  	v9 =	vld [tilespmem:s8+$0xFFFFFF20];
	v1 =	vadd.f32 v5, v1  }
0x570: {  	v5 =	vld [tilespmem:s28+$0xFFFFFFA0]  }
0x571: {  	v10 =	vld [tilespmem:s8+$0xFFFFFFA0];
	v3 =	vadd.f32 v3, v4;
	v1 =	vmax.f32 v1, $0.0e+00  }
0x572: {  	v4 =	vld [tilespmem:s28+$0x20];
	[tilespmem:s13+$0xFFFFFF60] =	vst v1  }
0x573: {  	v1 =	vld [tilespmem:s8+$0x20];
	v2 =	vadd.f32 v2, v3  }
0x574: {  	v3 =	vadd.f32 v9, v7;
	v7 =	vld [tilespmem:s22+$0xFFFFFF20]  }
0x575: {  	v9 =	vld [tilespmem:s22+$0xFFFFFFA0];
	v2 =	vmax.f32 v2, $0.0e+00  }
0x576: {  	v5 =	vadd.f32 v10, v5;
	v10 =	vld [tilespmem:s22+$0x20];
	[tilespmem:s14+$0xB0] =	vst v2  }
0x577: {  	v2 =	vld [tilespmem:s28+$0xC0]  }
0x578: {  	v1 =	vadd.f32 v1, v4;
	v4 =	vld [tilespmem:s8+$0xC0]  }
0x579: {  	v3 =	vadd.f32 v7, v3;
	v7 =	vld [tilespmem:s23+$0xFFFFFFE0]  }
0x57a: {  	v5 =	vadd.f32 v9, v5;
	v9 =	vld [tilespmem:s22+$0xC0]  }
0x57b: {  	v3 =	vmax.f32 v3, $0.0e+00;
	v1 =	vadd.f32 v10, v1;
	v10 =	vld [tilespmem:s23+$0x60]  }
0x57c: {  	[tilespmem:s14+$0xFFFFFF20] =	vst v3;
	v3 =	vmax.f32 v5, $0.0e+00;
	v5 =	vld [tilespmem:s20+$0xFFFFFF70]  }
0x57d: {  	v11 =	vld [tilespmem:s28+$0xFFFFFF30];
	[tilespmem:s14+$0xFFFFFFA0] =	vst v3;
	v1 =	vmax.f32 v1, $0.0e+00;
	v2 =	vadd.f32 v4, v2  }
0x57e: {  	v3 =	vld [tilespmem:s8+$0xFFFFFF30];
	[tilespmem:s14+$0x20] =	vst v1;
	v1 =	vadd.f32 v7, v6  }
0x57f: {  	v4 =	vld [tilespmem:s28+$0xFFFFFFB0];
	v2 =	vadd.f32 v9, v2  }
0x580: {  	v6 =	vld [tilespmem:s8+$0xFFFFFFB0];
	v1 =	vmax.f32 v1, $0.0e+00;
	v7 =	vadd.f32 v10, v8  }
0x581: {  	v8 =	vld [tilespmem:s28+$0x30];
	v2 =	vmax.f32 v2, $0.0e+00;
	[tilespmem:s13+$0xFFFFFFE0] =	vst v1  }
0x582: {  	v1 =	vld [tilespmem:s8+$0x30];
	[tilespmem:s14+$0xC0] =	vst v2;
	v2 =	vmax.f32 v7, $0.0e+00  }
0x583: {  	v3 =	vadd.f32 v3, v11;
	v7 =	vld [tilespmem:s28+$0xD0];
	[tilespmem:s13+$0x60] =	vst v2  }
0x584: {  	v2 =	vld [tilespmem:s8+$0xD0]  }
0x585: {  	v9 =	vld [tilespmem:s22+$0xFFFFFF30];
	v4 =	vadd.f32 v6, v4  }
0x586: {  	v6 =	vld [tilespmem:s22+$0xD0]  }
0x587: {  	v10 =	vld [tilespmem:s22+$0xFFFFFFB0];
	v1 =	vadd.f32 v1, v8  }
0x588: {  	v8 =	vld [tilespmem:s22+$0x30]  }
0x589: {  	v2 =	vadd.f32 v2, v7;
	v7 =	vld [tilespmem:s24+$0xFFFFFF70]  }
0x58a: {  	v3 =	vadd.f32 v9, v3;
	v9 =	vld [tilespmem:s20+$0xFFFFFFF0]  }
0x58b: {  	v2 =	vadd.f32 v6, v2;
	v6 =	vld [tilespmem:s24+$0xFFFFFFF0]  }
0x58c: {  	v3 =	vmax.f32 v3, $0.0e+00;
	v4 =	vadd.f32 v10, v4;
	v10 =	vld [tilespmem:s20+$0x70];
	s20 =	smov.u32 s28  }
0x58d: {  	[tilespmem:s14+$0xFFFFFF30] =	vst v3;
	v1 =	vadd.f32 v8, v1;
	v2 =	vmax.f32 v2, $0.0e+00;
	v3 =	vld [tilespmem:s24+$0x70];
	s24 =	smov.u32 s8  }
0x58e: {  	v8 =	vld [tilespmem:s28+$0xFFFFFF40];
	v4 =	vmax.f32 v4, $0.0e+00;
	[tilespmem:s14+$0xD0] =	vst v2;
	v2 =	vadd.f32 v7, v5  }
0x58f: {  	[tilespmem:s14+$0xFFFFFFB0] =	vst v4;
	v1 =	vmax.f32 v1, $0.0e+00;
	v4 =	vld [tilespmem:s28+$0xE0]  }
0x590: {  	[tilespmem:s14+$0x30] =	vst v1;
	v1 =	vld [tilespmem:s8+$0xE0];
	v5 =	vadd.f32 v6, v9  }
0x591: {  	v6 =	vld [tilespmem:s8+$0xFFFFFF40]  }
0x592: {  	v7 =	vld [tilespmem:s22+$0xE0];
	v9 =	vadd.f32 v3, v10  }
0x593: {  	v3 =	vld [tilespmem:s28+$0xFFFFFFC0]  }
0x594: {  	v10 =	vld [tilespmem:s8+$0xFFFFFFC0]  }
0x595: {  	v11 =	vld [tilespmem:s28+$0x40];
	v1 =	vadd.f32 v1, v4  }
0x596: {  	v4 =	vadd.f32 v6, v8;
	v6 =	vld [tilespmem:s8+$0x40]  }
0x597: {  	v8 =	vld [tilespmem:s22+$0xFFFFFF40];
	v1 =	vadd.f32 v7, v1  }
0x598: {  	v7 =	vld [tilespmem:s22+$0xFFFFFFC0]  }
0x599: {  	v3 =	vadd.f32 v10, v3;
	v10 =	vld [tilespmem:s22+$0x40];
	v1 =	vmax.f32 v1, $0.0e+00  }
0x59a: {  	[tilespmem:s14+$0xE0] =	vst v1;
	v1 =	vld [tilespmem:s23+$0xFFFFFF70]  }
0x59b: {  	v6 =	vadd.f32 v6, v11;
	v11 =	vld [tilespmem:s28+$0xF0]  }
0x59c: {  	v4 =	vadd.f32 v8, v4;
	v8 =	vld [tilespmem:s8+$0xF0]  }
0x59d: {  	v3 =	vadd.f32 v7, v3;
	v7 =	vld [tilespmem:s23+$0xFFFFFFF0]  }
0x59e: {  	v4 =	vmax.f32 v4, $0.0e+00;
	v6 =	vadd.f32 v10, v6;
	v10 =	vld [tilespmem:s22+$0xF0]  }
0x59f: {  	[tilespmem:s14+$0xFFFFFF40] =	vst v4;
	v3 =	vmax.f32 v3, $0.0e+00;
	v1 =	vadd.f32 v1, v2;
	v12 =	vld [tilespmem:s23+$0x70];
	s23 =	smov.u32 s22  }
0x5a0: {  	v13 =	vld [tilespmem:s28+$0xFFFFFF50];
	[tilespmem:s14+$0xFFFFFFC0] =	vst v3;
	v2 =	vmax.f32 v6, $0.0e+00  }
0x5a1: {  	v6 =	vld [tilespmem:s8+$0xFFFFFF50];
	[tilespmem:s14+$0x40] =	vst v2;
	v3 =	vadd.f32 v8, v11;
	v1 =	vmax.f32 v1, $0.0e+00  }
.Ltmp4:
0x5a2: {  	v2 =	vld [tilespmem:s28+$0xFFFFFFD0];
	[tilespmem:s13+$0xFFFFFF70] =	vst v1;
	v1 =	vadd.f32 v7, v5;
	(pc) =	sbr.rel @p0 .LBB2_12-.Ltmp4, $4  }
0x5a3: {  	v4 =	vld [tilespmem:s8+$0xFFFFFFD0];
	v7 =	vadd.f32 v10, v3  }
0x5a4: {  	v3 =	vld [tilespmem:s28+$0x50];
	v1 =	vmax.f32 v1, $0.0e+00;
	v8 =	vadd.f32 v12, v9  }
0x5a5: {  	v5 =	vld [tilespmem:s8+$0x50];
	v9 =	vmax.f32 v7, $0.0e+00;
	[tilespmem:s13+$0xFFFFFFF0] =	vst v1  }
0x5a6: {  	s28 =	sadd.s32 $0x200, s28;
	v6 =	vadd.f32 v6, v13;
	v7 =	vld [tilespmem:s22+$0xFFFFFF50];
	[tilespmem:s14+$0xF0] =	vst v9;
	v1 =	vmax.f32 v8, $0.0e+00  }
0x5a7: {  	_ =	sdelay $0x1  }
0x5a8: {  	v8 =	vld [tilespmem:s23+$0xFFFFFFD0];
	_ =	sdelay $0x1  }
0x5a9: {  	v9 =	vld [tilespmem:s23+$0x50];
	v49 =	vadd.f32 v7, v6  }
0x5aa: {  	v2 =	vadd.f32 v4, v2  }
0x5ab: {  	v4 =	vmax.f32 v49, $0.0e+00  }
0x5ac: {  	v3 =	vadd.f32 v5, v3;
	v2 =	vadd.f32 v8, v2;
	[tilespmem:s14+$0xFFFFFF50] =	vst v4  }
0x5ad: {  	v4 =	vld [tilespmem:s20+$0xFFFFFF60]  }
0x5ae: {  	v3 =	vadd.f32 v9, v3;
	v2 =	vmax.f32 v2, $0.0e+00;
	v50 =	vld [tilespmem:s24+$0xFFFFFF60]  }
0x5af: {  	[tilespmem:s14+$0xFFFFFFD0] =	vst v2;
	v52 =	vld [tilespmem:s23+$0xFFFFFF60]  }
0x5b0: {  	v2 =	vmax.f32 v3, $0.0e+00;
	v3 =	vld [tilespmem:s20+$0xFFFFFFE0]  }
0x5b1: {  	[tilespmem:s14+$0x50] =	vst v2;
	v2 =	vld [tilespmem:s24+$0xFFFFFFE0]  }
0x5b2: {  	v54 =	vld [tilespmem:s23+$0xFFFFFFE0]  }
0x5b3: {  	v51 =	vld [tilespmem:s20+$0x60]  }
0x5b4: {  	v53 =	vld [tilespmem:s24+$0x60];
	v4 =	vadd.f32 v50, v4;
	_ =	sdelay $0x1  }
0x5b5: {  	v55 =	vld [tilespmem:s23+$0x60];
	v2 =	vadd.f32 v2, v3;
	v3 =	vadd.f32 v52, v4;
	_ =	sdelay $0x1  }
0x5b6: {  	v2 =	vadd.f32 v54, v2;
	v3 =	vmax.f32 v3, $0.0e+00  }
0x5b7: {  	v56 =	vadd.f32 v53, v51;
	[tilespmem:s14+$0xFFFFFF60] =	vst v3  }
0x5b8: {  	v2 =	vmax.f32 v2, $0.0e+00;
	v3 =	vld [tilespmem:s20+$0xFFFFFF70]  }
0x5b9: {  	v4 =	vadd.f32 v55, v56;
	[tilespmem:s14+$0xFFFFFFE0] =	vst v2;
	v2 =	vld [tilespmem:s24+$0xFFFFFF70]  }
0x5ba: {  	v61 =	vld [tilespmem:s23+$0xFFFFFF70]  }
0x5bb: {  	v4 =	vmax.f32 v4, $0.0e+00;
	v57 =	vld [tilespmem:s20+$0xFFFFFFF0]  }
0x5bc: {  	[tilespmem:s14+$0x60] =	vst v4;
	v58 =	vld [tilespmem:s24+$0xFFFFFFF0]  }
0x5bd: {  	v59 =	vld [tilespmem:s20+$0x70]  }
0x5be: {  	v60 =	vld [tilespmem:s24+$0x70]  }
0x5bf: {  	v62 =	vld [tilespmem:s23+$0xFFFFFFF0]  }
0x5c0: {  	v10 =	vld [tilespmem:s23+$0x70]  }
0x5c1: {  	v2 =	vadd.f32 v2, v3  }
0x5c2: {  	v3 =	vadd.f32 v58, v57  }
0x5c3: {  	v63 =	vadd.f32 v60, v59;
	v2 =	vadd.f32 v61, v2  }
0x5c4: {  	v3 =	vadd.f32 v62, v3  }
0x5c5: {  	[tilespmem:s13+$0x70] =	vst v1;
	v1 =	vmax.f32 v2, $0.0e+00;
	v2 =	vadd.f32 v10, v63  }
0x5c6: {  	[tilespmem:s14+$0xFFFFFF70] =	vst v1;
	v1 =	vmax.f32 v3, $0.0e+00  }
0x5c7: {  	s8 =	sadd.s32 $0x78, s12;
	[tilespmem:s14+$0xFFFFFFF0] =	vst v1;
	v1 =	vmax.f32 v2, $0.0e+00  }
0x5c8: {  	s26 =	simm.s32 $0x4D00;
	s11 =	sadd.s32 $0x1, s11;
	s23 =	simm.s32 $0x2500;
	[tilespmem:s14+$0x70] =	vst v1  }
0x5c9: {  	[tilespmem:s23], [sflag:$0x2] =	stream.indirect.gather [hbm4b:s16+s21], $0x80, s8, s21, $0xb8;
	[tilespmem:$0x1F100] =	vst v63  }
0x5ca: {  	p0 =	sne.s32 s11, $0x18;
	s24 =	sadd.s32 $0x878, s12;
	s8 =	sadd.s32 s10, s8  }
0x5cb: {  	[tilespmem:s26], [sflag:$0x4] =	stream.indirect.gather [hbm4b:s5+s21], $0x80, s24, s21, $0xb8;
	[tilespmem:$0x1F100] =	vst v63  }
.Ltmp5:
0x5cc: {  	s8 =	sshll.u32 s8, $0x4;
	(pc) =	sbr.rel @p0 .LBB2_9-.Ltmp5, $4  }
0x5cd: {  	s28 =	simm.s32 $0x7500;
	s8 =	sadd.s32 s7, s8  }
0x5ce: {  	[tilespmem:s28], [sflag:$0x6] =	stream.linear.gather [hbm4b:s8+s1], $0x1400, $0x38;
	[tilespmem:$0x1F100] =	vst v63  }
0x5cf: {  	_ = 	snop  }
0x5d0: {  	[spmem:s18] =	stream.indirect.scatter.add.f32 [tilespmem:s0], [sflag:$0x8], $0x80, s17, s21, $0xb8;
	[tilespmem:$0x1F100] =	vst v63  }
0x5d1: {  	_ =	swait.ge [sflag:s29], $0x1400  }
0x5d2: {  	[sflag:s29] =	ssyncset.done $0x0  }
0x5d3: {  	[sflag:s29] =	ssyncadd.s32 $0xFFFFEC00  }
0x5d4: {  	_ =	swait.ge [sflag:s30], $0x1400  }
0x5d5: {  	[sflag:s30] =	ssyncset.done $0x0  }
0x5d6: {  	[sflag:s30] =	ssyncadd.s32 $0xFFFFEC00  }
0x5d7: {  	_ =	swait.ge [sflag:s31], $0x1400  }
0x5d8: {  	[sflag:s31] =	ssyncset.done $0x0  }
0x5d9: {  	[sflag:s31] =	ssyncadd.s32 $0xFFFFEC00  }
0x5da: {  	_ =	swait.ge [sflag:s19], $0x1400  }
0x5db: {  	[sflag:s19] =	ssyncset.done $0x0  }
0x5dc: {  	[sflag:s19] =	ssyncadd.s32 $0xFFFFEC00  }
0x5dd: {  	v1 =	vld [tilespmem:$0xF80]  }
0x5de: {  	v2 =	vld [tilespmem:$0xF90]  }
0x5df: {  	v3 =	vld [tilespmem:$0xF98];
	_ =	sdelay $0x2  }
0x5e0: {  	[tilespmem:$0x1000] =	vst v1  }
0x5e1: {  	[tilespmem:$0x1010] =	vst v2  }
0x5e2: {  	s22 =	simm.s32 $0x1200;
	[tilespmem:$0x1018] =	vst v3  }
0x5e3: {  	s20 =	simm.s32 $0x3A00;
	v1 =	vld [tilespmem:s22+$0x80]  }
0x5e4: {  	v2 =	vld [tilespmem:s20+$0x80]  }
0x5e5: {  	s14 =	simm.s32 $0x6200  }
0x5e6: {  	v3 =	vld [tilespmem:s14+$0x80];
	_ =	sdelay $0x2  }
0x5e7: {  	v1 =	vadd.f32 v2, v1;
	_ =	sdelay $0x1  }
0x5e8: {  	v4 =	vld [tilespmem:s20+$0xFFFFFF00];
	v1 =	vadd.f32 v3, v1  }
0x5e9: {  	v5 =	vld [tilespmem:s22+$0xFFFFFF80]  }
0x5ea: {  	s10 =	simm.s32 $0x8A00;
	v6 =	vld [tilespmem:s20+$0xFFFFFF80];
	v1 =	vmax.f32 v1, $0.0e+00  }
0x5eb: {  	v7 =	vld [tilespmem:s14+$0xFFFFFF80];
	[tilespmem:s10+$0x80] =	vst v1  }
0x5ec: {  	v1 =	vld [tilespmem:s22+$0x90]  }
0x5ed: {  	v2 =	vld [tilespmem:s20+$0x90]  }
0x5ee: {  	v8 =	vld [tilespmem:s22+$0x0]  }
0x5ef: {  	s12 =	simm.s32 $0x1400;
	v3 =	vld [tilespmem:s14+$0x90]  }
0x5f0: {  	s8 =	simm.s32 $0x3C00;
	v11 =	vld [tilespmem:s12+$0x80]  }
0x5f1: {  	v12 =	vld [tilespmem:s8+$0x80]  }
0x5f2: {  	v1 =	vadd.f32 v2, v1;
	v2 =	vld [tilespmem:s22+$0xFFFFFF00]  }
0x5f3: {  	v13 =	vld [tilespmem:s8+$0xFFFFFF00]  }
0x5f4: {  	s13 =	simm.s32 $0x6400;
	v1 =	vadd.f32 v3, v1;
	v3 =	vld [tilespmem:s14+$0xFFFFFF00]  }
0x5f5: {  	v14 =	vld [tilespmem:s13+$0x80]  }
0x5f6: {  	v15 =	vld [tilespmem:s12+$0xFFFFFF80];
	v1 =	vmax.f32 v1, $0.0e+00  }
0x5f7: {  	v16 =	vld [tilespmem:s8+$0xFFFFFF80];
	[tilespmem:s10+$0x90] =	vst v1;
	v1 =	vadd.f32 v4, v2  }
0x5f8: {  	v2 =	vld [tilespmem:s22+$0xA0]  }
0x5f9: {  	v5 =	vadd.f32 v6, v5;
	v4 =	vld [tilespmem:s20+$0xA0];
	v1 =	vadd.f32 v3, v1  }
0x5fa: {  	v6 =	vld [tilespmem:s20+$0x0]  }
0x5fb: {  	v5 =	vadd.f32 v7, v5;
	v3 =	vld [tilespmem:s14+$0xA0];
	v1 =	vmax.f32 v1, $0.0e+00  }
0x5fc: {  	v7 =	vld [tilespmem:s14+$0x0];
	[tilespmem:s10+$0xFFFFFF00] =	vst v1  }
0x5fd: {  	v1 =	vmax.f32 v5, $0.0e+00;
	v5 =	vld [tilespmem:s22+$0xFFFFFF10]  }
0x5fe: {  	v2 =	vadd.f32 v4, v2;
	[tilespmem:s10+$0xFFFFFF80] =	vst v1;
	v1 =	vld [tilespmem:s20+$0xFFFFFF10]  }
0x5ff: {  	v6 =	vadd.f32 v6, v8;
	v8 =	vld [tilespmem:s14+$0xFFFFFF10]  }
0x600: {  	v4 =	vld [tilespmem:s22+$0xFFFFFF90];
	v2 =	vadd.f32 v3, v2  }
0x601: {  	v3 =	vld [tilespmem:s20+$0xFFFFFF90]  }
0x602: {  	v17 =	vld [tilespmem:s12+$0x0];
	v2 =	vmax.f32 v2, $0.0e+00  }
0x603: {  	v9 =	vld [tilespmem:s14+$0xFFFFFF90];
	[tilespmem:s10+$0xA0] =	vst v2;
	v2 =	vadd.f32 v7, v6  }
0x604: {  	v1 =	vadd.f32 v1, v5;
	v6 =	vld [tilespmem:s22+$0xB0]  }
0x605: {  	v5 =	vld [tilespmem:s20+$0xB0];
	v2 =	vmax.f32 v2, $0.0e+00  }
0x606: {  	v1 =	vadd.f32 v8, v1;
	[tilespmem:s10+$0x0] =	vst v2;
	v2 =	vadd.f32 v3, v4;
	v3 =	vld [tilespmem:s14+$0xB0]  }
0x607: {  	v4 =	vld [tilespmem:s22+$0x10]  }
0x608: {  	v7 =	vld [tilespmem:s20+$0x10];
	v1 =	vmax.f32 v1, $0.0e+00;
	v2 =	vadd.f32 v9, v2  }
0x609: {  	v8 =	vld [tilespmem:s14+$0x10];
	[tilespmem:s10+$0xFFFFFF10] =	vst v1  }
0x60a: {  	v1 =	vadd.f32 v5, v6;
	v5 =	vld [tilespmem:s22+$0xFFFFFF20];
	v2 =	vmax.f32 v2, $0.0e+00  }
0x60b: {  	[tilespmem:s10+$0xFFFFFF90] =	vst v2;
	v2 =	vld [tilespmem:s20+$0xFFFFFF20]  }
0x60c: {  	v1 =	vadd.f32 v3, v1;
	v3 =	vld [tilespmem:s22+$0xFFFFFFA0]  }
0x60d: {  	v6 =	vld [tilespmem:s20+$0xFFFFFFA0];
	v4 =	vadd.f32 v7, v4  }
0x60e: {  	v7 =	vld [tilespmem:s14+$0xFFFFFF20];
	v1 =	vmax.f32 v1, $0.0e+00  }
0x60f: {  	v42 =	vld [tilespmem:s14+$0xFFFFFFA0];
	[tilespmem:s10+$0xB0] =	vst v1;
	v4 =	vadd.f32 v8, v4  }
0x610: {  	v1 =	vld [tilespmem:s22+$0xC0]  }
0x611: {  	v8 =	vld [tilespmem:s20+$0xC0];
	v4 =	vmax.f32 v4, $0.0e+00  }
0x612: {  	v2 =	vadd.f32 v2, v5;
	v5 =	vld [tilespmem:s14+$0xC0];
	[tilespmem:s10+$0x10] =	vst v4  }
0x613: {  	v4 =	vld [tilespmem:s22+$0x20]  }
0x614: {  	v3 =	vadd.f32 v6, v3;
	v2 =	vadd.f32 v7, v2;
	v6 =	vld [tilespmem:s20+$0x20]  }
0x615: {  	v46 =	vld [tilespmem:s8+$0x0]  }
0x616: {  	v7 =	vld [tilespmem:s14+$0x20];
	v3 =	vadd.f32 v42, v3;
	v1 =	vadd.f32 v8, v1;
	v2 =	vmax.f32 v2, $0.0e+00  }
0x617: {  	v18 =	vld [tilespmem:s12+$0xFFFFFF00];
	[tilespmem:s10+$0xFFFFFF20] =	vst v2  }
0x618: {  	v2 =	vmax.f32 v3, $0.0e+00;
	v1 =	vadd.f32 v5, v1;
	v3 =	vld [tilespmem:s22+$0xFFFFFF30]  }
0x619: {  	[tilespmem:s10+$0xFFFFFFA0] =	vst v2;
	v2 =	vld [tilespmem:s20+$0xFFFFFF30];
	v4 =	vadd.f32 v6, v4  }
0x61a: {  	v5 =	vld [tilespmem:s22+$0xFFFFFFB0];
	v1 =	vmax.f32 v1, $0.0e+00  }
0x61b: {  	[tilespmem:s10+$0xC0] =	vst v1;
	v4 =	vadd.f32 v7, v4;
	v7 =	vld [tilespmem:s14+$0xFFFFFF30]  }
0x61c: {  	v1 =	vld [tilespmem:s22+$0xD0]  }
0x61d: {  	v6 =	vld [tilespmem:s20+$0xD0]  }
0x61e: {  	v8 =	vld [tilespmem:s14+$0xD0];
	v4 =	vmax.f32 v4, $0.0e+00  }
0x61f: {  	[tilespmem:s10+$0x20] =	vst v4;
	v4 =	vld [tilespmem:s20+$0xFFFFFFB0]  }
0x620: {  	v2 =	vadd.f32 v2, v3;
	v43 =	vld [tilespmem:s22+$0x30]  }
0x621: {  	v3 =	vld [tilespmem:s20+$0x30]  }
0x622: {  	v2 =	vadd.f32 v7, v2;
	v1 =	vadd.f32 v6, v1;
	v6 =	vld [tilespmem:s14+$0xFFFFFFB0]  }
0x623: {  	v47 =	vld [tilespmem:s13+$0xFFFFFF00]  }
0x624: {  	v7 =	vld [tilespmem:s14+$0x30];
	v2 =	vmax.f32 v2, $0.0e+00;
	v1 =	vadd.f32 v8, v1  }
0x625: {  	v19 =	vld [tilespmem:s13+$0xFFFFFF80];
	v4 =	vadd.f32 v4, v5;
	[tilespmem:s10+$0xFFFFFF30] =	vst v2  }
0x626: {  	v2 =	vld [tilespmem:s22+$0xFFFFFF40];
	v1 =	vmax.f32 v1, $0.0e+00  }
0x627: {  	[tilespmem:s10+$0xD0] =	vst v1;
	v1 =	vadd.f32 v3, v43;
	v3 =	vadd.f32 v6, v4;
	v6 =	vld [tilespmem:s20+$0xFFFFFF40]  }
0x628: {  	v4 =	vld [tilespmem:s22+$0xE0]  }
0x629: {  	v5 =	vld [tilespmem:s20+$0xE0];
	v1 =	vadd.f32 v7, v1;
	v3 =	vmax.f32 v3, $0.0e+00  }
0x62a: {  	[tilespmem:s10+$0xFFFFFFB0] =	vst v3;
	v3 =	vld [tilespmem:s14+$0xE0]  }
0x62b: {  	v11 =	vadd.f32 v12, v11;
	v1 =	vmax.f32 v1, $0.0e+00;
	v7 =	vld [tilespmem:s22+$0xFFFFFFC0]  }
0x62c: {  	[tilespmem:s10+$0x30] =	vst v1;
	v1 =	vld [tilespmem:s20+$0xFFFFFFC0]  }
0x62d: {  	v11 =	vadd.f32 v14, v11;
	v8 =	vld [tilespmem:s22+$0x40]  }
0x62e: {  	v4 =	vadd.f32 v5, v4;
	v5 =	vld [tilespmem:s14+$0xFFFFFF40]  }
0x62f: {  	s11 =	simm.s32 $0x8C00;
	v15 =	vadd.f32 v16, v15;
	v11 =	vmax.f32 v11, $0.0e+00;
	v44 =	vld [tilespmem:s20+$0x40]  }
0x630: {  	[tilespmem:s11+$0x80] =	vst v11;
	v3 =	vadd.f32 v3, v4;
	v4 =	vld [tilespmem:s14+$0xFFFFFFC0]  }
0x631: {  	v15 =	vadd.f32 v19, v15;
	v11 =	vld [tilespmem:s12+$0x90];
	v2 =	vadd.f32 v6, v2  }
0x632: {  	v6 =	vld [tilespmem:s14+$0x40]  }
0x633: {  	v55 =	vmax.f32 v15, $0.0e+00;
	v49 =	vld [tilespmem:s8+$0x90];
	v1 =	vadd.f32 v1, v7;
	v5 =	vadd.f32 v5, v2  }
0x634: {  	[tilespmem:s11+$0xFFFFFF80] =	vst v55;
	v51 =	vld [tilespmem:s13+$0x90];
	v3 =	vmax.f32 v3, $0.0e+00  }
0x635: {  	v58 =	vld [tilespmem:s12+$0xFFFFFF90];
	[tilespmem:s10+$0xE0] =	vst v3;
	v7 =	vadd.f32 v44, v8;
	v4 =	vadd.f32 v4, v1;
	v5 =	vmax.f32 v5, $0.0e+00  }
0x636: {  	v2 =	vld [tilespmem:s22+$0xF0];
	[tilespmem:s10+$0xFFFFFF40] =	vst v5  }
0x637: {  	v5 =	vadd.f32 v6, v7;
	v4 =	vmax.f32 v4, $0.0e+00;
	v6 =	vld [tilespmem:s22+$0xFFFFFF50]  }
0x638: {  	[tilespmem:s10+$0xFFFFFFC0] =	vst v4;
	v4 =	vld [tilespmem:s20+$0xFFFFFF50]  }
0x639: {  	v3 =	vld [tilespmem:s20+$0xF0]  }
0x63a: {  	v10 =	vld [tilespmem:s14+$0xFFFFFF50]  }
0x63b: {  	v1 =	vld [tilespmem:s14+$0xF0]  }
0x63c: {  	v5 =	vmax.f32 v5, $0.0e+00;
	v7 =	vld [tilespmem:s22+$0xFFFFFFD0]  }
0x63d: {  	[tilespmem:s10+$0x40] =	vst v5;
	v5 =	vld [tilespmem:s20+$0xFFFFFFD0];
	v4 =	vadd.f32 v4, v6  }
0x63e: {  	v50 =	vld [tilespmem:s14+$0xFFFFFFD0]  }
0x63f: {  	v48 =	vadd.f32 v13, v18;
	v8 =	vld [tilespmem:s22+$0x50];
	v4 =	vadd.f32 v10, v4  }
0x640: {  	v45 =	vld [tilespmem:s20+$0x50]  }
0x641: {  	v6 =	vld [tilespmem:s13+$0x0];
	v10 =	vadd.f32 v47, v48;
	v4 =	vmax.f32 v4, $0.0e+00  }
0x642: {  	v5 =	vadd.f32 v5, v7;
	[tilespmem:s10+$0xFFFFFF50] =	vst v4;
	v4 =	vld [tilespmem:s14+$0x50]  }
0x643: {  	v53 =	vadd.f32 v49, v11;
	v10 =	vmax.f32 v10, $0.0e+00;
	v52 =	vld [tilespmem:s22+$0xFFFFFF60]  }
0x644: {  	v5 =	vadd.f32 v50, v5;
	[tilespmem:s11+$0xFFFFFF00] =	vst v10;
	v54 =	vld [tilespmem:s20+$0xFFFFFF60]  }
0x645: {  	v10 =	vadd.f32 v51, v53;
	v56 =	vld [tilespmem:s12+$0xFFFFFF10]  }
0x646: {  	v5 =	vmax.f32 v5, $0.0e+00;
	v57 =	vld [tilespmem:s8+$0xFFFFFF10]  }
0x647: {  	v62 =	vld [tilespmem:s13+$0xFFFFFF10];
	[tilespmem:s10+$0xFFFFFFD0] =	vst v5;
	v10 =	vmax.f32 v10, $0.0e+00  }
0x648: {  	v63 =	vld [tilespmem:s22+$0xFFFFFFE0];
	[tilespmem:s11+$0x90] =	vst v10  }
0x649: {  	v12 =	vadd.f32 v46, v17;
	v10 =	vld [tilespmem:s12+$0xA0]  }
0x64a: {  	v7 =	vld [tilespmem:s8+$0xA0]  }
0x64b: {  	v6 =	vadd.f32 v6, v12;
	v21 =	vld [tilespmem:s20+$0xFFFFFFE0]  }
0x64c: {  	v8 =	vadd.f32 v45, v8;
	v61 =	vld [tilespmem:s13+$0xA0]  }
0x64d: {  	v6 =	vmax.f32 v6, $0.0e+00;
	v32 =	vld [tilespmem:s14+$0xFFFFFFE0]  }
0x64e: {  	[tilespmem:s11+$0x0] =	vst v6;
	v6 =	vld [tilespmem:s8+$0xFFFFFF90];
	v4 =	vadd.f32 v4, v8  }
0x64f: {  	v59 =	vld [tilespmem:s12+$0x10];
	v7 =	vadd.f32 v7, v10  }
0x650: {  	v60 =	vld [tilespmem:s8+$0x10];
	v4 =	vmax.f32 v4, $0.0e+00  }
0x651: {  	v5 =	vld [tilespmem:s13+$0x10];
	[tilespmem:s10+$0x50] =	vst v4;
	v4 =	vadd.f32 v57, v56;
	v7 =	vadd.f32 v61, v7  }
0x652: {  	v8 =	vld [tilespmem:s13+$0xFFFFFF90]  }
0x653: {  	v9 =	vadd.f32 v21, v63;
	v22 =	vld [tilespmem:s22+$0x60];
	v4 =	vadd.f32 v62, v4;
	v7 =	vmax.f32 v7, $0.0e+00  }
0x654: {  	v23 =	vld [tilespmem:s20+$0x60];
	[tilespmem:s11+$0xA0] =	vst v7  }
0x655: {  	v9 =	vadd.f32 v32, v9;
	v4 =	vmax.f32 v4, $0.0e+00;
	v24 =	vld [tilespmem:s12+$0xB0]  }
0x656: {  	[tilespmem:s11+$0xFFFFFF10] =	vst v4;
	v4 =	vld [tilespmem:s8+$0xB0]  }
0x657: {  	v6 =	vadd.f32 v6, v58;
	v34 =	vld [tilespmem:s14+$0x60];
	v9 =	vmax.f32 v9, $0.0e+00  }
0x658: {  	[tilespmem:s10+$0xFFFFFFE0] =	vst v9;
	v25 =	vld [tilespmem:s13+$0xB0]  }
0x659: {  	v6 =	vadd.f32 v8, v6;
	v45 =	vld [tilespmem:s22+$0xFFFFFFF0]  }
0x65a: {  	v15 =	vadd.f32 v60, v59;
	v46 =	vld [tilespmem:s20+$0xFFFFFFF0]  }
0x65b: {  	v6 =	vmax.f32 v6, $0.0e+00;
	v8 =	vld [tilespmem:s12+$0xFFFFFF20];
	v4 =	vadd.f32 v4, v24  }
0x65c: {  	v5 =	vadd.f32 v5, v15;
	[tilespmem:s11+$0xFFFFFF90] =	vst v6;
	v6 =	vld [tilespmem:s8+$0xFFFFFF20]  }
0x65d: {  	v7 =	vld [tilespmem:s14+$0xFFFFFF60];
	v4 =	vadd.f32 v25, v4  }
0x65e: {  	v5 =	vmax.f32 v5, $0.0e+00;
	v26 =	vld [tilespmem:s12+$0xFFFFFFA0]  }
0x65f: {  	[tilespmem:s11+$0x10] =	vst v5;
	v5 =	vld [tilespmem:s8+$0xFFFFFFA0];
	v4 =	vmax.f32 v4, $0.0e+00  }
0x660: {  	v29 =	vld [tilespmem:s13+$0xFFFFFF20];
	[tilespmem:s11+$0xB0] =	vst v4  }
0x661: {  	v4 =	vadd.f32 v6, v8;
	v6 =	vld [tilespmem:s12+$0xC0]  }
0x662: {  	v8 =	vld [tilespmem:s8+$0xC0]  }
0x663: {  	v30 =	vld [tilespmem:s13+$0xFFFFFFA0];
	v12 =	vadd.f32 v23, v22  }
0x664: {  	v11 =	vadd.f32 v54, v52;
	v33 =	vld [tilespmem:s13+$0xC0]  }
0x665: {  	v2 =	vadd.f32 v3, v2;
	v3 =	vld [tilespmem:s14+$0xFFFFFFF0];
	v12 =	vadd.f32 v34, v12  }
0x666: {  	v27 =	vld [tilespmem:s12+$0x20];
	v7 =	vadd.f32 v7, v11;
	v5 =	vadd.f32 v5, v26  }
0x667: {  	v28 =	vld [tilespmem:s8+$0x20];
	v44 =	vmax.f32 v12, $0.0e+00;
	v4 =	vadd.f32 v29, v4;
	v6 =	vadd.f32 v8, v6  }
0x668: {  	v31 =	vld [tilespmem:s13+$0x20];
	[tilespmem:s10+$0x60] =	vst v44;
	v7 =	vmax.f32 v7, $0.0e+00;
	v5 =	vadd.f32 v30, v5  }
0x669: {  	v47 =	vld [tilespmem:s22+$0x70];
	[tilespmem:s10+$0xFFFFFF60] =	vst v7;
	v4 =	vmax.f32 v4, $0.0e+00;
	v6 =	vadd.f32 v33, v6  }
0x66a: {  	v5 =	vmax.f32 v5, $0.0e+00;
	v43 =	vld [tilespmem:s20+$0xFFFFFF70];
	[tilespmem:s11+$0xFFFFFF20] =	vst v4  }
0x66b: {  	[tilespmem:s11+$0xFFFFFFA0] =	vst v5;
	v35 =	vld [tilespmem:s12+$0xFFFFFF30];
	v6 =	vmax.f32 v6, $0.0e+00  }
0x66c: {  	v7 =	vadd.f32 v28, v27;
	v5 =	vld [tilespmem:s8+$0xFFFFFF30];
	[tilespmem:s11+$0xC0] =	vst v6  }
0x66d: {  	v6 =	vld [tilespmem:s12+$0xD0]  }
0x66e: {  	v7 =	vadd.f32 v31, v7;
	v38 =	vld [tilespmem:s8+$0xD0]  }
0x66f: {  	v39 =	vld [tilespmem:s13+$0xFFFFFF30]  }
0x670: {  	v7 =	vmax.f32 v7, $0.0e+00;
	v40 =	vld [tilespmem:s13+$0xD0]  }
0x671: {  	[tilespmem:s11+$0x20] =	vst v7;
	v7 =	vld [tilespmem:s8+$0xFFFFFFB0]  }
0x672: {  	v8 =	vld [tilespmem:s12+$0xFFFFFFB0];
	v5 =	vadd.f32 v5, v35  }
0x673: {  	v41 =	vld [tilespmem:s13+$0xFFFFFFB0];
	v6 =	vadd.f32 v38, v6  }
0x674: {  	v36 =	vld [tilespmem:s12+$0x30];
	v5 =	vadd.f32 v39, v5  }
0x675: {  	v37 =	vld [tilespmem:s8+$0x30];
	v6 =	vadd.f32 v40, v6  }
0x676: {  	v42 =	vld [tilespmem:s13+$0x30];
	v5 =	vmax.f32 v5, $0.0e+00  }
0x677: {  	v4 =	vld [tilespmem:s22+$0xFFFFFF70];
	v7 =	vadd.f32 v7, v8;
	[tilespmem:s11+$0xFFFFFF30] =	vst v5;
	v5 =	vmax.f32 v6, $0.0e+00  }
0x678: {  	v8 =	vld [tilespmem:s12+$0xFFFFFF40];
	[tilespmem:s11+$0xD0] =	vst v5  }
0x679: {  	v7 =	vadd.f32 v41, v7;
	v48 =	vld [tilespmem:s12+$0xE0]  }
0x67a: {  	v49 =	vld [tilespmem:s8+$0xE0]  }
0x67b: {  	v7 =	vmax.f32 v7, $0.0e+00;
	v50 =	vld [tilespmem:s8+$0xFFFFFF40];
	v5 =	vadd.f32 v37, v36  }
0x67c: {  	[tilespmem:s11+$0xFFFFFFB0] =	vst v7;
	v7 =	vld [tilespmem:s13+$0xE0]  }
0x67d: {  	v51 =	vld [tilespmem:s12+$0xFFFFFFC0];
	v5 =	vadd.f32 v42, v5  }
0x67e: {  	v54 =	vld [tilespmem:s13+$0xFFFFFF40]  }
0x67f: {  	v55 =	vld [tilespmem:s13+$0xFFFFFFC0];
	v5 =	vmax.f32 v5, $0.0e+00;
	v13 =	vadd.f32 v49, v48  }
0x680: {  	[tilespmem:s11+$0x30] =	vst v5;
	v5 =	vld [tilespmem:s8+$0xFFFFFFC0]  }
0x681: {  	v52 =	vld [tilespmem:s12+$0x40];
	v7 =	vadd.f32 v7, v13  }
0x682: {  	v53 =	vld [tilespmem:s8+$0x40]  }
0x683: {  	v56 =	vld [tilespmem:s13+$0x40];
	v7 =	vmax.f32 v7, $0.0e+00  }
0x684: {  	v8 =	vadd.f32 v50, v8;
	[tilespmem:s11+$0xE0] =	vst v7;
	v7 =	vld [tilespmem:s14+$0xFFFFFF70]  }
0x685: {  	v57 =	vld [tilespmem:s12+$0xF0]  }
0x686: {  	v8 =	vadd.f32 v54, v8;
	v5 =	vadd.f32 v5, v51;
	v58 =	vld [tilespmem:s8+$0xF0]  }
0x687: {  	v6 =	vld [tilespmem:s20+$0x70]  }
0x688: {  	v8 =	vmax.f32 v8, $0.0e+00;
	v15 =	vadd.f32 v53, v52;
	v5 =	vadd.f32 v55, v5;
	v59 =	vld [tilespmem:s13+$0xF0]  }
0x689: {  	v1 =	vadd.f32 v1, v2;
	v2 =	vadd.f32 v43, v4;
	[tilespmem:s11+$0xFFFFFF40] =	vst v8;
	v8 =	vld [tilespmem:s14+$0x70]  }
0x68a: {  	v4 =	vadd.f32 v46, v45;
	v61 =	vld [tilespmem:s12+$0xFFFFFF50];
	v60 =	vadd.f32 v56, v15;
	v5 =	vmax.f32 v5, $0.0e+00  }
0x68b: {  	v1 =	vmax.f32 v1, $0.0e+00;
	v62 =	vld [tilespmem:s8+$0xFFFFFF50];
	[tilespmem:s11+$0xFFFFFFC0] =	vst v5;
	v7 =	vadd.f32 v7, v2;
	v5 =	vadd.f32 v58, v57  }
0x68c: {  	[tilespmem:s10+$0xF0] =	vst v1;
	v63 =	vadd.f32 v3, v4;
	v1 =	vadd.f32 v6, v47;
	v6 =	vmax.f32 v60, $0.0e+00;
	v2 =	vld [tilespmem:s12+$0xFFFFFFD0]  }
0x68d: {  	[tilespmem:s11+$0x40] =	vst v6;
	v4 =	vld [tilespmem:s8+$0xFFFFFFD0];
	v3 =	vmax.f32 v7, $0.0e+00;
	v6 =	vadd.f32 v59, v5  }
0x68e: {  	v1 =	vadd.f32 v8, v1;
	v7 =	vmax.f32 v63, $0.0e+00;
	[tilespmem:s10+$0xFFFFFF70] =	vst v3;
	v3 =	vld [tilespmem:s12+$0x50]  }
0x68f: {  	s23 =	simm.s32 $0x1600;
	v5 =	vld [tilespmem:s8+$0x50];
	[tilespmem:s10+$0xFFFFFFF0] =	vst v7;
	v8 =	vmax.f32 v6, $0.0e+00  }
0x690: {  	s22 =	simm.s32 $0x4;
	s20 =	simm.s32 $0x3C00;
	s14 =	simm.s32 $0x6400;
	v1 =	vmax.f32 v1, $0.0e+00;
	v7 =	vld [tilespmem:s13+$0xFFFFFF50];
	v6 =	vadd.f32 v62, v61;
	[tilespmem:s11+$0xF0] =	vst v8  }
.LBB2_15:
0x691: {  	v8 =	vld [tilespmem:s23+$0x80];
	s8 =	sadd.s32 $0x200, s8;
	[tilespmem:s10+$0x70] =	vst v1;
	s10 =	smov.u32 s11  }
0x692: {  	v1 =	vld [tilespmem:s8+$0x80];
	v2 =	vadd.f32 v4, v2  }
0x693: {  	s13 =	sadd.s32 $0x200, s13;
	v4 =	vld [tilespmem:s8+$0xFFFFFF00]  }
0x694: {  	v9 =	vld [tilespmem:s13+$0x80];
	v3 =	vadd.f32 v5, v3  }
0x695: {  	v5 =	vld [tilespmem:s23+$0xFFFFFF80];
	v6 =	vadd.f32 v7, v6  }
0x696: {  	v7 =	vld [tilespmem:s8+$0xFFFFFF80]  }
0x697: {  	v10 =	vld [tilespmem:s23+$0x0];
	v1 =	vadd.f32 v1, v8;
	v6 =	vmax.f32 v6, $0.0e+00  }
0x698: {  	v8 =	vld [tilespmem:s8+$0x0];
	[tilespmem:s11+$0xFFFFFF50] =	vst v6  }
0x699: {  	s22 =	sadd.s32 $0x4, s22;
	v6 =	vld [tilespmem:s23+$0xFFFFFF00];
	v1 =	vadd.f32 v9, v1  }
0x69a: {  	p0 =	slt.u32 s22, $0x24;
	v9 =	vld [tilespmem:s13+$0xFFFFFF00]  }
0x69b: {  	s11 =	sadd.s32 $0x200, s11;
	v5 =	vadd.f32 v7, v5;
	v7 =	vld [tilespmem:s13+$0xFFFFFF80];
	v1 =	vmax.f32 v1, $0.0e+00  }
0x69c: {  	v11 =	vld [tilespmem:s13+$0x0];
	[tilespmem:s11+$0x80] =	vst v1  }
0x69d: {  	v1 =	vadd.f32 v8, v10;
	v8 =	vld [tilespmem:s23+$0x90]  }
0x69e: {  	v4 =	vadd.f32 v4, v6;
	v6 =	vld [tilespmem:s8+$0x90]  }
0x69f: {  	v10 =	vld [tilespmem:s14+$0xFFFFFFD0]  }
0x6a0: {  	v4 =	vadd.f32 v9, v4;
	v5 =	vadd.f32 v7, v5;
	v7 =	vld [tilespmem:s13+$0x90]  }
0x6a1: {  	v1 =	vadd.f32 v11, v1;
	v9 =	vld [tilespmem:s14+$0x50]  }
0x6a2: {  	v4 =	vmax.f32 v4, $0.0e+00;
	v5 =	vmax.f32 v5, $0.0e+00;
	v11 =	vld [tilespmem:s12+$0xFFFFFF60]  }
0x6a3: {  	[tilespmem:s11+$0xFFFFFF00] =	vst v4;
	v1 =	vmax.f32 v1, $0.0e+00;
	v4 =	vadd.f32 v6, v8;
	v6 =	vld [tilespmem:s20+$0xFFFFFF60]  }
0x6a4: {  	v8 =	vld [tilespmem:s23+$0xFFFFFF10];
	[tilespmem:s11+$0xFFFFFF80] =	vst v5;
	v2 =	vadd.f32 v10, v2  }
0x6a5: {  	v5 =	vld [tilespmem:s8+$0xFFFFFF10];
	[tilespmem:s11+$0x0] =	vst v1;
	v1 =	vadd.f32 v7, v4  }
0x6a6: {  	v4 =	vld [tilespmem:s23+$0xFFFFFF90];
	v2 =	vmax.f32 v2, $0.0e+00;
	v3 =	vadd.f32 v9, v3  }
0x6a7: {  	v7 =	vld [tilespmem:s8+$0xFFFFFF90];
	v1 =	vmax.f32 v1, $0.0e+00;
	[tilespmem:s10+$0xFFFFFFD0] =	vst v2  }
0x6a8: {  	v2 =	vld [tilespmem:s23+$0x10];
	[tilespmem:s11+$0x90] =	vst v1;
	v1 =	vadd.f32 v6, v11;
	v3 =	vmax.f32 v3, $0.0e+00  }
0x6a9: {  	v6 =	vld [tilespmem:s23+$0xA0];
	[tilespmem:s10+$0x50] =	vst v3  }
0x6aa: {  	v3 =	vadd.f32 v5, v8;
	v5 =	vld [tilespmem:s8+$0xA0]  }
0x6ab: {  	v8 =	vld [tilespmem:s8+$0x10]  }
0x6ac: {  	v4 =	vadd.f32 v7, v4;
	v7 =	vld [tilespmem:s13+$0xA0]  }
0x6ad: {  	v9 =	vld [tilespmem:s13+$0xFFFFFF10]  }
0x6ae: {  	v10 =	vld [tilespmem:s13+$0xFFFFFF90]  }
0x6af: {  	v11 =	vld [tilespmem:s13+$0x10];
	v5 =	vadd.f32 v5, v6  }
0x6b0: {  	v2 =	vadd.f32 v8, v2;
	v6 =	vld [tilespmem:s12+$0xFFFFFFE0]  }
0x6b1: {  	v5 =	vadd.f32 v7, v5;
	v7 =	vld [tilespmem:s20+$0xFFFFFFE0]  }
0x6b2: {  	v3 =	vadd.f32 v9, v3;
	v8 =	vld [tilespmem:s12+$0x60]  }
0x6b3: {  	v4 =	vadd.f32 v10, v4;
	v5 =	vmax.f32 v5, $0.0e+00;
	v9 =	vld [tilespmem:s20+$0x60]  }
0x6b4: {  	v3 =	vmax.f32 v3, $0.0e+00;
	v2 =	vadd.f32 v11, v2;
	[tilespmem:s11+$0xA0] =	vst v5;
	v5 =	vld [tilespmem:s14+$0xFFFFFF60]  }
0x6b5: {  	[tilespmem:s11+$0xFFFFFF10] =	vst v3;
	v3 =	vmax.f32 v4, $0.0e+00;
	v4 =	vld [tilespmem:s23+$0xB0]  }
0x6b6: {  	[tilespmem:s11+$0xFFFFFF90] =	vst v3;
	v2 =	vmax.f32 v2, $0.0e+00;
	v3 =	vld [tilespmem:s8+$0xB0];
	v6 =	vadd.f32 v7, v6  }
0x6b7: {  	v7 =	vld [tilespmem:s23+$0xFFFFFF20];
	[tilespmem:s11+$0x10] =	vst v2  }
0x6b8: {  	v2 =	vld [tilespmem:s13+$0xB0];
	v8 =	vadd.f32 v9, v8  }
0x6b9: {  	v9 =	vld [tilespmem:s8+$0xFFFFFF20];
	v1 =	vadd.f32 v5, v1  }
0x6ba: {  	v5 =	vld [tilespmem:s23+$0xFFFFFFA0]  }
0x6bb: {  	v10 =	vld [tilespmem:s8+$0xFFFFFFA0];
	v3 =	vadd.f32 v3, v4;
	v1 =	vmax.f32 v1, $0.0e+00  }
0x6bc: {  	v4 =	vld [tilespmem:s23+$0x20];
	[tilespmem:s10+$0xFFFFFF60] =	vst v1  }
0x6bd: {  	v1 =	vld [tilespmem:s8+$0x20];
	v2 =	vadd.f32 v2, v3  }
0x6be: {  	v3 =	vadd.f32 v9, v7;
	v7 =	vld [tilespmem:s13+$0xFFFFFF20]  }
0x6bf: {  	v9 =	vld [tilespmem:s13+$0xFFFFFFA0];
	v2 =	vmax.f32 v2, $0.0e+00  }
0x6c0: {  	v5 =	vadd.f32 v10, v5;
	v10 =	vld [tilespmem:s13+$0x20];
	[tilespmem:s11+$0xB0] =	vst v2  }
0x6c1: {  	v2 =	vld [tilespmem:s23+$0xC0]  }
0x6c2: {  	v1 =	vadd.f32 v1, v4;
	v4 =	vld [tilespmem:s8+$0xC0]  }
0x6c3: {  	v3 =	vadd.f32 v7, v3;
	v7 =	vld [tilespmem:s14+$0xFFFFFFE0]  }
0x6c4: {  	v5 =	vadd.f32 v9, v5;
	v9 =	vld [tilespmem:s13+$0xC0]  }
0x6c5: {  	v3 =	vmax.f32 v3, $0.0e+00;
	v1 =	vadd.f32 v10, v1;
	v10 =	vld [tilespmem:s14+$0x60]  }
0x6c6: {  	[tilespmem:s11+$0xFFFFFF20] =	vst v3;
	v3 =	vmax.f32 v5, $0.0e+00;
	v5 =	vld [tilespmem:s12+$0xFFFFFF70]  }
0x6c7: {  	v11 =	vld [tilespmem:s23+$0xFFFFFF30];
	[tilespmem:s11+$0xFFFFFFA0] =	vst v3;
	v1 =	vmax.f32 v1, $0.0e+00;
	v2 =	vadd.f32 v4, v2  }
0x6c8: {  	v3 =	vld [tilespmem:s8+$0xFFFFFF30];
	[tilespmem:s11+$0x20] =	vst v1;
	v1 =	vadd.f32 v7, v6  }
0x6c9: {  	v4 =	vld [tilespmem:s23+$0xFFFFFFB0];
	v2 =	vadd.f32 v9, v2  }
0x6ca: {  	v6 =	vld [tilespmem:s8+$0xFFFFFFB0];
	v1 =	vmax.f32 v1, $0.0e+00;
	v7 =	vadd.f32 v10, v8  }
0x6cb: {  	v8 =	vld [tilespmem:s23+$0x30];
	v2 =	vmax.f32 v2, $0.0e+00;
	[tilespmem:s10+$0xFFFFFFE0] =	vst v1  }
0x6cc: {  	v1 =	vld [tilespmem:s8+$0x30];
	[tilespmem:s11+$0xC0] =	vst v2;
	v2 =	vmax.f32 v7, $0.0e+00  }
0x6cd: {  	v3 =	vadd.f32 v3, v11;
	v7 =	vld [tilespmem:s23+$0xD0];
	[tilespmem:s10+$0x60] =	vst v2  }
0x6ce: {  	v2 =	vld [tilespmem:s8+$0xD0]  }
0x6cf: {  	v9 =	vld [tilespmem:s13+$0xFFFFFF30];
	v4 =	vadd.f32 v6, v4  }
0x6d0: {  	v6 =	vld [tilespmem:s13+$0xD0]  }
0x6d1: {  	v10 =	vld [tilespmem:s13+$0xFFFFFFB0];
	v1 =	vadd.f32 v1, v8  }
0x6d2: {  	v8 =	vld [tilespmem:s13+$0x30]  }
0x6d3: {  	v2 =	vadd.f32 v2, v7;
	v7 =	vld [tilespmem:s20+$0xFFFFFF70]  }
0x6d4: {  	v3 =	vadd.f32 v9, v3;
	v9 =	vld [tilespmem:s12+$0xFFFFFFF0]  }
0x6d5: {  	v2 =	vadd.f32 v6, v2;
	v6 =	vld [tilespmem:s20+$0xFFFFFFF0]  }
0x6d6: {  	v3 =	vmax.f32 v3, $0.0e+00;
	v4 =	vadd.f32 v10, v4;
	v10 =	vld [tilespmem:s12+$0x70];
	s12 =	smov.u32 s23  }
0x6d7: {  	[tilespmem:s11+$0xFFFFFF30] =	vst v3;
	v1 =	vadd.f32 v8, v1;
	v2 =	vmax.f32 v2, $0.0e+00;
	v3 =	vld [tilespmem:s20+$0x70];
	s20 =	smov.u32 s8  }
0x6d8: {  	v8 =	vld [tilespmem:s23+$0xFFFFFF40];
	v4 =	vmax.f32 v4, $0.0e+00;
	[tilespmem:s11+$0xD0] =	vst v2;
	v2 =	vadd.f32 v7, v5  }
0x6d9: {  	[tilespmem:s11+$0xFFFFFFB0] =	vst v4;
	v1 =	vmax.f32 v1, $0.0e+00;
	v4 =	vld [tilespmem:s23+$0xE0]  }
0x6da: {  	[tilespmem:s11+$0x30] =	vst v1;
	v1 =	vld [tilespmem:s8+$0xE0];
	v5 =	vadd.f32 v6, v9  }
0x6db: {  	v6 =	vld [tilespmem:s8+$0xFFFFFF40]  }
0x6dc: {  	v7 =	vld [tilespmem:s13+$0xE0];
	v9 =	vadd.f32 v3, v10  }
0x6dd: {  	v3 =	vld [tilespmem:s23+$0xFFFFFFC0]  }
0x6de: {  	v10 =	vld [tilespmem:s8+$0xFFFFFFC0]  }
0x6df: {  	v11 =	vld [tilespmem:s23+$0x40];
	v1 =	vadd.f32 v1, v4  }
0x6e0: {  	v4 =	vadd.f32 v6, v8;
	v6 =	vld [tilespmem:s8+$0x40]  }
0x6e1: {  	v8 =	vld [tilespmem:s13+$0xFFFFFF40];
	v1 =	vadd.f32 v7, v1  }
0x6e2: {  	v7 =	vld [tilespmem:s13+$0xFFFFFFC0]  }
0x6e3: {  	v3 =	vadd.f32 v10, v3;
	v10 =	vld [tilespmem:s13+$0x40];
	v1 =	vmax.f32 v1, $0.0e+00  }
0x6e4: {  	[tilespmem:s11+$0xE0] =	vst v1;
	v1 =	vld [tilespmem:s14+$0xFFFFFF70]  }
0x6e5: {  	v6 =	vadd.f32 v6, v11;
	v11 =	vld [tilespmem:s23+$0xF0]  }
0x6e6: {  	v4 =	vadd.f32 v8, v4;
	v8 =	vld [tilespmem:s8+$0xF0]  }
0x6e7: {  	v3 =	vadd.f32 v7, v3;
	v7 =	vld [tilespmem:s14+$0xFFFFFFF0]  }
0x6e8: {  	v4 =	vmax.f32 v4, $0.0e+00;
	v6 =	vadd.f32 v10, v6;
	v10 =	vld [tilespmem:s13+$0xF0]  }
0x6e9: {  	[tilespmem:s11+$0xFFFFFF40] =	vst v4;
	v3 =	vmax.f32 v3, $0.0e+00;
	v1 =	vadd.f32 v1, v2;
	v12 =	vld [tilespmem:s14+$0x70];
	s14 =	smov.u32 s13  }
0x6ea: {  	v13 =	vld [tilespmem:s23+$0xFFFFFF50];
	[tilespmem:s11+$0xFFFFFFC0] =	vst v3;
	v2 =	vmax.f32 v6, $0.0e+00  }
0x6eb: {  	v6 =	vld [tilespmem:s8+$0xFFFFFF50];
	[tilespmem:s11+$0x40] =	vst v2;
	v3 =	vadd.f32 v8, v11;
	v1 =	vmax.f32 v1, $0.0e+00  }
.Ltmp6:
0x6ec: {  	v2 =	vld [tilespmem:s23+$0xFFFFFFD0];
	[tilespmem:s10+$0xFFFFFF70] =	vst v1;
	v1 =	vadd.f32 v7, v5;
	(pc) =	sbr.rel @p0 .LBB2_15-.Ltmp6, $4  }
0x6ed: {  	v4 =	vld [tilespmem:s8+$0xFFFFFFD0];
	v7 =	vadd.f32 v10, v3  }
0x6ee: {  	v3 =	vld [tilespmem:s23+$0x50];
	v1 =	vmax.f32 v1, $0.0e+00;
	v8 =	vadd.f32 v12, v9  }
0x6ef: {  	v5 =	vld [tilespmem:s8+$0x50];
	v9 =	vmax.f32 v7, $0.0e+00;
	[tilespmem:s10+$0xFFFFFFF0] =	vst v1  }
0x6f0: {  	s23 =	sadd.s32 $0x200, s23;
	v6 =	vadd.f32 v6, v13;
	v7 =	vld [tilespmem:s13+$0xFFFFFF50];
	[tilespmem:s11+$0xF0] =	vst v9;
	v1 =	vmax.f32 v8, $0.0e+00  }
0x6f1: {  	_ =	sdelay $0x1  }
0x6f2: {  	v8 =	vld [tilespmem:s14+$0xFFFFFFD0];
	_ =	sdelay $0x1  }
0x6f3: {  	v9 =	vld [tilespmem:s14+$0x50];
	v2 =	vadd.f32 v4, v2;
	v4 =	vadd.f32 v7, v6;
	_ =	sdelay $0x1  }
0x6f4: {  	v4 =	vmax.f32 v4, $0.0e+00  }
0x6f5: {  	v3 =	vadd.f32 v5, v3;
	v2 =	vadd.f32 v8, v2;
	[tilespmem:s11+$0xFFFFFF50] =	vst v4  }
0x6f6: {  	v4 =	vld [tilespmem:s12+$0xFFFFFF60]  }
0x6f7: {  	v3 =	vadd.f32 v9, v3;
	v2 =	vmax.f32 v2, $0.0e+00;
	v5 =	vld [tilespmem:s20+$0xFFFFFF60]  }
0x6f8: {  	[tilespmem:s11+$0xFFFFFFD0] =	vst v2;
	v7 =	vld [tilespmem:s14+$0xFFFFFF60]  }
0x6f9: {  	v2 =	vmax.f32 v3, $0.0e+00;
	v3 =	vld [tilespmem:s12+$0xFFFFFFE0]  }
0x6fa: {  	[tilespmem:s11+$0x50] =	vst v2;
	v2 =	vld [tilespmem:s20+$0xFFFFFFE0]  }
0x6fb: {  	v38 =	vld [tilespmem:s14+$0xFFFFFFE0]  }
0x6fc: {  	v6 =	vld [tilespmem:s12+$0x60]  }
0x6fd: {  	v8 =	vld [tilespmem:s20+$0x60];
	v4 =	vadd.f32 v5, v4;
	_ =	sdelay $0x1  }
0x6fe: {  	v5 =	vld [tilespmem:s14+$0x60];
	v2 =	vadd.f32 v2, v3;
	v3 =	vadd.f32 v7, v4;
	_ =	sdelay $0x1  }
0x6ff: {  	v2 =	vadd.f32 v38, v2;
	v3 =	vmax.f32 v3, $0.0e+00  }
0x700: {  	v4 =	vadd.f32 v8, v6;
	[tilespmem:s11+$0xFFFFFF60] =	vst v3  }
0x701: {  	v2 =	vmax.f32 v2, $0.0e+00;
	v3 =	vld [tilespmem:s12+$0xFFFFFF70]  }
0x702: {  	v4 =	vadd.f32 v5, v4;
	[tilespmem:s11+$0xFFFFFFE0] =	vst v2;
	v2 =	vld [tilespmem:s20+$0xFFFFFF70]  }
0x703: {  	v8 =	vld [tilespmem:s14+$0xFFFFFF70]  }
0x704: {  	v4 =	vmax.f32 v4, $0.0e+00;
	v5 =	vld [tilespmem:s12+$0xFFFFFFF0]  }
0x705: {  	[tilespmem:s11+$0x60] =	vst v4;
	v4 =	vld [tilespmem:s20+$0xFFFFFFF0]  }
0x706: {  	v6 =	vld [tilespmem:s12+$0x70]  }
0x707: {  	v7 =	vld [tilespmem:s20+$0x70]  }
0x708: {  	v39 =	vld [tilespmem:s14+$0xFFFFFFF0]  }
0x709: {  	v10 =	vld [tilespmem:s14+$0x70]  }
0x70a: {  	v2 =	vadd.f32 v2, v3  }
0x70b: {  	v3 =	vadd.f32 v4, v5  }
0x70c: {  	v2 =	vadd.f32 v8, v2;
	v4 =	vadd.f32 v7, v6  }
0x70d: {  	v3 =	vadd.f32 v39, v3  }
0x70e: {  	[tilespmem:s10+$0x70] =	vst v1;
	v1 =	vmax.f32 v2, $0.0e+00;
	v2 =	vadd.f32 v10, v4  }
0x70f: {  	[tilespmem:s11+$0xFFFFFF70] =	vst v1;
	v1 =	vmax.f32 v3, $0.0e+00  }
0x710: {  	[tilespmem:s11+$0xFFFFFFF0] =	vst v1;
	v1 =	vmax.f32 v2, $0.0e+00  }
0x711: {  	[tilespmem:s11+$0x70] =	vst v1  }
0x712: {  	[spmem:s18] =	stream.indirect.scatter.add.f32 [tilespmem:s3], [sflag:$0x7], $0x80, s2, s21, $0xb8;
	[tilespmem:$0x1F100] =	vst v63  }
0x713: {  	_ =	swait.ge [sflag:s6], $0x1400  }
0x714: {  	[sflag:s6] =	ssyncset.done $0x0  }
0x715: {  	[sflag:s6] =	ssyncadd.s32 $0xFFFFEC00  }
0x716: {  	_ =	swait.ge [sflag:s9], $0x1400  }
0x717: {  	[sflag:s9] =	ssyncset.done $0x0  }
0x718: {  	[sflag:s9] =	ssyncadd.s32 $0xFFFFEC00  }
0x719: {  	_ =	swait.ge [sflag:s25], $0x1400  }
0x71a: {  	[sflag:s25] =	ssyncset.done $0x0  }
0x71b: {  	[sflag:s25] =	ssyncadd.s32 $0xFFFFEC00  }
0x71c: {  	_ =	swait.ge [sflag:s4], $0x1400  }
0x71d: {  	[sflag:s4] =	ssyncset.done $0x0  }
0x71e: {  	[sflag:s4] =	ssyncadd.s32 $0xFFFFEC00  }
0x71f: {  	v1 =	vld [tilespmem:$0xFA8]  }
0x720: {  	v2 =	vld [tilespmem:$0xFB8]  }
0x721: {  	v3 =	vld [tilespmem:$0xFC0];
	_ =	sdelay $0x2  }
0x722: {  	[tilespmem:$0x1080] =	vst v1  }
0x723: {  	[tilespmem:$0x1090] =	vst v2  }
0x724: {  	s22 =	simm.s32 $0x2600;
	[tilespmem:$0x1098] =	vst v3  }
0x725: {  	s26 =	simm.s32 $0x4E00;
	v1 =	vld [tilespmem:s22+$0x80]  }
0x726: {  	s28 =	simm.s32 $0x7600;
	v2 =	vld [tilespmem:s26+$0x80]  }
0x727: {  	v3 =	vld [tilespmem:s28+$0x80]  }
0x728: {  	v4 =	vld [tilespmem:s26+$0xFFFFFF00]  }
0x729: {  	v5 =	vld [tilespmem:s22+$0xFFFFFF80]  }
0x72a: {  	v6 =	vld [tilespmem:s26+$0xFFFFFF80]  }
0x72b: {  	v7 =	vld [tilespmem:s28+$0xFFFFFF80];
	v1 =	vadd.f32 v2, v1  }
0x72c: {  	s12 =	simm.s32 $0x2800;
	v8 =	vld [tilespmem:s22+$0x0]  }
0x72d: {  	s8 =	simm.s32 $0x5000;
	v11 =	vld [tilespmem:s12+$0x80];
	v1 =	vadd.f32 v3, v1  }
0x72e: {  	v12 =	vld [tilespmem:s8+$0x80]  }
0x72f: {  	s10 =	simm.s32 $0x9E00;
	s13 =	simm.s32 $0x7800;
	v13 =	vld [tilespmem:s8+$0xFFFFFF00];
	v1 =	vmax.f32 v1, $0.0e+00  }
0x730: {  	v14 =	vld [tilespmem:s13+$0x80];
	[tilespmem:s10+$0x80] =	vst v1  }
0x731: {  	v1 =	vld [tilespmem:s22+$0x90]  }
0x732: {  	v2 =	vld [tilespmem:s26+$0x90]  }
0x733: {  	v15 =	vld [tilespmem:s12+$0xFFFFFF80]  }
0x734: {  	v3 =	vld [tilespmem:s28+$0x90]  }
0x735: {  	v16 =	vld [tilespmem:s8+$0xFFFFFF80]  }
0x736: {  	v17 =	vld [tilespmem:s12+$0x0]  }
0x737: {  	v46 =	vld [tilespmem:s8+$0x0];
	v1 =	vadd.f32 v2, v1  }
0x738: {  	v2 =	vld [tilespmem:s22+$0xFFFFFF00]  }
0x739: {  	v18 =	vld [tilespmem:s12+$0xFFFFFF00];
	v1 =	vadd.f32 v3, v1  }
0x73a: {  	v3 =	vld [tilespmem:s28+$0xFFFFFF00]  }
0x73b: {  	v47 =	vld [tilespmem:s13+$0xFFFFFF00];
	v1 =	vmax.f32 v1, $0.0e+00  }
0x73c: {  	v19 =	vld [tilespmem:s13+$0xFFFFFF80];
	v11 =	vadd.f32 v12, v11;
	[tilespmem:s10+$0x90] =	vst v1  }
0x73d: {  	v1 =	vadd.f32 v4, v2;
	v2 =	vld [tilespmem:s22+$0xA0]  }
0x73e: {  	v11 =	vadd.f32 v14, v11;
	v4 =	vld [tilespmem:s26+$0xA0]  }
0x73f: {  	v5 =	vadd.f32 v6, v5;
	v6 =	vld [tilespmem:s26+$0x0];
	v1 =	vadd.f32 v3, v1  }
0x740: {  	s11 =	simm.s32 $0xA000;
	v11 =	vmax.f32 v11, $0.0e+00;
	v3 =	vld [tilespmem:s28+$0xA0]  }
0x741: {  	v5 =	vadd.f32 v7, v5;
	v7 =	vld [tilespmem:s28+$0x0];
	[tilespmem:s11+$0x80] =	vst v11;
	v1 =	vmax.f32 v1, $0.0e+00  }
0x742: {  	v11 =	vld [tilespmem:s12+$0x90];
	[tilespmem:s10+$0xFFFFFF00] =	vst v1  }
0x743: {  	v1 =	vmax.f32 v5, $0.0e+00;
	v5 =	vld [tilespmem:s22+$0xFFFFFF10];
	v2 =	vadd.f32 v4, v2  }
0x744: {  	[tilespmem:s10+$0xFFFFFF80] =	vst v1;
	v1 =	vld [tilespmem:s26+$0xFFFFFF10]  }
0x745: {  	v6 =	vadd.f32 v6, v8;
	v8 =	vld [tilespmem:s28+$0xFFFFFF10];
	v2 =	vadd.f32 v3, v2  }
0x746: {  	v4 =	vld [tilespmem:s22+$0xFFFFFF90]  }
0x747: {  	v3 =	vld [tilespmem:s26+$0xFFFFFF90];
	v2 =	vmax.f32 v2, $0.0e+00  }
0x748: {  	v40 =	vld [tilespmem:s28+$0xFFFFFF90];
	[tilespmem:s10+$0xA0] =	vst v2  }
0x749: {  	v2 =	vadd.f32 v7, v6;
	v6 =	vld [tilespmem:s22+$0xB0]  }
0x74a: {  	v1 =	vadd.f32 v1, v5;
	v5 =	vld [tilespmem:s26+$0xB0]  }
0x74b: {  	v49 =	vld [tilespmem:s8+$0x90];
	v2 =	vmax.f32 v2, $0.0e+00  }
0x74c: {  	v1 =	vadd.f32 v8, v1;
	[tilespmem:s10+$0x0] =	vst v2;
	v2 =	vadd.f32 v3, v4;
	v3 =	vld [tilespmem:s28+$0xB0]  }
0x74d: {  	v4 =	vld [tilespmem:s22+$0x10]  }
0x74e: {  	v7 =	vld [tilespmem:s26+$0x10];
	v1 =	vmax.f32 v1, $0.0e+00;
	v2 =	vadd.f32 v40, v2  }
0x74f: {  	v8 =	vld [tilespmem:s28+$0x10];
	[tilespmem:s10+$0xFFFFFF10] =	vst v1;
	v1 =	vadd.f32 v5, v6  }
0x750: {  	v5 =	vld [tilespmem:s22+$0xFFFFFF20];
	v2 =	vmax.f32 v2, $0.0e+00  }
0x751: {  	[tilespmem:s10+$0xFFFFFF90] =	vst v2;
	v2 =	vld [tilespmem:s26+$0xFFFFFF20];
	v1 =	vadd.f32 v3, v1  }
0x752: {  	v3 =	vld [tilespmem:s22+$0xFFFFFFA0]  }
0x753: {  	v6 =	vld [tilespmem:s26+$0xFFFFFFA0];
	v1 =	vmax.f32 v1, $0.0e+00  }
0x754: {  	v4 =	vadd.f32 v7, v4;
	v7 =	vld [tilespmem:s28+$0xFFFFFF20];
	[tilespmem:s10+$0xB0] =	vst v1  }
0x755: {  	v1 =	vld [tilespmem:s22+$0xC0]  }
0x756: {  	v48 =	vadd.f32 v13, v18;
	v4 =	vadd.f32 v8, v4;
	v8 =	vld [tilespmem:s26+$0xC0]  }
0x757: {  	v41 =	vld [tilespmem:s28+$0xFFFFFFA0]  }
0x758: {  	v10 =	vadd.f32 v47, v48;
	v4 =	vmax.f32 v4, $0.0e+00;
	v2 =	vadd.f32 v2, v5;
	v5 =	vld [tilespmem:s28+$0xC0]  }
0x759: {  	v51 =	vld [tilespmem:s13+$0x90];
	[tilespmem:s10+$0x10] =	vst v4  }
0x75a: {  	v10 =	vmax.f32 v10, $0.0e+00;
	v3 =	vadd.f32 v6, v3;
	v4 =	vld [tilespmem:s22+$0x20];
	v2 =	vadd.f32 v7, v2  }
0x75b: {  	[tilespmem:s11+$0xFFFFFF00] =	vst v10;
	v6 =	vld [tilespmem:s26+$0x20];
	v1 =	vadd.f32 v8, v1  }
0x75c: {  	v56 =	vld [tilespmem:s12+$0xFFFFFF10];
	v3 =	vadd.f32 v41, v3;
	v2 =	vmax.f32 v2, $0.0e+00  }
0x75d: {  	v7 =	vld [tilespmem:s28+$0x20];
	[tilespmem:s10+$0xFFFFFF20] =	vst v2;
	v1 =	vadd.f32 v5, v1  }
0x75e: {  	v2 =	vmax.f32 v3, $0.0e+00;
	v3 =	vld [tilespmem:s22+$0xFFFFFF30]  }
0x75f: {  	[tilespmem:s10+$0xFFFFFFA0] =	vst v2;
	v2 =	vld [tilespmem:s26+$0xFFFFFF30];
	v1 =	vmax.f32 v1, $0.0e+00  }
0x760: {  	v4 =	vadd.f32 v6, v4;
	v5 =	vld [tilespmem:s22+$0xFFFFFFB0];
	[tilespmem:s10+$0xC0] =	vst v1  }
0x761: {  	v1 =	vld [tilespmem:s22+$0xD0]  }
0x762: {  	v4 =	vadd.f32 v7, v4;
	v6 =	vld [tilespmem:s26+$0xD0]  }
0x763: {  	v7 =	vld [tilespmem:s28+$0xFFFFFF30]  }
0x764: {  	v8 =	vld [tilespmem:s28+$0xD0];
	v4 =	vmax.f32 v4, $0.0e+00  }
0x765: {  	v15 =	vadd.f32 v16, v15;
	[tilespmem:s10+$0x20] =	vst v4;
	v4 =	vld [tilespmem:s26+$0xFFFFFFB0]  }
0x766: {  	v2 =	vadd.f32 v2, v3;
	v42 =	vld [tilespmem:s22+$0x30]  }
0x767: {  	v15 =	vadd.f32 v19, v15;
	v3 =	vld [tilespmem:s26+$0x30];
	v1 =	vadd.f32 v6, v1  }
0x768: {  	v2 =	vadd.f32 v7, v2;
	v6 =	vld [tilespmem:s28+$0xFFFFFFB0]  }
0x769: {  	v55 =	vmax.f32 v15, $0.0e+00;
	v57 =	vld [tilespmem:s8+$0xFFFFFF10];
	v1 =	vadd.f32 v8, v1  }
0x76a: {  	[tilespmem:s11+$0xFFFFFF80] =	vst v55;
	v7 =	vld [tilespmem:s28+$0x30];
	v2 =	vmax.f32 v2, $0.0e+00  }
0x76b: {  	v58 =	vld [tilespmem:s12+$0xFFFFFF90];
	v4 =	vadd.f32 v4, v5;
	[tilespmem:s10+$0xFFFFFF30] =	vst v2;
	v1 =	vmax.f32 v1, $0.0e+00  }
0x76c: {  	v2 =	vld [tilespmem:s22+$0xFFFFFF40];
	[tilespmem:s10+$0xD0] =	vst v1  }
0x76d: {  	v1 =	vadd.f32 v3, v42;
	v3 =	vadd.f32 v6, v4;
	v4 =	vld [tilespmem:s22+$0xE0]  }
0x76e: {  	v5 =	vld [tilespmem:s26+$0xE0]  }
0x76f: {  	v6 =	vld [tilespmem:s26+$0xFFFFFF40];
	v1 =	vadd.f32 v7, v1;
	v3 =	vmax.f32 v3, $0.0e+00  }
0x770: {  	[tilespmem:s10+$0xFFFFFFB0] =	vst v3;
	v3 =	vld [tilespmem:s28+$0xE0]  }
0x771: {  	v1 =	vmax.f32 v1, $0.0e+00;
	v7 =	vld [tilespmem:s22+$0xFFFFFFC0]  }
0x772: {  	[tilespmem:s10+$0x30] =	vst v1;
	v1 =	vld [tilespmem:s26+$0xFFFFFFC0]  }
0x773: {  	v53 =	vadd.f32 v49, v11;
	v4 =	vadd.f32 v5, v4;
	v5 =	vld [tilespmem:s28+$0xFFFFFF40]  }
0x774: {  	v8 =	vld [tilespmem:s22+$0x40]  }
0x775: {  	v10 =	vadd.f32 v51, v53;
	v43 =	vld [tilespmem:s26+$0x40]  }
0x776: {  	v2 =	vadd.f32 v6, v2;
	v3 =	vadd.f32 v3, v4;
	v4 =	vld [tilespmem:s28+$0xFFFFFFC0]  }
0x777: {  	v10 =	vmax.f32 v10, $0.0e+00;
	v6 =	vld [tilespmem:s28+$0x40]  }
0x778: {  	v62 =	vld [tilespmem:s13+$0xFFFFFF10];
	[tilespmem:s11+$0x90] =	vst v10;
	v5 =	vadd.f32 v5, v2  }
0x779: {  	v10 =	vld [tilespmem:s12+$0xA0];
	v3 =	vmax.f32 v3, $0.0e+00;
	v1 =	vadd.f32 v1, v7  }
0x77a: {  	v61 =	vld [tilespmem:s13+$0xA0];
	[tilespmem:s10+$0xE0] =	vst v3;
	v7 =	vadd.f32 v43, v8;
	v5 =	vmax.f32 v5, $0.0e+00  }
0x77b: {  	v2 =	vld [tilespmem:s22+$0xF0];
	v4 =	vadd.f32 v4, v1;
	[tilespmem:s10+$0xFFFFFF40] =	vst v5  }
0x77c: {  	v5 =	vadd.f32 v6, v7;
	v6 =	vld [tilespmem:s22+$0xFFFFFF50]  }
0x77d: {  	v4 =	vmax.f32 v4, $0.0e+00;
	v45 =	vld [tilespmem:s28+$0xFFFFFF50]  }
0x77e: {  	[tilespmem:s10+$0xFFFFFFC0] =	vst v4;
	v4 =	vld [tilespmem:s26+$0xFFFFFF50]  }
0x77f: {  	v5 =	vmax.f32 v5, $0.0e+00;
	v7 =	vld [tilespmem:s22+$0xFFFFFFD0]  }
0x780: {  	[tilespmem:s10+$0x40] =	vst v5;
	v5 =	vld [tilespmem:s26+$0xFFFFFFD0]  }
0x781: {  	v3 =	vld [tilespmem:s26+$0xF0]  }
0x782: {  	v50 =	vld [tilespmem:s28+$0xFFFFFFD0]  }
0x783: {  	v1 =	vld [tilespmem:s28+$0xF0];
	v4 =	vadd.f32 v4, v6  }
0x784: {  	v8 =	vld [tilespmem:s22+$0x50]  }
0x785: {  	v44 =	vld [tilespmem:s26+$0x50];
	v5 =	vadd.f32 v5, v7;
	v4 =	vadd.f32 v45, v4  }
0x786: {  	v6 =	vld [tilespmem:s13+$0x0]  }
0x787: {  	v7 =	vld [tilespmem:s8+$0xA0];
	v5 =	vadd.f32 v50, v5;
	v4 =	vmax.f32 v4, $0.0e+00  }
0x788: {  	[tilespmem:s10+$0xFFFFFF50] =	vst v4;
	v4 =	vld [tilespmem:s28+$0x50]  }
0x789: {  	v12 =	vadd.f32 v46, v17;
	v5 =	vmax.f32 v5, $0.0e+00;
	v52 =	vld [tilespmem:s22+$0xFFFFFF60]  }
0x78a: {  	v54 =	vld [tilespmem:s26+$0xFFFFFF60];
	[tilespmem:s10+$0xFFFFFFD0] =	vst v5  }
0x78b: {  	v6 =	vadd.f32 v6, v12;
	v63 =	vld [tilespmem:s22+$0xFFFFFFE0]  }
0x78c: {  	v8 =	vadd.f32 v44, v8;
	v21 =	vld [tilespmem:s26+$0xFFFFFFE0]  }
0x78d: {  	v6 =	vmax.f32 v6, $0.0e+00;
	v32 =	vld [tilespmem:s28+$0xFFFFFFE0]  }
0x78e: {  	v7 =	vadd.f32 v7, v10;
	[tilespmem:s11+$0x0] =	vst v6;
	v6 =	vld [tilespmem:s8+$0xFFFFFF90];
	v4 =	vadd.f32 v4, v8  }
0x78f: {  	v59 =	vld [tilespmem:s12+$0x10]  }
0x790: {  	v7 =	vadd.f32 v61, v7;
	v60 =	vld [tilespmem:s8+$0x10];
	v4 =	vmax.f32 v4, $0.0e+00  }
0x791: {  	v5 =	vld [tilespmem:s13+$0x10];
	[tilespmem:s10+$0x50] =	vst v4;
	v4 =	vadd.f32 v57, v56  }
0x792: {  	v8 =	vld [tilespmem:s13+$0xFFFFFF90];
	v7 =	vmax.f32 v7, $0.0e+00  }
0x793: {  	[tilespmem:s11+$0xA0] =	vst v7;
	v7 =	vld [tilespmem:s28+$0xFFFFFF60];
	v4 =	vadd.f32 v62, v4  }
0x794: {  	v24 =	vld [tilespmem:s12+$0xB0];
	v9 =	vadd.f32 v21, v63  }
0x795: {  	v25 =	vld [tilespmem:s13+$0xB0];
	v4 =	vmax.f32 v4, $0.0e+00  }
0x796: {  	v9 =	vadd.f32 v32, v9;
	[tilespmem:s11+$0xFFFFFF10] =	vst v4;
	v4 =	vld [tilespmem:s8+$0xB0]  }
0x797: {  	v6 =	vadd.f32 v6, v58;
	v22 =	vld [tilespmem:s22+$0x60]  }
0x798: {  	v23 =	vld [tilespmem:s26+$0x60];
	v9 =	vmax.f32 v9, $0.0e+00  }
0x799: {  	v34 =	vld [tilespmem:s28+$0x60];
	v6 =	vadd.f32 v8, v6;
	[tilespmem:s10+$0xFFFFFFE0] =	vst v9  }
0x79a: {  	v15 =	vadd.f32 v60, v59;
	v45 =	vld [tilespmem:s22+$0xFFFFFFF0]  }
0x79b: {  	v6 =	vmax.f32 v6, $0.0e+00;
	v8 =	vld [tilespmem:s12+$0xFFFFFF20];
	v4 =	vadd.f32 v4, v24  }
0x79c: {  	v5 =	vadd.f32 v5, v15;
	[tilespmem:s11+$0xFFFFFF90] =	vst v6;
	v6 =	vld [tilespmem:s8+$0xFFFFFF20]  }
0x79d: {  	v46 =	vld [tilespmem:s26+$0xFFFFFFF0];
	v4 =	vadd.f32 v25, v4  }
0x79e: {  	v5 =	vmax.f32 v5, $0.0e+00;
	v26 =	vld [tilespmem:s12+$0xFFFFFFA0]  }
0x79f: {  	[tilespmem:s11+$0x10] =	vst v5;
	v5 =	vld [tilespmem:s8+$0xFFFFFFA0];
	v4 =	vmax.f32 v4, $0.0e+00  }
0x7a0: {  	v29 =	vld [tilespmem:s13+$0xFFFFFF20];
	[tilespmem:s11+$0xB0] =	vst v4  }
0x7a1: {  	v4 =	vadd.f32 v6, v8;
	v6 =	vld [tilespmem:s12+$0xC0]  }
0x7a2: {  	v8 =	vld [tilespmem:s8+$0xC0]  }
0x7a3: {  	v11 =	vadd.f32 v54, v52;
	v30 =	vld [tilespmem:s13+$0xFFFFFFA0]  }
0x7a4: {  	v12 =	vadd.f32 v23, v22;
	v33 =	vld [tilespmem:s13+$0xC0]  }
0x7a5: {  	v2 =	vadd.f32 v3, v2;
	v7 =	vadd.f32 v7, v11;
	v3 =	vld [tilespmem:s28+$0xFFFFFFF0]  }
0x7a6: {  	v27 =	vld [tilespmem:s12+$0x20];
	v12 =	vadd.f32 v34, v12;
	v5 =	vadd.f32 v5, v26  }
0x7a7: {  	v7 =	vmax.f32 v7, $0.0e+00;
	v28 =	vld [tilespmem:s8+$0x20];
	v4 =	vadd.f32 v29, v4;
	v6 =	vadd.f32 v8, v6  }
0x7a8: {  	[tilespmem:s10+$0xFFFFFF60] =	vst v7;
	v31 =	vld [tilespmem:s13+$0x20];
	v44 =	vmax.f32 v12, $0.0e+00;
	v5 =	vadd.f32 v30, v5  }
0x7a9: {  	v43 =	vld [tilespmem:s26+$0xFFFFFF70];
	[tilespmem:s10+$0x60] =	vst v44;
	v4 =	vmax.f32 v4, $0.0e+00;
	v6 =	vadd.f32 v33, v6  }
0x7aa: {  	v47 =	vld [tilespmem:s22+$0x70];
	v5 =	vmax.f32 v5, $0.0e+00;
	[tilespmem:s11+$0xFFFFFF20] =	vst v4  }
0x7ab: {  	[tilespmem:s11+$0xFFFFFFA0] =	vst v5;
	v35 =	vld [tilespmem:s12+$0xFFFFFF30];
	v6 =	vmax.f32 v6, $0.0e+00  }
0x7ac: {  	v7 =	vadd.f32 v28, v27;
	v5 =	vld [tilespmem:s8+$0xFFFFFF30];
	[tilespmem:s11+$0xC0] =	vst v6  }
0x7ad: {  	v6 =	vld [tilespmem:s12+$0xD0]  }
0x7ae: {  	v7 =	vadd.f32 v31, v7;
	v38 =	vld [tilespmem:s8+$0xD0]  }
0x7af: {  	v39 =	vld [tilespmem:s13+$0xFFFFFF30]  }
0x7b0: {  	v7 =	vmax.f32 v7, $0.0e+00;
	v40 =	vld [tilespmem:s13+$0xD0]  }
0x7b1: {  	[tilespmem:s11+$0x20] =	vst v7;
	v7 =	vld [tilespmem:s8+$0xFFFFFFB0]  }
0x7b2: {  	v8 =	vld [tilespmem:s12+$0xFFFFFFB0];
	v5 =	vadd.f32 v5, v35  }
0x7b3: {  	v41 =	vld [tilespmem:s13+$0xFFFFFFB0];
	v6 =	vadd.f32 v38, v6  }
0x7b4: {  	v36 =	vld [tilespmem:s12+$0x30];
	v5 =	vadd.f32 v39, v5  }
0x7b5: {  	v37 =	vld [tilespmem:s8+$0x30];
	v6 =	vadd.f32 v40, v6  }
0x7b6: {  	v42 =	vld [tilespmem:s13+$0x30];
	v5 =	vmax.f32 v5, $0.0e+00  }
0x7b7: {  	v4 =	vld [tilespmem:s22+$0xFFFFFF70];
	v7 =	vadd.f32 v7, v8;
	[tilespmem:s11+$0xFFFFFF30] =	vst v5;
	v5 =	vmax.f32 v6, $0.0e+00  }
0x7b8: {  	v8 =	vld [tilespmem:s12+$0xFFFFFF40];
	[tilespmem:s11+$0xD0] =	vst v5  }
0x7b9: {  	v7 =	vadd.f32 v41, v7;
	v48 =	vld [tilespmem:s12+$0xE0]  }
0x7ba: {  	v49 =	vld [tilespmem:s8+$0xE0]  }
0x7bb: {  	v7 =	vmax.f32 v7, $0.0e+00;
	v50 =	vld [tilespmem:s8+$0xFFFFFF40];
	v5 =	vadd.f32 v37, v36  }
0x7bc: {  	[tilespmem:s11+$0xFFFFFFB0] =	vst v7;
	v7 =	vld [tilespmem:s13+$0xE0]  }
0x7bd: {  	v51 =	vld [tilespmem:s12+$0xFFFFFFC0];
	v5 =	vadd.f32 v42, v5  }
0x7be: {  	v54 =	vld [tilespmem:s13+$0xFFFFFF40]  }
0x7bf: {  	v55 =	vld [tilespmem:s13+$0xFFFFFFC0];
	v5 =	vmax.f32 v5, $0.0e+00;
	v13 =	vadd.f32 v49, v48  }
0x7c0: {  	[tilespmem:s11+$0x30] =	vst v5;
	v5 =	vld [tilespmem:s8+$0xFFFFFFC0]  }
0x7c1: {  	v52 =	vld [tilespmem:s12+$0x40];
	v7 =	vadd.f32 v7, v13  }
0x7c2: {  	v53 =	vld [tilespmem:s8+$0x40]  }
0x7c3: {  	v56 =	vld [tilespmem:s13+$0x40];
	v7 =	vmax.f32 v7, $0.0e+00  }
0x7c4: {  	v8 =	vadd.f32 v50, v8;
	[tilespmem:s11+$0xE0] =	vst v7;
	v7 =	vld [tilespmem:s28+$0xFFFFFF70]  }
0x7c5: {  	v57 =	vld [tilespmem:s12+$0xF0]  }
0x7c6: {  	v8 =	vadd.f32 v54, v8;
	v5 =	vadd.f32 v5, v51;
	v58 =	vld [tilespmem:s8+$0xF0]  }
0x7c7: {  	v6 =	vld [tilespmem:s26+$0x70]  }
0x7c8: {  	v8 =	vmax.f32 v8, $0.0e+00;
	v15 =	vadd.f32 v53, v52;
	v5 =	vadd.f32 v55, v5;
	v59 =	vld [tilespmem:s13+$0xF0]  }
0x7c9: {  	v1 =	vadd.f32 v1, v2;
	v2 =	vadd.f32 v43, v4;
	[tilespmem:s11+$0xFFFFFF40] =	vst v8;
	v8 =	vld [tilespmem:s28+$0x70]  }
0x7ca: {  	v4 =	vadd.f32 v46, v45;
	v61 =	vld [tilespmem:s12+$0xFFFFFF50];
	v60 =	vadd.f32 v56, v15;
	v5 =	vmax.f32 v5, $0.0e+00  }
0x7cb: {  	v1 =	vmax.f32 v1, $0.0e+00;
	v62 =	vld [tilespmem:s8+$0xFFFFFF50];
	[tilespmem:s11+$0xFFFFFFC0] =	vst v5;
	v7 =	vadd.f32 v7, v2;
	v5 =	vadd.f32 v58, v57  }
0x7cc: {  	[tilespmem:s10+$0xF0] =	vst v1;
	v63 =	vadd.f32 v3, v4;
	v1 =	vadd.f32 v6, v47;
	v6 =	vmax.f32 v60, $0.0e+00;
	v2 =	vld [tilespmem:s12+$0xFFFFFFD0]  }
0x7cd: {  	[tilespmem:s11+$0x40] =	vst v6;
	v4 =	vld [tilespmem:s8+$0xFFFFFFD0];
	v3 =	vmax.f32 v7, $0.0e+00;
	v6 =	vadd.f32 v59, v5  }
0x7ce: {  	v1 =	vadd.f32 v8, v1;
	v7 =	vmax.f32 v63, $0.0e+00;
	[tilespmem:s10+$0xFFFFFF70] =	vst v3;
	v3 =	vld [tilespmem:s12+$0x50]  }
0x7cf: {  	s23 =	simm.s32 $0x2A00;
	v5 =	vld [tilespmem:s8+$0x50];
	[tilespmem:s10+$0xFFFFFFF0] =	vst v7;
	v8 =	vmax.f32 v6, $0.0e+00  }
0x7d0: {  	s14 =	simm.s32 $0x7800;
	s20 =	simm.s32 $0x5000;
	s22 =	simm.s32 $0x4;
	v1 =	vmax.f32 v1, $0.0e+00;
	v7 =	vld [tilespmem:s13+$0xFFFFFF50];
	v6 =	vadd.f32 v62, v61;
	[tilespmem:s11+$0xF0] =	vst v8  }
.LBB2_17:
0x7d1: {  	v8 =	vld [tilespmem:s23+$0x80];
	s8 =	sadd.s32 $0x200, s8;
	[tilespmem:s10+$0x70] =	vst v1;
	s10 =	smov.u32 s11  }
0x7d2: {  	v1 =	vld [tilespmem:s8+$0x80];
	v2 =	vadd.f32 v4, v2  }
0x7d3: {  	s13 =	sadd.s32 $0x200, s13;
	v4 =	vld [tilespmem:s8+$0xFFFFFF00]  }
0x7d4: {  	v9 =	vld [tilespmem:s13+$0x80];
	v3 =	vadd.f32 v5, v3  }
0x7d5: {  	v5 =	vld [tilespmem:s23+$0xFFFFFF80];
	v6 =	vadd.f32 v7, v6  }
0x7d6: {  	v7 =	vld [tilespmem:s8+$0xFFFFFF80]  }
0x7d7: {  	v10 =	vld [tilespmem:s23+$0x0];
	v1 =	vadd.f32 v1, v8;
	v6 =	vmax.f32 v6, $0.0e+00  }
0x7d8: {  	v8 =	vld [tilespmem:s8+$0x0];
	[tilespmem:s11+$0xFFFFFF50] =	vst v6  }
0x7d9: {  	s22 =	sadd.s32 $0x4, s22;
	v6 =	vld [tilespmem:s23+$0xFFFFFF00];
	v1 =	vadd.f32 v9, v1  }
0x7da: {  	p0 =	slt.u32 s22, $0x24;
	v9 =	vld [tilespmem:s13+$0xFFFFFF00]  }
0x7db: {  	s11 =	sadd.s32 $0x200, s11;
	v5 =	vadd.f32 v7, v5;
	v7 =	vld [tilespmem:s13+$0xFFFFFF80];
	v1 =	vmax.f32 v1, $0.0e+00  }
0x7dc: {  	v11 =	vld [tilespmem:s13+$0x0];
	[tilespmem:s11+$0x80] =	vst v1  }
0x7dd: {  	v1 =	vadd.f32 v8, v10;
	v8 =	vld [tilespmem:s23+$0x90]  }
0x7de: {  	v4 =	vadd.f32 v4, v6;
	v6 =	vld [tilespmem:s8+$0x90]  }
0x7df: {  	v10 =	vld [tilespmem:s14+$0xFFFFFFD0]  }
0x7e0: {  	v4 =	vadd.f32 v9, v4;
	v5 =	vadd.f32 v7, v5;
	v7 =	vld [tilespmem:s13+$0x90]  }
0x7e1: {  	v1 =	vadd.f32 v11, v1;
	v9 =	vld [tilespmem:s14+$0x50]  }
0x7e2: {  	v4 =	vmax.f32 v4, $0.0e+00;
	v5 =	vmax.f32 v5, $0.0e+00;
	v11 =	vld [tilespmem:s12+$0xFFFFFF60]  }
0x7e3: {  	[tilespmem:s11+$0xFFFFFF00] =	vst v4;
	v1 =	vmax.f32 v1, $0.0e+00;
	v4 =	vadd.f32 v6, v8;
	v6 =	vld [tilespmem:s20+$0xFFFFFF60]  }
0x7e4: {  	v8 =	vld [tilespmem:s23+$0xFFFFFF10];
	[tilespmem:s11+$0xFFFFFF80] =	vst v5;
	v2 =	vadd.f32 v10, v2  }
0x7e5: {  	v5 =	vld [tilespmem:s8+$0xFFFFFF10];
	[tilespmem:s11+$0x0] =	vst v1;
	v1 =	vadd.f32 v7, v4  }
0x7e6: {  	v4 =	vld [tilespmem:s23+$0xFFFFFF90];
	v2 =	vmax.f32 v2, $0.0e+00;
	v3 =	vadd.f32 v9, v3  }
0x7e7: {  	v7 =	vld [tilespmem:s8+$0xFFFFFF90];
	v1 =	vmax.f32 v1, $0.0e+00;
	[tilespmem:s10+$0xFFFFFFD0] =	vst v2  }
0x7e8: {  	v2 =	vld [tilespmem:s23+$0x10];
	[tilespmem:s11+$0x90] =	vst v1;
	v1 =	vadd.f32 v6, v11;
	v3 =	vmax.f32 v3, $0.0e+00  }
0x7e9: {  	v6 =	vld [tilespmem:s23+$0xA0];
	[tilespmem:s10+$0x50] =	vst v3  }
0x7ea: {  	v3 =	vadd.f32 v5, v8;
	v5 =	vld [tilespmem:s8+$0xA0]  }
0x7eb: {  	v8 =	vld [tilespmem:s8+$0x10]  }
0x7ec: {  	v4 =	vadd.f32 v7, v4;
	v7 =	vld [tilespmem:s13+$0xA0]  }
0x7ed: {  	v9 =	vld [tilespmem:s13+$0xFFFFFF10]  }
0x7ee: {  	v10 =	vld [tilespmem:s13+$0xFFFFFF90]  }
0x7ef: {  	v11 =	vld [tilespmem:s13+$0x10];
	v5 =	vadd.f32 v5, v6  }
0x7f0: {  	v2 =	vadd.f32 v8, v2;
	v6 =	vld [tilespmem:s12+$0xFFFFFFE0]  }
0x7f1: {  	v5 =	vadd.f32 v7, v5;
	v7 =	vld [tilespmem:s20+$0xFFFFFFE0]  }
0x7f2: {  	v3 =	vadd.f32 v9, v3;
	v8 =	vld [tilespmem:s12+$0x60]  }
0x7f3: {  	v4 =	vadd.f32 v10, v4;
	v5 =	vmax.f32 v5, $0.0e+00;
	v9 =	vld [tilespmem:s20+$0x60]  }
0x7f4: {  	v3 =	vmax.f32 v3, $0.0e+00;
	v2 =	vadd.f32 v11, v2;
	[tilespmem:s11+$0xA0] =	vst v5;
	v5 =	vld [tilespmem:s14+$0xFFFFFF60]  }
0x7f5: {  	[tilespmem:s11+$0xFFFFFF10] =	vst v3;
	v3 =	vmax.f32 v4, $0.0e+00;
	v4 =	vld [tilespmem:s23+$0xB0]  }
0x7f6: {  	[tilespmem:s11+$0xFFFFFF90] =	vst v3;
	v2 =	vmax.f32 v2, $0.0e+00;
	v3 =	vld [tilespmem:s8+$0xB0];
	v6 =	vadd.f32 v7, v6  }
0x7f7: {  	v7 =	vld [tilespmem:s23+$0xFFFFFF20];
	[tilespmem:s11+$0x10] =	vst v2  }
0x7f8: {  	v2 =	vld [tilespmem:s13+$0xB0];
	v8 =	vadd.f32 v9, v8  }
0x7f9: {  	v9 =	vld [tilespmem:s8+$0xFFFFFF20];
	v1 =	vadd.f32 v5, v1  }
0x7fa: {  	v5 =	vld [tilespmem:s23+$0xFFFFFFA0]  }
0x7fb: {  	v10 =	vld [tilespmem:s8+$0xFFFFFFA0];
	v3 =	vadd.f32 v3, v4;
	v1 =	vmax.f32 v1, $0.0e+00  }
0x7fc: {  	v4 =	vld [tilespmem:s23+$0x20];
	[tilespmem:s10+$0xFFFFFF60] =	vst v1  }
0x7fd: {  	v1 =	vld [tilespmem:s8+$0x20];
	v2 =	vadd.f32 v2, v3  }
0x7fe: {  	v3 =	vadd.f32 v9, v7;
	v7 =	vld [tilespmem:s13+$0xFFFFFF20]  }
0x7ff: {  	v9 =	vld [tilespmem:s13+$0xFFFFFFA0];
	v2 =	vmax.f32 v2, $0.0e+00  }
0x800: {  	v5 =	vadd.f32 v10, v5;
	v10 =	vld [tilespmem:s13+$0x20];
	[tilespmem:s11+$0xB0] =	vst v2  }
0x801: {  	v2 =	vld [tilespmem:s23+$0xC0]  }
0x802: {  	v1 =	vadd.f32 v1, v4;
	v4 =	vld [tilespmem:s8+$0xC0]  }
0x803: {  	v3 =	vadd.f32 v7, v3;
	v7 =	vld [tilespmem:s14+$0xFFFFFFE0]  }
0x804: {  	v5 =	vadd.f32 v9, v5;
	v9 =	vld [tilespmem:s13+$0xC0]  }
0x805: {  	v3 =	vmax.f32 v3, $0.0e+00;
	v1 =	vadd.f32 v10, v1;
	v10 =	vld [tilespmem:s14+$0x60]  }
0x806: {  	[tilespmem:s11+$0xFFFFFF20] =	vst v3;
	v3 =	vmax.f32 v5, $0.0e+00;
	v5 =	vld [tilespmem:s12+$0xFFFFFF70]  }
0x807: {  	v11 =	vld [tilespmem:s23+$0xFFFFFF30];
	[tilespmem:s11+$0xFFFFFFA0] =	vst v3;
	v1 =	vmax.f32 v1, $0.0e+00;
	v2 =	vadd.f32 v4, v2  }
0x808: {  	v3 =	vld [tilespmem:s8+$0xFFFFFF30];
	[tilespmem:s11+$0x20] =	vst v1;
	v1 =	vadd.f32 v7, v6  }
0x809: {  	v4 =	vld [tilespmem:s23+$0xFFFFFFB0];
	v2 =	vadd.f32 v9, v2  }
0x80a: {  	v6 =	vld [tilespmem:s8+$0xFFFFFFB0];
	v1 =	vmax.f32 v1, $0.0e+00;
	v7 =	vadd.f32 v10, v8  }
0x80b: {  	v8 =	vld [tilespmem:s23+$0x30];
	v2 =	vmax.f32 v2, $0.0e+00;
	[tilespmem:s10+$0xFFFFFFE0] =	vst v1  }
0x80c: {  	v1 =	vld [tilespmem:s8+$0x30];
	[tilespmem:s11+$0xC0] =	vst v2;
	v2 =	vmax.f32 v7, $0.0e+00  }
0x80d: {  	v3 =	vadd.f32 v3, v11;
	v7 =	vld [tilespmem:s23+$0xD0];
	[tilespmem:s10+$0x60] =	vst v2  }
0x80e: {  	v2 =	vld [tilespmem:s8+$0xD0]  }
0x80f: {  	v9 =	vld [tilespmem:s13+$0xFFFFFF30];
	v4 =	vadd.f32 v6, v4  }
0x810: {  	v6 =	vld [tilespmem:s13+$0xD0]  }
0x811: {  	v10 =	vld [tilespmem:s13+$0xFFFFFFB0];
	v1 =	vadd.f32 v1, v8  }
0x812: {  	v8 =	vld [tilespmem:s13+$0x30]  }
0x813: {  	v2 =	vadd.f32 v2, v7;
	v7 =	vld [tilespmem:s20+$0xFFFFFF70]  }
0x814: {  	v3 =	vadd.f32 v9, v3;
	v9 =	vld [tilespmem:s12+$0xFFFFFFF0]  }
0x815: {  	v2 =	vadd.f32 v6, v2;
	v6 =	vld [tilespmem:s20+$0xFFFFFFF0]  }
0x816: {  	v3 =	vmax.f32 v3, $0.0e+00;
	v4 =	vadd.f32 v10, v4;
	v10 =	vld [tilespmem:s12+$0x70];
	s12 =	smov.u32 s23  }
0x817: {  	[tilespmem:s11+$0xFFFFFF30] =	vst v3;
	v1 =	vadd.f32 v8, v1;
	v2 =	vmax.f32 v2, $0.0e+00;
	v3 =	vld [tilespmem:s20+$0x70];
	s20 =	smov.u32 s8  }
0x818: {  	v8 =	vld [tilespmem:s23+$0xFFFFFF40];
	v4 =	vmax.f32 v4, $0.0e+00;
	[tilespmem:s11+$0xD0] =	vst v2;
	v2 =	vadd.f32 v7, v5  }
0x819: {  	[tilespmem:s11+$0xFFFFFFB0] =	vst v4;
	v1 =	vmax.f32 v1, $0.0e+00;
	v4 =	vld [tilespmem:s23+$0xE0]  }
0x81a: {  	[tilespmem:s11+$0x30] =	vst v1;
	v1 =	vld [tilespmem:s8+$0xE0];
	v5 =	vadd.f32 v6, v9  }
0x81b: {  	v6 =	vld [tilespmem:s8+$0xFFFFFF40]  }
0x81c: {  	v7 =	vld [tilespmem:s13+$0xE0];
	v9 =	vadd.f32 v3, v10  }
0x81d: {  	v3 =	vld [tilespmem:s23+$0xFFFFFFC0]  }
0x81e: {  	v10 =	vld [tilespmem:s8+$0xFFFFFFC0]  }
0x81f: {  	v11 =	vld [tilespmem:s23+$0x40];
	v1 =	vadd.f32 v1, v4  }
0x820: {  	v4 =	vadd.f32 v6, v8;
	v6 =	vld [tilespmem:s8+$0x40]  }
0x821: {  	v8 =	vld [tilespmem:s13+$0xFFFFFF40];
	v1 =	vadd.f32 v7, v1  }
0x822: {  	v7 =	vld [tilespmem:s13+$0xFFFFFFC0]  }
0x823: {  	v3 =	vadd.f32 v10, v3;
	v10 =	vld [tilespmem:s13+$0x40];
	v1 =	vmax.f32 v1, $0.0e+00  }
0x824: {  	[tilespmem:s11+$0xE0] =	vst v1;
	v1 =	vld [tilespmem:s14+$0xFFFFFF70]  }
0x825: {  	v6 =	vadd.f32 v6, v11;
	v11 =	vld [tilespmem:s23+$0xF0]  }
0x826: {  	v4 =	vadd.f32 v8, v4;
	v8 =	vld [tilespmem:s8+$0xF0]  }
0x827: {  	v3 =	vadd.f32 v7, v3;
	v7 =	vld [tilespmem:s14+$0xFFFFFFF0]  }
0x828: {  	v4 =	vmax.f32 v4, $0.0e+00;
	v6 =	vadd.f32 v10, v6;
	v10 =	vld [tilespmem:s13+$0xF0]  }
0x829: {  	[tilespmem:s11+$0xFFFFFF40] =	vst v4;
	v3 =	vmax.f32 v3, $0.0e+00;
	v1 =	vadd.f32 v1, v2;
	v12 =	vld [tilespmem:s14+$0x70];
	s14 =	smov.u32 s13  }
0x82a: {  	v13 =	vld [tilespmem:s23+$0xFFFFFF50];
	[tilespmem:s11+$0xFFFFFFC0] =	vst v3;
	v2 =	vmax.f32 v6, $0.0e+00  }
0x82b: {  	v6 =	vld [tilespmem:s8+$0xFFFFFF50];
	[tilespmem:s11+$0x40] =	vst v2;
	v3 =	vadd.f32 v8, v11;
	v1 =	vmax.f32 v1, $0.0e+00  }
.Ltmp7:
0x82c: {  	v2 =	vld [tilespmem:s23+$0xFFFFFFD0];
	[tilespmem:s10+$0xFFFFFF70] =	vst v1;
	v1 =	vadd.f32 v7, v5;
	(pc) =	sbr.rel @p0 .LBB2_17-.Ltmp7, $4  }
0x82d: {  	v4 =	vld [tilespmem:s8+$0xFFFFFFD0];
	v7 =	vadd.f32 v10, v3  }
0x82e: {  	v3 =	vld [tilespmem:s23+$0x50];
	v1 =	vmax.f32 v1, $0.0e+00;
	v8 =	vadd.f32 v12, v9  }
0x82f: {  	v5 =	vld [tilespmem:s8+$0x50];
	v9 =	vmax.f32 v7, $0.0e+00;
	[tilespmem:s10+$0xFFFFFFF0] =	vst v1  }
0x830: {  	s23 =	sadd.s32 $0x200, s23;
	v6 =	vadd.f32 v6, v13;
	v7 =	vld [tilespmem:s13+$0xFFFFFF50];
	[tilespmem:s11+$0xF0] =	vst v9;
	v1 =	vmax.f32 v8, $0.0e+00  }
0x831: {  	_ =	sdelay $0x1  }
0x832: {  	v8 =	vld [tilespmem:s14+$0xFFFFFFD0];
	_ =	sdelay $0x1  }
0x833: {  	v9 =	vld [tilespmem:s14+$0x50];
	v49 =	vadd.f32 v7, v6  }
0x834: {  	v2 =	vadd.f32 v4, v2  }
0x835: {  	v4 =	vmax.f32 v49, $0.0e+00  }
0x836: {  	v3 =	vadd.f32 v5, v3;
	v2 =	vadd.f32 v8, v2;
	[tilespmem:s11+$0xFFFFFF50] =	vst v4  }
0x837: {  	v4 =	vld [tilespmem:s12+$0xFFFFFF60]  }
0x838: {  	v3 =	vadd.f32 v9, v3;
	v2 =	vmax.f32 v2, $0.0e+00;
	v50 =	vld [tilespmem:s20+$0xFFFFFF60]  }
0x839: {  	[tilespmem:s11+$0xFFFFFFD0] =	vst v2;
	v52 =	vld [tilespmem:s14+$0xFFFFFF60]  }
0x83a: {  	v2 =	vmax.f32 v3, $0.0e+00;
	v3 =	vld [tilespmem:s12+$0xFFFFFFE0]  }
0x83b: {  	[tilespmem:s11+$0x50] =	vst v2;
	v2 =	vld [tilespmem:s20+$0xFFFFFFE0]  }
0x83c: {  	v54 =	vld [tilespmem:s14+$0xFFFFFFE0]  }
0x83d: {  	v51 =	vld [tilespmem:s12+$0x60]  }
0x83e: {  	v53 =	vld [tilespmem:s20+$0x60];
	v4 =	vadd.f32 v50, v4;
	_ =	sdelay $0x1  }
0x83f: {  	v55 =	vld [tilespmem:s14+$0x60];
	v2 =	vadd.f32 v2, v3;
	v3 =	vadd.f32 v52, v4;
	_ =	sdelay $0x1  }
0x840: {  	v2 =	vadd.f32 v54, v2;
	v3 =	vmax.f32 v3, $0.0e+00  }
0x841: {  	v56 =	vadd.f32 v53, v51;
	[tilespmem:s11+$0xFFFFFF60] =	vst v3  }
0x842: {  	v2 =	vmax.f32 v2, $0.0e+00;
	v3 =	vld [tilespmem:s12+$0xFFFFFF70]  }
0x843: {  	v4 =	vadd.f32 v55, v56;
	[tilespmem:s11+$0xFFFFFFE0] =	vst v2;
	v2 =	vld [tilespmem:s20+$0xFFFFFF70]  }
0x844: {  	v61 =	vld [tilespmem:s14+$0xFFFFFF70]  }
0x845: {  	v4 =	vmax.f32 v4, $0.0e+00;
	v57 =	vld [tilespmem:s12+$0xFFFFFFF0]  }
0x846: {  	[tilespmem:s11+$0x60] =	vst v4;
	v58 =	vld [tilespmem:s20+$0xFFFFFFF0]  }
0x847: {  	v59 =	vld [tilespmem:s12+$0x70]  }
0x848: {  	v60 =	vld [tilespmem:s20+$0x70]  }
0x849: {  	v62 =	vld [tilespmem:s14+$0xFFFFFFF0]  }
0x84a: {  	v10 =	vld [tilespmem:s14+$0x70]  }
0x84b: {  	v2 =	vadd.f32 v2, v3  }
0x84c: {  	v3 =	vadd.f32 v58, v57  }
0x84d: {  	v63 =	vadd.f32 v60, v59;
	v2 =	vadd.f32 v61, v2  }
0x84e: {  	v3 =	vadd.f32 v62, v3  }
0x84f: {  	[tilespmem:s10+$0x70] =	vst v1;
	v1 =	vmax.f32 v2, $0.0e+00;
	v2 =	vadd.f32 v10, v63  }
0x850: {  	[tilespmem:s11+$0xFFFFFF70] =	vst v1;
	v1 =	vmax.f32 v3, $0.0e+00  }
0x851: {  	[tilespmem:s11+$0xFFFFFFF0] =	vst v1;
	v1 =	vmax.f32 v2, $0.0e+00  }
0x852: {  	[tilespmem:s11+$0x70] =	vst v1  }
0x853: {  	[spmem:s18] =	stream.indirect.scatter.add.f32 [tilespmem:s0], [sflag:$0x8], $0x80, s17, s21, $0xb8;
	[tilespmem:$0x1F100] =	vst v63  }
0x854: {  	_ =	swait.ge [sflag:s19], $0x1400  }
0x855: {  	[sflag:s19] =	ssyncset.done $0x0  }
0x856: {  	[sflag:s19] =	ssyncadd.s32 $0xFFFFEC00  }
0x857: {  	_ =	swait.ge [sflag:s4], $0x1400  }
0x858: {  	s8 =	sld [smem:$0x7F1];
	_ =	sdelay $0x2  }
0x859: {  	s8 =	sadd.s32 $0x1, s8  }
0x85a: {  	p0 =	sne.s32 s8, $0x5  }
.Ltmp8:
0x85b: {  	_ = 	snop;
	(pc) =	sbr.rel @p0 .LBB2_4-.Ltmp8, $3  }
0x85c: {  	_ =	sdelay $0x1  }
0x85d: {  	[sflag:s4] =	ssyncset.done $0x0  }
0x85e: {  	[sflag:s4] =	ssyncadd.s32 $0xFFFFEC00  }
0x85f: {  	s8 =	stileid.u32;
	[bflag:$0x0] =	sbarrier.arrive $0xFFFF  }
0x860: {  	s8 =	sshll.u32 s8, $0x6;
	s23 =	rddreg [dreg:$0x14]  }
0x861: {  	s11 =	rddreg [dreg:$0x4];
	s8 =	sor.u32 $0x1C07, s8;
	s10 =	sshrl.u32 s23, $0x3  }
0x862: {  	[hbm:s11], [sflag:s8] =	dma.local [spmem:s10], $0x280  }
0x863: {  	s10 =	rddreg [dreg:$0x15]  }
0x864: {  	s11 =	rddreg [dreg:$0x5];
	s10 =	sshrl.u32 s10, $0x3  }
0x865: {  	[hbm:s11], [sflag:s8] =	dma.local [spmem:s10], $0x280  }
0x866: {  	s10 =	rddreg [dreg:$0x16]  }
0x867: {  	s11 =	rddreg [dreg:$0x6];
	s10 =	sshrl.u32 s10, $0x3  }
0x868: {  	[hbm:s11], [sflag:s8] =	dma.local [spmem:s10], $0x280  }
0x869: {  	s10 =	rddreg [dreg:$0x17]  }
0x86a: {  	s11 =	rddreg [dreg:$0x7];
	s10 =	sshrl.u32 s10, $0x3  }
0x86b: {  	[hbm:s11], [sflag:s8] =	dma.local [spmem:s10], $0x280  }
0x86c: {  	s10 =	rddreg [dreg:$0x18]  }
0x86d: {  	s11 =	rddreg [dreg:$0x8];
	s10 =	sshrl.u32 s10, $0x3  }
0x86e: {  	[hbm:s11], [sflag:s8] =	dma.local [spmem:s10], $0x280  }
0x86f: {  	s10 =	rddreg [dreg:$0x19]  }
0x870: {  	s11 =	rddreg [dreg:$0x9];
	s10 =	sshrl.u32 s10, $0x3  }
0x871: {  	[hbm:s11], [sflag:s8] =	dma.local [spmem:s10], $0x280  }
0x872: {  	s10 =	rddreg [dreg:$0x1a]  }
0x873: {  	s11 =	rddreg [dreg:$0xa];
	s10 =	sshrl.u32 s10, $0x3  }
0x874: {  	[hbm:s11], [sflag:s8] =	dma.local [spmem:s10], $0x280  }
0x875: {  	s12 =	rddreg [dreg:$0x1b]  }
0x876: {  	s11 =	rddreg [dreg:$0xb];
	s24 =	sshrl.u32 s12, $0x3  }
0x877: {  	[hbm:s11], [sflag:s8] =	dma.local [spmem:s24], $0x280  }
0x878: {  	s13 =	rddreg [dreg:$0x1c]  }
0x879: {  	s11 =	rddreg [dreg:$0xc];
	s26 =	sshrl.u32 s13, $0x3  }
0x87a: {  	[hbm:s11], [sflag:s8] =	dma.local [spmem:s26], $0x280  }
0x87b: {  	s10 =	rddreg [dreg:$0x1d]  }
0x87c: {  	s11 =	rddreg [dreg:$0xd];
	s10 =	sshrl.u32 s10, $0x3  }
0x87d: {  	[hbm:s11], [sflag:s8] =	dma.local [spmem:s10], $0x280  }
0x87e: {  	s10 =	rddreg [dreg:$0x1e]  }
0x87f: {  	s11 =	rddreg [dreg:$0xe];
	s10 =	sshrl.u32 s10, $0x3  }
0x880: {  	[hbm:s11], [sflag:s8] =	dma.local [spmem:s10], $0x280  }
0x881: {  	s20 =	rddreg [dreg:$0x1f]  }
0x882: {  	s11 =	rddreg [dreg:$0xf];
	s28 =	sshrl.u32 s20, $0x3  }
0x883: {  	[hbm:s11], [sflag:s8] =	dma.local [spmem:s28], $0x280  }
0x884: {  	s10 =	sld [smem:$0x7F3];
	_ =	sdelay $0x2  }
0x885: {  	s11 =	rddreg [dreg:$0x10];
	s10 =	sshrl.u32 s10, $0x3  }
0x886: {  	[hbm:s11], [sflag:s8] =	dma.local [spmem:s10], $0x280  }
0x887: {  	s22 =	sld [smem:$0x7FC];
	_ =	sdelay $0x2  }
0x888: {  	s11 =	rddreg [dreg:$0x11];
	s14 =	sshrl.u32 s22, $0x3  }
0x889: {  	[hbm:s11], [sflag:s8] =	dma.local [spmem:s14], $0x280  }
0x88a: {  	s14 =	sld [smem:$0x7FD];
	_ =	sdelay $0x2  }
0x88b: {  	s11 =	rddreg [dreg:$0x12];
	s24 =	sshrl.u32 s14, $0x3  }
0x88c: {  	[hbm:s11], [sflag:s8] =	dma.local [spmem:s24], $0x280  }
0x88d: {  	s10 =	sld [smem:$0x7F6];
	_ =	sdelay $0x2  }
0x88e: {  	s11 =	rddreg [dreg:$0x13];
	s10 =	sshrl.u32 s10, $0x3  }
0x88f: {  	[hbm:s11], [sflag:s8] =	dma.local [spmem:s10], $0x280  }
0x890: {  	_ =	swait.ge [sflag:s19], $0x280  }
0x891: {  	[sflag:s19] =	ssyncset.done $0x0  }
0x892: {  	[sflag:s19] =	ssyncadd.s32 $0xFFFFFD80  }
0x893: {  	_ =	swait.ge [sflag:s19], $0x280  }
0x894: {  	[sflag:s19] =	ssyncset.done $0x0  }
0x895: {  	[sflag:s19] =	ssyncadd.s32 $0xFFFFFD80  }
0x896: {  	_ =	swait.ge [sflag:s19], $0x280  }
0x897: {  	[sflag:s19] =	ssyncset.done $0x0  }
0x898: {  	[sflag:s19] =	ssyncadd.s32 $0xFFFFFD80  }
0x899: {  	_ =	swait.ge [sflag:s19], $0x280  }
0x89a: {  	[sflag:s19] =	ssyncset.done $0x0  }
0x89b: {  	[sflag:s19] =	ssyncadd.s32 $0xFFFFFD80  }
0x89c: {  	_ =	swait.ge [sflag:s19], $0x280  }
0x89d: {  	[sflag:s19] =	ssyncset.done $0x0  }
0x89e: {  	[sflag:s19] =	ssyncadd.s32 $0xFFFFFD80  }
0x89f: {  	_ =	swait.ge [sflag:s19], $0x280  }
0x8a0: {  	[sflag:s19] =	ssyncset.done $0x0  }
0x8a1: {  	[sflag:s19] =	ssyncadd.s32 $0xFFFFFD80  }
0x8a2: {  	_ =	swait.ge [sflag:s19], $0x280  }
0x8a3: {  	[sflag:s19] =	ssyncset.done $0x0  }
0x8a4: {  	[sflag:s19] =	ssyncadd.s32 $0xFFFFFD80  }
0x8a5: {  	_ =	swait.ge [sflag:s19], $0x280  }
0x8a6: {  	[sflag:s19] =	ssyncset.done $0x0  }
0x8a7: {  	[sflag:s19] =	ssyncadd.s32 $0xFFFFFD80  }
0x8a8: {  	_ =	swait.ge [sflag:s19], $0x280  }
0x8a9: {  	[sflag:s19] =	ssyncset.done $0x0  }
0x8aa: {  	[sflag:s19] =	ssyncadd.s32 $0xFFFFFD80  }
0x8ab: {  	_ =	swait.ge [sflag:s19], $0x280  }
0x8ac: {  	[sflag:s19] =	ssyncset.done $0x0  }
0x8ad: {  	[sflag:s19] =	ssyncadd.s32 $0xFFFFFD80  }
0x8ae: {  	_ =	swait.ge [sflag:s19], $0x280  }
0x8af: {  	[sflag:s19] =	ssyncset.done $0x0  }
0x8b0: {  	[sflag:s19] =	ssyncadd.s32 $0xFFFFFD80  }
0x8b1: {  	_ =	swait.ge [sflag:s19], $0x280  }
0x8b2: {  	[sflag:s19] =	ssyncset.done $0x0  }
0x8b3: {  	[sflag:s19] =	ssyncadd.s32 $0xFFFFFD80  }
0x8b4: {  	_ =	swait.ge [sflag:s19], $0x280  }
0x8b5: {  	[sflag:s19] =	ssyncset.done $0x0  }
0x8b6: {  	[sflag:s19] =	ssyncadd.s32 $0xFFFFFD80  }
0x8b7: {  	_ =	swait.ge [sflag:s19], $0x280  }
0x8b8: {  	[sflag:s19] =	ssyncset.done $0x0  }
0x8b9: {  	[sflag:s19] =	ssyncadd.s32 $0xFFFFFD80  }
0x8ba: {  	_ =	swait.ge [sflag:s19], $0x280  }
0x8bb: {  	[sflag:s19] =	ssyncset.done $0x0  }
0x8bc: {  	[sflag:s19] =	ssyncadd.s32 $0xFFFFFD80  }
0x8bd: {  	_ =	swait.ge [sflag:s19], $0x280  }
0x8be: {  	s26 =	sld [smem:$0x7F2]  }
0x8bf: {  	s28 =	sld [smem:$0x7FB];
	_ =	sdelay $0x1  }
0x8c0: {  	s10 =	sadd.s32 $0x1, s26  }
0x8c1: {  	p0 =	sne.s32 s10, s28  }
.Ltmp9:
0x8c2: {  	_ = 	snop;
	(pc) =	sbr.rel @p0 .LBB2_1-.Ltmp9, $3  }
0x8c3: {  	_ =	sdelay $0x1  }
0x8c4: {  	[sflag:s19] =	ssyncset.done $0x0  }
0x8c5: {  	[sflag:s19] =	ssyncadd.s32 $0xFFFFFD80  }
0x8c6: {  	_ =	sfence.sel $0x180000  }
0x8c7: {  	[bflag:$0x0] =	sbarrier.arrive $0xFFFF  }
0x8c8: {  	_ =	strace $0x90000047  }
0x8c9: {  	s0 =	stileid.u32;
	[bflag:$0x2] =	sbarrier.arrive $0xFFFF  }
0x8ca: {  	p0 =	sne.s32 s0, $0x0;
	s0 =	rddreg [dreg:$0x3]  }
0x8cb: {  	s0 =	sadd.s32 @!p0 $0x100000, s0  }
0x8cc: {  	[sflag:s0] =	ssyncadd.tile.s32 @!p0 $0x1;
	_ =	shalt  }
.Lfunc_end2:
_tile_overlayer_lowered:
.L_overlay_start_2:
0x8cd: {  	(tag) =	ssettag $0x2  }
0x8ce: {  	s0 =	rddreg [dreg:$0x0];
	s2 =	stileid.u32  }
0x8cf: {  	s1 =	rddreg [dreg:$0x1];
	p0 =	sne.s32 s2, $0x0  }
0x8d0: {  	s3 =	rddreg [dreg:$0x2];
	[bflag:$0x3] =	sbarrier.arrive $0xFFFF;
	s2 =	simm.s32 @!p0 $0x1C09  }
0x8d1: {  	[timem:s3], [sflag:s2] =	dma.local @!p0 [hbm:s0], s1  }
0x8d2: {  	s0 =	simm.s32 @!p0 $0x9  }
0x8d3: {  	_ =	swait.ge @!p0 [sflag:s0], s1  }
0x8d4: {  	s1 =	ssub.s32 @!p0 $0x0, s1;
	[sflag:s0] =	ssyncset.done @!p0 $0x0  }
0x8d5: {  	[sflag:s0] =	ssyncadd.s32 @!p0 s1  }
0x8d6: {  	[bflag:$0x3] =	sbarrier.arrive $0xFFFF  }
0x8d7: {  	_ =	shalt  }

</sc_bundles>
